<compile_context>
chip_gen: v7x
topology: tpu7x:2x2x1
jax: 0.10.2.dev20260603
libtpu: 0.0.44.dev20260713+nightly
codegen_flags: <defaults>
</compile_context>

<pallas_src>
import functools

import jax
import jax.numpy as jnp
from jax import lax
from jax.experimental import pallas as pl
from jax.experimental.pallas import tpu as pltpu
from jax.experimental.pallas import tpu_sc as plsc

NC = 2
NS = 16
L = 16
NW = NC * NS
CHUNK = 120
DC = 128
NB = 4


def _sc_agg(NP, D, e_per_w, n_chunks):
    mesh = plsc.VectorSubcoreMesh(core_axis_name="c", subcore_axis_name="s")
    rpt = NP // NS
    T = n_chunks
    ZC = rpt // CHUNK
    ZT = rpt - ZC * CHUNK

    @functools.partial(
        pl.kernel,
        mesh=mesh,
        out_type=jax.ShapeDtypeStruct((NC, NP, D), jnp.float32),
        scratch_types=[
            pltpu.VMEM_SHARED((NP, D), jnp.float32),
            pltpu.VMEM((6, 2, CHUNK), jnp.int32),
            pltpu.VMEM((3, CHUNK, D), jnp.float32),
        ] + [pltpu.SemaphoreType.DMA] * 12,
    )
    def k(xs_hbm, idx3_hbm, out_hbm, acc, idx, rows, *sems):
        isem, gsem, ssem = sems[0:6], sems[6:9], sems[9:12]
        c = lax.axis_index("c")
        s = lax.axis_index("s")
        wid = c * NS + s

        def fill_zero(i, _):
            for j in range(D // L):
                rows[0, i, pl.ds(j * L, L)] = jnp.zeros((L,), jnp.float32)
            return 0

        lax.fori_loop(0, CHUNK, fill_zero, 0)
        for j in range(ZC):
            pltpu.sync_copy(rows.at[0],
                            acc.at[pl.ds(s * rpt + j * CHUNK, CHUNK)])
        if ZT:
            pltpu.sync_copy(rows.at[0, pl.ds(0, ZT)],
                            acc.at[pl.ds(s * rpt + ZC * CHUNK, ZT)])
        plsc.subcore_barrier()

        def idx_desc(t, i6):
            return pltpu.make_async_copy(idx3_hbm.at[wid, t], idx.at[i6],
                                         isem[i6])

        def g_desc(t, b):
            return pltpu.make_async_copy(xs_hbm.at[idx.at[t % 6, 0]],
                                         rows.at[b], gsem[b])

        def s_fire(t, b):
            pltpu.async_copy(rows.at[b], acc.at[idx.at[t % 6, 1]], ssem[b],
                             add=True)

        def s_wait(t, b):
            pltpu.make_async_copy(rows.at[b], acc.at[idx.at[t % 6, 1]],
                                  ssem[b]).wait()

        def visit(t):
            b = t % 3
            s_wait(t - 3, b)
            idx_desc(t, t % 6).wait()
            g_desc(t, b).start()
            g_desc(t - 1, (t - 1) % 3).wait()
            idx_desc(min(t + 2, T - 1), (t + 2) % 6).start()
            s_fire(t - 1, (t - 1) % 3)

        for t in range(3):
            idx_desc(t, t).start()
        idx_desc(0, 0).wait()
        g_desc(0, 0).start()
        for t in (1, 2):
            idx_desc(t, t).wait()
            g_desc(t, t).start()
            idx_desc(t + 2, (t + 2) % 6).start()
            g_desc(t - 1, t - 1).wait()
            s_fire(t - 1, t - 1)
        for t in (3, 4, 5):
            visit(t)

        def body(g, _):
            t0 = 6 * g
            for r in range(6):
                b = r % 3
                i6p = (t0 + r - 3) % 6
                pltpu.make_async_copy(rows.at[b], acc.at[idx.at[i6p, 1]],
                                      ssem[b]).wait()
                idx_desc(t0 + r, r).wait()
                g_desc(t0 + r, b).start()
                bp = (r - 1) % 3
                pltpu.make_async_copy(
                    xs_hbm.at[idx.at[(r - 1) % 6, 0]], rows.at[bp],
                    gsem[bp]).wait()
                idx_desc(jnp.minimum(t0 + r + 2, T - 1), (r + 2) % 6).start()
                pltpu.async_copy(rows.at[bp], acc.at[idx.at[(r - 1) % 6, 1]],
                                 ssem[bp], add=True)
            return 0

        lax.fori_loop(1, T // 6, body, 0)

        bl = (T - 1) % 3
        g_desc(T - 1, bl).wait()
        s_fire(T - 1, bl)
        for t in (T - 3, T - 2, T - 1):
            s_wait(t, t % 3)
        for u in (T % 6, (T + 1) % 6):
            pltpu.make_async_copy(idx3_hbm.at[wid, T - 1], idx.at[u],
                                  isem[u]).wait()

        plsc.subcore_barrier()
        pltpu.sync_copy(acc.at[pl.ds(s * rpt, rpt)],
                        out_hbm.at[c, pl.ds(s * rpt, rpt)])

    return k


def _sc_deg(NP, e_per_w, n_chunks):
    mesh = plsc.VectorSubcoreMesh(core_axis_name="c", subcore_axis_name="s")
    rpt = NP // NS
    n_super = n_chunks // NB
    ZR = 16

    @functools.partial(
        pl.kernel,
        mesh=mesh,
        out_type=jax.ShapeDtypeStruct((NC, NP, DC), jnp.float32),
        scratch_types=[
            pltpu.VMEM_SHARED((NP, DC), jnp.float32),
            pltpu.VMEM((n_chunks, CHUNK), jnp.int32),
            pltpu.VMEM((CHUNK, DC), jnp.float32),
            pltpu.VMEM((ZR, DC), jnp.float32),
        ] + [pltpu.SemaphoreType.DMA] * NB,
    )
    def k(dst3_hbm, out_hbm, acc, didx, ones, zbuf, *ssem):
        c = lax.axis_index("c")
        s = lax.axis_index("s")
        wid = c * NS + s

        pltpu.sync_copy(dst3_hbm.at[wid], didx)

        def fill_ones(i, _):
            for j in range(DC // L):
                ones[i, pl.ds(j * L, L)] = jnp.ones((L,), jnp.float32)
            return 0

        def fill_zero(i, _):
            for j in range(DC // L):
                zbuf[i, pl.ds(j * L, L)] = jnp.zeros((L,), jnp.float32)
            return 0

        lax.fori_loop(0, CHUNK, fill_ones, 0)
        lax.fori_loop(0, ZR, fill_zero, 0)

        def zero_blk(j, _):
            pltpu.sync_copy(zbuf, acc.at[pl.ds(s * rpt + j * ZR, ZR)])
            return 0

        lax.fori_loop(0, rpt // ZR, zero_blk, 0)
        if rpt % ZR:
            pltpu.sync_copy(zbuf.at[pl.ds(0, rpt % ZR)],
                            acc.at[pl.ds(s * rpt + (rpt // ZR) * ZR,
                                         rpt % ZR)])
        plsc.subcore_barrier()

        def scatter(t, b):
            pltpu.async_copy(ones, acc.at[didx.at[t]], ssem[b], add=True)

        def wait_s(t, b):
            pltpu.make_async_copy(ones, acc.at[didx.at[t]], ssem[b]).wait()

        for b in range(NB):
            scatter(b, b)

        def body(g, _):
            for b in range(NB):
                t = g * NB + b
                wait_s(t, b)
                scatter(t + NB, b)
            return 0

        lax.fori_loop(0, n_super - 1, body, 0)
        for b in range(NB):
            t = (n_super - 1) * NB + b
            wait_s(t, b)

        plsc.subcore_barrier()
        pltpu.sync_copy(acc.at[pl.ds(s * rpt, rpt)],
                        out_hbm.at[c, pl.ds(s * rpt, rpt)])

    return k


def _tc_scale(x_blk, dp_blk, xs_out, dinv_out):
    deg = 1.0 + dp_blk[0, :, :1] + dp_blk[1, :, :1]
    dinv = lax.rsqrt(deg)
    dinv_out[...] = jnp.broadcast_to(dinv, xs_out.shape)
    xs_out[...] = x_blk[...] * dinv


def _tc_mid(p_blk, xs, dinv, W1, b1, W2, ts_out):
    ax = dinv[...] * (p_blk[0] + p_blk[1] + xs[...])
    h1 = jnp.maximum(
        jnp.dot(ax, W1[...], preferred_element_type=jnp.float32) + b1[...], 0.0)
    t = jnp.dot(h1, W2[...], preferred_element_type=jnp.float32)
    ts_out[...] = t * dinv[...]


def _tc_final(q_blk, ts, dinv, b2, out):
    out[...] = dinv[...] * (q_blk[0] + q_blk[1] + ts[...]) + b2[...]


def kernel(x, edge_index, W1, b1, W2, b2):
    N, d_in = x.shape
    E = edge_index.shape[1]
    d_hid = W1.shape[1]
    d_out = W2.shape[1]

    NP = ((N + 1 + NS * 8 - 1) // (NS * 8)) * (NS * 8)
    q6 = NW * CHUNK * 6
    Epad = ((E + q6 - 1) // q6) * q6
    e_per_w = Epad // NW
    n_chunks = e_per_w // CHUNK
    assert n_chunks % 6 == 0 and n_chunks % NB == 0

    pad_idx = (N + jnp.arange(Epad - E, dtype=jnp.int32) % (NP - N)).astype(
        jnp.int32)
    src = jnp.concatenate([edge_index[0], pad_idx])
    dst = jnp.concatenate([edge_index[1], pad_idx])
    src3 = src.reshape(NW, n_chunks, CHUNK)
    dst3 = dst.reshape(NW, n_chunks, CHUNK)
    idx3 = jnp.stack([src3, dst3], axis=2)
    x_pad = jnp.pad(x, ((0, NP - N), (0, 0)))

    degp = _sc_deg(NP, e_per_w, n_chunks)(dst3)

    R = 4096
    grid = (pl.cdiv(NP, R),)
    blk = lambda d: pl.BlockSpec((R, d), lambda i: (i, 0))
    blk2 = lambda d: pl.BlockSpec((2, R, d), lambda i: (0, i, 0))
    full = lambda shape: pl.BlockSpec(shape, lambda i: tuple(0 for _ in shape))

    xs, dinv = pl.pallas_call(
        _tc_scale,
        grid=grid,
        in_specs=[blk(d_in), blk2(DC)],
        out_specs=[blk(d_in), blk(d_in)],
        out_shape=[jax.ShapeDtypeStruct((NP, d_in), jnp.float32),
                   jax.ShapeDtypeStruct((NP, d_in), jnp.float32)],
    )(x_pad, degp)

    p = _sc_agg(NP, d_in, e_per_w, n_chunks)(xs, idx3)

    ts = pl.pallas_call(
        _tc_mid,
        grid=grid,
        in_specs=[blk2(d_in), blk(d_in), blk(d_in),
                  full((d_in, d_hid)), full((1, d_hid)), full((d_hid, d_out))],
        out_specs=blk(d_out),
        out_shape=jax.ShapeDtypeStruct((NP, d_out), jnp.float32),
    )(p, xs, dinv, W1, b1.reshape(1, d_hid), W2)

    q = _sc_agg(NP, d_out, e_per_w, n_chunks)(ts, idx3)

    out = pl.pallas_call(
        _tc_final,
        grid=grid,
        in_specs=[blk2(d_out), blk(d_out), blk(d_out), full((1, d_out))],
        out_specs=blk(d_out),
        out_shape=jax.ShapeDtypeStruct((NP, d_out), jnp.float32),
    )(q, ts, dinv, b2.reshape(1, d_out))

    return out[:N]

# --- scband reference (transcript-rebuilt; emitter-appended) ---
"""Pipeline reference for scband-gnnencoder-12541304504516 (READ-ONLY COPY).

The authoritative reference and input builder live on the scoring server;
editing this copy changes nothing except your own understanding.
"""

import jax, jax.numpy as jnp
import numpy as np


def gcn_conv(x, edge_index, W, b):
    # Faithful GCNConv: add self-loops, symmetric deg normalization, linear transform,
    # normalized scatter-add aggregation, bias.
    N = x.shape[0]
    loop = jnp.arange(N, dtype=edge_index.dtype)
    src = jnp.concatenate([edge_index[0], loop])
    dst = jnp.concatenate([edge_index[1], loop])
    h = x @ W
    deg = jnp.zeros((N,), dtype=h.dtype).at[dst].add(1.0)
    dinv = jnp.where(deg > 0, 1.0 / jnp.sqrt(deg), 0.0)
    norm = dinv[src] * dinv[dst]
    msg = h[src] * norm[:, None]
    out = jnp.zeros((N, W.shape[1]), dtype=h.dtype).at[dst].add(msg)
    return out + b


def setup_inputs(seed: int = 0) -> dict:
    key = jax.random.key(seed)
    k1, k2, k3, k4, k5, k6 = jax.random.split(key, 6)
    N, E = 10000, 320000
    d_in, d_hid, d_out = 128, 256, 128
    x = jax.random.normal(k1, (N, d_in), dtype=jnp.float32)
    edge_index = jax.random.randint(k2, (2, E), 0, N, dtype=jnp.int32)
    W1 = jax.random.normal(k3, (d_in, d_hid), dtype=jnp.float32) * (1.0 / np.sqrt(d_in))
    b1 = jnp.zeros((d_hid,), dtype=jnp.float32)
    W2 = jax.random.normal(k4, (d_hid, d_out), dtype=jnp.float32) * (1.0 / np.sqrt(d_hid))
    b2 = jnp.zeros((d_out,), dtype=jnp.float32)
    return {"x": x, "edge_index": edge_index, "W1": W1, "b1": b1, "W2": W2, "b2": b2}


def reference(x, edge_index, W1, b1, W2, b2):
    h = gcn_conv(x, edge_index, W1, b1)
    h = jax.nn.relu(h)
    # F.dropout(p=0.2, training=self.training) is identity in eval mode
    out = gcn_conv(h, edge_index, W2, b2)
    return out

if __name__ == "__main__":
    import jax
    _d = setup_inputs()
    print(jax.jit(kernel)(*tuple(_d.values())))

</pallas_src>

<mosaic_0001>
#map = affine_map<(d0, d1) -> (0, 0)>
#map1 = affine_map<(d0, d1) -> (0, 0, 0, 0)>
#map2 = affine_map<(d0, d1) -> (0, 0, 0)>
module attributes {stable_mosaic.version = 14 : i64} {
  func.func @k(%arg0: i32, %arg1: i32, %arg2: memref<10112x128xf32, #tpu.memory_space<hbm>>, %arg3: memref<32x84x2x120xi32, #tpu.memory_space<hbm>>, %arg4: memref<2x10112x128xf32, #tpu.memory_space<hbm>>, %arg5: memref<10112x128xf32, #tpu.memory_space<vmem_shared>>, %arg6: memref<6x2x120xi32, #tpu.memory_space<vmem>>, %arg7: memref<3x120x128xf32, #tpu.memory_space<vmem>>, %arg8: memref<!tpu.dma_semaphore, #tpu.memory_space<semaphore_mem>>, %arg9: memref<!tpu.dma_semaphore, #tpu.memory_space<semaphore_mem>>, %arg10: memref<!tpu.dma_semaphore, #tpu.memory_space<semaphore_mem>>, %arg11: memref<!tpu.dma_semaphore, #tpu.memory_space<semaphore_mem>>, %arg12: memref<!tpu.dma_semaphore, #tpu.memory_space<semaphore_mem>>, %arg13: memref<!tpu.dma_semaphore, #tpu.memory_space<semaphore_mem>>, %arg14: memref<!tpu.dma_semaphore, #tpu.memory_space<semaphore_mem>>, %arg15: memref<!tpu.dma_semaphore, #tpu.memory_space<semaphore_mem>>, %arg16: memref<!tpu.dma_semaphore, #tpu.memory_space<semaphore_mem>>, %arg17: memref<!tpu.dma_semaphore, #tpu.memory_space<semaphore_mem>>, %arg18: memref<!tpu.dma_semaphore, #tpu.memory_space<semaphore_mem>>, %arg19: memref<!tpu.dma_semaphore, #tpu.memory_space<semaphore_mem>>) attributes {dimension_semantics = [#tpu.dimension_semantics<core_parallel>, #tpu.dimension_semantics<subcore_parallel>], iteration_bounds = array<i64: 2, 16>, scalar_prefetch = 0 : i64, scratch_operands = 15 : i64, tpu.core_type = #tpu.core_type<sc_vector_subcore>, window_params = [{transform_indices = #map}, {transform_indices = #map1}, {transform_indices = #map2}]} {
    %mul3A = arith.constant 16 : i32
    %mul3A_0 = arith.muli %arg0, %mul3A : i32
    %add3A = arith.addi %mul3A_0, %arg1 : i32
    %scan3A = arith.constant 0 : i32
    %scan3A_1 = arith.constant 0 : i32
    %scan3A_2 = arith.constant 120 : i32
    %scan3A_3 = arith.addi %scan3A_1, %scan3A_2 : i32
    %scan3A_4 = arith.constant 1 : i32
    %scan3A_5 = scf.for %scan3A_646 = %scan3A_1 to %scan3A_3 step %scan3A_4 iter_args(%scan3A_647 = %scan3A) -> (i32)  : i32 {
      %broadcast_in_dim3A = arith.constant 0.000000e+00 : f32
      %broadcast_in_dim3A_648 = vector.broadcast %broadcast_in_dim3A : f32 to vector<16xf32>
      %swap3A = arith.constant 0 : i32
      %swap3A_649 = arith.index_cast %swap3A : i32 to index
      %swap3A_650 = arith.index_cast %scan3A_646 : i32 to index
      %swap3A_651 = arith.constant 0 : index
      %swap3A_652 = tpu.vector_load %arg7[%swap3A_649, %swap3A_650, %swap3A_651] {strides = array<i32>} : memref<3x120x128xf32, #tpu.memory_space<vmem>>, vector<1x1x16xf32>,
      %swap3A_653 = vector.shape_cast %swap3A_652 : vector<1x1x16xf32> to vector<16xf32>
      %swap3A_654 = vector.shape_cast %broadcast_in_dim3A_648 : vector<16xf32> to vector<1x1x16xf32>
      tpu.vector_store %arg7[%swap3A_649, %swap3A_650, %swap3A_651], %swap3A_654 {strides = array<i32>} : memref<3x120x128xf32, #tpu.memory_space<vmem>>, vector<1x1x16xf32>,
      %broadcast_in_dim3A_655 = arith.constant 0.000000e+00 : f32
      %broadcast_in_dim3A_656 = vector.broadcast %broadcast_in_dim3A_655 : f32 to vector<16xf32>
      %swap3A_657 = arith.constant 0 : i32
      %swap3A_658 = arith.index_cast %swap3A_657 : i32 to index
      %swap3A_659 = arith.index_cast %scan3A_646 : i32 to index
      %swap3A_660 = arith.constant 16 : index
      %swap3A_661 = tpu.vector_load %arg7[%swap3A_658, %swap3A_659, %swap3A_660] {strides = array<i32>} : memref<3x120x128xf32, #tpu.memory_space<vmem>>, vector<1x1x16xf32>,
      %swap3A_662 = vector.shape_cast %swap3A_661 : vector<1x1x16xf32> to vector<16xf32>
      %swap3A_663 = vector.shape_cast %broadcast_in_dim3A_656 : vector<16xf32> to vector<1x1x16xf32>
      tpu.vector_store %arg7[%swap3A_658, %swap3A_659, %swap3A_660], %swap3A_663 {strides = array<i32>} : memref<3x120x128xf32, #tpu.memory_space<vmem>>, vector<1x1x16xf32>,
      %broadcast_in_dim3A_664 = arith.constant 0.000000e+00 : f32
      %broadcast_in_dim3A_665 = vector.broadcast %broadcast_in_dim3A_664 : f32 to vector<16xf32>
      %swap3A_666 = arith.constant 0 : i32
      %swap3A_667 = arith.index_cast %swap3A_666 : i32 to index
      %swap3A_668 = arith.index_cast %scan3A_646 : i32 to index
      %swap3A_669 = arith.constant 32 : index
      %swap3A_670 = tpu.vector_load %arg7[%swap3A_667, %swap3A_668, %swap3A_669] {strides = array<i32>} : memref<3x120x128xf32, #tpu.memory_space<vmem>>, vector<1x1x16xf32>,
      %swap3A_671 = vector.shape_cast %swap3A_670 : vector<1x1x16xf32> to vector<16xf32>
      %swap3A_672 = vector.shape_cast %broadcast_in_dim3A_665 : vector<16xf32> to vector<1x1x16xf32>
      tpu.vector_store %arg7[%swap3A_667, %swap3A_668, %swap3A_669], %swap3A_672 {strides = array<i32>} : memref<3x120x128xf32, #tpu.memory_space<vmem>>, vector<1x1x16xf32>,
      %broadcast_in_dim3A_673 = arith.constant 0.000000e+00 : f32
      %broadcast_in_dim3A_674 = vector.broadcast %broadcast_in_dim3A_673 : f32 to vector<16xf32>
      %swap3A_675 = arith.constant 0 : i32
      %swap3A_676 = arith.index_cast %swap3A_675 : i32 to index
      %swap3A_677 = arith.index_cast %scan3A_646 : i32 to index
      %swap3A_678 = arith.constant 48 : index
      %swap3A_679 = tpu.vector_load %arg7[%swap3A_676, %swap3A_677, %swap3A_678] {strides = array<i32>} : memref<3x120x128xf32, #tpu.memory_space<vmem>>, vector<1x1x16xf32>,
      %swap3A_680 = vector.shape_cast %swap3A_679 : vector<1x1x16xf32> to vector<16xf32>
      %swap3A_681 = vector.shape_cast %broadcast_in_dim3A_674 : vector<16xf32> to vector<1x1x16xf32>
      tpu.vector_store %arg7[%swap3A_676, %swap3A_677, %swap3A_678], %swap3A_681 {strides = array<i32>} : memref<3x120x128xf32, #tpu.memory_space<vmem>>, vector<1x1x16xf32>,
      %broadcast_in_dim3A_682 = arith.constant 0.000000e+00 : f32
      %broadcast_in_dim3A_683 = vector.broadcast %broadcast_in_dim3A_682 : f32 to vector<16xf32>
      %swap3A_684 = arith.constant 0 : i32
      %swap3A_685 = arith.index_cast %swap3A_684 : i32 to index
      %swap3A_686 = arith.index_cast %scan3A_646 : i32 to index
      %swap3A_687 = arith.constant 64 : index
      %swap3A_688 = tpu.vector_load %arg7[%swap3A_685, %swap3A_686, %swap3A_687] {strides = array<i32>} : memref<3x120x128xf32, #tpu.memory_space<vmem>>, vector<1x1x16xf32>,
      %swap3A_689 = vector.shape_cast %swap3A_688 : vector<1x1x16xf32> to vector<16xf32>
      %swap3A_690 = vector.shape_cast %broadcast_in_dim3A_683 : vector<16xf32> to vector<1x1x16xf32>
      tpu.vector_store %arg7[%swap3A_685, %swap3A_686, %swap3A_687], %swap3A_690 {strides = array<i32>} : memref<3x120x128xf32, #tpu.memory_space<vmem>>, vector<1x1x16xf32>,
      %broadcast_in_dim3A_691 = arith.constant 0.000000e+00 : f32
      %broadcast_in_dim3A_692 = vector.broadcast %broadcast_in_dim3A_691 : f32 to vector<16xf32>
      %swap3A_693 = arith.constant 0 : i32
      %swap3A_694 = arith.index_cast %swap3A_693 : i32 to index
      %swap3A_695 = arith.index_cast %scan3A_646 : i32 to index
      %swap3A_696 = arith.constant 80 : index
      %swap3A_697 = tpu.vector_load %arg7[%swap3A_694, %swap3A_695, %swap3A_696] {strides = array<i32>} : memref<3x120x128xf32, #tpu.memory_space<vmem>>, vector<1x1x16xf32>,
      %swap3A_698 = vector.shape_cast %swap3A_697 : vector<1x1x16xf32> to vector<16xf32>
      %swap3A_699 = vector.shape_cast %broadcast_in_dim3A_692 : vector<16xf32> to vector<1x1x16xf32>
      tpu.vector_store %arg7[%swap3A_694, %swap3A_695, %swap3A_696], %swap3A_699 {strides = array<i32>} : memref<3x120x128xf32, #tpu.memory_space<vmem>>, vector<1x1x16xf32>,
      %broadcast_in_dim3A_700 = arith.constant 0.000000e+00 : f32
      %broadcast_in_dim3A_701 = vector.broadcast %broadcast_in_dim3A_700 : f32 to vector<16xf32>
      %swap3A_702 = arith.constant 0 : i32
      %swap3A_703 = arith.index_cast %swap3A_702 : i32 to index
      %swap3A_704 = arith.index_cast %scan3A_646 : i32 to index
      %swap3A_705 = arith.constant 96 : index
      %swap3A_706 = tpu.vector_load %arg7[%swap3A_703, %swap3A_704, %swap3A_705] {strides = array<i32>} : memref<3x120x128xf32, #tpu.memory_space<vmem>>, vector<1x1x16xf32>,
      %swap3A_707 = vector.shape_cast %swap3A_706 : vector<1x1x16xf32> to vector<16xf32>
      %swap3A_708 = vector.shape_cast %broadcast_in_dim3A_701 : vector<16xf32> to vector<1x1x16xf32>
      tpu.vector_store %arg7[%swap3A_703, %swap3A_704, %swap3A_705], %swap3A_708 {strides = array<i32>} : memref<3x120x128xf32, #tpu.memory_space<vmem>>, vector<1x1x16xf32>,
      %broadcast_in_dim3A_709 = arith.constant 0.000000e+00 : f32
      %broadcast_in_dim3A_710 = vector.broadcast %broadcast_in_dim3A_709 : f32 to vector<16xf32>
      %swap3A_711 = arith.constant 0 : i32
      %swap3A_712 = arith.index_cast %swap3A_711 : i32 to index
      %swap3A_713 = arith.index_cast %scan3A_646 : i32 to index
      %swap3A_714 = arith.constant 112 : index
      %swap3A_715 = tpu.vector_load %arg7[%swap3A_712, %swap3A_713, %swap3A_714] {strides = array<i32>} : memref<3x120x128xf32, #tpu.memory_space<vmem>>, vector<1x1x16xf32>,
      %swap3A_716 = vector.shape_cast %swap3A_715 : vector<1x1x16xf32> to vector<16xf32>
      %swap3A_717 = vector.shape_cast %broadcast_in_dim3A_710 : vector<16xf32> to vector<1x1x16xf32>
      tpu.vector_store %arg7[%swap3A_712, %swap3A_713, %swap3A_714], %swap3A_717 {strides = array<i32>} : memref<3x120x128xf32, #tpu.memory_space<vmem>>, vector<1x1x16xf32>,
      %scan3A_718 = arith.constant 0 : i32
      scf.yield %scan3A_718 : i32
    }
    %scan3A_6 = arith.constant 120 : i32
    %mul3A_7 = arith.constant 632 : i32
    %mul3A_8 = arith.muli %arg1, %mul3A_7 : i32
    %add3A_9 = arith.constant 0 : i32
    %add3A_10 = arith.addi %mul3A_8, %add3A_9 : i32
    %run_scoped3A = arith.constant 0 : i32
    "tpu.region"() ({
      %run_scoped3A_646 = tpu.sem_alloc : memref<!tpu.dma_semaphore, #tpu.memory_space<semaphore_mem>>
      %dma_start3A_647 = arith.constant 0 : i32
      %dma_start3A_648 = arith.constant 0 : i32
      %dma_start3A_649 = tpu.memref_slice %arg7[%run_scoped3A, %dma_start3A_647, %dma_start3A_648] : memref<3x120x128xf32, #tpu.memory_space<vmem>> -> memref<1x120x128xf32, #tpu.memory_space<vmem>>
      %dma_start3A_650 = tpu.memref_squeeze %dma_start3A_649 : memref<1x120x128xf32, #tpu.memory_space<vmem>> -> memref<120x128xf32, #tpu.memory_space<vmem>>
      %dma_start3A_651 = arith.constant 0 : i32
      %dma_start3A_652 = tpu.memref_slice %arg5[%add3A_10, %dma_start3A_651] : memref<10112x128xf32, #tpu.memory_space<vmem_shared>> -> memref<120x128xf32, #tpu.memory_space<vmem_shared>>
      %dma_start3A_653 = arith.constant 0 : i32
      %dma_start3A_654 = tpu.memref_slice %arg5[%add3A_10, %dma_start3A_653] : memref<10112x128xf32, #tpu.memory_space<vmem_shared>> -> memref<120x128xf32, #tpu.memory_space<vmem_shared>>
      %dma_start3A_655 = arith.constant 0 : i32
      %dma_start3A_656 = arith.constant 0 : i32
      %dma_start3A_657 = tpu.memref_slice %arg7[%run_scoped3A, %dma_start3A_655, %dma_start3A_656] : memref<3x120x128xf32, #tpu.memory_space<vmem>> -> memref<1x120x128xf32, #tpu.memory_space<vmem>>
      %dma_start3A_658 = tpu.memref_squeeze %dma_start3A_657 : memref<1x120x128xf32, #tpu.memory_space<vmem>> -> memref<120x128xf32, #tpu.memory_space<vmem>>
      tpu.enqueue_dma source(%dma_start3A_658 : memref<120x128xf32, #tpu.memory_space<vmem>>) target(%dma_start3A_654 : memref<120x128xf32, #tpu.memory_space<vmem_shared>>) target_semaphore(%run_scoped3A_646 : memref<!tpu.dma_semaphore, #tpu.memory_space<semaphore_mem>>)
      %dma_wait3A_659 = arith.constant 0 : i32
      %dma_wait3A_660 = arith.constant 0 : i32
      %dma_wait3A_661 = tpu.memref_slice %arg7[%run_scoped3A, %dma_wait3A_659, %dma_wait3A_660] : memref<3x120x128xf32, #tpu.memory_space<vmem>> -> memref<1x120x128xf32, #tpu.memory_space<vmem>>
      %dma_wait3A_662 = tpu.memref_squeeze %dma_wait3A_661 : memref<1x120x128xf32, #tpu.memory_space<vmem>> -> memref<120x128xf32, #tpu.memory_space<vmem>>
      %dma_wait3A_663 = arith.constant 0 : i32
      %dma_wait3A_664 = tpu.memref_slice %arg5[%add3A_10, %dma_wait3A_663] : memref<10112x128xf32, #tpu.memory_space<vmem_shared>> -> memref<120x128xf32, #tpu.memory_space<vmem_shared>>
      %dma_wait3A_665 = arith.constant 0 : i32
      %dma_wait3A_666 = tpu.memref_slice %arg5[%add3A_10, %dma_wait3A_665] : memref<10112x128xf32, #tpu.memory_space<vmem_shared>> -> memref<120x128xf32, #tpu.memory_space<vmem_shared>>
      %dma_wait3A_667 = arith.constant 0 : i32
      %dma_wait3A_668 = arith.constant 0 : i32
      %dma_wait3A_669 = tpu.memref_slice %arg7[%run_scoped3A, %dma_wait3A_667, %dma_wait3A_668] : memref<3x120x128xf32, #tpu.memory_space<vmem>> -> memref<1x120x128xf32, #tpu.memory_space<vmem>>
      %dma_wait3A_670 = tpu.memref_squeeze %dma_wait3A_669 : memref<1x120x128xf32, #tpu.memory_space<vmem>> -> memref<120x128xf32, #tpu.memory_space<vmem>>
      tpu.wait_dma2 semaphore(%run_scoped3A_646 : memref<!tpu.dma_semaphore, #tpu.memory_space<semaphore_mem>>) src(%dma_wait3A_670 : memref<120x128xf32, #tpu.memory_space<vmem>>) dst(%dma_wait3A_666 : memref<120x128xf32, #tpu.memory_space<vmem_shared>>)
      tpu.yield
    }) : () -> ()
    %mul3A_11 = arith.constant 632 : i32
    %mul3A_12 = arith.muli %arg1, %mul3A_11 : i32
    %add3A_13 = arith.constant 120 : i32
    %add3A_14 = arith.addi %mul3A_12, %add3A_13 : i32
    %run_scoped3A_15 = arith.constant 0 : i32
    "tpu.region"() ({
      %run_scoped3A_646 = tpu.sem_alloc : memref<!tpu.dma_semaphore, #tpu.memory_space<semaphore_mem>>
      %dma_start3A_647 = arith.constant 0 : i32
      %dma_start3A_648 = arith.constant 0 : i32
      %dma_start3A_649 = tpu.memref_slice %arg7[%run_scoped3A_15, %dma_start3A_647, %dma_start3A_648] : memref<3x120x128xf32, #tpu.memory_space<vmem>> -> memref<1x120x128xf32, #tpu.memory_space<vmem>>
      %dma_start3A_650 = tpu.memref_squeeze %dma_start3A_649 : memref<1x120x128xf32, #tpu.memory_space<vmem>> -> memref<120x128xf32, #tpu.memory_space<vmem>>
      %dma_start3A_651 = arith.constant 0 : i32
      %dma_start3A_652 = tpu.memref_slice %arg5[%add3A_14, %dma_start3A_651] : memref<10112x128xf32, #tpu.memory_space<vmem_shared>> -> memref<120x128xf32, #tpu.memory_space<vmem_shared>>
      %dma_start3A_653 = arith.constant 0 : i32
      %dma_start3A_654 = tpu.memref_slice %arg5[%add3A_14, %dma_start3A_653] : memref<10112x128xf32, #tpu.memory_space<vmem_shared>> -> memref<120x128xf32, #tpu.memory_space<vmem_shared>>
      %dma_start3A_655 = arith.constant 0 : i32
      %dma_start3A_656 = arith.constant 0 : i32
      %dma_start3A_657 = tpu.memref_slice %arg7[%run_scoped3A_15, %dma_start3A_655, %dma_start3A_656] : memref<3x120x128xf32, #tpu.memory_space<vmem>> -> memref<1x120x128xf32, #tpu.memory_space<vmem>>
      %dma_start3A_658 = tpu.memref_squeeze %dma_start3A_657 : memref<1x120x128xf32, #tpu.memory_space<vmem>> -> memref<120x128xf32, #tpu.memory_space<vmem>>
      tpu.enqueue_dma source(%dma_start3A_658 : memref<120x128xf32, #tpu.memory_space<vmem>>) target(%dma_start3A_654 : memref<120x128xf32, #tpu.memory_space<vmem_shared>>) target_semaphore(%run_scoped3A_646 : memref<!tpu.dma_semaphore, #tpu.memory_space<semaphore_mem>>)
      %dma_wait3A_659 = arith.constant 0 : i32
      %dma_wait3A_660 = arith.constant 0 : i32
      %dma_wait3A_661 = tpu.memref_slice %arg7[%run_scoped3A_15, %dma_wait3A_659, %dma_wait3A_660] : memref<3x120x128xf32, #tpu.memory_space<vmem>> -> memref<1x120x128xf32, #tpu.memory_space<vmem>>
      %dma_wait3A_662 = tpu.memref_squeeze %dma_wait3A_661 : memref<1x120x128xf32, #tpu.memory_space<vmem>> -> memref<120x128xf32, #tpu.memory_space<vmem>>
      %dma_wait3A_663 = arith.constant 0 : i32
      %dma_wait3A_664 = tpu.memref_slice %arg5[%add3A_14, %dma_wait3A_663] : memref<10112x128xf32, #tpu.memory_space<vmem_shared>> -> memref<120x128xf32, #tpu.memory_space<vmem_shared>>
      %dma_wait3A_665 = arith.constant 0 : i32
      %dma_wait3A_666 = tpu.memref_slice %arg5[%add3A_14, %dma_wait3A_665] : memref<10112x128xf32, #tpu.memory_space<vmem_shared>> -> memref<120x128xf32, #tpu.memory_space<vmem_shared>>
      %dma_wait3A_667 = arith.constant 0 : i32
      %dma_wait3A_668 = arith.constant 0 : i32
      %dma_wait3A_669 = tpu.memref_slice %arg7[%run_scoped3A_15, %dma_wait3A_667, %dma_wait3A_668] : memref<3x120x128xf32, #tpu.memory_space<vmem>> -> memref<1x120x128xf32, #tpu.memory_space<vmem>>
      %dma_wait3A_670 = tpu.memref_squeeze %dma_wait3A_669 : memref<1x120x128xf32, #tpu.memory_space<vmem>> -> memref<120x128xf32, #tpu.memory_space<vmem>>
      tpu.wait_dma2 semaphore(%run_scoped3A_646 : memref<!tpu.dma_semaphore, #tpu.memory_space<semaphore_mem>>) src(%dma_wait3A_670 : memref<120x128xf32, #tpu.memory_space<vmem>>) dst(%dma_wait3A_666 : memref<120x128xf32, #tpu.memory_space<vmem_shared>>)
      tpu.yield
    }) : () -> ()
    %mul3A_16 = arith.constant 632 : i32
    %mul3A_17 = arith.muli %arg1, %mul3A_16 : i32
    %add3A_18 = arith.constant 240 : i32
    %add3A_19 = arith.addi %mul3A_17, %add3A_18 : i32
    %run_scoped3A_20 = arith.constant 0 : i32
    "tpu.region"() ({
      %run_scoped3A_646 = tpu.sem_alloc : memref<!tpu.dma_semaphore, #tpu.memory_space<semaphore_mem>>
      %dma_start3A_647 = arith.constant 0 : i32
      %dma_start3A_648 = arith.constant 0 : i32
      %dma_start3A_649 = tpu.memref_slice %arg7[%run_scoped3A_20, %dma_start3A_647, %dma_start3A_648] : memref<3x120x128xf32, #tpu.memory_space<vmem>> -> memref<1x120x128xf32, #tpu.memory_space<vmem>>
      %dma_start3A_650 = tpu.memref_squeeze %dma_start3A_649 : memref<1x120x128xf32, #tpu.memory_space<vmem>> -> memref<120x128xf32, #tpu.memory_space<vmem>>
      %dma_start3A_651 = arith.constant 0 : i32
      %dma_start3A_652 = tpu.memref_slice %arg5[%add3A_19, %dma_start3A_651] : memref<10112x128xf32, #tpu.memory_space<vmem_shared>> -> memref<120x128xf32, #tpu.memory_space<vmem_shared>>
      %dma_start3A_653 = arith.constant 0 : i32
      %dma_start3A_654 = tpu.memref_slice %arg5[%add3A_19, %dma_start3A_653] : memref<10112x128xf32, #tpu.memory_space<vmem_shared>> -> memref<120x128xf32, #tpu.memory_space<vmem_shared>>
      %dma_start3A_655 = arith.constant 0 : i32
      %dma_start3A_656 = arith.constant 0 : i32
      %dma_start3A_657 = tpu.memref_slice %arg7[%run_scoped3A_20, %dma_start3A_655, %dma_start3A_656] : memref<3x120x128xf32, #tpu.memory_space<vmem>> -> memref<1x120x128xf32, #tpu.memory_space<vmem>>
      %dma_start3A_658 = tpu.memref_squeeze %dma_start3A_657 : memref<1x120x128xf32, #tpu.memory_space<vmem>> -> memref<120x128xf32, #tpu.memory_space<vmem>>
      tpu.enqueue_dma source(%dma_start3A_658 : memref<120x128xf32, #tpu.memory_space<vmem>>) target(%dma_start3A_654 : memref<120x128xf32, #tpu.memory_space<vmem_shared>>) target_semaphore(%run_scoped3A_646 : memref<!tpu.dma_semaphore, #tpu.memory_space<semaphore_mem>>)
      %dma_wait3A_659 = arith.constant 0 : i32
      %dma_wait3A_660 = arith.constant 0 : i32
      %dma_wait3A_661 = tpu.memref_slice %arg7[%run_scoped3A_20, %dma_wait3A_659, %dma_wait3A_660] : memref<3x120x128xf32, #tpu.memory_space<vmem>> -> memref<1x120x128xf32, #tpu.memory_space<vmem>>
      %dma_wait3A_662 = tpu.memref_squeeze %dma_wait3A_661 : memref<1x120x128xf32, #tpu.memory_space<vmem>> -> memref<120x128xf32, #tpu.memory_space<vmem>>
      %dma_wait3A_663 = arith.constant 0 : i32
      %dma_wait3A_664 = tpu.memref_slice %arg5[%add3A_19, %dma_wait3A_663] : memref<10112x128xf32, #tpu.memory_space<vmem_shared>> -> memref<120x128xf32, #tpu.memory_space<vmem_shared>>
      %dma_wait3A_665 = arith.constant 0 : i32
      %dma_wait3A_666 = tpu.memref_slice %arg5[%add3A_19, %dma_wait3A_665] : memref<10112x128xf32, #tpu.memory_space<vmem_shared>> -> memref<120x128xf32, #tpu.memory_space<vmem_shared>>
      %dma_wait3A_667 = arith.constant 0 : i32
      %dma_wait3A_668 = arith.constant 0 : i32
      %dma_wait3A_669 = tpu.memref_slice %arg7[%run_scoped3A_20, %dma_wait3A_667, %dma_wait3A_668] : memref<3x120x128xf32, #tpu.memory_space<vmem>> -> memref<1x120x128xf32, #tpu.memory_space<vmem>>
      %dma_wait3A_670 = tpu.memref_squeeze %dma_wait3A_669 : memref<1x120x128xf32, #tpu.memory_space<vmem>> -> memref<120x128xf32, #tpu.memory_space<vmem>>
      tpu.wait_dma2 semaphore(%run_scoped3A_646 : memref<!tpu.dma_semaphore, #tpu.memory_space<semaphore_mem>>) src(%dma_wait3A_670 : memref<120x128xf32, #tpu.memory_space<vmem>>) dst(%dma_wait3A_666 : memref<120x128xf32, #tpu.memory_space<vmem_shared>>)
      tpu.yield
    }) : () -> ()
    %mul3A_21 = arith.constant 632 : i32
    %mul3A_22 = arith.muli %arg1, %mul3A_21 : i32
    %add3A_23 = arith.constant 360 : i32
    %add3A_24 = arith.addi %mul3A_22, %add3A_23 : i32
    %run_scoped3A_25 = arith.constant 0 : i32
    "tpu.region"() ({
      %run_scoped3A_646 = tpu.sem_alloc : memref<!tpu.dma_semaphore, #tpu.memory_space<semaphore_mem>>
      %dma_start3A_647 = arith.constant 0 : i32
      %dma_start3A_648 = arith.constant 0 : i32
      %dma_start3A_649 = tpu.memref_slice %arg7[%run_scoped3A_25, %dma_start3A_647, %dma_start3A_648] : memref<3x120x128xf32, #tpu.memory_space<vmem>> -> memref<1x120x128xf32, #tpu.memory_space<vmem>>
      %dma_start3A_650 = tpu.memref_squeeze %dma_start3A_649 : memref<1x120x128xf32, #tpu.memory_space<vmem>> -> memref<120x128xf32, #tpu.memory_space<vmem>>
      %dma_start3A_651 = arith.constant 0 : i32
      %dma_start3A_652 = tpu.memref_slice %arg5[%add3A_24, %dma_start3A_651] : memref<10112x128xf32, #tpu.memory_space<vmem_shared>> -> memref<120x128xf32, #tpu.memory_space<vmem_shared>>
      %dma_start3A_653 = arith.constant 0 : i32
      %dma_start3A_654 = tpu.memref_slice %arg5[%add3A_24, %dma_start3A_653] : memref<10112x128xf32, #tpu.memory_space<vmem_shared>> -> memref<120x128xf32, #tpu.memory_space<vmem_shared>>
      %dma_start3A_655 = arith.constant 0 : i32
      %dma_start3A_656 = arith.constant 0 : i32
      %dma_start3A_657 = tpu.memref_slice %arg7[%run_scoped3A_25, %dma_start3A_655, %dma_start3A_656] : memref<3x120x128xf32, #tpu.memory_space<vmem>> -> memref<1x120x128xf32, #tpu.memory_space<vmem>>
      %dma_start3A_658 = tpu.memref_squeeze %dma_start3A_657 : memref<1x120x128xf32, #tpu.memory_space<vmem>> -> memref<120x128xf32, #tpu.memory_space<vmem>>
      tpu.enqueue_dma source(%dma_start3A_658 : memref<120x128xf32, #tpu.memory_space<vmem>>) target(%dma_start3A_654 : memref<120x128xf32, #tpu.memory_space<vmem_shared>>) target_semaphore(%run_scoped3A_646 : memref<!tpu.dma_semaphore, #tpu.memory_space<semaphore_mem>>)
      %dma_wait3A_659 = arith.constant 0 : i32
      %dma_wait3A_660 = arith.constant 0 : i32
      %dma_wait3A_661 = tpu.memref_slice %arg7[%run_scoped3A_25, %dma_wait3A_659, %dma_wait3A_660] : memref<3x120x128xf32, #tpu.memory_space<vmem>> -> memref<1x120x128xf32, #tpu.memory_space<vmem>>
      %dma_wait3A_662 = tpu.memref_squeeze %dma_wait3A_661 : memref<1x120x128xf32, #tpu.memory_space<vmem>> -> memref<120x128xf32, #tpu.memory_space<vmem>>
      %dma_wait3A_663 = arith.constant 0 : i32
      %dma_wait3A_664 = tpu.memref_slice %arg5[%add3A_24, %dma_wait3A_663] : memref<10112x128xf32, #tpu.memory_space<vmem_shared>> -> memref<120x128xf32, #tpu.memory_space<vmem_shared>>
      %dma_wait3A_665 = arith.constant 0 : i32
      %dma_wait3A_666 = tpu.memref_slice %arg5[%add3A_24, %dma_wait3A_665] : memref<10112x128xf32, #tpu.memory_space<vmem_shared>> -> memref<120x128xf32, #tpu.memory_space<vmem_shared>>
      %dma_wait3A_667 = arith.constant 0 : i32
      %dma_wait3A_668 = arith.constant 0 : i32
      %dma_wait3A_669 = tpu.memref_slice %arg7[%run_scoped3A_25, %dma_wait3A_667, %dma_wait3A_668] : memref<3x120x128xf32, #tpu.memory_space<vmem>> -> memref<1x120x128xf32, #tpu.memory_space<vmem>>
      %dma_wait3A_670 = tpu.memref_squeeze %dma_wait3A_669 : memref<1x120x128xf32, #tpu.memory_space<vmem>> -> memref<120x128xf32, #tpu.memory_space<vmem>>
      tpu.wait_dma2 semaphore(%run_scoped3A_646 : memref<!tpu.dma_semaphore, #tpu.memory_space<semaphore_mem>>) src(%dma_wait3A_670 : memref<120x128xf32, #tpu.memory_space<vmem>>) dst(%dma_wait3A_666 : memref<120x128xf32, #tpu.memory_space<vmem_shared>>)
      tpu.yield
    }) : () -> ()
    %mul3A_26 = arith.constant 632 : i32
    %mul3A_27 = arith.muli %arg1, %mul3A_26 : i32
    %add3A_28 = arith.constant 480 : i32
    %add3A_29 = arith.addi %mul3A_27, %add3A_28 : i32
    %run_scoped3A_30 = arith.constant 0 : i32
    "tpu.region"() ({
      %run_scoped3A_646 = tpu.sem_alloc : memref<!tpu.dma_semaphore, #tpu.memory_space<semaphore_mem>>
      %dma_start3A_647 = arith.constant 0 : i32
      %dma_start3A_648 = arith.constant 0 : i32
      %dma_start3A_649 = tpu.memref_slice %arg7[%run_scoped3A_30, %dma_start3A_647, %dma_start3A_648] : memref<3x120x128xf32, #tpu.memory_space<vmem>> -> memref<1x120x128xf32, #tpu.memory_space<vmem>>
      %dma_start3A_650 = tpu.memref_squeeze %dma_start3A_649 : memref<1x120x128xf32, #tpu.memory_space<vmem>> -> memref<120x128xf32, #tpu.memory_space<vmem>>
      %dma_start3A_651 = arith.constant 0 : i32
      %dma_start3A_652 = tpu.memref_slice %arg5[%add3A_29, %dma_start3A_651] : memref<10112x128xf32, #tpu.memory_space<vmem_shared>> -> memref<120x128xf32, #tpu.memory_space<vmem_shared>>
      %dma_start3A_653 = arith.constant 0 : i32
      %dma_start3A_654 = tpu.memref_slice %arg5[%add3A_29, %dma_start3A_653] : memref<10112x128xf32, #tpu.memory_space<vmem_shared>> -> memref<120x128xf32, #tpu.memory_space<vmem_shared>>
      %dma_start3A_655 = arith.constant 0 : i32
      %dma_start3A_656 = arith.constant 0 : i32
      %dma_start3A_657 = tpu.memref_slice %arg7[%run_scoped3A_30, %dma_start3A_655, %dma_start3A_656] : memref<3x120x128xf32, #tpu.memory_space<vmem>> -> memref<1x120x128xf32, #tpu.memory_space<vmem>>
      %dma_start3A_658 = tpu.memref_squeeze %dma_start3A_657 : memref<1x120x128xf32, #tpu.memory_space<vmem>> -> memref<120x128xf32, #tpu.memory_space<vmem>>
      tpu.enqueue_dma source(%dma_start3A_658 : memref<120x128xf32, #tpu.memory_space<vmem>>) target(%dma_start3A_654 : memref<120x128xf32, #tpu.memory_space<vmem_shared>>) target_semaphore(%run_scoped3A_646 : memref<!tpu.dma_semaphore, #tpu.memory_space<semaphore_mem>>)
      %dma_wait3A_659 = arith.constant 0 : i32
      %dma_wait3A_660 = arith.constant 0 : i32
      %dma_wait3A_661 = tpu.memref_slice %arg7[%run_scoped3A_30, %dma_wait3A_659, %dma_wait3A_660] : memref<3x120x128xf32, #tpu.memory_space<vmem>> -> memref<1x120x128xf32, #tpu.memory_space<vmem>>
      %dma_wait3A_662 = tpu.memref_squeeze %dma_wait3A_661 : memref<1x120x128xf32, #tpu.memory_space<vmem>> -> memref<120x128xf32, #tpu.memory_space<vmem>>
      %dma_wait3A_663 = arith.constant 0 : i32
      %dma_wait3A_664 = tpu.memref_slice %arg5[%add3A_29, %dma_wait3A_663] : memref<10112x128xf32, #tpu.memory_space<vmem_shared>> -> memref<120x128xf32, #tpu.memory_space<vmem_shared>>
      %dma_wait3A_665 = arith.constant 0 : i32
      %dma_wait3A_666 = tpu.memref_slice %arg5[%add3A_29, %dma_wait3A_665] : memref<10112x128xf32, #tpu.memory_space<vmem_shared>> -> memref<120x128xf32, #tpu.memory_space<vmem_shared>>
      %dma_wait3A_667 = arith.constant 0 : i32
      %dma_wait3A_668 = arith.constant 0 : i32
      %dma_wait3A_669 = tpu.memref_slice %arg7[%run_scoped3A_30, %dma_wait3A_667, %dma_wait3A_668] : memref<3x120x128xf32, #tpu.memory_space<vmem>> -> memref<1x120x128xf32, #tpu.memory_space<vmem>>
      %dma_wait3A_670 = tpu.memref_squeeze %dma_wait3A_669 : memref<1x120x128xf32, #tpu.memory_space<vmem>> -> memref<120x128xf32, #tpu.memory_space<vmem>>
      tpu.wait_dma2 semaphore(%run_scoped3A_646 : memref<!tpu.dma_semaphore, #tpu.memory_space<semaphore_mem>>) src(%dma_wait3A_670 : memref<120x128xf32, #tpu.memory_space<vmem>>) dst(%dma_wait3A_666 : memref<120x128xf32, #tpu.memory_space<vmem_shared>>)
      tpu.yield
    }) : () -> ()
    %mul3A_31 = arith.constant 632 : i32
    %mul3A_32 = arith.muli %arg1, %mul3A_31 : i32
    %add3A_33 = arith.constant 600 : i32
    %add3A_34 = arith.addi %mul3A_32, %add3A_33 : i32
    %run_scoped3A_35 = arith.constant 0 : i32
    "tpu.region"() ({
      %run_scoped3A_646 = tpu.sem_alloc : memref<!tpu.dma_semaphore, #tpu.memory_space<semaphore_mem>>
      %dma_start3A_647 = arith.constant 0 : i32
      %dma_start3A_648 = arith.constant 0 : i32
      %dma_start3A_649 = tpu.memref_slice %arg7[%run_scoped3A_35, %dma_start3A_647, %dma_start3A_648] : memref<3x120x128xf32, #tpu.memory_space<vmem>> -> memref<1x32x128xf32, #tpu.memory_space<vmem>>
      %dma_start3A_650 = tpu.memref_squeeze %dma_start3A_649 : memref<1x32x128xf32, #tpu.memory_space<vmem>> -> memref<32x128xf32, #tpu.memory_space<vmem>>
      %dma_start3A_651 = arith.constant 0 : i32
      %dma_start3A_652 = tpu.memref_slice %arg5[%add3A_34, %dma_start3A_651] : memref<10112x128xf32, #tpu.memory_space<vmem_shared>> -> memref<32x128xf32, #tpu.memory_space<vmem_shared>>
      %dma_start3A_653 = arith.constant 0 : i32
      %dma_start3A_654 = tpu.memref_slice %arg5[%add3A_34, %dma_start3A_653] : memref<10112x128xf32, #tpu.memory_space<vmem_shared>> -> memref<32x128xf32, #tpu.memory_space<vmem_shared>>
      %dma_start3A_655 = arith.constant 0 : i32
      %dma_start3A_656 = arith.constant 0 : i32
      %dma_start3A_657 = tpu.memref_slice %arg7[%run_scoped3A_35, %dma_start3A_655, %dma_start3A_656] : memref<3x120x128xf32, #tpu.memory_space<vmem>> -> memref<1x32x128xf32, #tpu.memory_space<vmem>>
      %dma_start3A_658 = tpu.memref_squeeze %dma_start3A_657 : memref<1x32x128xf32, #tpu.memory_space<vmem>> -> memref<32x128xf32, #tpu.memory_space<vmem>>
      tpu.enqueue_dma source(%dma_start3A_658 : memref<32x128xf32, #tpu.memory_space<vmem>>) target(%dma_start3A_654 : memref<32x128xf32, #tpu.memory_space<vmem_shared>>) target_semaphore(%run_scoped3A_646 : memref<!tpu.dma_semaphore, #tpu.memory_space<semaphore_mem>>)
      %dma_wait3A_659 = arith.constant 0 : i32
      %dma_wait3A_660 = arith.constant 0 : i32
      %dma_wait3A_661 = tpu.memref_slice %arg7[%run_scoped3A_35, %dma_wait3A_659, %dma_wait3A_660] : memref<3x120x128xf32, #tpu.memory_space<vmem>> -> memref<1x32x128xf32, #tpu.memory_space<vmem>>
      %dma_wait3A_662 = tpu.memref_squeeze %dma_wait3A_661 : memref<1x32x128xf32, #tpu.memory_space<vmem>> -> memref<32x128xf32, #tpu.memory_space<vmem>>
      %dma_wait3A_663 = arith.constant 0 : i32
      %dma_wait3A_664 = tpu.memref_slice %arg5[%add3A_34, %dma_wait3A_663] : memref<10112x128xf32, #tpu.memory_space<vmem_shared>> -> memref<32x128xf32, #tpu.memory_space<vmem_shared>>
      %dma_wait3A_665 = arith.constant 0 : i32
      %dma_wait3A_666 = tpu.memref_slice %arg5[%add3A_34, %dma_wait3A_665] : memref<10112x128xf32, #tpu.memory_space<vmem_shared>> -> memref<32x128xf32, #tpu.memory_space<vmem_shared>>
      %dma_wait3A_667 = arith.constant 0 : i32
      %dma_wait3A_668 = arith.constant 0 : i32
      %dma_wait3A_669 = tpu.memref_slice %arg7[%run_scoped3A_35, %dma_wait3A_667, %dma_wait3A_668] : memref<3x120x128xf32, #tpu.memory_space<vmem>> -> memref<1x32x128xf32, #tpu.memory_space<vmem>>
      %dma_wait3A_670 = tpu.memref_squeeze %dma_wait3A_669 : memref<1x32x128xf32, #tpu.memory_space<vmem>> -> memref<32x128xf32, #tpu.memory_space<vmem>>
      tpu.wait_dma2 semaphore(%run_scoped3A_646 : memref<!tpu.dma_semaphore, #tpu.memory_space<semaphore_mem>>) src(%dma_wait3A_670 : memref<32x128xf32, #tpu.memory_space<vmem>>) dst(%dma_wait3A_666 : memref<32x128xf32, #tpu.memory_space<vmem_shared>>)
      tpu.yield
    }) : () -> ()
    %barrier3A = arith.constant 0 : index
    tpu.barrier barrier_id(%barrier3A)
    %dma_start3A = arith.constant 0 : i32
    %dma_start3A_36 = arith.constant 0 : i32
    %dma_start3A_37 = arith.constant 0 : i32
    %dma_start3A_38 = arith.constant 0 : i32
    %dma_start3A_39 = tpu.memref_slice %arg6[%dma_start3A_36, %dma_start3A_37, %dma_start3A_38] : memref<6x2x120xi32, #tpu.memory_space<vmem>> -> memref<1x2x120xi32, #tpu.memory_space<vmem>>
    %dma_start3A_40 = tpu.memref_squeeze %dma_start3A_39 : memref<1x2x120xi32, #tpu.memory_space<vmem>> -> memref<2x120xi32, #tpu.memory_space<vmem>>
    %dma_start3A_41 = arith.constant 0 : i32
    %dma_start3A_42 = arith.constant 0 : i32
    %dma_start3A_43 = tpu.memref_slice %arg3[%add3A, %dma_start3A, %dma_start3A_41, %dma_start3A_42] : memref<32x84x2x120xi32, #tpu.memory_space<hbm>> -> memref<1x1x2x120xi32, #tpu.memory_space<hbm>>
    %dma_start3A_44 = tpu.memref_squeeze %dma_start3A_43 : memref<1x1x2x120xi32, #tpu.memory_space<hbm>> -> memref<2x120xi32, #tpu.memory_space<hbm>>
    %dma_start3A_45 = arith.constant 0 : i32
    %dma_start3A_46 = arith.constant 0 : i32
    %dma_start3A_47 = tpu.memref_slice %arg6[%dma_start3A_36, %dma_start3A_45, %dma_start3A_46] : memref<6x2x120xi32, #tpu.memory_space<vmem>> -> memref<1x2x120xi32, #tpu.memory_space<vmem>>
    %dma_start3A_48 = tpu.memref_squeeze %dma_start3A_47 : memref<1x2x120xi32, #tpu.memory_space<vmem>> -> memref<2x120xi32, #tpu.memory_space<vmem>>
    %dma_start3A_49 = arith.constant 0 : i32
    %dma_start3A_50 = arith.constant 0 : i32
    %dma_start3A_51 = tpu.memref_slice %arg3[%add3A, %dma_start3A, %dma_start3A_49, %dma_start3A_50] : memref<32x84x2x120xi32, #tpu.memory_space<hbm>> -> memref<1x1x2x120xi32, #tpu.memory_space<hbm>>
    %dma_start3A_52 = tpu.memref_squeeze %dma_start3A_51 : memref<1x1x2x120xi32, #tpu.memory_space<hbm>> -> memref<2x120xi32, #tpu.memory_space<hbm>>
    tpu.enqueue_dma source(%dma_start3A_52 : memref<2x120xi32, #tpu.memory_space<hbm>>) target(%dma_start3A_48 : memref<2x120xi32, #tpu.memory_space<vmem>>) target_semaphore(%arg8 : memref<!tpu.dma_semaphore, #tpu.memory_space<semaphore_mem>>)
    %dma_start3A_53 = arith.constant 1 : i32
    %dma_start3A_54 = arith.constant 1 : i32
    %dma_start3A_55 = arith.constant 0 : i32
    %dma_start3A_56 = arith.constant 0 : i32
    %dma_start3A_57 = tpu.memref_slice %arg6[%dma_start3A_54, %dma_start3A_55, %dma_start3A_56] : memref<6x2x120xi32, #tpu.memory_space<vmem>> -> memref<1x2x120xi32, #tpu.memory_space<vmem>>
    %dma_start3A_58 = tpu.memref_squeeze %dma_start3A_57 : memref<1x2x120xi32, #tpu.memory_space<vmem>> -> memref<2x120xi32, #tpu.memory_space<vmem>>
    %dma_start3A_59 = arith.constant 0 : i32
    %dma_start3A_60 = arith.constant 0 : i32
    %dma_start3A_61 = tpu.memref_slice %arg3[%add3A, %dma_start3A_53, %dma_start3A_59, %dma_start3A_60] : memref<32x84x2x120xi32, #tpu.memory_space<hbm>> -> memref<1x1x2x120xi32, #tpu.memory_space<hbm>>
    %dma_start3A_62 = tpu.memref_squeeze %dma_start3A_61 : memref<1x1x2x120xi32, #tpu.memory_space<hbm>> -> memref<2x120xi32, #tpu.memory_space<hbm>>
    %dma_start3A_63 = arith.constant 0 : i32
    %dma_start3A_64 = arith.constant 0 : i32
    %dma_start3A_65 = tpu.memref_slice %arg6[%dma_start3A_54, %dma_start3A_63, %dma_start3A_64] : memref<6x2x120xi32, #tpu.memory_space<vmem>> -> memref<1x2x120xi32, #tpu.memory_space<vmem>>
    %dma_start3A_66 = tpu.memref_squeeze %dma_start3A_65 : memref<1x2x120xi32, #tpu.memory_space<vmem>> -> memref<2x120xi32, #tpu.memory_space<vmem>>
    %dma_start3A_67 = arith.constant 0 : i32
    %dma_start3A_68 = arith.constant 0 : i32
    %dma_start3A_69 = tpu.memref_slice %arg3[%add3A, %dma_start3A_53, %dma_start3A_67, %dma_start3A_68] : memref<32x84x2x120xi32, #tpu.memory_space<hbm>> -> memref<1x1x2x120xi32, #tpu.memory_space<hbm>>
    %dma_start3A_70 = tpu.memref_squeeze %dma_start3A_69 : memref<1x1x2x120xi32, #tpu.memory_space<hbm>> -> memref<2x120xi32, #tpu.memory_space<hbm>>
    tpu.enqueue_dma source(%dma_start3A_70 : memref<2x120xi32, #tpu.memory_space<hbm>>) target(%dma_start3A_66 : memref<2x120xi32, #tpu.memory_space<vmem>>) target_semaphore(%arg9 : memref<!tpu.dma_semaphore, #tpu.memory_space<semaphore_mem>>)
    %dma_start3A_71 = arith.constant 2 : i32
    %dma_start3A_72 = arith.constant 2 : i32
    %dma_start3A_73 = arith.constant 0 : i32
    %dma_start3A_74 = arith.constant 0 : i32
    %dma_start3A_75 = tpu.memref_slice %arg6[%dma_start3A_72, %dma_start3A_73, %dma_start3A_74] : memref<6x2x120xi32, #tpu.memory_space<vmem>> -> memref<1x2x120xi32, #tpu.memory_space<vmem>>
    %dma_start3A_76 = tpu.memref_squeeze %dma_start3A_75 : memref<1x2x120xi32, #tpu.memory_space<vmem>> -> memref<2x120xi32, #tpu.memory_space<vmem>>
    %dma_start3A_77 = arith.constant 0 : i32
    %dma_start3A_78 = arith.constant 0 : i32
    %dma_start3A_79 = tpu.memref_slice %arg3[%add3A, %dma_start3A_71, %dma_start3A_77, %dma_start3A_78] : memref<32x84x2x120xi32, #tpu.memory_space<hbm>> -> memref<1x1x2x120xi32, #tpu.memory_space<hbm>>
    %dma_start3A_80 = tpu.memref_squeeze %dma_start3A_79 : memref<1x1x2x120xi32, #tpu.memory_space<hbm>> -> memref<2x120xi32, #tpu.memory_space<hbm>>
    %dma_start3A_81 = arith.constant 0 : i32
    %dma_start3A_82 = arith.constant 0 : i32
    %dma_start3A_83 = tpu.memref_slice %arg6[%dma_start3A_72, %dma_start3A_81, %dma_start3A_82] : memref<6x2x120xi32, #tpu.memory_space<vmem>> -> memref<1x2x120xi32, #tpu.memory_space<vmem>>
    %dma_start3A_84 = tpu.memref_squeeze %dma_start3A_83 : memref<1x2x120xi32, #tpu.memory_space<vmem>> -> memref<2x120xi32, #tpu.memory_space<vmem>>
    %dma_start3A_85 = arith.constant 0 : i32
    %dma_start3A_86 = arith.constant 0 : i32
    %dma_start3A_87 = tpu.memref_slice %arg3[%add3A, %dma_start3A_71, %dma_start3A_85, %dma_start3A_86] : memref<32x84x2x120xi32, #tpu.memory_space<hbm>> -> memref<1x1x2x120xi32, #tpu.memory_space<hbm>>
    %dma_start3A_88 = tpu.memref_squeeze %dma_start3A_87 : memref<1x1x2x120xi32, #tpu.memory_space<hbm>> -> memref<2x120xi32, #tpu.memory_space<hbm>>
    tpu.enqueue_dma source(%dma_start3A_88 : memref<2x120xi32, #tpu.memory_space<hbm>>) target(%dma_start3A_84 : memref<2x120xi32, #tpu.memory_space<vmem>>) target_semaphore(%arg10 : memref<!tpu.dma_semaphore, #tpu.memory_space<semaphore_mem>>)
    %dma_wait3A = arith.constant 0 : i32
    %dma_wait3A_89 = arith.constant 0 : i32
    %dma_wait3A_90 = arith.constant 0 : i32
    %dma_wait3A_91 = arith.constant 0 : i32
    %dma_wait3A_92 = tpu.memref_slice %arg6[%dma_wait3A_89, %dma_wait3A_90, %dma_wait3A_91] : memref<6x2x120xi32, #tpu.memory_space<vmem>> -> memref<1x2x120xi32, #tpu.memory_space<vmem>>
    %dma_wait3A_93 = tpu.memref_squeeze %dma_wait3A_92 : memref<1x2x120xi32, #tpu.memory_space<vmem>> -> memref<2x120xi32, #tpu.memory_space<vmem>>
    %dma_wait3A_94 = arith.constant 0 : i32
    %dma_wait3A_95 = arith.constant 0 : i32
    %dma_wait3A_96 = tpu.memref_slice %arg3[%add3A, %dma_wait3A, %dma_wait3A_94, %dma_wait3A_95] : memref<32x84x2x120xi32, #tpu.memory_space<hbm>> -> memref<1x1x2x120xi32, #tpu.memory_space<hbm>>
    %dma_wait3A_97 = tpu.memref_squeeze %dma_wait3A_96 : memref<1x1x2x120xi32, #tpu.memory_space<hbm>> -> memref<2x120xi32, #tpu.memory_space<hbm>>
    %dma_wait3A_98 = arith.constant 0 : i32
    %dma_wait3A_99 = arith.constant 0 : i32
    %dma_wait3A_100 = tpu.memref_slice %arg6[%dma_wait3A_89, %dma_wait3A_98, %dma_wait3A_99] : memref<6x2x120xi32, #tpu.memory_space<vmem>> -> memref<1x2x120xi32, #tpu.memory_space<vmem>>
    %dma_wait3A_101 = tpu.memref_squeeze %dma_wait3A_100 : memref<1x2x120xi32, #tpu.memory_space<vmem>> -> memref<2x120xi32, #tpu.memory_space<vmem>>
    %dma_wait3A_102 = arith.constant 0 : i32
    %dma_wait3A_103 = arith.constant 0 : i32
    %dma_wait3A_104 = tpu.memref_slice %arg3[%add3A, %dma_wait3A, %dma_wait3A_102, %dma_wait3A_103] : memref<32x84x2x120xi32, #tpu.memory_space<hbm>> -> memref<1x1x2x120xi32, #tpu.memory_space<hbm>>
    %dma_wait3A_105 = tpu.memref_squeeze %dma_wait3A_104 : memref<1x1x2x120xi32, #tpu.memory_space<hbm>> -> memref<2x120xi32, #tpu.memory_space<hbm>>
    tpu.wait_dma2 semaphore(%arg8 : memref<!tpu.dma_semaphore, #tpu.memory_space<semaphore_mem>>) src(%dma_wait3A_105 : memref<2x120xi32, #tpu.memory_space<hbm>>) dst(%dma_wait3A_101 : memref<2x120xi32, #tpu.memory_space<vmem>>)
    %dma_start3A_106 = arith.constant 0 : i32
    %dma_start3A_107 = arith.constant 0 : i32
    %dma_start3A_108 = arith.constant 0 : i32
    %dma_start3A_109 = arith.constant 0 : i32
    %dma_start3A_110 = arith.constant 0 : i32
    %dma_start3A_111 = tpu.memref_slice %arg7[%dma_start3A_108, %dma_start3A_109, %dma_start3A_110] : memref<3x120x128xf32, #tpu.memory_space<vmem>> -> memref<1x120x128xf32, #tpu.memory_space<vmem>>
    %dma_start3A_112 = tpu.memref_squeeze %dma_start3A_111 : memref<1x120x128xf32, #tpu.memory_space<vmem>> -> memref<120x128xf32, #tpu.memory_space<vmem>>
    %dma_start3A_113 = arith.constant 0 : i32
    %dma_start3A_114 = tpu.memref_slice %arg6[%dma_start3A_106, %dma_start3A_107, %dma_start3A_113] : memref<6x2x120xi32, #tpu.memory_space<vmem>> -> memref<1x1x120xi32, #tpu.memory_space<vmem>>
    %dma_start3A_115 = tpu.memref_squeeze %dma_start3A_114 : memref<1x1x120xi32, #tpu.memory_space<vmem>> -> memref<120xi32, #tpu.memory_space<vmem>>
    %dma_start3A_116 = arith.constant 0 : i32
    %dma_start3A_117 = arith.constant 0 : i32
    %dma_start3A_118 = tpu.memref_slice %arg2[%dma_start3A_116, %dma_start3A_117] : memref<10112x128xf32, #tpu.memory_space<hbm>> -> memref<10112x128xf32, #tpu.memory_space<hbm>>
    tpu.enqueue_indirect_dma source(%dma_start3A_118 : memref<10112x128xf32, #tpu.memory_space<hbm>>) target(%dma_start3A_112 : memref<120x128xf32, #tpu.memory_space<vmem>>) offsets(%dma_start3A_115 : memref<120xi32, #tpu.memory_space<vmem>>) semaphore(%arg14 : memref<!tpu.dma_semaphore, #tpu.memory_space<semaphore_mem>>)
    %dma_wait3A_119 = arith.constant 1 : i32
    %dma_wait3A_120 = arith.constant 1 : i32
    %dma_wait3A_121 = arith.constant 0 : i32
    %dma_wait3A_122 = arith.constant 0 : i32
    %dma_wait3A_123 = tpu.memref_slice %arg6[%dma_wait3A_120, %dma_wait3A_121, %dma_wait3A_122] : memref<6x2x120xi32, #tpu.memory_space<vmem>> -> memref<1x2x120xi32, #tpu.memory_space<vmem>>
    %dma_wait3A_124 = tpu.memref_squeeze %dma_wait3A_123 : memref<1x2x120xi32, #tpu.memory_space<vmem>> -> memref<2x120xi32, #tpu.memory_space<vmem>>
    %dma_wait3A_125 = arith.constant 0 : i32
    %dma_wait3A_126 = arith.constant 0 : i32
    %dma_wait3A_127 = tpu.memref_slice %arg3[%add3A, %dma_wait3A_119, %dma_wait3A_125, %dma_wait3A_126] : memref<32x84x2x120xi32, #tpu.memory_space<hbm>> -> memref<1x1x2x120xi32, #tpu.memory_space<hbm>>
    %dma_wait3A_128 = tpu.memref_squeeze %dma_wait3A_127 : memref<1x1x2x120xi32, #tpu.memory_space<hbm>> -> memref<2x120xi32, #tpu.memory_space<hbm>>
    %dma_wait3A_129 = arith.constant 0 : i32
    %dma_wait3A_130 = arith.constant 0 : i32
    %dma_wait3A_131 = tpu.memref_slice %arg6[%dma_wait3A_120, %dma_wait3A_129, %dma_wait3A_130] : memref<6x2x120xi32, #tpu.memory_space<vmem>> -> memref<1x2x120xi32, #tpu.memory_space<vmem>>
    %dma_wait3A_132 = tpu.memref_squeeze %dma_wait3A_131 : memref<1x2x120xi32, #tpu.memory_space<vmem>> -> memref<2x120xi32, #tpu.memory_space<vmem>>
    %dma_wait3A_133 = arith.constant 0 : i32
    %dma_wait3A_134 = arith.constant 0 : i32
    %dma_wait3A_135 = tpu.memref_slice %arg3[%add3A, %dma_wait3A_119, %dma_wait3A_133, %dma_wait3A_134] : memref<32x84x2x120xi32, #tpu.memory_space<hbm>> -> memref<1x1x2x120xi32, #tpu.memory_space<hbm>>
    %dma_wait3A_136 = tpu.memref_squeeze %dma_wait3A_135 : memref<1x1x2x120xi32, #tpu.memory_space<hbm>> -> memref<2x120xi32, #tpu.memory_space<hbm>>
    tpu.wait_dma2 semaphore(%arg9 : memref<!tpu.dma_semaphore, #tpu.memory_space<semaphore_mem>>) src(%dma_wait3A_136 : memref<2x120xi32, #tpu.memory_space<hbm>>) dst(%dma_wait3A_132 : memref<2x120xi32, #tpu.memory_space<vmem>>)
    %dma_start3A_137 = arith.constant 1 : i32
    %dma_start3A_138 = arith.constant 0 : i32
    %dma_start3A_139 = arith.constant 1 : i32
    %dma_start3A_140 = arith.constant 0 : i32
    %dma_start3A_141 = arith.constant 0 : i32
    %dma_start3A_142 = tpu.memref_slice %arg7[%dma_start3A_139, %dma_start3A_140, %dma_start3A_141] : memref<3x120x128xf32, #tpu.memory_space<vmem>> -> memref<1x120x128xf32, #tpu.memory_space<vmem>>
    %dma_start3A_143 = tpu.memref_squeeze %dma_start3A_142 : memref<1x120x128xf32, #tpu.memory_space<vmem>> -> memref<120x128xf32, #tpu.memory_space<vmem>>
    %dma_start3A_144 = arith.constant 0 : i32
    %dma_start3A_145 = tpu.memref_slice %arg6[%dma_start3A_137, %dma_start3A_138, %dma_start3A_144] : memref<6x2x120xi32, #tpu.memory_space<vmem>> -> memref<1x1x120xi32, #tpu.memory_space<vmem>>
    %dma_start3A_146 = tpu.memref_squeeze %dma_start3A_145 : memref<1x1x120xi32, #tpu.memory_space<vmem>> -> memref<120xi32, #tpu.memory_space<vmem>>
    %dma_start3A_147 = arith.constant 0 : i32
    %dma_start3A_148 = arith.constant 0 : i32
    %dma_start3A_149 = tpu.memref_slice %arg2[%dma_start3A_147, %dma_start3A_148] : memref<10112x128xf32, #tpu.memory_space<hbm>> -> memref<10112x128xf32, #tpu.memory_space<hbm>>
    tpu.enqueue_indirect_dma source(%dma_start3A_149 : memref<10112x128xf32, #tpu.memory_space<hbm>>) target(%dma_start3A_143 : memref<120x128xf32, #tpu.memory_space<vmem>>) offsets(%dma_start3A_146 : memref<120xi32, #tpu.memory_space<vmem>>) semaphore(%arg15 : memref<!tpu.dma_semaphore, #tpu.memory_space<semaphore_mem>>)
    %dma_start3A_150 = arith.constant 3 : i32
    %dma_start3A_151 = arith.constant 3 : i32
    %dma_start3A_152 = arith.constant 0 : i32
    %dma_start3A_153 = arith.constant 0 : i32
    %dma_start3A_154 = tpu.memref_slice %arg6[%dma_start3A_151, %dma_start3A_152, %dma_start3A_153] : memref<6x2x120xi32, #tpu.memory_space<vmem>> -> memref<1x2x120xi32, #tpu.memory_space<vmem>>
    %dma_start3A_155 = tpu.memref_squeeze %dma_start3A_154 : memref<1x2x120xi32, #tpu.memory_space<vmem>> -> memref<2x120xi32, #tpu.memory_space<vmem>>
    %dma_start3A_156 = arith.constant 0 : i32
    %dma_start3A_157 = arith.constant 0 : i32
    %dma_start3A_158 = tpu.memref_slice %arg3[%add3A, %dma_start3A_150, %dma_start3A_156, %dma_start3A_157] : memref<32x84x2x120xi32, #tpu.memory_space<hbm>> -> memref<1x1x2x120xi32, #tpu.memory_space<hbm>>
    %dma_start3A_159 = tpu.memref_squeeze %dma_start3A_158 : memref<1x1x2x120xi32, #tpu.memory_space<hbm>> -> memref<2x120xi32, #tpu.memory_space<hbm>>
    %dma_start3A_160 = arith.constant 0 : i32
    %dma_start3A_161 = arith.constant 0 : i32
    %dma_start3A_162 = tpu.memref_slice %arg6[%dma_start3A_151, %dma_start3A_160, %dma_start3A_161] : memref<6x2x120xi32, #tpu.memory_space<vmem>> -> memref<1x2x120xi32, #tpu.memory_space<vmem>>
    %dma_start3A_163 = tpu.memref_squeeze %dma_start3A_162 : memref<1x2x120xi32, #tpu.memory_space<vmem>> -> memref<2x120xi32, #tpu.memory_space<vmem>>
    %dma_start3A_164 = arith.constant 0 : i32
    %dma_start3A_165 = arith.constant 0 : i32
    %dma_start3A_166 = tpu.memref_slice %arg3[%add3A, %dma_start3A_150, %dma_start3A_164, %dma_start3A_165] : memref<32x84x2x120xi32, #tpu.memory_space<hbm>> -> memref<1x1x2x120xi32, #tpu.memory_space<hbm>>
    %dma_start3A_167 = tpu.memref_squeeze %dma_start3A_166 : memref<1x1x2x120xi32, #tpu.memory_space<hbm>> -> memref<2x120xi32, #tpu.memory_space<hbm>>
    tpu.enqueue_dma source(%dma_start3A_167 : memref<2x120xi32, #tpu.memory_space<hbm>>) target(%dma_start3A_163 : memref<2x120xi32, #tpu.memory_space<vmem>>) target_semaphore(%arg11 : memref<!tpu.dma_semaphore, #tpu.memory_space<semaphore_mem>>)
    %dma_wait3A_168 = arith.constant 0 : i32
    %dma_wait3A_169 = arith.constant 0 : i32
    %dma_wait3A_170 = arith.constant 0 : i32
    %dma_wait3A_171 = arith.constant 0 : i32
    %dma_wait3A_172 = arith.constant 0 : i32
    %dma_wait3A_173 = tpu.memref_slice %arg7[%dma_wait3A_170, %dma_wait3A_171, %dma_wait3A_172] : memref<3x120x128xf32, #tpu.memory_space<vmem>> -> memref<1x120x128xf32, #tpu.memory_space<vmem>>
    %dma_wait3A_174 = tpu.memref_squeeze %dma_wait3A_173 : memref<1x120x128xf32, #tpu.memory_space<vmem>> -> memref<120x128xf32, #tpu.memory_space<vmem>>
    %dma_wait3A_175 = arith.constant 0 : i32
    %dma_wait3A_176 = tpu.memref_slice %arg6[%dma_wait3A_168, %dma_wait3A_169, %dma_wait3A_175] : memref<6x2x120xi32, #tpu.memory_space<vmem>> -> memref<1x1x120xi32, #tpu.memory_space<vmem>>
    %dma_wait3A_177 = tpu.memref_squeeze %dma_wait3A_176 : memref<1x1x120xi32, #tpu.memory_space<vmem>> -> memref<120xi32, #tpu.memory_space<vmem>>
    %dma_wait3A_178 = arith.constant 0 : i32
    %dma_wait3A_179 = arith.constant 0 : i32
    %dma_wait3A_180 = tpu.memref_slice %arg2[%dma_wait3A_178, %dma_wait3A_179] : memref<10112x128xf32, #tpu.memory_space<hbm>> -> memref<10112x128xf32, #tpu.memory_space<hbm>>
    tpu.wait_indirect_dma semaphore(%arg14 : memref<!tpu.dma_semaphore, #tpu.memory_space<semaphore_mem>>) src(%dma_wait3A_180 : memref<10112x128xf32, #tpu.memory_space<hbm>>) dst(%dma_wait3A_174 : memref<120x128xf32, #tpu.memory_space<vmem>>)
    %dma_start3A_181 = arith.constant 0 : i32
    %dma_start3A_182 = arith.constant 0 : i32
    %dma_start3A_183 = arith.constant 1 : i32
    %dma_start3A_184 = arith.constant 0 : i32
    %dma_start3A_185 = arith.constant 0 : i32
    %dma_start3A_186 = tpu.memref_slice %arg7[%dma_start3A_181, %dma_start3A_184, %dma_start3A_185] : memref<3x120x128xf32, #tpu.memory_space<vmem>> -> memref<1x120x128xf32, #tpu.memory_space<vmem>>
    %dma_start3A_187 = tpu.memref_squeeze %dma_start3A_186 : memref<1x120x128xf32, #tpu.memory_space<vmem>> -> memref<120x128xf32, #tpu.memory_space<vmem>>
    %dma_start3A_188 = arith.constant 0 : i32
    %dma_start3A_189 = tpu.memref_slice %arg6[%dma_start3A_182, %dma_start3A_183, %dma_start3A_188] : memref<6x2x120xi32, #tpu.memory_space<vmem>> -> memref<1x1x120xi32, #tpu.memory_space<vmem>>
    %dma_start3A_190 = tpu.memref_squeeze %dma_start3A_189 : memref<1x1x120xi32, #tpu.memory_space<vmem>> -> memref<120xi32, #tpu.memory_space<vmem>>
    %dma_start3A_191 = arith.constant 0 : i32
    %dma_start3A_192 = arith.constant 0 : i32
    %dma_start3A_193 = tpu.memref_slice %arg5[%dma_start3A_191, %dma_start3A_192] : memref<10112x128xf32, #tpu.memory_space<vmem_shared>> -> memref<10112x128xf32, #tpu.memory_space<vmem_shared>>
    tpu.enqueue_indirect_dma source(%dma_start3A_187 : memref<120x128xf32, #tpu.memory_space<vmem>>) target(%dma_start3A_193 : memref<10112x128xf32, #tpu.memory_space<vmem_shared>>) offsets(%dma_start3A_190 : memref<120xi32, #tpu.memory_space<vmem>>) semaphore(%arg17 : memref<!tpu.dma_semaphore, #tpu.memory_space<semaphore_mem>>) {add = true}
    %dma_wait3A_194 = arith.constant 2 : i32
    %dma_wait3A_195 = arith.constant 2 : i32
    %dma_wait3A_196 = arith.constant 0 : i32
    %dma_wait3A_197 = arith.constant 0 : i32
    %dma_wait3A_198 = tpu.memref_slice %arg6[%dma_wait3A_195, %dma_wait3A_196, %dma_wait3A_197] : memref<6x2x120xi32, #tpu.memory_space<vmem>> -> memref<1x2x120xi32, #tpu.memory_space<vmem>>
    %dma_wait3A_199 = tpu.memref_squeeze %dma_wait3A_198 : memref<1x2x120xi32, #tpu.memory_space<vmem>> -> memref<2x120xi32, #tpu.memory_space<vmem>>
    %dma_wait3A_200 = arith.constant 0 : i32
    %dma_wait3A_201 = arith.constant 0 : i32
    %dma_wait3A_202 = tpu.memref_slice %arg3[%add3A, %dma_wait3A_194, %dma_wait3A_200, %dma_wait3A_201] : memref<32x84x2x120xi32, #tpu.memory_space<hbm>> -> memref<1x1x2x120xi32, #tpu.memory_space<hbm>>
    %dma_wait3A_203 = tpu.memref_squeeze %dma_wait3A_202 : memref<1x1x2x120xi32, #tpu.memory_space<hbm>> -> memref<2x120xi32, #tpu.memory_space<hbm>>
    %dma_wait3A_204 = arith.constant 0 : i32
    %dma_wait3A_205 = arith.constant 0 : i32
    %dma_wait3A_206 = tpu.memref_slice %arg6[%dma_wait3A_195, %dma_wait3A_204, %dma_wait3A_205] : memref<6x2x120xi32, #tpu.memory_space<vmem>> -> memref<1x2x120xi32, #tpu.memory_space<vmem>>
    %dma_wait3A_207 = tpu.memref_squeeze %dma_wait3A_206 : memref<1x2x120xi32, #tpu.memory_space<vmem>> -> memref<2x120xi32, #tpu.memory_space<vmem>>
    %dma_wait3A_208 = arith.constant 0 : i32
    %dma_wait3A_209 = arith.constant 0 : i32
    %dma_wait3A_210 = tpu.memref_slice %arg3[%add3A, %dma_wait3A_194, %dma_wait3A_208, %dma_wait3A_209] : memref<32x84x2x120xi32, #tpu.memory_space<hbm>> -> memref<1x1x2x120xi32, #tpu.memory_space<hbm>>
    %dma_wait3A_211 = tpu.memref_squeeze %dma_wait3A_210 : memref<1x1x2x120xi32, #tpu.memory_space<hbm>> -> memref<2x120xi32, #tpu.memory_space<hbm>>
    tpu.wait_dma2 semaphore(%arg10 : memref<!tpu.dma_semaphore, #tpu.memory_space<semaphore_mem>>) src(%dma_wait3A_211 : memref<2x120xi32, #tpu.memory_space<hbm>>) dst(%dma_wait3A_207 : memref<2x120xi32, #tpu.memory_space<vmem>>)
    %dma_start3A_212 = arith.constant 2 : i32
    %dma_start3A_213 = arith.constant 0 : i32
    %dma_start3A_214 = arith.constant 2 : i32
    %dma_start3A_215 = arith.constant 0 : i32
    %dma_start3A_216 = arith.constant 0 : i32
    %dma_start3A_217 = tpu.memref_slice %arg7[%dma_start3A_214, %dma_start3A_215, %dma_start3A_216] : memref<3x120x128xf32, #tpu.memory_space<vmem>> -> memref<1x120x128xf32, #tpu.memory_space<vmem>>
    %dma_start3A_218 = tpu.memref_squeeze %dma_start3A_217 : memref<1x120x128xf32, #tpu.memory_space<vmem>> -> memref<120x128xf32, #tpu.memory_space<vmem>>
    %dma_start3A_219 = arith.constant 0 : i32
    %dma_start3A_220 = tpu.memref_slice %arg6[%dma_start3A_212, %dma_start3A_213, %dma_start3A_219] : memref<6x2x120xi32, #tpu.memory_space<vmem>> -> memref<1x1x120xi32, #tpu.memory_space<vmem>>
    %dma_start3A_221 = tpu.memref_squeeze %dma_start3A_220 : memref<1x1x120xi32, #tpu.memory_space<vmem>> -> memref<120xi32, #tpu.memory_space<vmem>>
    %dma_start3A_222 = arith.constant 0 : i32
    %dma_start3A_223 = arith.constant 0 : i32
    %dma_start3A_224 = tpu.memref_slice %arg2[%dma_start3A_222, %dma_start3A_223] : memref<10112x128xf32, #tpu.memory_space<hbm>> -> memref<10112x128xf32, #tpu.memory_space<hbm>>
    tpu.enqueue_indirect_dma source(%dma_start3A_224 : memref<10112x128xf32, #tpu.memory_space<hbm>>) target(%dma_start3A_218 : memref<120x128xf32, #tpu.memory_space<vmem>>) offsets(%dma_start3A_221 : memref<120xi32, #tpu.memory_space<vmem>>) semaphore(%arg16 : memref<!tpu.dma_semaphore, #tpu.memory_space<semaphore_mem>>)
    %dma_start3A_225 = arith.constant 4 : i32
    %dma_start3A_226 = arith.constant 4 : i32
    %dma_start3A_227 = arith.constant 0 : i32
    %dma_start3A_228 = arith.constant 0 : i32
    %dma_start3A_229 = tpu.memref_slice %arg6[%dma_start3A_226, %dma_start3A_227, %dma_start3A_228] : memref<6x2x120xi32, #tpu.memory_space<vmem>> -> memref<1x2x120xi32, #tpu.memory_space<vmem>>
    %dma_start3A_230 = tpu.memref_squeeze %dma_start3A_229 : memref<1x2x120xi32, #tpu.memory_space<vmem>> -> memref<2x120xi32, #tpu.memory_space<vmem>>
    %dma_start3A_231 = arith.constant 0 : i32
    %dma_start3A_232 = arith.constant 0 : i32
    %dma_start3A_233 = tpu.memref_slice %arg3[%add3A, %dma_start3A_225, %dma_start3A_231, %dma_start3A_232] : memref<32x84x2x120xi32, #tpu.memory_space<hbm>> -> memref<1x1x2x120xi32, #tpu.memory_space<hbm>>
    %dma_start3A_234 = tpu.memref_squeeze %dma_start3A_233 : memref<1x1x2x120xi32, #tpu.memory_space<hbm>> -> memref<2x120xi32, #tpu.memory_space<hbm>>
    %dma_start3A_235 = arith.constant 0 : i32
    %dma_start3A_236 = arith.constant 0 : i32
    %dma_start3A_237 = tpu.memref_slice %arg6[%dma_start3A_226, %dma_start3A_235, %dma_start3A_236] : memref<6x2x120xi32, #tpu.memory_space<vmem>> -> memref<1x2x120xi32, #tpu.memory_space<vmem>>
    %dma_start3A_238 = tpu.memref_squeeze %dma_start3A_237 : memref<1x2x120xi32, #tpu.memory_space<vmem>> -> memref<2x120xi32, #tpu.memory_space<vmem>>
    %dma_start3A_239 = arith.constant 0 : i32
    %dma_start3A_240 = arith.constant 0 : i32
    %dma_start3A_241 = tpu.memref_slice %arg3[%add3A, %dma_start3A_225, %dma_start3A_239, %dma_start3A_240] : memref<32x84x2x120xi32, #tpu.memory_space<hbm>> -> memref<1x1x2x120xi32, #tpu.memory_space<hbm>>
    %dma_start3A_242 = tpu.memref_squeeze %dma_start3A_241 : memref<1x1x2x120xi32, #tpu.memory_space<hbm>> -> memref<2x120xi32, #tpu.memory_space<hbm>>
    tpu.enqueue_dma source(%dma_start3A_242 : memref<2x120xi32, #tpu.memory_space<hbm>>) target(%dma_start3A_238 : memref<2x120xi32, #tpu.memory_space<vmem>>) target_semaphore(%arg12 : memref<!tpu.dma_semaphore, #tpu.memory_space<semaphore_mem>>)
    %dma_wait3A_243 = arith.constant 1 : i32
    %dma_wait3A_244 = arith.constant 0 : i32
    %dma_wait3A_245 = arith.constant 1 : i32
    %dma_wait3A_246 = arith.constant 0 : i32
    %dma_wait3A_247 = arith.constant 0 : i32
    %dma_wait3A_248 = tpu.memref_slice %arg7[%dma_wait3A_245, %dma_wait3A_246, %dma_wait3A_247] : memref<3x120x128xf32, #tpu.memory_space<vmem>> -> memref<1x120x128xf32, #tpu.memory_space<vmem>>
    %dma_wait3A_249 = tpu.memref_squeeze %dma_wait3A_248 : memref<1x120x128xf32, #tpu.memory_space<vmem>> -> memref<120x128xf32, #tpu.memory_space<vmem>>
    %dma_wait3A_250 = arith.constant 0 : i32
    %dma_wait3A_251 = tpu.memref_slice %arg6[%dma_wait3A_243, %dma_wait3A_244, %dma_wait3A_250] : memref<6x2x120xi32, #tpu.memory_space<vmem>> -> memref<1x1x120xi32, #tpu.memory_space<vmem>>
    %dma_wait3A_252 = tpu.memref_squeeze %dma_wait3A_251 : memref<1x1x120xi32, #tpu.memory_space<vmem>> -> memref<120xi32, #tpu.memory_space<vmem>>
    %dma_wait3A_253 = arith.constant 0 : i32
    %dma_wait3A_254 = arith.constant 0 : i32
    %dma_wait3A_255 = tpu.memref_slice %arg2[%dma_wait3A_253, %dma_wait3A_254] : memref<10112x128xf32, #tpu.memory_space<hbm>> -> memref<10112x128xf32, #tpu.memory_space<hbm>>
    tpu.wait_indirect_dma semaphore(%arg15 : memref<!tpu.dma_semaphore, #tpu.memory_space<semaphore_mem>>) src(%dma_wait3A_255 : memref<10112x128xf32, #tpu.memory_space<hbm>>) dst(%dma_wait3A_249 : memref<120x128xf32, #tpu.memory_space<vmem>>)
    %dma_start3A_256 = arith.constant 1 : i32
    %dma_start3A_257 = arith.constant 1 : i32
    %dma_start3A_258 = arith.constant 1 : i32
    %dma_start3A_259 = arith.constant 0 : i32
    %dma_start3A_260 = arith.constant 0 : i32
    %dma_start3A_261 = tpu.memref_slice %arg7[%dma_start3A_256, %dma_start3A_259, %dma_start3A_260] : memref<3x120x128xf32, #tpu.memory_space<vmem>> -> memref<1x120x128xf32, #tpu.memory_space<vmem>>
    %dma_start3A_262 = tpu.memref_squeeze %dma_start3A_261 : memref<1x120x128xf32, #tpu.memory_space<vmem>> -> memref<120x128xf32, #tpu.memory_space<vmem>>
    %dma_start3A_263 = arith.constant 0 : i32
    %dma_start3A_264 = tpu.memref_slice %arg6[%dma_start3A_257, %dma_start3A_258, %dma_start3A_263] : memref<6x2x120xi32, #tpu.memory_space<vmem>> -> memref<1x1x120xi32, #tpu.memory_space<vmem>>
    %dma_start3A_265 = tpu.memref_squeeze %dma_start3A_264 : memref<1x1x120xi32, #tpu.memory_space<vmem>> -> memref<120xi32, #tpu.memory_space<vmem>>
    %dma_start3A_266 = arith.constant 0 : i32
    %dma_start3A_267 = arith.constant 0 : i32
    %dma_start3A_268 = tpu.memref_slice %arg5[%dma_start3A_266, %dma_start3A_267] : memref<10112x128xf32, #tpu.memory_space<vmem_shared>> -> memref<10112x128xf32, #tpu.memory_space<vmem_shared>>
    tpu.enqueue_indirect_dma source(%dma_start3A_262 : memref<120x128xf32, #tpu.memory_space<vmem>>) target(%dma_start3A_268 : memref<10112x128xf32, #tpu.memory_space<vmem_shared>>) offsets(%dma_start3A_265 : memref<120xi32, #tpu.memory_space<vmem>>) semaphore(%arg18 : memref<!tpu.dma_semaphore, #tpu.memory_space<semaphore_mem>>) {add = true}
    %dma_wait3A_269 = arith.constant 0 : i32
    %dma_wait3A_270 = arith.constant 0 : i32
    %dma_wait3A_271 = arith.constant 1 : i32
    %dma_wait3A_272 = arith.constant 0 : i32
    %dma_wait3A_273 = arith.constant 0 : i32
    %dma_wait3A_274 = tpu.memref_slice %arg7[%dma_wait3A_269, %dma_wait3A_272, %dma_wait3A_273] : memref<3x120x128xf32, #tpu.memory_space<vmem>> -> memref<1x120x128xf32, #tpu.memory_space<vmem>>
    %dma_wait3A_275 = tpu.memref_squeeze %dma_wait3A_274 : memref<1x120x128xf32, #tpu.memory_space<vmem>> -> memref<120x128xf32, #tpu.memory_space<vmem>>
    %dma_wait3A_276 = arith.constant 0 : i32
    %dma_wait3A_277 = tpu.memref_slice %arg6[%dma_wait3A_270, %dma_wait3A_271, %dma_wait3A_276] : memref<6x2x120xi32, #tpu.memory_space<vmem>> -> memref<1x1x120xi32, #tpu.memory_space<vmem>>
    %dma_wait3A_278 = tpu.memref_squeeze %dma_wait3A_277 : memref<1x1x120xi32, #tpu.memory_space<vmem>> -> memref<120xi32, #tpu.memory_space<vmem>>
    %dma_wait3A_279 = arith.constant 0 : i32
    %dma_wait3A_280 = arith.constant 0 : i32
    %dma_wait3A_281 = tpu.memref_slice %arg5[%dma_wait3A_279, %dma_wait3A_280] : memref<10112x128xf32, #tpu.memory_space<vmem_shared>> -> memref<10112x128xf32, #tpu.memory_space<vmem_shared>>
    tpu.wait_indirect_dma semaphore(%arg17 : memref<!tpu.dma_semaphore, #tpu.memory_space<semaphore_mem>>) src(%dma_wait3A_275 : memref<120x128xf32, #tpu.memory_space<vmem>>) dst(%dma_wait3A_281 : memref<10112x128xf32, #tpu.memory_space<vmem_shared>>)
    %dma_wait3A_282 = arith.constant 3 : i32
    %dma_wait3A_283 = arith.constant 3 : i32
    %dma_wait3A_284 = arith.constant 0 : i32
    %dma_wait3A_285 = arith.constant 0 : i32
    %dma_wait3A_286 = tpu.memref_slice %arg6[%dma_wait3A_283, %dma_wait3A_284, %dma_wait3A_285] : memref<6x2x120xi32, #tpu.memory_space<vmem>> -> memref<1x2x120xi32, #tpu.memory_space<vmem>>
    %dma_wait3A_287 = tpu.memref_squeeze %dma_wait3A_286 : memref<1x2x120xi32, #tpu.memory_space<vmem>> -> memref<2x120xi32, #tpu.memory_space<vmem>>
    %dma_wait3A_288 = arith.constant 0 : i32
    %dma_wait3A_289 = arith.constant 0 : i32
    %dma_wait3A_290 = tpu.memref_slice %arg3[%add3A, %dma_wait3A_282, %dma_wait3A_288, %dma_wait3A_289] : memref<32x84x2x120xi32, #tpu.memory_space<hbm>> -> memref<1x1x2x120xi32, #tpu.memory_space<hbm>>
    %dma_wait3A_291 = tpu.memref_squeeze %dma_wait3A_290 : memref<1x1x2x120xi32, #tpu.memory_space<hbm>> -> memref<2x120xi32, #tpu.memory_space<hbm>>
    %dma_wait3A_292 = arith.constant 0 : i32
    %dma_wait3A_293 = arith.constant 0 : i32
    %dma_wait3A_294 = tpu.memref_slice %arg6[%dma_wait3A_283, %dma_wait3A_292, %dma_wait3A_293] : memref<6x2x120xi32, #tpu.memory_space<vmem>> -> memref<1x2x120xi32, #tpu.memory_space<vmem>>
    %dma_wait3A_295 = tpu.memref_squeeze %dma_wait3A_294 : memref<1x2x120xi32, #tpu.memory_space<vmem>> -> memref<2x120xi32, #tpu.memory_space<vmem>>
    %dma_wait3A_296 = arith.constant 0 : i32
    %dma_wait3A_297 = arith.constant 0 : i32
    %dma_wait3A_298 = tpu.memref_slice %arg3[%add3A, %dma_wait3A_282, %dma_wait3A_296, %dma_wait3A_297] : memref<32x84x2x120xi32, #tpu.memory_space<hbm>> -> memref<1x1x2x120xi32, #tpu.memory_space<hbm>>
    %dma_wait3A_299 = tpu.memref_squeeze %dma_wait3A_298 : memref<1x1x2x120xi32, #tpu.memory_space<hbm>> -> memref<2x120xi32, #tpu.memory_space<hbm>>
    tpu.wait_dma2 semaphore(%arg11 : memref<!tpu.dma_semaphore, #tpu.memory_space<semaphore_mem>>) src(%dma_wait3A_299 : memref<2x120xi32, #tpu.memory_space<hbm>>) dst(%dma_wait3A_295 : memref<2x120xi32, #tpu.memory_space<vmem>>)
    %dma_start3A_300 = arith.constant 3 : i32
    %dma_start3A_301 = arith.constant 0 : i32
    %dma_start3A_302 = arith.constant 0 : i32
    %dma_start3A_303 = arith.constant 0 : i32
    %dma_start3A_304 = arith.constant 0 : i32
    %dma_start3A_305 = tpu.memref_slice %arg7[%dma_start3A_302, %dma_start3A_303, %dma_start3A_304] : memref<3x120x128xf32, #tpu.memory_space<vmem>> -> memref<1x120x128xf32, #tpu.memory_space<vmem>>
    %dma_start3A_306 = tpu.memref_squeeze %dma_start3A_305 : memref<1x120x128xf32, #tpu.memory_space<vmem>> -> memref<120x128xf32, #tpu.memory_space<vmem>>
    %dma_start3A_307 = arith.constant 0 : i32
    %dma_start3A_308 = tpu.memref_slice %arg6[%dma_start3A_300, %dma_start3A_301, %dma_start3A_307] : memref<6x2x120xi32, #tpu.memory_space<vmem>> -> memref<1x1x120xi32, #tpu.memory_space<vmem>>
    %dma_start3A_309 = tpu.memref_squeeze %dma_start3A_308 : memref<1x1x120xi32, #tpu.memory_space<vmem>> -> memref<120xi32, #tpu.memory_space<vmem>>
    %dma_start3A_310 = arith.constant 0 : i32
    %dma_start3A_311 = arith.constant 0 : i32
    %dma_start3A_312 = tpu.memref_slice %arg2[%dma_start3A_310, %dma_start3A_311] : memref<10112x128xf32, #tpu.memory_space<hbm>> -> memref<10112x128xf32, #tpu.memory_space<hbm>>
    tpu.enqueue_indirect_dma source(%dma_start3A_312 : memref<10112x128xf32, #tpu.memory_space<hbm>>) target(%dma_start3A_306 : memref<120x128xf32, #tpu.memory_space<vmem>>) offsets(%dma_start3A_309 : memref<120xi32, #tpu.memory_space<vmem>>) semaphore(%arg14 : memref<!tpu.dma_semaphore, #tpu.memory_space<semaphore_mem>>)
    %dma_wait3A_313 = arith.constant 2 : i32
    %dma_wait3A_314 = arith.constant 0 : i32
    %dma_wait3A_315 = arith.constant 2 : i32
    %dma_wait3A_316 = arith.constant 0 : i32
    %dma_wait3A_317 = arith.constant 0 : i32
    %dma_wait3A_318 = tpu.memref_slice %arg7[%dma_wait3A_315, %dma_wait3A_316, %dma_wait3A_317] : memref<3x120x128xf32, #tpu.memory_space<vmem>> -> memref<1x120x128xf32, #tpu.memory_space<vmem>>
    %dma_wait3A_319 = tpu.memref_squeeze %dma_wait3A_318 : memref<1x120x128xf32, #tpu.memory_space<vmem>> -> memref<120x128xf32, #tpu.memory_space<vmem>>
    %dma_wait3A_320 = arith.constant 0 : i32
    %dma_wait3A_321 = tpu.memref_slice %arg6[%dma_wait3A_313, %dma_wait3A_314, %dma_wait3A_320] : memref<6x2x120xi32, #tpu.memory_space<vmem>> -> memref<1x1x120xi32, #tpu.memory_space<vmem>>
    %dma_wait3A_322 = tpu.memref_squeeze %dma_wait3A_321 : memref<1x1x120xi32, #tpu.memory_space<vmem>> -> memref<120xi32, #tpu.memory_space<vmem>>
    %dma_wait3A_323 = arith.constant 0 : i32
    %dma_wait3A_324 = arith.constant 0 : i32
    %dma_wait3A_325 = tpu.memref_slice %arg2[%dma_wait3A_323, %dma_wait3A_324] : memref<10112x128xf32, #tpu.memory_space<hbm>> -> memref<10112x128xf32, #tpu.memory_space<hbm>>
    tpu.wait_indirect_dma semaphore(%arg16 : memref<!tpu.dma_semaphore, #tpu.memory_space<semaphore_mem>>) src(%dma_wait3A_325 : memref<10112x128xf32, #tpu.memory_space<hbm>>) dst(%dma_wait3A_319 : memref<120x128xf32, #tpu.memory_space<vmem>>)
    %dma_start3A_326 = arith.constant 5 : i32
    %dma_start3A_327 = arith.constant 5 : i32
    %dma_start3A_328 = arith.constant 0 : i32
    %dma_start3A_329 = arith.constant 0 : i32
    %dma_start3A_330 = tpu.memref_slice %arg6[%dma_start3A_327, %dma_start3A_328, %dma_start3A_329] : memref<6x2x120xi32, #tpu.memory_space<vmem>> -> memref<1x2x120xi32, #tpu.memory_space<vmem>>
    %dma_start3A_331 = tpu.memref_squeeze %dma_start3A_330 : memref<1x2x120xi32, #tpu.memory_space<vmem>> -> memref<2x120xi32, #tpu.memory_space<vmem>>
    %dma_start3A_332 = arith.constant 0 : i32
    %dma_start3A_333 = arith.constant 0 : i32
    %dma_start3A_334 = tpu.memref_slice %arg3[%add3A, %dma_start3A_326, %dma_start3A_332, %dma_start3A_333] : memref<32x84x2x120xi32, #tpu.memory_space<hbm>> -> memref<1x1x2x120xi32, #tpu.memory_space<hbm>>
    %dma_start3A_335 = tpu.memref_squeeze %dma_start3A_334 : memref<1x1x2x120xi32, #tpu.memory_space<hbm>> -> memref<2x120xi32, #tpu.memory_space<hbm>>
    %dma_start3A_336 = arith.constant 0 : i32
    %dma_start3A_337 = arith.constant 0 : i32
    %dma_start3A_338 = tpu.memref_slice %arg6[%dma_start3A_327, %dma_start3A_336, %dma_start3A_337] : memref<6x2x120xi32, #tpu.memory_space<vmem>> -> memref<1x2x120xi32, #tpu.memory_space<vmem>>
    %dma_start3A_339 = tpu.memref_squeeze %dma_start3A_338 : memref<1x2x120xi32, #tpu.memory_space<vmem>> -> memref<2x120xi32, #tpu.memory_space<vmem>>
    %dma_start3A_340 = arith.constant 0 : i32
    %dma_start3A_341 = arith.constant 0 : i32
    %dma_start3A_342 = tpu.memref_slice %arg3[%add3A, %dma_start3A_326, %dma_start3A_340, %dma_start3A_341] : memref<32x84x2x120xi32, #tpu.memory_space<hbm>> -> memref<1x1x2x120xi32, #tpu.memory_space<hbm>>
    %dma_start3A_343 = tpu.memref_squeeze %dma_start3A_342 : memref<1x1x2x120xi32, #tpu.memory_space<hbm>> -> memref<2x120xi32, #tpu.memory_space<hbm>>
    tpu.enqueue_dma source(%dma_start3A_343 : memref<2x120xi32, #tpu.memory_space<hbm>>) target(%dma_start3A_339 : memref<2x120xi32, #tpu.memory_space<vmem>>) target_semaphore(%arg13 : memref<!tpu.dma_semaphore, #tpu.memory_space<semaphore_mem>>)
    %dma_start3A_344 = arith.constant 2 : i32
    %dma_start3A_345 = arith.constant 2 : i32
    %dma_start3A_346 = arith.constant 1 : i32
    %dma_start3A_347 = arith.constant 0 : i32
    %dma_start3A_348 = arith.constant 0 : i32
    %dma_start3A_349 = tpu.memref_slice %arg7[%dma_start3A_344, %dma_start3A_347, %dma_start3A_348] : memref<3x120x128xf32, #tpu.memory_space<vmem>> -> memref<1x120x128xf32, #tpu.memory_space<vmem>>
    %dma_start3A_350 = tpu.memref_squeeze %dma_start3A_349 : memref<1x120x128xf32, #tpu.memory_space<vmem>> -> memref<120x128xf32, #tpu.memory_space<vmem>>
    %dma_start3A_351 = arith.constant 0 : i32
    %dma_start3A_352 = tpu.memref_slice %arg6[%dma_start3A_345, %dma_start3A_346, %dma_start3A_351] : memref<6x2x120xi32, #tpu.memory_space<vmem>> -> memref<1x1x120xi32, #tpu.memory_space<vmem>>
    %dma_start3A_353 = tpu.memref_squeeze %dma_start3A_352 : memref<1x1x120xi32, #tpu.memory_space<vmem>> -> memref<120xi32, #tpu.memory_space<vmem>>
    %dma_start3A_354 = arith.constant 0 : i32
    %dma_start3A_355 = arith.constant 0 : i32
    %dma_start3A_356 = tpu.memref_slice %arg5[%dma_start3A_354, %dma_start3A_355] : memref<10112x128xf32, #tpu.memory_space<vmem_shared>> -> memref<10112x128xf32, #tpu.memory_space<vmem_shared>>
    tpu.enqueue_indirect_dma source(%dma_start3A_350 : memref<120x128xf32, #tpu.memory_space<vmem>>) target(%dma_start3A_356 : memref<10112x128xf32, #tpu.memory_space<vmem_shared>>) offsets(%dma_start3A_353 : memref<120xi32, #tpu.memory_space<vmem>>) semaphore(%arg19 : memref<!tpu.dma_semaphore, #tpu.memory_space<semaphore_mem>>) {add = true}
    %dma_wait3A_357 = arith.constant 1 : i32
    %dma_wait3A_358 = arith.constant 1 : i32
    %dma_wait3A_359 = arith.constant 1 : i32
    %dma_wait3A_360 = arith.constant 0 : i32
    %dma_wait3A_361 = arith.constant 0 : i32
    %dma_wait3A_362 = tpu.memref_slice %arg7[%dma_wait3A_357, %dma_wait3A_360, %dma_wait3A_361] : memref<3x120x128xf32, #tpu.memory_space<vmem>> -> memref<1x120x128xf32, #tpu.memory_space<vmem>>
    %dma_wait3A_363 = tpu.memref_squeeze %dma_wait3A_362 : memref<1x120x128xf32, #tpu.memory_space<vmem>> -> memref<120x128xf32, #tpu.memory_space<vmem>>
    %dma_wait3A_364 = arith.constant 0 : i32
    %dma_wait3A_365 = tpu.memref_slice %arg6[%dma_wait3A_358, %dma_wait3A_359, %dma_wait3A_364] : memref<6x2x120xi32, #tpu.memory_space<vmem>> -> memref<1x1x120xi32, #tpu.memory_space<vmem>>
    %dma_wait3A_366 = tpu.memref_squeeze %dma_wait3A_365 : memref<1x1x120xi32, #tpu.memory_space<vmem>> -> memref<120xi32, #tpu.memory_space<vmem>>
    %dma_wait3A_367 = arith.constant 0 : i32
    %dma_wait3A_368 = arith.constant 0 : i32
    %dma_wait3A_369 = tpu.memref_slice %arg5[%dma_wait3A_367, %dma_wait3A_368] : memref<10112x128xf32, #tpu.memory_space<vmem_shared>> -> memref<10112x128xf32, #tpu.memory_space<vmem_shared>>
    tpu.wait_indirect_dma semaphore(%arg18 : memref<!tpu.dma_semaphore, #tpu.memory_space<semaphore_mem>>) src(%dma_wait3A_363 : memref<120x128xf32, #tpu.memory_space<vmem>>) dst(%dma_wait3A_369 : memref<10112x128xf32, #tpu.memory_space<vmem_shared>>)
    %dma_wait3A_370 = arith.constant 4 : i32
    %dma_wait3A_371 = arith.constant 4 : i32
    %dma_wait3A_372 = arith.constant 0 : i32
    %dma_wait3A_373 = arith.constant 0 : i32
    %dma_wait3A_374 = tpu.memref_slice %arg6[%dma_wait3A_371, %dma_wait3A_372, %dma_wait3A_373] : memref<6x2x120xi32, #tpu.memory_space<vmem>> -> memref<1x2x120xi32, #tpu.memory_space<vmem>>
    %dma_wait3A_375 = tpu.memref_squeeze %dma_wait3A_374 : memref<1x2x120xi32, #tpu.memory_space<vmem>> -> memref<2x120xi32, #tpu.memory_space<vmem>>
    %dma_wait3A_376 = arith.constant 0 : i32
    %dma_wait3A_377 = arith.constant 0 : i32
    %dma_wait3A_378 = tpu.memref_slice %arg3[%add3A, %dma_wait3A_370, %dma_wait3A_376, %dma_wait3A_377] : memref<32x84x2x120xi32, #tpu.memory_space<hbm>> -> memref<1x1x2x120xi32, #tpu.memory_space<hbm>>
    %dma_wait3A_379 = tpu.memref_squeeze %dma_wait3A_378 : memref<1x1x2x120xi32, #tpu.memory_space<hbm>> -> memref<2x120xi32, #tpu.memory_space<hbm>>
    %dma_wait3A_380 = arith.constant 0 : i32
    %dma_wait3A_381 = arith.constant 0 : i32
    %dma_wait3A_382 = tpu.memref_slice %arg6[%dma_wait3A_371, %dma_wait3A_380, %dma_wait3A_381] : memref<6x2x120xi32, #tpu.memory_space<vmem>> -> memref<1x2x120xi32, #tpu.memory_space<vmem>>
    %dma_wait3A_383 = tpu.memref_squeeze %dma_wait3A_382 : memref<1x2x120xi32, #tpu.memory_space<vmem>> -> memref<2x120xi32, #tpu.memory_space<vmem>>
    %dma_wait3A_384 = arith.constant 0 : i32
    %dma_wait3A_385 = arith.constant 0 : i32
    %dma_wait3A_386 = tpu.memref_slice %arg3[%add3A, %dma_wait3A_370, %dma_wait3A_384, %dma_wait3A_385] : memref<32x84x2x120xi32, #tpu.memory_space<hbm>> -> memref<1x1x2x120xi32, #tpu.memory_space<hbm>>
    %dma_wait3A_387 = tpu.memref_squeeze %dma_wait3A_386 : memref<1x1x2x120xi32, #tpu.memory_space<hbm>> -> memref<2x120xi32, #tpu.memory_space<hbm>>
    tpu.wait_dma2 semaphore(%arg12 : memref<!tpu.dma_semaphore, #tpu.memory_space<semaphore_mem>>) src(%dma_wait3A_387 : memref<2x120xi32, #tpu.memory_space<hbm>>) dst(%dma_wait3A_383 : memref<2x120xi32, #tpu.memory_space<vmem>>)
    %dma_start3A_388 = arith.constant 4 : i32
    %dma_start3A_389 = arith.constant 0 : i32
    %dma_start3A_390 = arith.constant 1 : i32
    %dma_start3A_391 = arith.constant 0 : i32
    %dma_start3A_392 = arith.constant 0 : i32
    %dma_start3A_393 = tpu.memref_slice %arg7[%dma_start3A_390, %dma_start3A_391, %dma_start3A_392] : memref<3x120x128xf32, #tpu.memory_space<vmem>> -> memref<1x120x128xf32, #tpu.memory_space<vmem>>
    %dma_start3A_394 = tpu.memref_squeeze %dma_start3A_393 : memref<1x120x128xf32, #tpu.memory_space<vmem>> -> memref<120x128xf32, #tpu.memory_space<vmem>>
    %dma_start3A_395 = arith.constant 0 : i32
    %dma_start3A_396 = tpu.memref_slice %arg6[%dma_start3A_388, %dma_start3A_389, %dma_start3A_395] : memref<6x2x120xi32, #tpu.memory_space<vmem>> -> memref<1x1x120xi32, #tpu.memory_space<vmem>>
    %dma_start3A_397 = tpu.memref_squeeze %dma_start3A_396 : memref<1x1x120xi32, #tpu.memory_space<vmem>> -> memref<120xi32, #tpu.memory_space<vmem>>
    %dma_start3A_398 = arith.constant 0 : i32
    %dma_start3A_399 = arith.constant 0 : i32
    %dma_start3A_400 = tpu.memref_slice %arg2[%dma_start3A_398, %dma_start3A_399] : memref<10112x128xf32, #tpu.memory_space<hbm>> -> memref<10112x128xf32, #tpu.memory_space<hbm>>
    tpu.enqueue_indirect_dma source(%dma_start3A_400 : memref<10112x128xf32, #tpu.memory_space<hbm>>) target(%dma_start3A_394 : memref<120x128xf32, #tpu.memory_space<vmem>>) offsets(%dma_start3A_397 : memref<120xi32, #tpu.memory_space<vmem>>) semaphore(%arg15 : memref<!tpu.dma_semaphore, #tpu.memory_space<semaphore_mem>>)
    %dma_wait3A_401 = arith.constant 3 : i32
    %dma_wait3A_402 = arith.constant 0 : i32
    %dma_wait3A_403 = arith.constant 0 : i32
    %dma_wait3A_404 = arith.constant 0 : i32
    %dma_wait3A_405 = arith.constant 0 : i32
    %dma_wait3A_406 = tpu.memref_slice %arg7[%dma_wait3A_403, %dma_wait3A_404, %dma_wait3A_405] : memref<3x120x128xf32, #tpu.memory_space<vmem>> -> memref<1x120x128xf32, #tpu.memory_space<vmem>>
    %dma_wait3A_407 = tpu.memref_squeeze %dma_wait3A_406 : memref<1x120x128xf32, #tpu.memory_space<vmem>> -> memref<120x128xf32, #tpu.memory_space<vmem>>
    %dma_wait3A_408 = arith.constant 0 : i32
    %dma_wait3A_409 = tpu.memref_slice %arg6[%dma_wait3A_401, %dma_wait3A_402, %dma_wait3A_408] : memref<6x2x120xi32, #tpu.memory_space<vmem>> -> memref<1x1x120xi32, #tpu.memory_space<vmem>>
    %dma_wait3A_410 = tpu.memref_squeeze %dma_wait3A_409 : memref<1x1x120xi32, #tpu.memory_space<vmem>> -> memref<120xi32, #tpu.memory_space<vmem>>
    %dma_wait3A_411 = arith.constant 0 : i32
    %dma_wait3A_412 = arith.constant 0 : i32
    %dma_wait3A_413 = tpu.memref_slice %arg2[%dma_wait3A_411, %dma_wait3A_412] : memref<10112x128xf32, #tpu.memory_space<hbm>> -> memref<10112x128xf32, #tpu.memory_space<hbm>>
    tpu.wait_indirect_dma semaphore(%arg14 : memref<!tpu.dma_semaphore, #tpu.memory_space<semaphore_mem>>) src(%dma_wait3A_413 : memref<10112x128xf32, #tpu.memory_space<hbm>>) dst(%dma_wait3A_407 : memref<120x128xf32, #tpu.memory_space<vmem>>)
    %dma_start3A_414 = arith.constant 6 : i32
    %dma_start3A_415 = arith.constant 0 : i32
    %dma_start3A_416 = arith.constant 0 : i32
    %dma_start3A_417 = arith.constant 0 : i32
    %dma_start3A_418 = tpu.memref_slice %arg6[%dma_start3A_415, %dma_start3A_416, %dma_start3A_417] : memref<6x2x120xi32, #tpu.memory_space<vmem>> -> memref<1x2x120xi32, #tpu.memory_space<vmem>>
    %dma_start3A_419 = tpu.memref_squeeze %dma_start3A_418 : memref<1x2x120xi32, #tpu.memory_space<vmem>> -> memref<2x120xi32, #tpu.memory_space<vmem>>
    %dma_start3A_420 = arith.constant 0 : i32
    %dma_start3A_421 = arith.constant 0 : i32
    %dma_start3A_422 = tpu.memref_slice %arg3[%add3A, %dma_start3A_414, %dma_start3A_420, %dma_start3A_421] : memref<32x84x2x120xi32, #tpu.memory_space<hbm>> -> memref<1x1x2x120xi32, #tpu.memory_space<hbm>>
    %dma_start3A_423 = tpu.memref_squeeze %dma_start3A_422 : memref<1x1x2x120xi32, #tpu.memory_space<hbm>> -> memref<2x120xi32, #tpu.memory_space<hbm>>
    %dma_start3A_424 = arith.constant 0 : i32
    %dma_start3A_425 = arith.constant 0 : i32
    %dma_start3A_426 = tpu.memref_slice %arg6[%dma_start3A_415, %dma_start3A_424, %dma_start3A_425] : memref<6x2x120xi32, #tpu.memory_space<vmem>> -> memref<1x2x120xi32, #tpu.memory_space<vmem>>
    %dma_start3A_427 = tpu.memref_squeeze %dma_start3A_426 : memref<1x2x120xi32, #tpu.memory_space<vmem>> -> memref<2x120xi32, #tpu.memory_space<vmem>>
    %dma_start3A_428 = arith.constant 0 : i32
    %dma_start3A_429 = arith.constant 0 : i32
    %dma_start3A_430 = tpu.memref_slice %arg3[%add3A, %dma_start3A_414, %dma_start3A_428, %dma_start3A_429] : memref<32x84x2x120xi32, #tpu.memory_space<hbm>> -> memref<1x1x2x120xi32, #tpu.memory_space<hbm>>
    %dma_start3A_431 = tpu.memref_squeeze %dma_start3A_430 : memref<1x1x2x120xi32, #tpu.memory_space<hbm>> -> memref<2x120xi32, #tpu.memory_space<hbm>>
    tpu.enqueue_dma source(%dma_start3A_431 : memref<2x120xi32, #tpu.memory_space<hbm>>) target(%dma_start3A_427 : memref<2x120xi32, #tpu.memory_space<vmem>>) target_semaphore(%arg8 : memref<!tpu.dma_semaphore, #tpu.memory_space<semaphore_mem>>)
    %dma_start3A_432 = arith.constant 0 : i32
    %dma_start3A_433 = arith.constant 3 : i32
    %dma_start3A_434 = arith.constant 1 : i32
    %dma_start3A_435 = arith.constant 0 : i32
    %dma_start3A_436 = arith.constant 0 : i32
    %dma_start3A_437 = tpu.memref_slice %arg7[%dma_start3A_432, %dma_start3A_435, %dma_start3A_436] : memref<3x120x128xf32, #tpu.memory_space<vmem>> -> memref<1x120x128xf32, #tpu.memory_space<vmem>>
    %dma_start3A_438 = tpu.memref_squeeze %dma_start3A_437 : memref<1x120x128xf32, #tpu.memory_space<vmem>> -> memref<120x128xf32, #tpu.memory_space<vmem>>
    %dma_start3A_439 = arith.constant 0 : i32
    %dma_start3A_440 = tpu.memref_slice %arg6[%dma_start3A_433, %dma_start3A_434, %dma_start3A_439] : memref<6x2x120xi32, #tpu.memory_space<vmem>> -> memref<1x1x120xi32, #tpu.memory_space<vmem>>
    %dma_start3A_441 = tpu.memref_squeeze %dma_start3A_440 : memref<1x1x120xi32, #tpu.memory_space<vmem>> -> memref<120xi32, #tpu.memory_space<vmem>>
    %dma_start3A_442 = arith.constant 0 : i32
    %dma_start3A_443 = arith.constant 0 : i32
    %dma_start3A_444 = tpu.memref_slice %arg5[%dma_start3A_442, %dma_start3A_443] : memref<10112x128xf32, #tpu.memory_space<vmem_shared>> -> memref<10112x128xf32, #tpu.memory_space<vmem_shared>>
    tpu.enqueue_indirect_dma source(%dma_start3A_438 : memref<120x128xf32, #tpu.memory_space<vmem>>) target(%dma_start3A_444 : memref<10112x128xf32, #tpu.memory_space<vmem_shared>>) offsets(%dma_start3A_441 : memref<120xi32, #tpu.memory_space<vmem>>) semaphore(%arg17 : memref<!tpu.dma_semaphore, #tpu.memory_space<semaphore_mem>>) {add = true}
    %dma_wait3A_445 = arith.constant 2 : i32
    %dma_wait3A_446 = arith.constant 2 : i32
    %dma_wait3A_447 = arith.constant 1 : i32
    %dma_wait3A_448 = arith.constant 0 : i32
    %dma_wait3A_449 = arith.constant 0 : i32
    %dma_wait3A_450 = tpu.memref_slice %arg7[%dma_wait3A_445, %dma_wait3A_448, %dma_wait3A_449] : memref<3x120x128xf32, #tpu.memory_space<vmem>> -> memref<1x120x128xf32, #tpu.memory_space<vmem>>
    %dma_wait3A_451 = tpu.memref_squeeze %dma_wait3A_450 : memref<1x120x128xf32, #tpu.memory_space<vmem>> -> memref<120x128xf32, #tpu.memory_space<vmem>>
    %dma_wait3A_452 = arith.constant 0 : i32
    %dma_wait3A_453 = tpu.memref_slice %arg6[%dma_wait3A_446, %dma_wait3A_447, %dma_wait3A_452] : memref<6x2x120xi32, #tpu.memory_space<vmem>> -> memref<1x1x120xi32, #tpu.memory_space<vmem>>
    %dma_wait3A_454 = tpu.memref_squeeze %dma_wait3A_453 : memref<1x1x120xi32, #tpu.memory_space<vmem>> -> memref<120xi32, #tpu.memory_space<vmem>>
    %dma_wait3A_455 = arith.constant 0 : i32
    %dma_wait3A_456 = arith.constant 0 : i32
    %dma_wait3A_457 = tpu.memref_slice %arg5[%dma_wait3A_455, %dma_wait3A_456] : memref<10112x128xf32, #tpu.memory_space<vmem_shared>> -> memref<10112x128xf32, #tpu.memory_space<vmem_shared>>
    tpu.wait_indirect_dma semaphore(%arg19 : memref<!tpu.dma_semaphore, #tpu.memory_space<semaphore_mem>>) src(%dma_wait3A_451 : memref<120x128xf32, #tpu.memory_space<vmem>>) dst(%dma_wait3A_457 : memref<10112x128xf32, #tpu.memory_space<vmem_shared>>)
    %dma_wait3A_458 = arith.constant 5 : i32
    %dma_wait3A_459 = arith.constant 5 : i32
    %dma_wait3A_460 = arith.constant 0 : i32
    %dma_wait3A_461 = arith.constant 0 : i32
    %dma_wait3A_462 = tpu.memref_slice %arg6[%dma_wait3A_459, %dma_wait3A_460, %dma_wait3A_461] : memref<6x2x120xi32, #tpu.memory_space<vmem>> -> memref<1x2x120xi32, #tpu.memory_space<vmem>>
    %dma_wait3A_463 = tpu.memref_squeeze %dma_wait3A_462 : memref<1x2x120xi32, #tpu.memory_space<vmem>> -> memref<2x120xi32, #tpu.memory_space<vmem>>
    %dma_wait3A_464 = arith.constant 0 : i32
    %dma_wait3A_465 = arith.constant 0 : i32
    %dma_wait3A_466 = tpu.memref_slice %arg3[%add3A, %dma_wait3A_458, %dma_wait3A_464, %dma_wait3A_465] : memref<32x84x2x120xi32, #tpu.memory_space<hbm>> -> memref<1x1x2x120xi32, #tpu.memory_space<hbm>>
    %dma_wait3A_467 = tpu.memref_squeeze %dma_wait3A_466 : memref<1x1x2x120xi32, #tpu.memory_space<hbm>> -> memref<2x120xi32, #tpu.memory_space<hbm>>
    %dma_wait3A_468 = arith.constant 0 : i32
    %dma_wait3A_469 = arith.constant 0 : i32
    %dma_wait3A_470 = tpu.memref_slice %arg6[%dma_wait3A_459, %dma_wait3A_468, %dma_wait3A_469] : memref<6x2x120xi32, #tpu.memory_space<vmem>> -> memref<1x2x120xi32, #tpu.memory_space<vmem>>
    %dma_wait3A_471 = tpu.memref_squeeze %dma_wait3A_470 : memref<1x2x120xi32, #tpu.memory_space<vmem>> -> memref<2x120xi32, #tpu.memory_space<vmem>>
    %dma_wait3A_472 = arith.constant 0 : i32
    %dma_wait3A_473 = arith.constant 0 : i32
    %dma_wait3A_474 = tpu.memref_slice %arg3[%add3A, %dma_wait3A_458, %dma_wait3A_472, %dma_wait3A_473] : memref<32x84x2x120xi32, #tpu.memory_space<hbm>> -> memref<1x1x2x120xi32, #tpu.memory_space<hbm>>
    %dma_wait3A_475 = tpu.memref_squeeze %dma_wait3A_474 : memref<1x1x2x120xi32, #tpu.memory_space<hbm>> -> memref<2x120xi32, #tpu.memory_space<hbm>>
    tpu.wait_dma2 semaphore(%arg13 : memref<!tpu.dma_semaphore, #tpu.memory_space<semaphore_mem>>) src(%dma_wait3A_475 : memref<2x120xi32, #tpu.memory_space<hbm>>) dst(%dma_wait3A_471 : memref<2x120xi32, #tpu.memory_space<vmem>>)
    %dma_start3A_476 = arith.constant 5 : i32
    %dma_start3A_477 = arith.constant 0 : i32
    %dma_start3A_478 = arith.constant 2 : i32
    %dma_start3A_479 = arith.constant 0 : i32
    %dma_start3A_480 = arith.constant 0 : i32
    %dma_start3A_481 = tpu.memref_slice %arg7[%dma_start3A_478, %dma_start3A_479, %dma_start3A_480] : memref<3x120x128xf32, #tpu.memory_space<vmem>> -> memref<1x120x128xf32, #tpu.memory_space<vmem>>
    %dma_start3A_482 = tpu.memref_squeeze %dma_start3A_481 : memref<1x120x128xf32, #tpu.memory_space<vmem>> -> memref<120x128xf32, #tpu.memory_space<vmem>>
    %dma_start3A_483 = arith.constant 0 : i32
    %dma_start3A_484 = tpu.memref_slice %arg6[%dma_start3A_476, %dma_start3A_477, %dma_start3A_483] : memref<6x2x120xi32, #tpu.memory_space<vmem>> -> memref<1x1x120xi32, #tpu.memory_space<vmem>>
    %dma_start3A_485 = tpu.memref_squeeze %dma_start3A_484 : memref<1x1x120xi32, #tpu.memory_space<vmem>> -> memref<120xi32, #tpu.memory_space<vmem>>
    %dma_start3A_486 = arith.constant 0 : i32
    %dma_start3A_487 = arith.constant 0 : i32
    %dma_start3A_488 = tpu.memref_slice %arg2[%dma_start3A_486, %dma_start3A_487] : memref<10112x128xf32, #tpu.memory_space<hbm>> -> memref<10112x128xf32, #tpu.memory_space<hbm>>
    tpu.enqueue_indirect_dma source(%dma_start3A_488 : memref<10112x128xf32, #tpu.memory_space<hbm>>) target(%dma_start3A_482 : memref<120x128xf32, #tpu.memory_space<vmem>>) offsets(%dma_start3A_485 : memref<120xi32, #tpu.memory_space<vmem>>) semaphore(%arg16 : memref<!tpu.dma_semaphore, #tpu.memory_space<semaphore_mem>>)
    %dma_wait3A_489 = arith.constant 4 : i32
    %dma_wait3A_490 = arith.constant 0 : i32
    %dma_wait3A_491 = arith.constant 1 : i32
    %dma_wait3A_492 = arith.constant 0 : i32
    %dma_wait3A_493 = arith.constant 0 : i32
    %dma_wait3A_494 = tpu.memref_slice %arg7[%dma_wait3A_491, %dma_wait3A_492, %dma_wait3A_493] : memref<3x120x128xf32, #tpu.memory_space<vmem>> -> memref<1x120x128xf32, #tpu.memory_space<vmem>>
    %dma_wait3A_495 = tpu.memref_squeeze %dma_wait3A_494 : memref<1x120x128xf32, #tpu.memory_space<vmem>> -> memref<120x128xf32, #tpu.memory_space<vmem>>
    %dma_wait3A_496 = arith.constant 0 : i32
    %dma_wait3A_497 = tpu.memref_slice %arg6[%dma_wait3A_489, %dma_wait3A_490, %dma_wait3A_496] : memref<6x2x120xi32, #tpu.memory_space<vmem>> -> memref<1x1x120xi32, #tpu.memory_space<vmem>>
    %dma_wait3A_498 = tpu.memref_squeeze %dma_wait3A_497 : memref<1x1x120xi32, #tpu.memory_space<vmem>> -> memref<120xi32, #tpu.memory_space<vmem>>
    %dma_wait3A_499 = arith.constant 0 : i32
    %dma_wait3A_500 = arith.constant 0 : i32
    %dma_wait3A_501 = tpu.memref_slice %arg2[%dma_wait3A_499, %dma_wait3A_500] : memref<10112x128xf32, #tpu.memory_space<hbm>> -> memref<10112x128xf32, #tpu.memory_space<hbm>>
    tpu.wait_indirect_dma semaphore(%arg15 : memref<!tpu.dma_semaphore, #tpu.memory_space<semaphore_mem>>) src(%dma_wait3A_501 : memref<10112x128xf32, #tpu.memory_space<hbm>>) dst(%dma_wait3A_495 : memref<120x128xf32, #tpu.memory_space<vmem>>)
    %dma_start3A_502 = arith.constant 7 : i32
    %dma_start3A_503 = arith.constant 1 : i32
    %dma_start3A_504 = arith.constant 0 : i32
    %dma_start3A_505 = arith.constant 0 : i32
    %dma_start3A_506 = tpu.memref_slice %arg6[%dma_start3A_503, %dma_start3A_504, %dma_start3A_505] : memref<6x2x120xi32, #tpu.memory_space<vmem>> -> memref<1x2x120xi32, #tpu.memory_space<vmem>>
    %dma_start3A_507 = tpu.memref_squeeze %dma_start3A_506 : memref<1x2x120xi32, #tpu.memory_space<vmem>> -> memref<2x120xi32, #tpu.memory_space<vmem>>
    %dma_start3A_508 = arith.constant 0 : i32
    %dma_start3A_509 = arith.constant 0 : i32
    %dma_start3A_510 = tpu.memref_slice %arg3[%add3A, %dma_start3A_502, %dma_start3A_508, %dma_start3A_509] : memref<32x84x2x120xi32, #tpu.memory_space<hbm>> -> memref<1x1x2x120xi32, #tpu.memory_space<hbm>>
    %dma_start3A_511 = tpu.memref_squeeze %dma_start3A_510 : memref<1x1x2x120xi32, #tpu.memory_space<hbm>> -> memref<2x120xi32, #tpu.memory_space<hbm>>
    %dma_start3A_512 = arith.constant 0 : i32
    %dma_start3A_513 = arith.constant 0 : i32
    %dma_start3A_514 = tpu.memref_slice %arg6[%dma_start3A_503, %dma_start3A_512, %dma_start3A_513] : memref<6x2x120xi32, #tpu.memory_space<vmem>> -> memref<1x2x120xi32, #tpu.memory_space<vmem>>
    %dma_start3A_515 = tpu.memref_squeeze %dma_start3A_514 : memref<1x2x120xi32, #tpu.memory_space<vmem>> -> memref<2x120xi32, #tpu.memory_space<vmem>>
    %dma_start3A_516 = arith.constant 0 : i32
    %dma_start3A_517 = arith.constant 0 : i32
    %dma_start3A_518 = tpu.memref_slice %arg3[%add3A, %dma_start3A_502, %dma_start3A_516, %dma_start3A_517] : memref<32x84x2x120xi32, #tpu.memory_space<hbm>> -> memref<1x1x2x120xi32, #tpu.memory_space<hbm>>
    %dma_start3A_519 = tpu.memref_squeeze %dma_start3A_518 : memref<1x1x2x120xi32, #tpu.memory_space<hbm>> -> memref<2x120xi32, #tpu.memory_space<hbm>>
    tpu.enqueue_dma source(%dma_start3A_519 : memref<2x120xi32, #tpu.memory_space<hbm>>) target(%dma_start3A_515 : memref<2x120xi32, #tpu.memory_space<vmem>>) target_semaphore(%arg9 : memref<!tpu.dma_semaphore, #tpu.memory_space<semaphore_mem>>)
    %dma_start3A_520 = arith.constant 1 : i32
    %dma_start3A_521 = arith.constant 4 : i32
    %dma_start3A_522 = arith.constant 1 : i32
    %dma_start3A_523 = arith.constant 0 : i32
    %dma_start3A_524 = arith.constant 0 : i32
    %dma_start3A_525 = tpu.memref_slice %arg7[%dma_start3A_520, %dma_start3A_523, %dma_start3A_524] : memref<3x120x128xf32, #tpu.memory_space<vmem>> -> memref<1x120x128xf32, #tpu.memory_space<vmem>>
    %dma_start3A_526 = tpu.memref_squeeze %dma_start3A_525 : memref<1x120x128xf32, #tpu.memory_space<vmem>> -> memref<120x128xf32, #tpu.memory_space<vmem>>
    %dma_start3A_527 = arith.constant 0 : i32
    %dma_start3A_528 = tpu.memref_slice %arg6[%dma_start3A_521, %dma_start3A_522, %dma_start3A_527] : memref<6x2x120xi32, #tpu.memory_space<vmem>> -> memref<1x1x120xi32, #tpu.memory_space<vmem>>
    %dma_start3A_529 = tpu.memref_squeeze %dma_start3A_528 : memref<1x1x120xi32, #tpu.memory_space<vmem>> -> memref<120xi32, #tpu.memory_space<vmem>>
    %dma_start3A_530 = arith.constant 0 : i32
    %dma_start3A_531 = arith.constant 0 : i32
    %dma_start3A_532 = tpu.memref_slice %arg5[%dma_start3A_530, %dma_start3A_531] : memref<10112x128xf32, #tpu.memory_space<vmem_shared>> -> memref<10112x128xf32, #tpu.memory_space<vmem_shared>>
    tpu.enqueue_indirect_dma source(%dma_start3A_526 : memref<120x128xf32, #tpu.memory_space<vmem>>) target(%dma_start3A_532 : memref<10112x128xf32, #tpu.memory_space<vmem_shared>>) offsets(%dma_start3A_529 : memref<120xi32, #tpu.memory_space<vmem>>) semaphore(%arg18 : memref<!tpu.dma_semaphore, #tpu.memory_space<semaphore_mem>>) {add = true}
    %scan3A_533 = arith.constant 0 : i32
    %scan3A_534 = arith.constant 1 : i32
    %scan3A_535 = arith.constant 13 : i32
    %scan3A_536 = arith.addi %scan3A_534, %scan3A_535 : i32
    %scan3A_537 = arith.constant 1 : i32
    %scan3A_538 = scf.for %scan3A_646 = %scan3A_534 to %scan3A_536 step %scan3A_537 iter_args(%scan3A_647 = %scan3A_533) -> (i32)  : i32 {
      %mul3A_648 = arith.constant 6 : i32
      %mul3A_649 = arith.muli %mul3A_648, %scan3A_646 : i32
      %add3A_650 = arith.constant 0 : i32
      %add3A_651 = arith.addi %mul3A_649, %add3A_650 : i32
      %sub3A = arith.constant 3 : i32
      %sub3A_652 = arith.subi %add3A_651, %sub3A : i32
      %jit3A = arith.constant 6 : i32
      %eq3A = arith.constant 0 : i32
      %eq3A_653 = arith.cmpi eq, %jit3A, %eq3A : i32
      %jit3A_654 = arith.constant 1 : i32
      %select_n3A = arith.select %eq3A_653, %jit3A_654, %jit3A : i32
      %rem3A = arith.remsi %sub3A_652, %select_n3A : i32
      %ne3A = arith.constant 0 : i32
      %ne3A_655 = arith.cmpi ne, %rem3A, %ne3A : i32
      %lt3A = arith.constant 0 : i32
      %lt3A_656 = arith.cmpi slt, %rem3A, %lt3A : i32
      %lt3A_657 = arith.constant 0 : i32
      %lt3A_658 = arith.cmpi slt, %select_n3A, %lt3A_657 : i32
      %ne3A_659 = arith.xori %lt3A_656, %lt3A_658 : i1
      %and3A = arith.andi %ne3A_659, %ne3A_655 : i1
      %add3A_660 = arith.addi %rem3A, %select_n3A : i32
      %select_n3A_661 = arith.select %and3A, %add3A_660, %rem3A : i32
      %dma_wait3A_662 = arith.constant 0 : i32
      %dma_wait3A_663 = arith.constant 1 : i32
      %dma_wait3A_664 = arith.constant 0 : i32
      %dma_wait3A_665 = arith.constant 0 : i32
      %dma_wait3A_666 = tpu.memref_slice %arg7[%dma_wait3A_662, %dma_wait3A_664, %dma_wait3A_665] : memref<3x120x128xf32, #tpu.memory_space<vmem>> -> memref<1x120x128xf32, #tpu.memory_space<vmem>>
      %dma_wait3A_667 = tpu.memref_squeeze %dma_wait3A_666 : memref<1x120x128xf32, #tpu.memory_space<vmem>> -> memref<120x128xf32, #tpu.memory_space<vmem>>
      %dma_wait3A_668 = arith.constant 0 : i32
      %dma_wait3A_669 = tpu.memref_slice %arg6[%select_n3A_661, %dma_wait3A_663, %dma_wait3A_668] : memref<6x2x120xi32, #tpu.memory_space<vmem>> -> memref<1x1x120xi32, #tpu.memory_space<vmem>>
      %dma_wait3A_670 = tpu.memref_squeeze %dma_wait3A_669 : memref<1x1x120xi32, #tpu.memory_space<vmem>> -> memref<120xi32, #tpu.memory_space<vmem>>
      %dma_wait3A_671 = arith.constant 0 : i32
      %dma_wait3A_672 = arith.constant 0 : i32
      %dma_wait3A_673 = tpu.memref_slice %arg5[%dma_wait3A_671, %dma_wait3A_672] : memref<10112x128xf32, #tpu.memory_space<vmem_shared>> -> memref<10112x128xf32, #tpu.memory_space<vmem_shared>>
      tpu.wait_indirect_dma semaphore(%arg17 : memref<!tpu.dma_semaphore, #tpu.memory_space<semaphore_mem>>) src(%dma_wait3A_667 : memref<120x128xf32, #tpu.memory_space<vmem>>) dst(%dma_wait3A_673 : memref<10112x128xf32, #tpu.memory_space<vmem_shared>>)
      %add3A_674 = arith.constant 0 : i32
      %add3A_675 = arith.addi %mul3A_649, %add3A_674 : i32
      %dma_wait3A_676 = arith.constant 0 : i32
      %dma_wait3A_677 = arith.constant 0 : i32
      %dma_wait3A_678 = arith.constant 0 : i32
      %dma_wait3A_679 = tpu.memref_slice %arg6[%dma_wait3A_676, %dma_wait3A_677, %dma_wait3A_678] : memref<6x2x120xi32, #tpu.memory_space<vmem>> -> memref<1x2x120xi32, #tpu.memory_space<vmem>>
      %dma_wait3A_680 = tpu.memref_squeeze %dma_wait3A_679 : memref<1x2x120xi32, #tpu.memory_space<vmem>> -> memref<2x120xi32, #tpu.memory_space<vmem>>
      %dma_wait3A_681 = arith.constant 0 : i32
      %dma_wait3A_682 = arith.constant 0 : i32
      %dma_wait3A_683 = tpu.memref_slice %arg3[%add3A, %add3A_675, %dma_wait3A_681, %dma_wait3A_682] : memref<32x84x2x120xi32, #tpu.memory_space<hbm>> -> memref<1x1x2x120xi32, #tpu.memory_space<hbm>>
      %dma_wait3A_684 = tpu.memref_squeeze %dma_wait3A_683 : memref<1x1x2x120xi32, #tpu.memory_space<hbm>> -> memref<2x120xi32, #tpu.memory_space<hbm>>
      %dma_wait3A_685 = arith.constant 0 : i32
      %dma_wait3A_686 = arith.constant 0 : i32
      %dma_wait3A_687 = tpu.memref_slice %arg6[%dma_wait3A_676, %dma_wait3A_685, %dma_wait3A_686] : memref<6x2x120xi32, #tpu.memory_space<vmem>> -> memref<1x2x120xi32, #tpu.memory_space<vmem>>
      %dma_wait3A_688 = tpu.memref_squeeze %dma_wait3A_687 : memref<1x2x120xi32, #tpu.memory_space<vmem>> -> memref<2x120xi32, #tpu.memory_space<vmem>>
      %dma_wait3A_689 = arith.constant 0 : i32
      %dma_wait3A_690 = arith.constant 0 : i32
      %dma_wait3A_691 = tpu.memref_slice %arg3[%add3A, %add3A_675, %dma_wait3A_689, %dma_wait3A_690] : memref<32x84x2x120xi32, #tpu.memory_space<hbm>> -> memref<1x1x2x120xi32, #tpu.memory_space<hbm>>
      %dma_wait3A_692 = tpu.memref_squeeze %dma_wait3A_691 : memref<1x1x2x120xi32, #tpu.memory_space<hbm>> -> memref<2x120xi32, #tpu.memory_space<hbm>>
      tpu.wait_dma2 semaphore(%arg8 : memref<!tpu.dma_semaphore, #tpu.memory_space<semaphore_mem>>) src(%dma_wait3A_692 : memref<2x120xi32, #tpu.memory_space<hbm>>) dst(%dma_wait3A_688 : memref<2x120xi32, #tpu.memory_space<vmem>>)
      %add3A_693 = arith.constant 0 : i32
      %add3A_694 = arith.addi %mul3A_649, %add3A_693 : i32
      %jit3A_695 = arith.constant 6 : i32
      %eq3A_696 = arith.constant 0 : i32
      %eq3A_697 = arith.cmpi eq, %jit3A_695, %eq3A_696 : i32
      %jit3A_698 = arith.constant 1 : i32
      %select_n3A_699 = arith.select %eq3A_697, %jit3A_698, %jit3A_695 : i32
      %rem3A_700 = arith.remsi %add3A_694, %select_n3A_699 : i32
      %ne3A_701 = arith.constant 0 : i32
      %ne3A_702 = arith.cmpi ne, %rem3A_700, %ne3A_701 : i32
      %lt3A_703 = arith.constant 0 : i32
      %lt3A_704 = arith.cmpi slt, %rem3A_700, %lt3A_703 : i32
      %lt3A_705 = arith.constant 0 : i32
      %lt3A_706 = arith.cmpi slt, %select_n3A_699, %lt3A_705 : i32
      %ne3A_707 = arith.xori %lt3A_704, %lt3A_706 : i1
      %and3A_708 = arith.andi %ne3A_707, %ne3A_702 : i1
      %add3A_709 = arith.addi %rem3A_700, %select_n3A_699 : i32
      %select_n3A_710 = arith.select %and3A_708, %add3A_709, %rem3A_700 : i32
      %dma_start3A_711 = arith.constant 0 : i32
      %dma_start3A_712 = arith.constant 0 : i32
      %dma_start3A_713 = arith.constant 0 : i32
      %dma_start3A_714 = arith.constant 0 : i32
      %dma_start3A_715 = tpu.memref_slice %arg7[%dma_start3A_712, %dma_start3A_713, %dma_start3A_714] : memref<3x120x128xf32, #tpu.memory_space<vmem>> -> memref<1x120x128xf32, #tpu.memory_space<vmem>>
      %dma_start3A_716 = tpu.memref_squeeze %dma_start3A_715 : memref<1x120x128xf32, #tpu.memory_space<vmem>> -> memref<120x128xf32, #tpu.memory_space<vmem>>
      %dma_start3A_717 = arith.constant 0 : i32
      %dma_start3A_718 = tpu.memref_slice %arg6[%select_n3A_710, %dma_start3A_711, %dma_start3A_717] : memref<6x2x120xi32, #tpu.memory_space<vmem>> -> memref<1x1x120xi32, #tpu.memory_space<vmem>>
      %dma_start3A_719 = tpu.memref_squeeze %dma_start3A_718 : memref<1x1x120xi32, #tpu.memory_space<vmem>> -> memref<120xi32, #tpu.memory_space<vmem>>
      %dma_start3A_720 = arith.constant 0 : i32
      %dma_start3A_721 = arith.constant 0 : i32
      %dma_start3A_722 = tpu.memref_slice %arg2[%dma_start3A_720, %dma_start3A_721] : memref<10112x128xf32, #tpu.memory_space<hbm>> -> memref<10112x128xf32, #tpu.memory_space<hbm>>
      tpu.enqueue_indirect_dma source(%dma_start3A_722 : memref<10112x128xf32, #tpu.memory_space<hbm>>) target(%dma_start3A_716 : memref<120x128xf32, #tpu.memory_space<vmem>>) offsets(%dma_start3A_719 : memref<120xi32, #tpu.memory_space<vmem>>) semaphore(%arg14 : memref<!tpu.dma_semaphore, #tpu.memory_space<semaphore_mem>>)
      %dma_wait3A_723 = arith.constant 5 : i32
      %dma_wait3A_724 = arith.constant 0 : i32
      %dma_wait3A_725 = arith.constant 2 : i32
      %dma_wait3A_726 = arith.constant 0 : i32
      %dma_wait3A_727 = arith.constant 0 : i32
      %dma_wait3A_728 = tpu.memref_slice %arg7[%dma_wait3A_725, %dma_wait3A_726, %dma_wait3A_727] : memref<3x120x128xf32, #tpu.memory_space<vmem>> -> memref<1x120x128xf32, #tpu.memory_space<vmem>>
      %dma_wait3A_729 = tpu.memref_squeeze %dma_wait3A_728 : memref<1x120x128xf32, #tpu.memory_space<vmem>> -> memref<120x128xf32, #tpu.memory_space<vmem>>
      %dma_wait3A_730 = arith.constant 0 : i32
      %dma_wait3A_731 = tpu.memref_slice %arg6[%dma_wait3A_723, %dma_wait3A_724, %dma_wait3A_730] : memref<6x2x120xi32, #tpu.memory_space<vmem>> -> memref<1x1x120xi32, #tpu.memory_space<vmem>>
      %dma_wait3A_732 = tpu.memref_squeeze %dma_wait3A_731 : memref<1x1x120xi32, #tpu.memory_space<vmem>> -> memref<120xi32, #tpu.memory_space<vmem>>
      %dma_wait3A_733 = arith.constant 0 : i32
      %dma_wait3A_734 = arith.constant 0 : i32
      %dma_wait3A_735 = tpu.memref_slice %arg2[%dma_wait3A_733, %dma_wait3A_734] : memref<10112x128xf32, #tpu.memory_space<hbm>> -> memref<10112x128xf32, #tpu.memory_space<hbm>>
      tpu.wait_indirect_dma semaphore(%arg16 : memref<!tpu.dma_semaphore, #tpu.memory_space<semaphore_mem>>) src(%dma_wait3A_735 : memref<10112x128xf32, #tpu.memory_space<hbm>>) dst(%dma_wait3A_729 : memref<120x128xf32, #tpu.memory_space<vmem>>)
      %add3A_736 = arith.constant 0 : i32
      %add3A_737 = arith.addi %mul3A_649, %add3A_736 : i32
      %add3A_738 = arith.constant 2 : i32
      %add3A_739 = arith.addi %add3A_737, %add3A_738 : i32
      %min3A = arith.constant 83 : i32
      %min3A_740 = arith.minsi %add3A_739, %min3A : i32
      %dma_start3A_741 = arith.constant 2 : i32
      %dma_start3A_742 = arith.constant 0 : i32
      %dma_start3A_743 = arith.constant 0 : i32
      %dma_start3A_744 = tpu.memref_slice %arg6[%dma_start3A_741, %dma_start3A_742, %dma_start3A_743] : memref<6x2x120xi32, #tpu.memory_space<vmem>> -> memref<1x2x120xi32, #tpu.memory_space<vmem>>
      %dma_start3A_745 = tpu.memref_squeeze %dma_start3A_744 : memref<1x2x120xi32, #tpu.memory_space<vmem>> -> memref<2x120xi32, #tpu.memory_space<vmem>>
      %dma_start3A_746 = arith.constant 0 : i32
      %dma_start3A_747 = arith.constant 0 : i32
      %dma_start3A_748 = tpu.memref_slice %arg3[%add3A, %min3A_740, %dma_start3A_746, %dma_start3A_747] : memref<32x84x2x120xi32, #tpu.memory_space<hbm>> -> memref<1x1x2x120xi32, #tpu.memory_space<hbm>>
      %dma_start3A_749 = tpu.memref_squeeze %dma_start3A_748 : memref<1x1x2x120xi32, #tpu.memory_space<hbm>> -> memref<2x120xi32, #tpu.memory_space<hbm>>
      %dma_start3A_750 = arith.constant 0 : i32
      %dma_start3A_751 = arith.constant 0 : i32
      %dma_start3A_752 = tpu.memref_slice %arg6[%dma_start3A_741, %dma_start3A_750, %dma_start3A_751] : memref<6x2x120xi32, #tpu.memory_space<vmem>> -> memref<1x2x120xi32, #tpu.memory_space<vmem>>
      %dma_start3A_753 = tpu.memref_squeeze %dma_start3A_752 : memref<1x2x120xi32, #tpu.memory_space<vmem>> -> memref<2x120xi32, #tpu.memory_space<vmem>>
      %dma_start3A_754 = arith.constant 0 : i32
      %dma_start3A_755 = arith.constant 0 : i32
      %dma_start3A_756 = tpu.memref_slice %arg3[%add3A, %min3A_740, %dma_start3A_754, %dma_start3A_755] : memref<32x84x2x120xi32, #tpu.memory_space<hbm>> -> memref<1x1x2x120xi32, #tpu.memory_space<hbm>>
      %dma_start3A_757 = tpu.memref_squeeze %dma_start3A_756 : memref<1x1x2x120xi32, #tpu.memory_space<hbm>> -> memref<2x120xi32, #tpu.memory_space<hbm>>
      tpu.enqueue_dma source(%dma_start3A_757 : memref<2x120xi32, #tpu.memory_space<hbm>>) target(%dma_start3A_753 : memref<2x120xi32, #tpu.memory_space<vmem>>) target_semaphore(%arg10 : memref<!tpu.dma_semaphore, #tpu.memory_space<semaphore_mem>>)
      %dma_start3A_758 = arith.constant 2 : i32
      %dma_start3A_759 = arith.constant 5 : i32
      %dma_start3A_760 = arith.constant 1 : i32
      %dma_start3A_761 = arith.constant 0 : i32
      %dma_start3A_762 = arith.constant 0 : i32
      %dma_start3A_763 = tpu.memref_slice %arg7[%dma_start3A_758, %dma_start3A_761, %dma_start3A_762] : memref<3x120x128xf32, #tpu.memory_space<vmem>> -> memref<1x120x128xf32, #tpu.memory_space<vmem>>
      %dma_start3A_764 = tpu.memref_squeeze %dma_start3A_763 : memref<1x120x128xf32, #tpu.memory_space<vmem>> -> memref<120x128xf32, #tpu.memory_space<vmem>>
      %dma_start3A_765 = arith.constant 0 : i32
      %dma_start3A_766 = tpu.memref_slice %arg6[%dma_start3A_759, %dma_start3A_760, %dma_start3A_765] : memref<6x2x120xi32, #tpu.memory_space<vmem>> -> memref<1x1x120xi32, #tpu.memory_space<vmem>>
      %dma_start3A_767 = tpu.memref_squeeze %dma_start3A_766 : memref<1x1x120xi32, #tpu.memory_space<vmem>> -> memref<120xi32, #tpu.memory_space<vmem>>
      %dma_start3A_768 = arith.constant 0 : i32
      %dma_start3A_769 = arith.constant 0 : i32
      %dma_start3A_770 = tpu.memref_slice %arg5[%dma_start3A_768, %dma_start3A_769] : memref<10112x128xf32, #tpu.memory_space<vmem_shared>> -> memref<10112x128xf32, #tpu.memory_space<vmem_shared>>
      tpu.enqueue_indirect_dma source(%dma_start3A_764 : memref<120x128xf32, #tpu.memory_space<vmem>>) target(%dma_start3A_770 : memref<10112x128xf32, #tpu.memory_space<vmem_shared>>) offsets(%dma_start3A_767 : memref<120xi32, #tpu.memory_space<vmem>>) semaphore(%arg19 : memref<!tpu.dma_semaphore, #tpu.memory_space<semaphore_mem>>) {add = true}
      %add3A_771 = arith.constant 1 : i32
      %add3A_772 = arith.addi %mul3A_649, %add3A_771 : i32
      %sub3A_773 = arith.constant 3 : i32
      %sub3A_774 = arith.subi %add3A_772, %sub3A_773 : i32
      %jit3A_775 = arith.constant 6 : i32
      %eq3A_776 = arith.constant 0 : i32
      %eq3A_777 = arith.cmpi eq, %jit3A_775, %eq3A_776 : i32
      %jit3A_778 = arith.constant 1 : i32
      %select_n3A_779 = arith.select %eq3A_777, %jit3A_778, %jit3A_775 : i32
      %rem3A_780 = arith.remsi %sub3A_774, %select_n3A_779 : i32
      %ne3A_781 = arith.constant 0 : i32
      %ne3A_782 = arith.cmpi ne, %rem3A_780, %ne3A_781 : i32
      %lt3A_783 = arith.constant 0 : i32
      %lt3A_784 = arith.cmpi slt, %rem3A_780, %lt3A_783 : i32
      %lt3A_785 = arith.constant 0 : i32
      %lt3A_786 = arith.cmpi slt, %select_n3A_779, %lt3A_785 : i32
      %ne3A_787 = arith.xori %lt3A_784, %lt3A_786 : i1
      %and3A_788 = arith.andi %ne3A_787, %ne3A_782 : i1
      %add3A_789 = arith.addi %rem3A_780, %select_n3A_779 : i32
      %select_n3A_790 = arith.select %and3A_788, %add3A_789, %rem3A_780 : i32
      %dma_wait3A_791 = arith.constant 1 : i32
      %dma_wait3A_792 = arith.constant 1 : i32
      %dma_wait3A_793 = arith.constant 0 : i32
      %dma_wait3A_794 = arith.constant 0 : i32
      %dma_wait3A_795 = tpu.memref_slice %arg7[%dma_wait3A_791, %dma_wait3A_793, %dma_wait3A_794] : memref<3x120x128xf32, #tpu.memory_space<vmem>> -> memref<1x120x128xf32, #tpu.memory_space<vmem>>
      %dma_wait3A_796 = tpu.memref_squeeze %dma_wait3A_795 : memref<1x120x128xf32, #tpu.memory_space<vmem>> -> memref<120x128xf32, #tpu.memory_space<vmem>>
      %dma_wait3A_797 = arith.constant 0 : i32
      %dma_wait3A_798 = tpu.memref_slice %arg6[%select_n3A_790, %dma_wait3A_792, %dma_wait3A_797] : memref<6x2x120xi32, #tpu.memory_space<vmem>> -> memref<1x1x120xi32, #tpu.memory_space<vmem>>
      %dma_wait3A_799 = tpu.memref_squeeze %dma_wait3A_798 : memref<1x1x120xi32, #tpu.memory_space<vmem>> -> memref<120xi32, #tpu.memory_space<vmem>>
      %dma_wait3A_800 = arith.constant 0 : i32
      %dma_wait3A_801 = arith.constant 0 : i32
      %dma_wait3A_802 = tpu.memref_slice %arg5[%dma_wait3A_800, %dma_wait3A_801] : memref<10112x128xf32, #tpu.memory_space<vmem_shared>> -> memref<10112x128xf32, #tpu.memory_space<vmem_shared>>
      tpu.wait_indirect_dma semaphore(%arg18 : memref<!tpu.dma_semaphore, #tpu.memory_space<semaphore_mem>>) src(%dma_wait3A_796 : memref<120x128xf32, #tpu.memory_space<vmem>>) dst(%dma_wait3A_802 : memref<10112x128xf32, #tpu.memory_space<vmem_shared>>)
      %add3A_803 = arith.constant 1 : i32
      %add3A_804 = arith.addi %mul3A_649, %add3A_803 : i32
      %dma_wait3A_805 = arith.constant 1 : i32
      %dma_wait3A_806 = arith.constant 0 : i32
      %dma_wait3A_807 = arith.constant 0 : i32
      %dma_wait3A_808 = tpu.memref_slice %arg6[%dma_wait3A_805, %dma_wait3A_806, %dma_wait3A_807] : memref<6x2x120xi32, #tpu.memory_space<vmem>> -> memref<1x2x120xi32, #tpu.memory_space<vmem>>
      %dma_wait3A_809 = tpu.memref_squeeze %dma_wait3A_808 : memref<1x2x120xi32, #tpu.memory_space<vmem>> -> memref<2x120xi32, #tpu.memory_space<vmem>>
      %dma_wait3A_810 = arith.constant 0 : i32
      %dma_wait3A_811 = arith.constant 0 : i32
      %dma_wait3A_812 = tpu.memref_slice %arg3[%add3A, %add3A_804, %dma_wait3A_810, %dma_wait3A_811] : memref<32x84x2x120xi32, #tpu.memory_space<hbm>> -> memref<1x1x2x120xi32, #tpu.memory_space<hbm>>
      %dma_wait3A_813 = tpu.memref_squeeze %dma_wait3A_812 : memref<1x1x2x120xi32, #tpu.memory_space<hbm>> -> memref<2x120xi32, #tpu.memory_space<hbm>>
      %dma_wait3A_814 = arith.constant 0 : i32
      %dma_wait3A_815 = arith.constant 0 : i32
      %dma_wait3A_816 = tpu.memref_slice %arg6[%dma_wait3A_805, %dma_wait3A_814, %dma_wait3A_815] : memref<6x2x120xi32, #tpu.memory_space<vmem>> -> memref<1x2x120xi32, #tpu.memory_space<vmem>>
      %dma_wait3A_817 = tpu.memref_squeeze %dma_wait3A_816 : memref<1x2x120xi32, #tpu.memory_space<vmem>> -> memref<2x120xi32, #tpu.memory_space<vmem>>
      %dma_wait3A_818 = arith.constant 0 : i32
      %dma_wait3A_819 = arith.constant 0 : i32
      %dma_wait3A_820 = tpu.memref_slice %arg3[%add3A, %add3A_804, %dma_wait3A_818, %dma_wait3A_819] : memref<32x84x2x120xi32, #tpu.memory_space<hbm>> -> memref<1x1x2x120xi32, #tpu.memory_space<hbm>>
      %dma_wait3A_821 = tpu.memref_squeeze %dma_wait3A_820 : memref<1x1x2x120xi32, #tpu.memory_space<hbm>> -> memref<2x120xi32, #tpu.memory_space<hbm>>
      tpu.wait_dma2 semaphore(%arg9 : memref<!tpu.dma_semaphore, #tpu.memory_space<semaphore_mem>>) src(%dma_wait3A_821 : memref<2x120xi32, #tpu.memory_space<hbm>>) dst(%dma_wait3A_817 : memref<2x120xi32, #tpu.memory_space<vmem>>)
      %add3A_822 = arith.constant 1 : i32
      %add3A_823 = arith.addi %mul3A_649, %add3A_822 : i32
      %jit3A_824 = arith.constant 6 : i32
      %eq3A_825 = arith.constant 0 : i32
      %eq3A_826 = arith.cmpi eq, %jit3A_824, %eq3A_825 : i32
      %jit3A_827 = arith.constant 1 : i32
      %select_n3A_828 = arith.select %eq3A_826, %jit3A_827, %jit3A_824 : i32
      %rem3A_829 = arith.remsi %add3A_823, %select_n3A_828 : i32
      %ne3A_830 = arith.constant 0 : i32
      %ne3A_831 = arith.cmpi ne, %rem3A_829, %ne3A_830 : i32
      %lt3A_832 = arith.constant 0 : i32
      %lt3A_833 = arith.cmpi slt, %rem3A_829, %lt3A_832 : i32
      %lt3A_834 = arith.constant 0 : i32
      %lt3A_835 = arith.cmpi slt, %select_n3A_828, %lt3A_834 : i32
      %ne3A_836 = arith.xori %lt3A_833, %lt3A_835 : i1
      %and3A_837 = arith.andi %ne3A_836, %ne3A_831 : i1
      %add3A_838 = arith.addi %rem3A_829, %select_n3A_828 : i32
      %select_n3A_839 = arith.select %and3A_837, %add3A_838, %rem3A_829 : i32
      %dma_start3A_840 = arith.constant 0 : i32
      %dma_start3A_841 = arith.constant 1 : i32
      %dma_start3A_842 = arith.constant 0 : i32
      %dma_start3A_843 = arith.constant 0 : i32
      %dma_start3A_844 = tpu.memref_slice %arg7[%dma_start3A_841, %dma_start3A_842, %dma_start3A_843] : memref<3x120x128xf32, #tpu.memory_space<vmem>> -> memref<1x120x128xf32, #tpu.memory_space<vmem>>
      %dma_start3A_845 = tpu.memref_squeeze %dma_start3A_844 : memref<1x120x128xf32, #tpu.memory_space<vmem>> -> memref<120x128xf32, #tpu.memory_space<vmem>>
      %dma_start3A_846 = arith.constant 0 : i32
      %dma_start3A_847 = tpu.memref_slice %arg6[%select_n3A_839, %dma_start3A_840, %dma_start3A_846] : memref<6x2x120xi32, #tpu.memory_space<vmem>> -> memref<1x1x120xi32, #tpu.memory_space<vmem>>
      %dma_start3A_848 = tpu.memref_squeeze %dma_start3A_847 : memref<1x1x120xi32, #tpu.memory_space<vmem>> -> memref<120xi32, #tpu.memory_space<vmem>>
      %dma_start3A_849 = arith.constant 0 : i32
      %dma_start3A_850 = arith.constant 0 : i32
      %dma_start3A_851 = tpu.memref_slice %arg2[%dma_start3A_849, %dma_start3A_850] : memref<10112x128xf32, #tpu.memory_space<hbm>> -> memref<10112x128xf32, #tpu.memory_space<hbm>>
      tpu.enqueue_indirect_dma source(%dma_start3A_851 : memref<10112x128xf32, #tpu.memory_space<hbm>>) target(%dma_start3A_845 : memref<120x128xf32, #tpu.memory_space<vmem>>) offsets(%dma_start3A_848 : memref<120xi32, #tpu.memory_space<vmem>>) semaphore(%arg15 : memref<!tpu.dma_semaphore, #tpu.memory_space<semaphore_mem>>)
      %dma_wait3A_852 = arith.constant 0 : i32
      %dma_wait3A_853 = arith.constant 0 : i32
      %dma_wait3A_854 = arith.constant 0 : i32
      %dma_wait3A_855 = arith.constant 0 : i32
      %dma_wait3A_856 = arith.constant 0 : i32
      %dma_wait3A_857 = tpu.memref_slice %arg7[%dma_wait3A_854, %dma_wait3A_855, %dma_wait3A_856] : memref<3x120x128xf32, #tpu.memory_space<vmem>> -> memref<1x120x128xf32, #tpu.memory_space<vmem>>
      %dma_wait3A_858 = tpu.memref_squeeze %dma_wait3A_857 : memref<1x120x128xf32, #tpu.memory_space<vmem>> -> memref<120x128xf32, #tpu.memory_space<vmem>>
      %dma_wait3A_859 = arith.constant 0 : i32
      %dma_wait3A_860 = tpu.memref_slice %arg6[%dma_wait3A_852, %dma_wait3A_853, %dma_wait3A_859] : memref<6x2x120xi32, #tpu.memory_space<vmem>> -> memref<1x1x120xi32, #tpu.memory_space<vmem>>
      %dma_wait3A_861 = tpu.memref_squeeze %dma_wait3A_860 : memref<1x1x120xi32, #tpu.memory_space<vmem>> -> memref<120xi32, #tpu.memory_space<vmem>>
      %dma_wait3A_862 = arith.constant 0 : i32
      %dma_wait3A_863 = arith.constant 0 : i32
      %dma_wait3A_864 = tpu.memref_slice %arg2[%dma_wait3A_862, %dma_wait3A_863] : memref<10112x128xf32, #tpu.memory_space<hbm>> -> memref<10112x128xf32, #tpu.memory_space<hbm>>
      tpu.wait_indirect_dma semaphore(%arg14 : memref<!tpu.dma_semaphore, #tpu.memory_space<semaphore_mem>>) src(%dma_wait3A_864 : memref<10112x128xf32, #tpu.memory_space<hbm>>) dst(%dma_wait3A_858 : memref<120x128xf32, #tpu.memory_space<vmem>>)
      %add3A_865 = arith.constant 1 : i32
      %add3A_866 = arith.addi %mul3A_649, %add3A_865 : i32
      %add3A_867 = arith.constant 2 : i32
      %add3A_868 = arith.addi %add3A_866, %add3A_867 : i32
      %min3A_869 = arith.constant 83 : i32
      %min3A_870 = arith.minsi %add3A_868, %min3A_869 : i32
      %dma_start3A_871 = arith.constant 3 : i32
      %dma_start3A_872 = arith.constant 0 : i32
      %dma_start3A_873 = arith.constant 0 : i32
      %dma_start3A_874 = tpu.memref_slice %arg6[%dma_start3A_871, %dma_start3A_872, %dma_start3A_873] : memref<6x2x120xi32, #tpu.memory_space<vmem>> -> memref<1x2x120xi32, #tpu.memory_space<vmem>>
      %dma_start3A_875 = tpu.memref_squeeze %dma_start3A_874 : memref<1x2x120xi32, #tpu.memory_space<vmem>> -> memref<2x120xi32, #tpu.memory_space<vmem>>
      %dma_start3A_876 = arith.constant 0 : i32
      %dma_start3A_877 = arith.constant 0 : i32
      %dma_start3A_878 = tpu.memref_slice %arg3[%add3A, %min3A_870, %dma_start3A_876, %dma_start3A_877] : memref<32x84x2x120xi32, #tpu.memory_space<hbm>> -> memref<1x1x2x120xi32, #tpu.memory_space<hbm>>
      %dma_start3A_879 = tpu.memref_squeeze %dma_start3A_878 : memref<1x1x2x120xi32, #tpu.memory_space<hbm>> -> memref<2x120xi32, #tpu.memory_space<hbm>>
      %dma_start3A_880 = arith.constant 0 : i32
      %dma_start3A_881 = arith.constant 0 : i32
      %dma_start3A_882 = tpu.memref_slice %arg6[%dma_start3A_871, %dma_start3A_880, %dma_start3A_881] : memref<6x2x120xi32, #tpu.memory_space<vmem>> -> memref<1x2x120xi32, #tpu.memory_space<vmem>>
      %dma_start3A_883 = tpu.memref_squeeze %dma_start3A_882 : memref<1x2x120xi32, #tpu.memory_space<vmem>> -> memref<2x120xi32, #tpu.memory_space<vmem>>
      %dma_start3A_884 = arith.constant 0 : i32
      %dma_start3A_885 = arith.constant 0 : i32
      %dma_start3A_886 = tpu.memref_slice %arg3[%add3A, %min3A_870, %dma_start3A_884, %dma_start3A_885] : memref<32x84x2x120xi32, #tpu.memory_space<hbm>> -> memref<1x1x2x120xi32, #tpu.memory_space<hbm>>
      %dma_start3A_887 = tpu.memref_squeeze %dma_start3A_886 : memref<1x1x2x120xi32, #tpu.memory_space<hbm>> -> memref<2x120xi32, #tpu.memory_space<hbm>>
      tpu.enqueue_dma source(%dma_start3A_887 : memref<2x120xi32, #tpu.memory_space<hbm>>) target(%dma_start3A_883 : memref<2x120xi32, #tpu.memory_space<vmem>>) target_semaphore(%arg11 : memref<!tpu.dma_semaphore, #tpu.memory_space<semaphore_mem>>)
      %dma_start3A_888 = arith.constant 0 : i32
      %dma_start3A_889 = arith.constant 0 : i32
      %dma_start3A_890 = arith.constant 1 : i32
      %dma_start3A_891 = arith.constant 0 : i32
      %dma_start3A_892 = arith.constant 0 : i32
      %dma_start3A_893 = tpu.memref_slice %arg7[%dma_start3A_888, %dma_start3A_891, %dma_start3A_892] : memref<3x120x128xf32, #tpu.memory_space<vmem>> -> memref<1x120x128xf32, #tpu.memory_space<vmem>>
      %dma_start3A_894 = tpu.memref_squeeze %dma_start3A_893 : memref<1x120x128xf32, #tpu.memory_space<vmem>> -> memref<120x128xf32, #tpu.memory_space<vmem>>
      %dma_start3A_895 = arith.constant 0 : i32
      %dma_start3A_896 = tpu.memref_slice %arg6[%dma_start3A_889, %dma_start3A_890, %dma_start3A_895] : memref<6x2x120xi32, #tpu.memory_space<vmem>> -> memref<1x1x120xi32, #tpu.memory_space<vmem>>
      %dma_start3A_897 = tpu.memref_squeeze %dma_start3A_896 : memref<1x1x120xi32, #tpu.memory_space<vmem>> -> memref<120xi32, #tpu.memory_space<vmem>>
      %dma_start3A_898 = arith.constant 0 : i32
      %dma_start3A_899 = arith.constant 0 : i32
      %dma_start3A_900 = tpu.memref_slice %arg5[%dma_start3A_898, %dma_start3A_899] : memref<10112x128xf32, #tpu.memory_space<vmem_shared>> -> memref<10112x128xf32, #tpu.memory_space<vmem_shared>>
      tpu.enqueue_indirect_dma source(%dma_start3A_894 : memref<120x128xf32, #tpu.memory_space<vmem>>) target(%dma_start3A_900 : memref<10112x128xf32, #tpu.memory_space<vmem_shared>>) offsets(%dma_start3A_897 : memref<120xi32, #tpu.memory_space<vmem>>) semaphore(%arg17 : memref<!tpu.dma_semaphore, #tpu.memory_space<semaphore_mem>>) {add = true}
      %add3A_901 = arith.constant 2 : i32
      %add3A_902 = arith.addi %mul3A_649, %add3A_901 : i32
      %sub3A_903 = arith.constant 3 : i32
      %sub3A_904 = arith.subi %add3A_902, %sub3A_903 : i32
      %jit3A_905 = arith.constant 6 : i32
      %eq3A_906 = arith.constant 0 : i32
      %eq3A_907 = arith.cmpi eq, %jit3A_905, %eq3A_906 : i32
      %jit3A_908 = arith.constant 1 : i32
      %select_n3A_909 = arith.select %eq3A_907, %jit3A_908, %jit3A_905 : i32
      %rem3A_910 = arith.remsi %sub3A_904, %select_n3A_909 : i32
      %ne3A_911 = arith.constant 0 : i32
      %ne3A_912 = arith.cmpi ne, %rem3A_910, %ne3A_911 : i32
      %lt3A_913 = arith.constant 0 : i32
      %lt3A_914 = arith.cmpi slt, %rem3A_910, %lt3A_913 : i32
      %lt3A_915 = arith.constant 0 : i32
      %lt3A_916 = arith.cmpi slt, %select_n3A_909, %lt3A_915 : i32
      %ne3A_917 = arith.xori %lt3A_914, %lt3A_916 : i1
      %and3A_918 = arith.andi %ne3A_917, %ne3A_912 : i1
      %add3A_919 = arith.addi %rem3A_910, %select_n3A_909 : i32
      %select_n3A_920 = arith.select %and3A_918, %add3A_919, %rem3A_910 : i32
      %dma_wait3A_921 = arith.constant 2 : i32
      %dma_wait3A_922 = arith.constant 1 : i32
      %dma_wait3A_923 = arith.constant 0 : i32
      %dma_wait3A_924 = arith.constant 0 : i32
      %dma_wait3A_925 = tpu.memref_slice %arg7[%dma_wait3A_921, %dma_wait3A_923, %dma_wait3A_924] : memref<3x120x128xf32, #tpu.memory_space<vmem>> -> memref<1x120x128xf32, #tpu.memory_space<vmem>>
      %dma_wait3A_926 = tpu.memref_squeeze %dma_wait3A_925 : memref<1x120x128xf32, #tpu.memory_space<vmem>> -> memref<120x128xf32, #tpu.memory_space<vmem>>
      %dma_wait3A_927 = arith.constant 0 : i32
      %dma_wait3A_928 = tpu.memref_slice %arg6[%select_n3A_920, %dma_wait3A_922, %dma_wait3A_927] : memref<6x2x120xi32, #tpu.memory_space<vmem>> -> memref<1x1x120xi32, #tpu.memory_space<vmem>>
      %dma_wait3A_929 = tpu.memref_squeeze %dma_wait3A_928 : memref<1x1x120xi32, #tpu.memory_space<vmem>> -> memref<120xi32, #tpu.memory_space<vmem>>
      %dma_wait3A_930 = arith.constant 0 : i32
      %dma_wait3A_931 = arith.constant 0 : i32
      %dma_wait3A_932 = tpu.memref_slice %arg5[%dma_wait3A_930, %dma_wait3A_931] : memref<10112x128xf32, #tpu.memory_space<vmem_shared>> -> memref<10112x128xf32, #tpu.memory_space<vmem_shared>>
      tpu.wait_indirect_dma semaphore(%arg19 : memref<!tpu.dma_semaphore, #tpu.memory_space<semaphore_mem>>) src(%dma_wait3A_926 : memref<120x128xf32, #tpu.memory_space<vmem>>) dst(%dma_wait3A_932 : memref<10112x128xf32, #tpu.memory_space<vmem_shared>>)
      %add3A_933 = arith.constant 2 : i32
      %add3A_934 = arith.addi %mul3A_649, %add3A_933 : i32
      %dma_wait3A_935 = arith.constant 2 : i32
      %dma_wait3A_936 = arith.constant 0 : i32
      %dma_wait3A_937 = arith.constant 0 : i32
      %dma_wait3A_938 = tpu.memref_slice %arg6[%dma_wait3A_935, %dma_wait3A_936, %dma_wait3A_937] : memref<6x2x120xi32, #tpu.memory_space<vmem>> -> memref<1x2x120xi32, #tpu.memory_space<vmem>>
      %dma_wait3A_939 = tpu.memref_squeeze %dma_wait3A_938 : memref<1x2x120xi32, #tpu.memory_space<vmem>> -> memref<2x120xi32, #tpu.memory_space<vmem>>
      %dma_wait3A_940 = arith.constant 0 : i32
      %dma_wait3A_941 = arith.constant 0 : i32
      %dma_wait3A_942 = tpu.memref_slice %arg3[%add3A, %add3A_934, %dma_wait3A_940, %dma_wait3A_941] : memref<32x84x2x120xi32, #tpu.memory_space<hbm>> -> memref<1x1x2x120xi32, #tpu.memory_space<hbm>>
      %dma_wait3A_943 = tpu.memref_squeeze %dma_wait3A_942 : memref<1x1x2x120xi32, #tpu.memory_space<hbm>> -> memref<2x120xi32, #tpu.memory_space<hbm>>
      %dma_wait3A_944 = arith.constant 0 : i32
      %dma_wait3A_945 = arith.constant 0 : i32
      %dma_wait3A_946 = tpu.memref_slice %arg6[%dma_wait3A_935, %dma_wait3A_944, %dma_wait3A_945] : memref<6x2x120xi32, #tpu.memory_space<vmem>> -> memref<1x2x120xi32, #tpu.memory_space<vmem>>
      %dma_wait3A_947 = tpu.memref_squeeze %dma_wait3A_946 : memref<1x2x120xi32, #tpu.memory_space<vmem>> -> memref<2x120xi32, #tpu.memory_space<vmem>>
      %dma_wait3A_948 = arith.constant 0 : i32
      %dma_wait3A_949 = arith.constant 0 : i32
      %dma_wait3A_950 = tpu.memref_slice %arg3[%add3A, %add3A_934, %dma_wait3A_948, %dma_wait3A_949] : memref<32x84x2x120xi32, #tpu.memory_space<hbm>> -> memref<1x1x2x120xi32, #tpu.memory_space<hbm>>
      %dma_wait3A_951 = tpu.memref_squeeze %dma_wait3A_950 : memref<1x1x2x120xi32, #tpu.memory_space<hbm>> -> memref<2x120xi32, #tpu.memory_space<hbm>>
      tpu.wait_dma2 semaphore(%arg10 : memref<!tpu.dma_semaphore, #tpu.memory_space<semaphore_mem>>) src(%dma_wait3A_951 : memref<2x120xi32, #tpu.memory_space<hbm>>) dst(%dma_wait3A_947 : memref<2x120xi32, #tpu.memory_space<vmem>>)
      %add3A_952 = arith.constant 2 : i32
      %add3A_953 = arith.addi %mul3A_649, %add3A_952 : i32
      %jit3A_954 = arith.constant 6 : i32
      %eq3A_955 = arith.constant 0 : i32
      %eq3A_956 = arith.cmpi eq, %jit3A_954, %eq3A_955 : i32
      %jit3A_957 = arith.constant 1 : i32
      %select_n3A_958 = arith.select %eq3A_956, %jit3A_957, %jit3A_954 : i32
      %rem3A_959 = arith.remsi %add3A_953, %select_n3A_958 : i32
      %ne3A_960 = arith.constant 0 : i32
      %ne3A_961 = arith.cmpi ne, %rem3A_959, %ne3A_960 : i32
      %lt3A_962 = arith.constant 0 : i32
      %lt3A_963 = arith.cmpi slt, %rem3A_959, %lt3A_962 : i32
      %lt3A_964 = arith.constant 0 : i32
      %lt3A_965 = arith.cmpi slt, %select_n3A_958, %lt3A_964 : i32
      %ne3A_966 = arith.xori %lt3A_963, %lt3A_965 : i1
      %and3A_967 = arith.andi %ne3A_966, %ne3A_961 : i1
      %add3A_968 = arith.addi %rem3A_959, %select_n3A_958 : i32
      %select_n3A_969 = arith.select %and3A_967, %add3A_968, %rem3A_959 : i32
      %dma_start3A_970 = arith.constant 0 : i32
      %dma_start3A_971 = arith.constant 2 : i32
      %dma_start3A_972 = arith.constant 0 : i32
      %dma_start3A_973 = arith.constant 0 : i32
      %dma_start3A_974 = tpu.memref_slice %arg7[%dma_start3A_971, %dma_start3A_972, %dma_start3A_973] : memref<3x120x128xf32, #tpu.memory_space<vmem>> -> memref<1x120x128xf32, #tpu.memory_space<vmem>>
      %dma_start3A_975 = tpu.memref_squeeze %dma_start3A_974 : memref<1x120x128xf32, #tpu.memory_space<vmem>> -> memref<120x128xf32, #tpu.memory_space<vmem>>
      %dma_start3A_976 = arith.constant 0 : i32
      %dma_start3A_977 = tpu.memref_slice %arg6[%select_n3A_969, %dma_start3A_970, %dma_start3A_976] : memref<6x2x120xi32, #tpu.memory_space<vmem>> -> memref<1x1x120xi32, #tpu.memory_space<vmem>>
      %dma_start3A_978 = tpu.memref_squeeze %dma_start3A_977 : memref<1x1x120xi32, #tpu.memory_space<vmem>> -> memref<120xi32, #tpu.memory_space<vmem>>
      %dma_start3A_979 = arith.constant 0 : i32
      %dma_start3A_980 = arith.constant 0 : i32
      %dma_start3A_981 = tpu.memref_slice %arg2[%dma_start3A_979, %dma_start3A_980] : memref<10112x128xf32, #tpu.memory_space<hbm>> -> memref<10112x128xf32, #tpu.memory_space<hbm>>
      tpu.enqueue_indirect_dma source(%dma_start3A_981 : memref<10112x128xf32, #tpu.memory_space<hbm>>) target(%dma_start3A_975 : memref<120x128xf32, #tpu.memory_space<vmem>>) offsets(%dma_start3A_978 : memref<120xi32, #tpu.memory_space<vmem>>) semaphore(%arg16 : memref<!tpu.dma_semaphore, #tpu.memory_space<semaphore_mem>>)
      %dma_wait3A_982 = arith.constant 1 : i32
      %dma_wait3A_983 = arith.constant 0 : i32
      %dma_wait3A_984 = arith.constant 1 : i32
      %dma_wait3A_985 = arith.constant 0 : i32
      %dma_wait3A_986 = arith.constant 0 : i32
      %dma_wait3A_987 = tpu.memref_slice %arg7[%dma_wait3A_984, %dma_wait3A_985, %dma_wait3A_986] : memref<3x120x128xf32, #tpu.memory_space<vmem>> -> memref<1x120x128xf32, #tpu.memory_space<vmem>>
      %dma_wait3A_988 = tpu.memref_squeeze %dma_wait3A_987 : memref<1x120x128xf32, #tpu.memory_space<vmem>> -> memref<120x128xf32, #tpu.memory_space<vmem>>
      %dma_wait3A_989 = arith.constant 0 : i32
      %dma_wait3A_990 = tpu.memref_slice %arg6[%dma_wait3A_982, %dma_wait3A_983, %dma_wait3A_989] : memref<6x2x120xi32, #tpu.memory_space<vmem>> -> memref<1x1x120xi32, #tpu.memory_space<vmem>>
      %dma_wait3A_991 = tpu.memref_squeeze %dma_wait3A_990 : memref<1x1x120xi32, #tpu.memory_space<vmem>> -> memref<120xi32, #tpu.memory_space<vmem>>
      %dma_wait3A_992 = arith.constant 0 : i32
      %dma_wait3A_993 = arith.constant 0 : i32
      %dma_wait3A_994 = tpu.memref_slice %arg2[%dma_wait3A_992, %dma_wait3A_993] : memref<10112x128xf32, #tpu.memory_space<hbm>> -> memref<10112x128xf32, #tpu.memory_space<hbm>>
      tpu.wait_indirect_dma semaphore(%arg15 : memref<!tpu.dma_semaphore, #tpu.memory_space<semaphore_mem>>) src(%dma_wait3A_994 : memref<10112x128xf32, #tpu.memory_space<hbm>>) dst(%dma_wait3A_988 : memref<120x128xf32, #tpu.memory_space<vmem>>)
      %add3A_995 = arith.constant 2 : i32
      %add3A_996 = arith.addi %mul3A_649, %add3A_995 : i32
      %add3A_997 = arith.constant 2 : i32
      %add3A_998 = arith.addi %add3A_996, %add3A_997 : i32
      %min3A_999 = arith.constant 83 : i32
      %min3A_1000 = arith.minsi %add3A_998, %min3A_999 : i32
      %dma_start3A_1001 = arith.constant 4 : i32
      %dma_start3A_1002 = arith.constant 0 : i32
      %dma_start3A_1003 = arith.constant 0 : i32
      %dma_start3A_1004 = tpu.memref_slice %arg6[%dma_start3A_1001, %dma_start3A_1002, %dma_start3A_1003] : memref<6x2x120xi32, #tpu.memory_space<vmem>> -> memref<1x2x120xi32, #tpu.memory_space<vmem>>
      %dma_start3A_1005 = tpu.memref_squeeze %dma_start3A_1004 : memref<1x2x120xi32, #tpu.memory_space<vmem>> -> memref<2x120xi32, #tpu.memory_space<vmem>>
      %dma_start3A_1006 = arith.constant 0 : i32
      %dma_start3A_1007 = arith.constant 0 : i32
      %dma_start3A_1008 = tpu.memref_slice %arg3[%add3A, %min3A_1000, %dma_start3A_1006, %dma_start3A_1007] : memref<32x84x2x120xi32, #tpu.memory_space<hbm>> -> memref<1x1x2x120xi32, #tpu.memory_space<hbm>>
      %dma_start3A_1009 = tpu.memref_squeeze %dma_start3A_1008 : memref<1x1x2x120xi32, #tpu.memory_space<hbm>> -> memref<2x120xi32, #tpu.memory_space<hbm>>
      %dma_start3A_1010 = arith.constant 0 : i32
      %dma_start3A_1011 = arith.constant 0 : i32
      %dma_start3A_1012 = tpu.memref_slice %arg6[%dma_start3A_1001, %dma_start3A_1010, %dma_start3A_1011] : memref<6x2x120xi32, #tpu.memory_space<vmem>> -> memref<1x2x120xi32, #tpu.memory_space<vmem>>
      %dma_start3A_1013 = tpu.memref_squeeze %dma_start3A_1012 : memref<1x2x120xi32, #tpu.memory_space<vmem>> -> memref<2x120xi32, #tpu.memory_space<vmem>>
      %dma_start3A_1014 = arith.constant 0 : i32
      %dma_start3A_1015 = arith.constant 0 : i32
      %dma_start3A_1016 = tpu.memref_slice %arg3[%add3A, %min3A_1000, %dma_start3A_1014, %dma_start3A_1015] : memref<32x84x2x120xi32, #tpu.memory_space<hbm>> -> memref<1x1x2x120xi32, #tpu.memory_space<hbm>>
      %dma_start3A_1017 = tpu.memref_squeeze %dma_start3A_1016 : memref<1x1x2x120xi32, #tpu.memory_space<hbm>> -> memref<2x120xi32, #tpu.memory_space<hbm>>
      tpu.enqueue_dma source(%dma_start3A_1017 : memref<2x120xi32, #tpu.memory_space<hbm>>) target(%dma_start3A_1013 : memref<2x120xi32, #tpu.memory_space<vmem>>) target_semaphore(%arg12 : memref<!tpu.dma_semaphore, #tpu.memory_space<semaphore_mem>>)
      %dma_start3A_1018 = arith.constant 1 : i32
      %dma_start3A_1019 = arith.constant 1 : i32
      %dma_start3A_1020 = arith.constant 1 : i32
      %dma_start3A_1021 = arith.constant 0 : i32
      %dma_start3A_1022 = arith.constant 0 : i32
      %dma_start3A_1023 = tpu.memref_slice %arg7[%dma_start3A_1018, %dma_start3A_1021, %dma_start3A_1022] : memref<3x120x128xf32, #tpu.memory_space<vmem>> -> memref<1x120x128xf32, #tpu.memory_space<vmem>>
      %dma_start3A_1024 = tpu.memref_squeeze %dma_start3A_1023 : memref<1x120x128xf32, #tpu.memory_space<vmem>> -> memref<120x128xf32, #tpu.memory_space<vmem>>
      %dma_start3A_1025 = arith.constant 0 : i32
      %dma_start3A_1026 = tpu.memref_slice %arg6[%dma_start3A_1019, %dma_start3A_1020, %dma_start3A_1025] : memref<6x2x120xi32, #tpu.memory_space<vmem>> -> memref<1x1x120xi32, #tpu.memory_space<vmem>>
      %dma_start3A_1027 = tpu.memref_squeeze %dma_start3A_1026 : memref<1x1x120xi32, #tpu.memory_space<vmem>> -> memref<120xi32, #tpu.memory_space<vmem>>
      %dma_start3A_1028 = arith.constant 0 : i32
      %dma_start3A_1029 = arith.constant 0 : i32
      %dma_start3A_1030 = tpu.memref_slice %arg5[%dma_start3A_1028, %dma_start3A_1029] : memref<10112x128xf32, #tpu.memory_space<vmem_shared>> -> memref<10112x128xf32, #tpu.memory_space<vmem_shared>>
      tpu.enqueue_indirect_dma source(%dma_start3A_1024 : memref<120x128xf32, #tpu.memory_space<vmem>>) target(%dma_start3A_1030 : memref<10112x128xf32, #tpu.memory_space<vmem_shared>>) offsets(%dma_start3A_1027 : memref<120xi32, #tpu.memory_space<vmem>>) semaphore(%arg18 : memref<!tpu.dma_semaphore, #tpu.memory_space<semaphore_mem>>) {add = true}
      %add3A_1031 = arith.constant 3 : i32
      %add3A_1032 = arith.addi %mul3A_649, %add3A_1031 : i32
      %sub3A_1033 = arith.constant 3 : i32
      %sub3A_1034 = arith.subi %add3A_1032, %sub3A_1033 : i32
      %jit3A_1035 = arith.constant 6 : i32
      %eq3A_1036 = arith.constant 0 : i32
      %eq3A_1037 = arith.cmpi eq, %jit3A_1035, %eq3A_1036 : i32
      %jit3A_1038 = arith.constant 1 : i32
      %select_n3A_1039 = arith.select %eq3A_1037, %jit3A_1038, %jit3A_1035 : i32
      %rem3A_1040 = arith.remsi %sub3A_1034, %select_n3A_1039 : i32
      %ne3A_1041 = arith.constant 0 : i32
      %ne3A_1042 = arith.cmpi ne, %rem3A_1040, %ne3A_1041 : i32
      %lt3A_1043 = arith.constant 0 : i32
      %lt3A_1044 = arith.cmpi slt, %rem3A_1040, %lt3A_1043 : i32
      %lt3A_1045 = arith.constant 0 : i32
      %lt3A_1046 = arith.cmpi slt, %select_n3A_1039, %lt3A_1045 : i32
      %ne3A_1047 = arith.xori %lt3A_1044, %lt3A_1046 : i1
      %and3A_1048 = arith.andi %ne3A_1047, %ne3A_1042 : i1
      %add3A_1049 = arith.addi %rem3A_1040, %select_n3A_1039 : i32
      %select_n3A_1050 = arith.select %and3A_1048, %add3A_1049, %rem3A_1040 : i32
      %dma_wait3A_1051 = arith.constant 0 : i32
      %dma_wait3A_1052 = arith.constant 1 : i32
      %dma_wait3A_1053 = arith.constant 0 : i32
      %dma_wait3A_1054 = arith.constant 0 : i32
      %dma_wait3A_1055 = tpu.memref_slice %arg7[%dma_wait3A_1051, %dma_wait3A_1053, %dma_wait3A_1054] : memref<3x120x128xf32, #tpu.memory_space<vmem>> -> memref<1x120x128xf32, #tpu.memory_space<vmem>>
      %dma_wait3A_1056 = tpu.memref_squeeze %dma_wait3A_1055 : memref<1x120x128xf32, #tpu.memory_space<vmem>> -> memref<120x128xf32, #tpu.memory_space<vmem>>
      %dma_wait3A_1057 = arith.constant 0 : i32
      %dma_wait3A_1058 = tpu.memref_slice %arg6[%select_n3A_1050, %dma_wait3A_1052, %dma_wait3A_1057] : memref<6x2x120xi32, #tpu.memory_space<vmem>> -> memref<1x1x120xi32, #tpu.memory_space<vmem>>
      %dma_wait3A_1059 = tpu.memref_squeeze %dma_wait3A_1058 : memref<1x1x120xi32, #tpu.memory_space<vmem>> -> memref<120xi32, #tpu.memory_space<vmem>>
      %dma_wait3A_1060 = arith.constant 0 : i32
      %dma_wait3A_1061 = arith.constant 0 : i32
      %dma_wait3A_1062 = tpu.memref_slice %arg5[%dma_wait3A_1060, %dma_wait3A_1061] : memref<10112x128xf32, #tpu.memory_space<vmem_shared>> -> memref<10112x128xf32, #tpu.memory_space<vmem_shared>>
      tpu.wait_indirect_dma semaphore(%arg17 : memref<!tpu.dma_semaphore, #tpu.memory_space<semaphore_mem>>) src(%dma_wait3A_1056 : memref<120x128xf32, #tpu.memory_space<vmem>>) dst(%dma_wait3A_1062 : memref<10112x128xf32, #tpu.memory_space<vmem_shared>>)
      %add3A_1063 = arith.constant 3 : i32
      %add3A_1064 = arith.addi %mul3A_649, %add3A_1063 : i32
      %dma_wait3A_1065 = arith.constant 3 : i32
      %dma_wait3A_1066 = arith.constant 0 : i32
      %dma_wait3A_1067 = arith.constant 0 : i32
      %dma_wait3A_1068 = tpu.memref_slice %arg6[%dma_wait3A_1065, %dma_wait3A_1066, %dma_wait3A_1067] : memref<6x2x120xi32, #tpu.memory_space<vmem>> -> memref<1x2x120xi32, #tpu.memory_space<vmem>>
      %dma_wait3A_1069 = tpu.memref_squeeze %dma_wait3A_1068 : memref<1x2x120xi32, #tpu.memory_space<vmem>> -> memref<2x120xi32, #tpu.memory_space<vmem>>
      %dma_wait3A_1070 = arith.constant 0 : i32
      %dma_wait3A_1071 = arith.constant 0 : i32
      %dma_wait3A_1072 = tpu.memref_slice %arg3[%add3A, %add3A_1064, %dma_wait3A_1070, %dma_wait3A_1071] : memref<32x84x2x120xi32, #tpu.memory_space<hbm>> -> memref<1x1x2x120xi32, #tpu.memory_space<hbm>>
      %dma_wait3A_1073 = tpu.memref_squeeze %dma_wait3A_1072 : memref<1x1x2x120xi32, #tpu.memory_space<hbm>> -> memref<2x120xi32, #tpu.memory_space<hbm>>
      %dma_wait3A_1074 = arith.constant 0 : i32
      %dma_wait3A_1075 = arith.constant 0 : i32
      %dma_wait3A_1076 = tpu.memref_slice %arg6[%dma_wait3A_1065, %dma_wait3A_1074, %dma_wait3A_1075] : memref<6x2x120xi32, #tpu.memory_space<vmem>> -> memref<1x2x120xi32, #tpu.memory_space<vmem>>
      %dma_wait3A_1077 = tpu.memref_squeeze %dma_wait3A_1076 : memref<1x2x120xi32, #tpu.memory_space<vmem>> -> memref<2x120xi32, #tpu.memory_space<vmem>>
      %dma_wait3A_1078 = arith.constant 0 : i32
      %dma_wait3A_1079 = arith.constant 0 : i32
      %dma_wait3A_1080 = tpu.memref_slice %arg3[%add3A, %add3A_1064, %dma_wait3A_1078, %dma_wait3A_1079] : memref<32x84x2x120xi32, #tpu.memory_space<hbm>> -> memref<1x1x2x120xi32, #tpu.memory_space<hbm>>
      %dma_wait3A_1081 = tpu.memref_squeeze %dma_wait3A_1080 : memref<1x1x2x120xi32, #tpu.memory_space<hbm>> -> memref<2x120xi32, #tpu.memory_space<hbm>>
      tpu.wait_dma2 semaphore(%arg11 : memref<!tpu.dma_semaphore, #tpu.memory_space<semaphore_mem>>) src(%dma_wait3A_1081 : memref<2x120xi32, #tpu.memory_space<hbm>>) dst(%dma_wait3A_1077 : memref<2x120xi32, #tpu.memory_space<vmem>>)
      %add3A_1082 = arith.constant 3 : i32
      %add3A_1083 = arith.addi %mul3A_649, %add3A_1082 : i32
      %jit3A_1084 = arith.constant 6 : i32
      %eq3A_1085 = arith.constant 0 : i32
      %eq3A_1086 = arith.cmpi eq, %jit3A_1084, %eq3A_1085 : i32
      %jit3A_1087 = arith.constant 1 : i32
      %select_n3A_1088 = arith.select %eq3A_1086, %jit3A_1087, %jit3A_1084 : i32
      %rem3A_1089 = arith.remsi %add3A_1083, %select_n3A_1088 : i32
      %ne3A_1090 = arith.constant 0 : i32
      %ne3A_1091 = arith.cmpi ne, %rem3A_1089, %ne3A_1090 : i32
      %lt3A_1092 = arith.constant 0 : i32
      %lt3A_1093 = arith.cmpi slt, %rem3A_1089, %lt3A_1092 : i32
      %lt3A_1094 = arith.constant 0 : i32
      %lt3A_1095 = arith.cmpi slt, %select_n3A_1088, %lt3A_1094 : i32
      %ne3A_1096 = arith.xori %lt3A_1093, %lt3A_1095 : i1
      %and3A_1097 = arith.andi %ne3A_1096, %ne3A_1091 : i1
      %add3A_1098 = arith.addi %rem3A_1089, %select_n3A_1088 : i32
      %select_n3A_1099 = arith.select %and3A_1097, %add3A_1098, %rem3A_1089 : i32
      %dma_start3A_1100 = arith.constant 0 : i32
      %dma_start3A_1101 = arith.constant 0 : i32
      %dma_start3A_1102 = arith.constant 0 : i32
      %dma_start3A_1103 = arith.constant 0 : i32
      %dma_start3A_1104 = tpu.memref_slice %arg7[%dma_start3A_1101, %dma_start3A_1102, %dma_start3A_1103] : memref<3x120x128xf32, #tpu.memory_space<vmem>> -> memref<1x120x128xf32, #tpu.memory_space<vmem>>
      %dma_start3A_1105 = tpu.memref_squeeze %dma_start3A_1104 : memref<1x120x128xf32, #tpu.memory_space<vmem>> -> memref<120x128xf32, #tpu.memory_space<vmem>>
      %dma_start3A_1106 = arith.constant 0 : i32
      %dma_start3A_1107 = tpu.memref_slice %arg6[%select_n3A_1099, %dma_start3A_1100, %dma_start3A_1106] : memref<6x2x120xi32, #tpu.memory_space<vmem>> -> memref<1x1x120xi32, #tpu.memory_space<vmem>>
      %dma_start3A_1108 = tpu.memref_squeeze %dma_start3A_1107 : memref<1x1x120xi32, #tpu.memory_space<vmem>> -> memref<120xi32, #tpu.memory_space<vmem>>
      %dma_start3A_1109 = arith.constant 0 : i32
      %dma_start3A_1110 = arith.constant 0 : i32
      %dma_start3A_1111 = tpu.memref_slice %arg2[%dma_start3A_1109, %dma_start3A_1110] : memref<10112x128xf32, #tpu.memory_space<hbm>> -> memref<10112x128xf32, #tpu.memory_space<hbm>>
      tpu.enqueue_indirect_dma source(%dma_start3A_1111 : memref<10112x128xf32, #tpu.memory_space<hbm>>) target(%dma_start3A_1105 : memref<120x128xf32, #tpu.memory_space<vmem>>) offsets(%dma_start3A_1108 : memref<120xi32, #tpu.memory_space<vmem>>) semaphore(%arg14 : memref<!tpu.dma_semaphore, #tpu.memory_space<semaphore_mem>>)
      %dma_wait3A_1112 = arith.constant 2 : i32
      %dma_wait3A_1113 = arith.constant 0 : i32
      %dma_wait3A_1114 = arith.constant 2 : i32
      %dma_wait3A_1115 = arith.constant 0 : i32
      %dma_wait3A_1116 = arith.constant 0 : i32
      %dma_wait3A_1117 = tpu.memref_slice %arg7[%dma_wait3A_1114, %dma_wait3A_1115, %dma_wait3A_1116] : memref<3x120x128xf32, #tpu.memory_space<vmem>> -> memref<1x120x128xf32, #tpu.memory_space<vmem>>
      %dma_wait3A_1118 = tpu.memref_squeeze %dma_wait3A_1117 : memref<1x120x128xf32, #tpu.memory_space<vmem>> -> memref<120x128xf32, #tpu.memory_space<vmem>>
      %dma_wait3A_1119 = arith.constant 0 : i32
      %dma_wait3A_1120 = tpu.memref_slice %arg6[%dma_wait3A_1112, %dma_wait3A_1113, %dma_wait3A_1119] : memref<6x2x120xi32, #tpu.memory_space<vmem>> -> memref<1x1x120xi32, #tpu.memory_space<vmem>>
      %dma_wait3A_1121 = tpu.memref_squeeze %dma_wait3A_1120 : memref<1x1x120xi32, #tpu.memory_space<vmem>> -> memref<120xi32, #tpu.memory_space<vmem>>
      %dma_wait3A_1122 = arith.constant 0 : i32
      %dma_wait3A_1123 = arith.constant 0 : i32
      %dma_wait3A_1124 = tpu.memref_slice %arg2[%dma_wait3A_1122, %dma_wait3A_1123] : memref<10112x128xf32, #tpu.memory_space<hbm>> -> memref<10112x128xf32, #tpu.memory_space<hbm>>
      tpu.wait_indirect_dma semaphore(%arg16 : memref<!tpu.dma_semaphore, #tpu.memory_space<semaphore_mem>>) src(%dma_wait3A_1124 : memref<10112x128xf32, #tpu.memory_space<hbm>>) dst(%dma_wait3A_1118 : memref<120x128xf32, #tpu.memory_space<vmem>>)
      %add3A_1125 = arith.constant 3 : i32
      %add3A_1126 = arith.addi %mul3A_649, %add3A_1125 : i32
      %add3A_1127 = arith.constant 2 : i32
      %add3A_1128 = arith.addi %add3A_1126, %add3A_1127 : i32
      %min3A_1129 = arith.constant 83 : i32
      %min3A_1130 = arith.minsi %add3A_1128, %min3A_1129 : i32
      %dma_start3A_1131 = arith.constant 5 : i32
      %dma_start3A_1132 = arith.constant 0 : i32
      %dma_start3A_1133 = arith.constant 0 : i32
      %dma_start3A_1134 = tpu.memref_slice %arg6[%dma_start3A_1131, %dma_start3A_1132, %dma_start3A_1133] : memref<6x2x120xi32, #tpu.memory_space<vmem>> -> memref<1x2x120xi32, #tpu.memory_space<vmem>>
      %dma_start3A_1135 = tpu.memref_squeeze %dma_start3A_1134 : memref<1x2x120xi32, #tpu.memory_space<vmem>> -> memref<2x120xi32, #tpu.memory_space<vmem>>
      %dma_start3A_1136 = arith.constant 0 : i32
      %dma_start3A_1137 = arith.constant 0 : i32
      %dma_start3A_1138 = tpu.memref_slice %arg3[%add3A, %min3A_1130, %dma_start3A_1136, %dma_start3A_1137] : memref<32x84x2x120xi32, #tpu.memory_space<hbm>> -> memref<1x1x2x120xi32, #tpu.memory_space<hbm>>
      %dma_start3A_1139 = tpu.memref_squeeze %dma_start3A_1138 : memref<1x1x2x120xi32, #tpu.memory_space<hbm>> -> memref<2x120xi32, #tpu.memory_space<hbm>>
      %dma_start3A_1140 = arith.constant 0 : i32
      %dma_start3A_1141 = arith.constant 0 : i32
      %dma_start3A_1142 = tpu.memref_slice %arg6[%dma_start3A_1131, %dma_start3A_1140, %dma_start3A_1141] : memref<6x2x120xi32, #tpu.memory_space<vmem>> -> memref<1x2x120xi32, #tpu.memory_space<vmem>>
      %dma_start3A_1143 = tpu.memref_squeeze %dma_start3A_1142 : memref<1x2x120xi32, #tpu.memory_space<vmem>> -> memref<2x120xi32, #tpu.memory_space<vmem>>
      %dma_start3A_1144 = arith.constant 0 : i32
      %dma_start3A_1145 = arith.constant 0 : i32
      %dma_start3A_1146 = tpu.memref_slice %arg3[%add3A, %min3A_1130, %dma_start3A_1144, %dma_start3A_1145] : memref<32x84x2x120xi32, #tpu.memory_space<hbm>> -> memref<1x1x2x120xi32, #tpu.memory_space<hbm>>
      %dma_start3A_1147 = tpu.memref_squeeze %dma_start3A_1146 : memref<1x1x2x120xi32, #tpu.memory_space<hbm>> -> memref<2x120xi32, #tpu.memory_space<hbm>>
      tpu.enqueue_dma source(%dma_start3A_1147 : memref<2x120xi32, #tpu.memory_space<hbm>>) target(%dma_start3A_1143 : memref<2x120xi32, #tpu.memory_space<vmem>>) target_semaphore(%arg13 : memref<!tpu.dma_semaphore, #tpu.memory_space<semaphore_mem>>)
      %dma_start3A_1148 = arith.constant 2 : i32
      %dma_start3A_1149 = arith.constant 2 : i32
      %dma_start3A_1150 = arith.constant 1 : i32
      %dma_start3A_1151 = arith.constant 0 : i32
      %dma_start3A_1152 = arith.constant 0 : i32
      %dma_start3A_1153 = tpu.memref_slice %arg7[%dma_start3A_1148, %dma_start3A_1151, %dma_start3A_1152] : memref<3x120x128xf32, #tpu.memory_space<vmem>> -> memref<1x120x128xf32, #tpu.memory_space<vmem>>
      %dma_start3A_1154 = tpu.memref_squeeze %dma_start3A_1153 : memref<1x120x128xf32, #tpu.memory_space<vmem>> -> memref<120x128xf32, #tpu.memory_space<vmem>>
      %dma_start3A_1155 = arith.constant 0 : i32
      %dma_start3A_1156 = tpu.memref_slice %arg6[%dma_start3A_1149, %dma_start3A_1150, %dma_start3A_1155] : memref<6x2x120xi32, #tpu.memory_space<vmem>> -> memref<1x1x120xi32, #tpu.memory_space<vmem>>
      %dma_start3A_1157 = tpu.memref_squeeze %dma_start3A_1156 : memref<1x1x120xi32, #tpu.memory_space<vmem>> -> memref<120xi32, #tpu.memory_space<vmem>>
      %dma_start3A_1158 = arith.constant 0 : i32
      %dma_start3A_1159 = arith.constant 0 : i32
      %dma_start3A_1160 = tpu.memref_slice %arg5[%dma_start3A_1158, %dma_start3A_1159] : memref<10112x128xf32, #tpu.memory_space<vmem_shared>> -> memref<10112x128xf32, #tpu.memory_space<vmem_shared>>
      tpu.enqueue_indirect_dma source(%dma_start3A_1154 : memref<120x128xf32, #tpu.memory_space<vmem>>) target(%dma_start3A_1160 : memref<10112x128xf32, #tpu.memory_space<vmem_shared>>) offsets(%dma_start3A_1157 : memref<120xi32, #tpu.memory_space<vmem>>) semaphore(%arg19 : memref<!tpu.dma_semaphore, #tpu.memory_space<semaphore_mem>>) {add = true}
      %add3A_1161 = arith.constant 4 : i32
      %add3A_1162 = arith.addi %mul3A_649, %add3A_1161 : i32
      %sub3A_1163 = arith.constant 3 : i32
      %sub3A_1164 = arith.subi %add3A_1162, %sub3A_1163 : i32
      %jit3A_1165 = arith.constant 6 : i32
      %eq3A_1166 = arith.constant 0 : i32
      %eq3A_1167 = arith.cmpi eq, %jit3A_1165, %eq3A_1166 : i32
      %jit3A_1168 = arith.constant 1 : i32
      %select_n3A_1169 = arith.select %eq3A_1167, %jit3A_1168, %jit3A_1165 : i32
      %rem3A_1170 = arith.remsi %sub3A_1164, %select_n3A_1169 : i32
      %ne3A_1171 = arith.constant 0 : i32
      %ne3A_1172 = arith.cmpi ne, %rem3A_1170, %ne3A_1171 : i32
      %lt3A_1173 = arith.constant 0 : i32
      %lt3A_1174 = arith.cmpi slt, %rem3A_1170, %lt3A_1173 : i32
      %lt3A_1175 = arith.constant 0 : i32
      %lt3A_1176 = arith.cmpi slt, %select_n3A_1169, %lt3A_1175 : i32
      %ne3A_1177 = arith.xori %lt3A_1174, %lt3A_1176 : i1
      %and3A_1178 = arith.andi %ne3A_1177, %ne3A_1172 : i1
      %add3A_1179 = arith.addi %rem3A_1170, %select_n3A_1169 : i32
      %select_n3A_1180 = arith.select %and3A_1178, %add3A_1179, %rem3A_1170 : i32
      %dma_wait3A_1181 = arith.constant 1 : i32
      %dma_wait3A_1182 = arith.constant 1 : i32
      %dma_wait3A_1183 = arith.constant 0 : i32
      %dma_wait3A_1184 = arith.constant 0 : i32
      %dma_wait3A_1185 = tpu.memref_slice %arg7[%dma_wait3A_1181, %dma_wait3A_1183, %dma_wait3A_1184] : memref<3x120x128xf32, #tpu.memory_space<vmem>> -> memref<1x120x128xf32, #tpu.memory_space<vmem>>
      %dma_wait3A_1186 = tpu.memref_squeeze %dma_wait3A_1185 : memref<1x120x128xf32, #tpu.memory_space<vmem>> -> memref<120x128xf32, #tpu.memory_space<vmem>>
      %dma_wait3A_1187 = arith.constant 0 : i32
      %dma_wait3A_1188 = tpu.memref_slice %arg6[%select_n3A_1180, %dma_wait3A_1182, %dma_wait3A_1187] : memref<6x2x120xi32, #tpu.memory_space<vmem>> -> memref<1x1x120xi32, #tpu.memory_space<vmem>>
      %dma_wait3A_1189 = tpu.memref_squeeze %dma_wait3A_1188 : memref<1x1x120xi32, #tpu.memory_space<vmem>> -> memref<120xi32, #tpu.memory_space<vmem>>
      %dma_wait3A_1190 = arith.constant 0 : i32
      %dma_wait3A_1191 = arith.constant 0 : i32
      %dma_wait3A_1192 = tpu.memref_slice %arg5[%dma_wait3A_1190, %dma_wait3A_1191] : memref<10112x128xf32, #tpu.memory_space<vmem_shared>> -> memref<10112x128xf32, #tpu.memory_space<vmem_shared>>
      tpu.wait_indirect_dma semaphore(%arg18 : memref<!tpu.dma_semaphore, #tpu.memory_space<semaphore_mem>>) src(%dma_wait3A_1186 : memref<120x128xf32, #tpu.memory_space<vmem>>) dst(%dma_wait3A_1192 : memref<10112x128xf32, #tpu.memory_space<vmem_shared>>)
      %add3A_1193 = arith.constant 4 : i32
      %add3A_1194 = arith.addi %mul3A_649, %add3A_1193 : i32
      %dma_wait3A_1195 = arith.constant 4 : i32
      %dma_wait3A_1196 = arith.constant 0 : i32
      %dma_wait3A_1197 = arith.constant 0 : i32
      %dma_wait3A_1198 = tpu.memref_slice %arg6[%dma_wait3A_1195, %dma_wait3A_1196, %dma_wait3A_1197] : memref<6x2x120xi32, #tpu.memory_space<vmem>> -> memref<1x2x120xi32, #tpu.memory_space<vmem>>
      %dma_wait3A_1199 = tpu.memref_squeeze %dma_wait3A_1198 : memref<1x2x120xi32, #tpu.memory_space<vmem>> -> memref<2x120xi32, #tpu.memory_space<vmem>>
      %dma_wait3A_1200 = arith.constant 0 : i32
      %dma_wait3A_1201 = arith.constant 0 : i32
      %dma_wait3A_1202 = tpu.memref_slice %arg3[%add3A, %add3A_1194, %dma_wait3A_1200, %dma_wait3A_1201] : memref<32x84x2x120xi32, #tpu.memory_space<hbm>> -> memref<1x1x2x120xi32, #tpu.memory_space<hbm>>
      %dma_wait3A_1203 = tpu.memref_squeeze %dma_wait3A_1202 : memref<1x1x2x120xi32, #tpu.memory_space<hbm>> -> memref<2x120xi32, #tpu.memory_space<hbm>>
      %dma_wait3A_1204 = arith.constant 0 : i32
      %dma_wait3A_1205 = arith.constant 0 : i32
      %dma_wait3A_1206 = tpu.memref_slice %arg6[%dma_wait3A_1195, %dma_wait3A_1204, %dma_wait3A_1205] : memref<6x2x120xi32, #tpu.memory_space<vmem>> -> memref<1x2x120xi32, #tpu.memory_space<vmem>>
      %dma_wait3A_1207 = tpu.memref_squeeze %dma_wait3A_1206 : memref<1x2x120xi32, #tpu.memory_space<vmem>> -> memref<2x120xi32, #tpu.memory_space<vmem>>
      %dma_wait3A_1208 = arith.constant 0 : i32
      %dma_wait3A_1209 = arith.constant 0 : i32
      %dma_wait3A_1210 = tpu.memref_slice %arg3[%add3A, %add3A_1194, %dma_wait3A_1208, %dma_wait3A_1209] : memref<32x84x2x120xi32, #tpu.memory_space<hbm>> -> memref<1x1x2x120xi32, #tpu.memory_space<hbm>>
      %dma_wait3A_1211 = tpu.memref_squeeze %dma_wait3A_1210 : memref<1x1x2x120xi32, #tpu.memory_space<hbm>> -> memref<2x120xi32, #tpu.memory_space<hbm>>
      tpu.wait_dma2 semaphore(%arg12 : memref<!tpu.dma_semaphore, #tpu.memory_space<semaphore_mem>>) src(%dma_wait3A_1211 : memref<2x120xi32, #tpu.memory_space<hbm>>) dst(%dma_wait3A_1207 : memref<2x120xi32, #tpu.memory_space<vmem>>)
      %add3A_1212 = arith.constant 4 : i32
      %add3A_1213 = arith.addi %mul3A_649, %add3A_1212 : i32
      %jit3A_1214 = arith.constant 6 : i32
      %eq3A_1215 = arith.constant 0 : i32
      %eq3A_1216 = arith.cmpi eq, %jit3A_1214, %eq3A_1215 : i32
      %jit3A_1217 = arith.constant 1 : i32
      %select_n3A_1218 = arith.select %eq3A_1216, %jit3A_1217, %jit3A_1214 : i32
      %rem3A_1219 = arith.remsi %add3A_1213, %select_n3A_1218 : i32
      %ne3A_1220 = arith.constant 0 : i32
      %ne3A_1221 = arith.cmpi ne, %rem3A_1219, %ne3A_1220 : i32
      %lt3A_1222 = arith.constant 0 : i32
      %lt3A_1223 = arith.cmpi slt, %rem3A_1219, %lt3A_1222 : i32
      %lt3A_1224 = arith.constant 0 : i32
      %lt3A_1225 = arith.cmpi slt, %select_n3A_1218, %lt3A_1224 : i32
      %ne3A_1226 = arith.xori %lt3A_1223, %lt3A_1225 : i1
      %and3A_1227 = arith.andi %ne3A_1226, %ne3A_1221 : i1
      %add3A_1228 = arith.addi %rem3A_1219, %select_n3A_1218 : i32
      %select_n3A_1229 = arith.select %and3A_1227, %add3A_1228, %rem3A_1219 : i32
      %dma_start3A_1230 = arith.constant 0 : i32
      %dma_start3A_1231 = arith.constant 1 : i32
      %dma_start3A_1232 = arith.constant 0 : i32
      %dma_start3A_1233 = arith.constant 0 : i32
      %dma_start3A_1234 = tpu.memref_slice %arg7[%dma_start3A_1231, %dma_start3A_1232, %dma_start3A_1233] : memref<3x120x128xf32, #tpu.memory_space<vmem>> -> memref<1x120x128xf32, #tpu.memory_space<vmem>>
      %dma_start3A_1235 = tpu.memref_squeeze %dma_start3A_1234 : memref<1x120x128xf32, #tpu.memory_space<vmem>> -> memref<120x128xf32, #tpu.memory_space<vmem>>
      %dma_start3A_1236 = arith.constant 0 : i32
      %dma_start3A_1237 = tpu.memref_slice %arg6[%select_n3A_1229, %dma_start3A_1230, %dma_start3A_1236] : memref<6x2x120xi32, #tpu.memory_space<vmem>> -> memref<1x1x120xi32, #tpu.memory_space<vmem>>
      %dma_start3A_1238 = tpu.memref_squeeze %dma_start3A_1237 : memref<1x1x120xi32, #tpu.memory_space<vmem>> -> memref<120xi32, #tpu.memory_space<vmem>>
      %dma_start3A_1239 = arith.constant 0 : i32
      %dma_start3A_1240 = arith.constant 0 : i32
      %dma_start3A_1241 = tpu.memref_slice %arg2[%dma_start3A_1239, %dma_start3A_1240] : memref<10112x128xf32, #tpu.memory_space<hbm>> -> memref<10112x128xf32, #tpu.memory_space<hbm>>
      tpu.enqueue_indirect_dma source(%dma_start3A_1241 : memref<10112x128xf32, #tpu.memory_space<hbm>>) target(%dma_start3A_1235 : memref<120x128xf32, #tpu.memory_space<vmem>>) offsets(%dma_start3A_1238 : memref<120xi32, #tpu.memory_space<vmem>>) semaphore(%arg15 : memref<!tpu.dma_semaphore, #tpu.memory_space<semaphore_mem>>)
      %dma_wait3A_1242 = arith.constant 3 : i32
      %dma_wait3A_1243 = arith.constant 0 : i32
      %dma_wait3A_1244 = arith.constant 0 : i32
      %dma_wait3A_1245 = arith.constant 0 : i32
      %dma_wait3A_1246 = arith.constant 0 : i32
      %dma_wait3A_1247 = tpu.memref_slice %arg7[%dma_wait3A_1244, %dma_wait3A_1245, %dma_wait3A_1246] : memref<3x120x128xf32, #tpu.memory_space<vmem>> -> memref<1x120x128xf32, #tpu.memory_space<vmem>>
      %dma_wait3A_1248 = tpu.memref_squeeze %dma_wait3A_1247 : memref<1x120x128xf32, #tpu.memory_space<vmem>> -> memref<120x128xf32, #tpu.memory_space<vmem>>
      %dma_wait3A_1249 = arith.constant 0 : i32
      %dma_wait3A_1250 = tpu.memref_slice %arg6[%dma_wait3A_1242, %dma_wait3A_1243, %dma_wait3A_1249] : memref<6x2x120xi32, #tpu.memory_space<vmem>> -> memref<1x1x120xi32, #tpu.memory_space<vmem>>
      %dma_wait3A_1251 = tpu.memref_squeeze %dma_wait3A_1250 : memref<1x1x120xi32, #tpu.memory_space<vmem>> -> memref<120xi32, #tpu.memory_space<vmem>>
      %dma_wait3A_1252 = arith.constant 0 : i32
      %dma_wait3A_1253 = arith.constant 0 : i32
      %dma_wait3A_1254 = tpu.memref_slice %arg2[%dma_wait3A_1252, %dma_wait3A_1253] : memref<10112x128xf32, #tpu.memory_space<hbm>> -> memref<10112x128xf32, #tpu.memory_space<hbm>>
      tpu.wait_indirect_dma semaphore(%arg14 : memref<!tpu.dma_semaphore, #tpu.memory_space<semaphore_mem>>) src(%dma_wait3A_1254 : memref<10112x128xf32, #tpu.memory_space<hbm>>) dst(%dma_wait3A_1248 : memref<120x128xf32, #tpu.memory_space<vmem>>)
      %add3A_1255 = arith.constant 4 : i32
      %add3A_1256 = arith.addi %mul3A_649, %add3A_1255 : i32
      %add3A_1257 = arith.constant 2 : i32
      %add3A_1258 = arith.addi %add3A_1256, %add3A_1257 : i32
      %min3A_1259 = arith.constant 83 : i32
      %min3A_1260 = arith.minsi %add3A_1258, %min3A_1259 : i32
      %dma_start3A_1261 = arith.constant 0 : i32
      %dma_start3A_1262 = arith.constant 0 : i32
      %dma_start3A_1263 = arith.constant 0 : i32
      %dma_start3A_1264 = tpu.memref_slice %arg6[%dma_start3A_1261, %dma_start3A_1262, %dma_start3A_1263] : memref<6x2x120xi32, #tpu.memory_space<vmem>> -> memref<1x2x120xi32, #tpu.memory_space<vmem>>
      %dma_start3A_1265 = tpu.memref_squeeze %dma_start3A_1264 : memref<1x2x120xi32, #tpu.memory_space<vmem>> -> memref<2x120xi32, #tpu.memory_space<vmem>>
      %dma_start3A_1266 = arith.constant 0 : i32
      %dma_start3A_1267 = arith.constant 0 : i32
      %dma_start3A_1268 = tpu.memref_slice %arg3[%add3A, %min3A_1260, %dma_start3A_1266, %dma_start3A_1267] : memref<32x84x2x120xi32, #tpu.memory_space<hbm>> -> memref<1x1x2x120xi32, #tpu.memory_space<hbm>>
      %dma_start3A_1269 = tpu.memref_squeeze %dma_start3A_1268 : memref<1x1x2x120xi32, #tpu.memory_space<hbm>> -> memref<2x120xi32, #tpu.memory_space<hbm>>
      %dma_start3A_1270 = arith.constant 0 : i32
      %dma_start3A_1271 = arith.constant 0 : i32
      %dma_start3A_1272 = tpu.memref_slice %arg6[%dma_start3A_1261, %dma_start3A_1270, %dma_start3A_1271] : memref<6x2x120xi32, #tpu.memory_space<vmem>> -> memref<1x2x120xi32, #tpu.memory_space<vmem>>
      %dma_start3A_1273 = tpu.memref_squeeze %dma_start3A_1272 : memref<1x2x120xi32, #tpu.memory_space<vmem>> -> memref<2x120xi32, #tpu.memory_space<vmem>>
      %dma_start3A_1274 = arith.constant 0 : i32
      %dma_start3A_1275 = arith.constant 0 : i32
      %dma_start3A_1276 = tpu.memref_slice %arg3[%add3A, %min3A_1260, %dma_start3A_1274, %dma_start3A_1275] : memref<32x84x2x120xi32, #tpu.memory_space<hbm>> -> memref<1x1x2x120xi32, #tpu.memory_space<hbm>>
      %dma_start3A_1277 = tpu.memref_squeeze %dma_start3A_1276 : memref<1x1x2x120xi32, #tpu.memory_space<hbm>> -> memref<2x120xi32, #tpu.memory_space<hbm>>
      tpu.enqueue_dma source(%dma_start3A_1277 : memref<2x120xi32, #tpu.memory_space<hbm>>) target(%dma_start3A_1273 : memref<2x120xi32, #tpu.memory_space<vmem>>) target_semaphore(%arg8 : memref<!tpu.dma_semaphore, #tpu.memory_space<semaphore_mem>>)
      %dma_start3A_1278 = arith.constant 0 : i32
      %dma_start3A_1279 = arith.constant 3 : i32
      %dma_start3A_1280 = arith.constant 1 : i32
      %dma_start3A_1281 = arith.constant 0 : i32
      %dma_start3A_1282 = arith.constant 0 : i32
      %dma_start3A_1283 = tpu.memref_slice %arg7[%dma_start3A_1278, %dma_start3A_1281, %dma_start3A_1282] : memref<3x120x128xf32, #tpu.memory_space<vmem>> -> memref<1x120x128xf32, #tpu.memory_space<vmem>>
      %dma_start3A_1284 = tpu.memref_squeeze %dma_start3A_1283 : memref<1x120x128xf32, #tpu.memory_space<vmem>> -> memref<120x128xf32, #tpu.memory_space<vmem>>
      %dma_start3A_1285 = arith.constant 0 : i32
      %dma_start3A_1286 = tpu.memref_slice %arg6[%dma_start3A_1279, %dma_start3A_1280, %dma_start3A_1285] : memref<6x2x120xi32, #tpu.memory_space<vmem>> -> memref<1x1x120xi32, #tpu.memory_space<vmem>>
      %dma_start3A_1287 = tpu.memref_squeeze %dma_start3A_1286 : memref<1x1x120xi32, #tpu.memory_space<vmem>> -> memref<120xi32, #tpu.memory_space<vmem>>
      %dma_start3A_1288 = arith.constant 0 : i32
      %dma_start3A_1289 = arith.constant 0 : i32
      %dma_start3A_1290 = tpu.memref_slice %arg5[%dma_start3A_1288, %dma_start3A_1289] : memref<10112x128xf32, #tpu.memory_space<vmem_shared>> -> memref<10112x128xf32, #tpu.memory_space<vmem_shared>>
      tpu.enqueue_indirect_dma source(%dma_start3A_1284 : memref<120x128xf32, #tpu.memory_space<vmem>>) target(%dma_start3A_1290 : memref<10112x128xf32, #tpu.memory_space<vmem_shared>>) offsets(%dma_start3A_1287 : memref<120xi32, #tpu.memory_space<vmem>>) semaphore(%arg17 : memref<!tpu.dma_semaphore, #tpu.memory_space<semaphore_mem>>) {add = true}
      %add3A_1291 = arith.constant 5 : i32
      %add3A_1292 = arith.addi %mul3A_649, %add3A_1291 : i32
      %sub3A_1293 = arith.constant 3 : i32
      %sub3A_1294 = arith.subi %add3A_1292, %sub3A_1293 : i32
      %jit3A_1295 = arith.constant 6 : i32
      %eq3A_1296 = arith.constant 0 : i32
      %eq3A_1297 = arith.cmpi eq, %jit3A_1295, %eq3A_1296 : i32
      %jit3A_1298 = arith.constant 1 : i32
      %select_n3A_1299 = arith.select %eq3A_1297, %jit3A_1298, %jit3A_1295 : i32
      %rem3A_1300 = arith.remsi %sub3A_1294, %select_n3A_1299 : i32
      %ne3A_1301 = arith.constant 0 : i32
      %ne3A_1302 = arith.cmpi ne, %rem3A_1300, %ne3A_1301 : i32
      %lt3A_1303 = arith.constant 0 : i32
      %lt3A_1304 = arith.cmpi slt, %rem3A_1300, %lt3A_1303 : i32
      %lt3A_1305 = arith.constant 0 : i32
      %lt3A_1306 = arith.cmpi slt, %select_n3A_1299, %lt3A_1305 : i32
      %ne3A_1307 = arith.xori %lt3A_1304, %lt3A_1306 : i1
      %and3A_1308 = arith.andi %ne3A_1307, %ne3A_1302 : i1
      %add3A_1309 = arith.addi %rem3A_1300, %select_n3A_1299 : i32
      %select_n3A_1310 = arith.select %and3A_1308, %add3A_1309, %rem3A_1300 : i32
      %dma_wait3A_1311 = arith.constant 2 : i32
      %dma_wait3A_1312 = arith.constant 1 : i32
      %dma_wait3A_1313 = arith.constant 0 : i32
      %dma_wait3A_1314 = arith.constant 0 : i32
      %dma_wait3A_1315 = tpu.memref_slice %arg7[%dma_wait3A_1311, %dma_wait3A_1313, %dma_wait3A_1314] : memref<3x120x128xf32, #tpu.memory_space<vmem>> -> memref<1x120x128xf32, #tpu.memory_space<vmem>>
      %dma_wait3A_1316 = tpu.memref_squeeze %dma_wait3A_1315 : memref<1x120x128xf32, #tpu.memory_space<vmem>> -> memref<120x128xf32, #tpu.memory_space<vmem>>
      %dma_wait3A_1317 = arith.constant 0 : i32
      %dma_wait3A_1318 = tpu.memref_slice %arg6[%select_n3A_1310, %dma_wait3A_1312, %dma_wait3A_1317] : memref<6x2x120xi32, #tpu.memory_space<vmem>> -> memref<1x1x120xi32, #tpu.memory_space<vmem>>
      %dma_wait3A_1319 = tpu.memref_squeeze %dma_wait3A_1318 : memref<1x1x120xi32, #tpu.memory_space<vmem>> -> memref<120xi32, #tpu.memory_space<vmem>>
      %dma_wait3A_1320 = arith.constant 0 : i32
      %dma_wait3A_1321 = arith.constant 0 : i32
      %dma_wait3A_1322 = tpu.memref_slice %arg5[%dma_wait3A_1320, %dma_wait3A_1321] : memref<10112x128xf32, #tpu.memory_space<vmem_shared>> -> memref<10112x128xf32, #tpu.memory_space<vmem_shared>>
      tpu.wait_indirect_dma semaphore(%arg19 : memref<!tpu.dma_semaphore, #tpu.memory_space<semaphore_mem>>) src(%dma_wait3A_1316 : memref<120x128xf32, #tpu.memory_space<vmem>>) dst(%dma_wait3A_1322 : memref<10112x128xf32, #tpu.memory_space<vmem_shared>>)
      %add3A_1323 = arith.constant 5 : i32
      %add3A_1324 = arith.addi %mul3A_649, %add3A_1323 : i32
      %dma_wait3A_1325 = arith.constant 5 : i32
      %dma_wait3A_1326 = arith.constant 0 : i32
      %dma_wait3A_1327 = arith.constant 0 : i32
      %dma_wait3A_1328 = tpu.memref_slice %arg6[%dma_wait3A_1325, %dma_wait3A_1326, %dma_wait3A_1327] : memref<6x2x120xi32, #tpu.memory_space<vmem>> -> memref<1x2x120xi32, #tpu.memory_space<vmem>>
      %dma_wait3A_1329 = tpu.memref_squeeze %dma_wait3A_1328 : memref<1x2x120xi32, #tpu.memory_space<vmem>> -> memref<2x120xi32, #tpu.memory_space<vmem>>
      %dma_wait3A_1330 = arith.constant 0 : i32
      %dma_wait3A_1331 = arith.constant 0 : i32
      %dma_wait3A_1332 = tpu.memref_slice %arg3[%add3A, %add3A_1324, %dma_wait3A_1330, %dma_wait3A_1331] : memref<32x84x2x120xi32, #tpu.memory_space<hbm>> -> memref<1x1x2x120xi32, #tpu.memory_space<hbm>>
      %dma_wait3A_1333 = tpu.memref_squeeze %dma_wait3A_1332 : memref<1x1x2x120xi32, #tpu.memory_space<hbm>> -> memref<2x120xi32, #tpu.memory_space<hbm>>
      %dma_wait3A_1334 = arith.constant 0 : i32
      %dma_wait3A_1335 = arith.constant 0 : i32
      %dma_wait3A_1336 = tpu.memref_slice %arg6[%dma_wait3A_1325, %dma_wait3A_1334, %dma_wait3A_1335] : memref<6x2x120xi32, #tpu.memory_space<vmem>> -> memref<1x2x120xi32, #tpu.memory_space<vmem>>
      %dma_wait3A_1337 = tpu.memref_squeeze %dma_wait3A_1336 : memref<1x2x120xi32, #tpu.memory_space<vmem>> -> memref<2x120xi32, #tpu.memory_space<vmem>>
      %dma_wait3A_1338 = arith.constant 0 : i32
      %dma_wait3A_1339 = arith.constant 0 : i32
      %dma_wait3A_1340 = tpu.memref_slice %arg3[%add3A, %add3A_1324, %dma_wait3A_1338, %dma_wait3A_1339] : memref<32x84x2x120xi32, #tpu.memory_space<hbm>> -> memref<1x1x2x120xi32, #tpu.memory_space<hbm>>
      %dma_wait3A_1341 = tpu.memref_squeeze %dma_wait3A_1340 : memref<1x1x2x120xi32, #tpu.memory_space<hbm>> -> memref<2x120xi32, #tpu.memory_space<hbm>>
      tpu.wait_dma2 semaphore(%arg13 : memref<!tpu.dma_semaphore, #tpu.memory_space<semaphore_mem>>) src(%dma_wait3A_1341 : memref<2x120xi32, #tpu.memory_space<hbm>>) dst(%dma_wait3A_1337 : memref<2x120xi32, #tpu.memory_space<vmem>>)
      %add3A_1342 = arith.constant 5 : i32
      %add3A_1343 = arith.addi %mul3A_649, %add3A_1342 : i32
      %jit3A_1344 = arith.constant 6 : i32
      %eq3A_1345 = arith.constant 0 : i32
      %eq3A_1346 = arith.cmpi eq, %jit3A_1344, %eq3A_1345 : i32
      %jit3A_1347 = arith.constant 1 : i32
      %select_n3A_1348 = arith.select %eq3A_1346, %jit3A_1347, %jit3A_1344 : i32
      %rem3A_1349 = arith.remsi %add3A_1343, %select_n3A_1348 : i32
      %ne3A_1350 = arith.constant 0 : i32
      %ne3A_1351 = arith.cmpi ne, %rem3A_1349, %ne3A_1350 : i32
      %lt3A_1352 = arith.constant 0 : i32
      %lt3A_1353 = arith.cmpi slt, %rem3A_1349, %lt3A_1352 : i32
      %lt3A_1354 = arith.constant 0 : i32
      %lt3A_1355 = arith.cmpi slt, %select_n3A_1348, %lt3A_1354 : i32
      %ne3A_1356 = arith.xori %lt3A_1353, %lt3A_1355 : i1
      %and3A_1357 = arith.andi %ne3A_1356, %ne3A_1351 : i1
      %add3A_1358 = arith.addi %rem3A_1349, %select_n3A_1348 : i32
      %select_n3A_1359 = arith.select %and3A_1357, %add3A_1358, %rem3A_1349 : i32
      %dma_start3A_1360 = arith.constant 0 : i32
      %dma_start3A_1361 = arith.constant 2 : i32
      %dma_start3A_1362 = arith.constant 0 : i32
      %dma_start3A_1363 = arith.constant 0 : i32
      %dma_start3A_1364 = tpu.memref_slice %arg7[%dma_start3A_1361, %dma_start3A_1362, %dma_start3A_1363] : memref<3x120x128xf32, #tpu.memory_space<vmem>> -> memref<1x120x128xf32, #tpu.memory_space<vmem>>
      %dma_start3A_1365 = tpu.memref_squeeze %dma_start3A_1364 : memref<1x120x128xf32, #tpu.memory_space<vmem>> -> memref<120x128xf32, #tpu.memory_space<vmem>>
      %dma_start3A_1366 = arith.constant 0 : i32
      %dma_start3A_1367 = tpu.memref_slice %arg6[%select_n3A_1359, %dma_start3A_1360, %dma_start3A_1366] : memref<6x2x120xi32, #tpu.memory_space<vmem>> -> memref<1x1x120xi32, #tpu.memory_space<vmem>>
      %dma_start3A_1368 = tpu.memref_squeeze %dma_start3A_1367 : memref<1x1x120xi32, #tpu.memory_space<vmem>> -> memref<120xi32, #tpu.memory_space<vmem>>
      %dma_start3A_1369 = arith.constant 0 : i32
      %dma_start3A_1370 = arith.constant 0 : i32
      %dma_start3A_1371 = tpu.memref_slice %arg2[%dma_start3A_1369, %dma_start3A_1370] : memref<10112x128xf32, #tpu.memory_space<hbm>> -> memref<10112x128xf32, #tpu.memory_space<hbm>>
      tpu.enqueue_indirect_dma source(%dma_start3A_1371 : memref<10112x128xf32, #tpu.memory_space<hbm>>) target(%dma_start3A_1365 : memref<120x128xf32, #tpu.memory_space<vmem>>) offsets(%dma_start3A_1368 : memref<120xi32, #tpu.memory_space<vmem>>) semaphore(%arg16 : memref<!tpu.dma_semaphore, #tpu.memory_space<semaphore_mem>>)
      %dma_wait3A_1372 = arith.constant 4 : i32
      %dma_wait3A_1373 = arith.constant 0 : i32
      %dma_wait3A_1374 = arith.constant 1 : i32
      %dma_wait3A_1375 = arith.constant 0 : i32
      %dma_wait3A_1376 = arith.constant 0 : i32
      %dma_wait3A_1377 = tpu.memref_slice %arg7[%dma_wait3A_1374, %dma_wait3A_1375, %dma_wait3A_1376] : memref<3x120x128xf32, #tpu.memory_space<vmem>> -> memref<1x120x128xf32, #tpu.memory_space<vmem>>
      %dma_wait3A_1378 = tpu.memref_squeeze %dma_wait3A_1377 : memref<1x120x128xf32, #tpu.memory_space<vmem>> -> memref<120x128xf32, #tpu.memory_space<vmem>>
      %dma_wait3A_1379 = arith.constant 0 : i32
      %dma_wait3A_1380 = tpu.memref_slice %arg6[%dma_wait3A_1372, %dma_wait3A_1373, %dma_wait3A_1379] : memref<6x2x120xi32, #tpu.memory_space<vmem>> -> memref<1x1x120xi32, #tpu.memory_space<vmem>>
      %dma_wait3A_1381 = tpu.memref_squeeze %dma_wait3A_1380 : memref<1x1x120xi32, #tpu.memory_space<vmem>> -> memref<120xi32, #tpu.memory_space<vmem>>
      %dma_wait3A_1382 = arith.constant 0 : i32
      %dma_wait3A_1383 = arith.constant 0 : i32
      %dma_wait3A_1384 = tpu.memref_slice %arg2[%dma_wait3A_1382, %dma_wait3A_1383] : memref<10112x128xf32, #tpu.memory_space<hbm>> -> memref<10112x128xf32, #tpu.memory_space<hbm>>
      tpu.wait_indirect_dma semaphore(%arg15 : memref<!tpu.dma_semaphore, #tpu.memory_space<semaphore_mem>>) src(%dma_wait3A_1384 : memref<10112x128xf32, #tpu.memory_space<hbm>>) dst(%dma_wait3A_1378 : memref<120x128xf32, #tpu.memory_space<vmem>>)
      %add3A_1385 = arith.constant 5 : i32
      %add3A_1386 = arith.addi %mul3A_649, %add3A_1385 : i32
      %add3A_1387 = arith.constant 2 : i32
      %add3A_1388 = arith.addi %add3A_1386, %add3A_1387 : i32
      %min3A_1389 = arith.constant 83 : i32
      %min3A_1390 = arith.minsi %add3A_1388, %min3A_1389 : i32
      %dma_start3A_1391 = arith.constant 1 : i32
      %dma_start3A_1392 = arith.constant 0 : i32
      %dma_start3A_1393 = arith.constant 0 : i32
      %dma_start3A_1394 = tpu.memref_slice %arg6[%dma_start3A_1391, %dma_start3A_1392, %dma_start3A_1393] : memref<6x2x120xi32, #tpu.memory_space<vmem>> -> memref<1x2x120xi32, #tpu.memory_space<vmem>>
      %dma_start3A_1395 = tpu.memref_squeeze %dma_start3A_1394 : memref<1x2x120xi32, #tpu.memory_space<vmem>> -> memref<2x120xi32, #tpu.memory_space<vmem>>
      %dma_start3A_1396 = arith.constant 0 : i32
      %dma_start3A_1397 = arith.constant 0 : i32
      %dma_start3A_1398 = tpu.memref_slice %arg3[%add3A, %min3A_1390, %dma_start3A_1396, %dma_start3A_1397] : memref<32x84x2x120xi32, #tpu.memory_space<hbm>> -> memref<1x1x2x120xi32, #tpu.memory_space<hbm>>
      %dma_start3A_1399 = tpu.memref_squeeze %dma_start3A_1398 : memref<1x1x2x120xi32, #tpu.memory_space<hbm>> -> memref<2x120xi32, #tpu.memory_space<hbm>>
      %dma_start3A_1400 = arith.constant 0 : i32
      %dma_start3A_1401 = arith.constant 0 : i32
      %dma_start3A_1402 = tpu.memref_slice %arg6[%dma_start3A_1391, %dma_start3A_1400, %dma_start3A_1401] : memref<6x2x120xi32, #tpu.memory_space<vmem>> -> memref<1x2x120xi32, #tpu.memory_space<vmem>>
      %dma_start3A_1403 = tpu.memref_squeeze %dma_start3A_1402 : memref<1x2x120xi32, #tpu.memory_space<vmem>> -> memref<2x120xi32, #tpu.memory_space<vmem>>
      %dma_start3A_1404 = arith.constant 0 : i32
      %dma_start3A_1405 = arith.constant 0 : i32
      %dma_start3A_1406 = tpu.memref_slice %arg3[%add3A, %min3A_1390, %dma_start3A_1404, %dma_start3A_1405] : memref<32x84x2x120xi32, #tpu.memory_space<hbm>> -> memref<1x1x2x120xi32, #tpu.memory_space<hbm>>
      %dma_start3A_1407 = tpu.memref_squeeze %dma_start3A_1406 : memref<1x1x2x120xi32, #tpu.memory_space<hbm>> -> memref<2x120xi32, #tpu.memory_space<hbm>>
      tpu.enqueue_dma source(%dma_start3A_1407 : memref<2x120xi32, #tpu.memory_space<hbm>>) target(%dma_start3A_1403 : memref<2x120xi32, #tpu.memory_space<vmem>>) target_semaphore(%arg9 : memref<!tpu.dma_semaphore, #tpu.memory_space<semaphore_mem>>)
      %dma_start3A_1408 = arith.constant 1 : i32
      %dma_start3A_1409 = arith.constant 4 : i32
      %dma_start3A_1410 = arith.constant 1 : i32
      %dma_start3A_1411 = arith.constant 0 : i32
      %dma_start3A_1412 = arith.constant 0 : i32
      %dma_start3A_1413 = tpu.memref_slice %arg7[%dma_start3A_1408, %dma_start3A_1411, %dma_start3A_1412] : memref<3x120x128xf32, #tpu.memory_space<vmem>> -> memref<1x120x128xf32, #tpu.memory_space<vmem>>
      %dma_start3A_1414 = tpu.memref_squeeze %dma_start3A_1413 : memref<1x120x128xf32, #tpu.memory_space<vmem>> -> memref<120x128xf32, #tpu.memory_space<vmem>>
      %dma_start3A_1415 = arith.constant 0 : i32
      %dma_start3A_1416 = tpu.memref_slice %arg6[%dma_start3A_1409, %dma_start3A_1410, %dma_start3A_1415] : memref<6x2x120xi32, #tpu.memory_space<vmem>> -> memref<1x1x120xi32, #tpu.memory_space<vmem>>
      %dma_start3A_1417 = tpu.memref_squeeze %dma_start3A_1416 : memref<1x1x120xi32, #tpu.memory_space<vmem>> -> memref<120xi32, #tpu.memory_space<vmem>>
      %dma_start3A_1418 = arith.constant 0 : i32
      %dma_start3A_1419 = arith.constant 0 : i32
      %dma_start3A_1420 = tpu.memref_slice %arg5[%dma_start3A_1418, %dma_start3A_1419] : memref<10112x128xf32, #tpu.memory_space<vmem_shared>> -> memref<10112x128xf32, #tpu.memory_space<vmem_shared>>
      tpu.enqueue_indirect_dma source(%dma_start3A_1414 : memref<120x128xf32, #tpu.memory_space<vmem>>) target(%dma_start3A_1420 : memref<10112x128xf32, #tpu.memory_space<vmem_shared>>) offsets(%dma_start3A_1417 : memref<120xi32, #tpu.memory_space<vmem>>) semaphore(%arg18 : memref<!tpu.dma_semaphore, #tpu.memory_space<semaphore_mem>>) {add = true}
      %scan3A_1421 = arith.constant 0 : i32
      scf.yield %scan3A_1421 : i32
    }
    %scan3A_539 = arith.constant 13 : i32
    %dma_wait3A_540 = arith.constant 5 : i32
    %dma_wait3A_541 = arith.constant 0 : i32
    %dma_wait3A_542 = arith.constant 2 : i32
    %dma_wait3A_543 = arith.constant 0 : i32
    %dma_wait3A_544 = arith.constant 0 : i32
    %dma_wait3A_545 = tpu.memref_slice %arg7[%dma_wait3A_542, %dma_wait3A_543, %dma_wait3A_544] : memref<3x120x128xf32, #tpu.memory_space<vmem>> -> memref<1x120x128xf32, #tpu.memory_space<vmem>>
    %dma_wait3A_546 = tpu.memref_squeeze %dma_wait3A_545 : memref<1x120x128xf32, #tpu.memory_space<vmem>> -> memref<120x128xf32, #tpu.memory_space<vmem>>
    %dma_wait3A_547 = arith.constant 0 : i32
    %dma_wait3A_548 = tpu.memref_slice %arg6[%dma_wait3A_540, %dma_wait3A_541, %dma_wait3A_547] : memref<6x2x120xi32, #tpu.memory_space<vmem>> -> memref<1x1x120xi32, #tpu.memory_space<vmem>>
    %dma_wait3A_549 = tpu.memref_squeeze %dma_wait3A_548 : memref<1x1x120xi32, #tpu.memory_space<vmem>> -> memref<120xi32, #tpu.memory_space<vmem>>
    %dma_wait3A_550 = arith.constant 0 : i32
    %dma_wait3A_551 = arith.constant 0 : i32
    %dma_wait3A_552 = tpu.memref_slice %arg2[%dma_wait3A_550, %dma_wait3A_551] : memref<10112x128xf32, #tpu.memory_space<hbm>> -> memref<10112x128xf32, #tpu.memory_space<hbm>>
    tpu.wait_indirect_dma semaphore(%arg16 : memref<!tpu.dma_semaphore, #tpu.memory_space<semaphore_mem>>) src(%dma_wait3A_552 : memref<10112x128xf32, #tpu.memory_space<hbm>>) dst(%dma_wait3A_546 : memref<120x128xf32, #tpu.memory_space<vmem>>)
    %dma_start3A_553 = arith.constant 2 : i32
    %dma_start3A_554 = arith.constant 5 : i32
    %dma_start3A_555 = arith.constant 1 : i32
    %dma_start3A_556 = arith.constant 0 : i32
    %dma_start3A_557 = arith.constant 0 : i32
    %dma_start3A_558 = tpu.memref_slice %arg7[%dma_start3A_553, %dma_start3A_556, %dma_start3A_557] : memref<3x120x128xf32, #tpu.memory_space<vmem>> -> memref<1x120x128xf32, #tpu.memory_space<vmem>>
    %dma_start3A_559 = tpu.memref_squeeze %dma_start3A_558 : memref<1x120x128xf32, #tpu.memory_space<vmem>> -> memref<120x128xf32, #tpu.memory_space<vmem>>
    %dma_start3A_560 = arith.constant 0 : i32
    %dma_start3A_561 = tpu.memref_slice %arg6[%dma_start3A_554, %dma_start3A_555, %dma_start3A_560] : memref<6x2x120xi32, #tpu.memory_space<vmem>> -> memref<1x1x120xi32, #tpu.memory_space<vmem>>
    %dma_start3A_562 = tpu.memref_squeeze %dma_start3A_561 : memref<1x1x120xi32, #tpu.memory_space<vmem>> -> memref<120xi32, #tpu.memory_space<vmem>>
    %dma_start3A_563 = arith.constant 0 : i32
    %dma_start3A_564 = arith.constant 0 : i32
    %dma_start3A_565 = tpu.memref_slice %arg5[%dma_start3A_563, %dma_start3A_564] : memref<10112x128xf32, #tpu.memory_space<vmem_shared>> -> memref<10112x128xf32, #tpu.memory_space<vmem_shared>>
    tpu.enqueue_indirect_dma source(%dma_start3A_559 : memref<120x128xf32, #tpu.memory_space<vmem>>) target(%dma_start3A_565 : memref<10112x128xf32, #tpu.memory_space<vmem_shared>>) offsets(%dma_start3A_562 : memref<120xi32, #tpu.memory_space<vmem>>) semaphore(%arg19 : memref<!tpu.dma_semaphore, #tpu.memory_space<semaphore_mem>>) {add = true}
    %dma_wait3A_566 = arith.constant 0 : i32
    %dma_wait3A_567 = arith.constant 3 : i32
    %dma_wait3A_568 = arith.constant 1 : i32
    %dma_wait3A_569 = arith.constant 0 : i32
    %dma_wait3A_570 = arith.constant 0 : i32
    %dma_wait3A_571 = tpu.memref_slice %arg7[%dma_wait3A_566, %dma_wait3A_569, %dma_wait3A_570] : memref<3x120x128xf32, #tpu.memory_space<vmem>> -> memref<1x120x128xf32, #tpu.memory_space<vmem>>
    %dma_wait3A_572 = tpu.memref_squeeze %dma_wait3A_571 : memref<1x120x128xf32, #tpu.memory_space<vmem>> -> memref<120x128xf32, #tpu.memory_space<vmem>>
    %dma_wait3A_573 = arith.constant 0 : i32
    %dma_wait3A_574 = tpu.memref_slice %arg6[%dma_wait3A_567, %dma_wait3A_568, %dma_wait3A_573] : memref<6x2x120xi32, #tpu.memory_space<vmem>> -> memref<1x1x120xi32, #tpu.memory_space<vmem>>
    %dma_wait3A_575 = tpu.memref_squeeze %dma_wait3A_574 : memref<1x1x120xi32, #tpu.memory_space<vmem>> -> memref<120xi32, #tpu.memory_space<vmem>>
    %dma_wait3A_576 = arith.constant 0 : i32
    %dma_wait3A_577 = arith.constant 0 : i32
    %dma_wait3A_578 = tpu.memref_slice %arg5[%dma_wait3A_576, %dma_wait3A_577] : memref<10112x128xf32, #tpu.memory_space<vmem_shared>> -> memref<10112x128xf32, #tpu.memory_space<vmem_shared>>
    tpu.wait_indirect_dma semaphore(%arg17 : memref<!tpu.dma_semaphore, #tpu.memory_space<semaphore_mem>>) src(%dma_wait3A_572 : memref<120x128xf32, #tpu.memory_space<vmem>>) dst(%dma_wait3A_578 : memref<10112x128xf32, #tpu.memory_space<vmem_shared>>)
    %dma_wait3A_579 = arith.constant 1 : i32
    %dma_wait3A_580 = arith.constant 4 : i32
    %dma_wait3A_581 = arith.constant 1 : i32
    %dma_wait3A_582 = arith.constant 0 : i32
    %dma_wait3A_583 = arith.constant 0 : i32
    %dma_wait3A_584 = tpu.memref_slice %arg7[%dma_wait3A_579, %dma_wait3A_582, %dma_wait3A_583] : memref<3x120x128xf32, #tpu.memory_space<vmem>> -> memref<1x120x128xf32, #tpu.memory_space<vmem>>
    %dma_wait3A_585 = tpu.memref_squeeze %dma_wait3A_584 : memref<1x120x128xf32, #tpu.memory_space<vmem>> -> memref<120x128xf32, #tpu.memory_space<vmem>>
    %dma_wait3A_586 = arith.constant 0 : i32
    %dma_wait3A_587 = tpu.memref_slice %arg6[%dma_wait3A_580, %dma_wait3A_581, %dma_wait3A_586] : memref<6x2x120xi32, #tpu.memory_space<vmem>> -> memref<1x1x120xi32, #tpu.memory_space<vmem>>
    %dma_wait3A_588 = tpu.memref_squeeze %dma_wait3A_587 : memref<1x1x120xi32, #tpu.memory_space<vmem>> -> memref<120xi32, #tpu.memory_space<vmem>>
    %dma_wait3A_589 = arith.constant 0 : i32
    %dma_wait3A_590 = arith.constant 0 : i32
    %dma_wait3A_591 = tpu.memref_slice %arg5[%dma_wait3A_589, %dma_wait3A_590] : memref<10112x128xf32, #tpu.memory_space<vmem_shared>> -> memref<10112x128xf32, #tpu.memory_space<vmem_shared>>
    tpu.wait_indirect_dma semaphore(%arg18 : memref<!tpu.dma_semaphore, #tpu.memory_space<semaphore_mem>>) src(%dma_wait3A_585 : memref<120x128xf32, #tpu.memory_space<vmem>>) dst(%dma_wait3A_591 : memref<10112x128xf32, #tpu.memory_space<vmem_shared>>)
    %dma_wait3A_592 = arith.constant 2 : i32
    %dma_wait3A_593 = arith.constant 5 : i32
    %dma_wait3A_594 = arith.constant 1 : i32
    %dma_wait3A_595 = arith.constant 0 : i32
    %dma_wait3A_596 = arith.constant 0 : i32
    %dma_wait3A_597 = tpu.memref_slice %arg7[%dma_wait3A_592, %dma_wait3A_595, %dma_wait3A_596] : memref<3x120x128xf32, #tpu.memory_space<vmem>> -> memref<1x120x128xf32, #tpu.memory_space<vmem>>
    %dma_wait3A_598 = tpu.memref_squeeze %dma_wait3A_597 : memref<1x120x128xf32, #tpu.memory_space<vmem>> -> memref<120x128xf32, #tpu.memory_space<vmem>>
    %dma_wait3A_599 = arith.constant 0 : i32
    %dma_wait3A_600 = tpu.memref_slice %arg6[%dma_wait3A_593, %dma_wait3A_594, %dma_wait3A_599] : memref<6x2x120xi32, #tpu.memory_space<vmem>> -> memref<1x1x120xi32, #tpu.memory_space<vmem>>
    %dma_wait3A_601 = tpu.memref_squeeze %dma_wait3A_600 : memref<1x1x120xi32, #tpu.memory_space<vmem>> -> memref<120xi32, #tpu.memory_space<vmem>>
    %dma_wait3A_602 = arith.constant 0 : i32
    %dma_wait3A_603 = arith.constant 0 : i32
    %dma_wait3A_604 = tpu.memref_slice %arg5[%dma_wait3A_602, %dma_wait3A_603] : memref<10112x128xf32, #tpu.memory_space<vmem_shared>> -> memref<10112x128xf32, #tpu.memory_space<vmem_shared>>
    tpu.wait_indirect_dma semaphore(%arg19 : memref<!tpu.dma_semaphore, #tpu.memory_space<semaphore_mem>>) src(%dma_wait3A_598 : memref<120x128xf32, #tpu.memory_space<vmem>>) dst(%dma_wait3A_604 : memref<10112x128xf32, #tpu.memory_space<vmem_shared>>)
    %dma_wait3A_605 = arith.constant 83 : i32
    %dma_wait3A_606 = arith.constant 0 : i32
    %dma_wait3A_607 = arith.constant 0 : i32
    %dma_wait3A_608 = arith.constant 0 : i32
    %dma_wait3A_609 = tpu.memref_slice %arg6[%dma_wait3A_606, %dma_wait3A_607, %dma_wait3A_608] : memref<6x2x120xi32, #tpu.memory_space<vmem>> -> memref<1x2x120xi32, #tpu.memory_space<vmem>>
    %dma_wait3A_610 = tpu.memref_squeeze %dma_wait3A_609 : memref<1x2x120xi32, #tpu.memory_space<vmem>> -> memref<2x120xi32, #tpu.memory_space<vmem>>
    %dma_wait3A_611 = arith.constant 0 : i32
    %dma_wait3A_612 = arith.constant 0 : i32
    %dma_wait3A_613 = tpu.memref_slice %arg3[%add3A, %dma_wait3A_605, %dma_wait3A_611, %dma_wait3A_612] : memref<32x84x2x120xi32, #tpu.memory_space<hbm>> -> memref<1x1x2x120xi32, #tpu.memory_space<hbm>>
    %dma_wait3A_614 = tpu.memref_squeeze %dma_wait3A_613 : memref<1x1x2x120xi32, #tpu.memory_space<hbm>> -> memref<2x120xi32, #tpu.memory_space<hbm>>
    %dma_wait3A_615 = arith.constant 0 : i32
    %dma_wait3A_616 = arith.constant 0 : i32
    %dma_wait3A_617 = tpu.memref_slice %arg6[%dma_wait3A_606, %dma_wait3A_615, %dma_wait3A_616] : memref<6x2x120xi32, #tpu.memory_space<vmem>> -> memref<1x2x120xi32, #tpu.memory_space<vmem>>
    %dma_wait3A_618 = tpu.memref_squeeze %dma_wait3A_617 : memref<1x2x120xi32, #tpu.memory_space<vmem>> -> memref<2x120xi32, #tpu.memory_space<vmem>>
    %dma_wait3A_619 = arith.constant 0 : i32
    %dma_wait3A_620 = arith.constant 0 : i32
    %dma_wait3A_621 = tpu.memref_slice %arg3[%add3A, %dma_wait3A_605, %dma_wait3A_619, %dma_wait3A_620] : memref<32x84x2x120xi32, #tpu.memory_space<hbm>> -> memref<1x1x2x120xi32, #tpu.memory_space<hbm>>
    %dma_wait3A_622 = tpu.memref_squeeze %dma_wait3A_621 : memref<1x1x2x120xi32, #tpu.memory_space<hbm>> -> memref<2x120xi32, #tpu.memory_space<hbm>>
    tpu.wait_dma2 semaphore(%arg8 : memref<!tpu.dma_semaphore, #tpu.memory_space<semaphore_mem>>) src(%dma_wait3A_622 : memref<2x120xi32, #tpu.memory_space<hbm>>) dst(%dma_wait3A_618 : memref<2x120xi32, #tpu.memory_space<vmem>>)
    %dma_wait3A_623 = arith.constant 83 : i32
    %dma_wait3A_624 = arith.constant 1 : i32
    %dma_wait3A_625 = arith.constant 0 : i32
    %dma_wait3A_626 = arith.constant 0 : i32
    %dma_wait3A_627 = tpu.memref_slice %arg6[%dma_wait3A_624, %dma_wait3A_625, %dma_wait3A_626] : memref<6x2x120xi32, #tpu.memory_space<vmem>> -> memref<1x2x120xi32, #tpu.memory_space<vmem>>
    %dma_wait3A_628 = tpu.memref_squeeze %dma_wait3A_627 : memref<1x2x120xi32, #tpu.memory_space<vmem>> -> memref<2x120xi32, #tpu.memory_space<vmem>>
    %dma_wait3A_629 = arith.constant 0 : i32
    %dma_wait3A_630 = arith.constant 0 : i32
    %dma_wait3A_631 = tpu.memref_slice %arg3[%add3A, %dma_wait3A_623, %dma_wait3A_629, %dma_wait3A_630] : memref<32x84x2x120xi32, #tpu.memory_space<hbm>> -> memref<1x1x2x120xi32, #tpu.memory_space<hbm>>
    %dma_wait3A_632 = tpu.memref_squeeze %dma_wait3A_631 : memref<1x1x2x120xi32, #tpu.memory_space<hbm>> -> memref<2x120xi32, #tpu.memory_space<hbm>>
    %dma_wait3A_633 = arith.constant 0 : i32
    %dma_wait3A_634 = arith.constant 0 : i32
    %dma_wait3A_635 = tpu.memref_slice %arg6[%dma_wait3A_624, %dma_wait3A_633, %dma_wait3A_634] : memref<6x2x120xi32, #tpu.memory_space<vmem>> -> memref<1x2x120xi32, #tpu.memory_space<vmem>>
    %dma_wait3A_636 = tpu.memref_squeeze %dma_wait3A_635 : memref<1x2x120xi32, #tpu.memory_space<vmem>> -> memref<2x120xi32, #tpu.memory_space<vmem>>
    %dma_wait3A_637 = arith.constant 0 : i32
    %dma_wait3A_638 = arith.constant 0 : i32
    %dma_wait3A_639 = tpu.memref_slice %arg3[%add3A, %dma_wait3A_623, %dma_wait3A_637, %dma_wait3A_638] : memref<32x84x2x120xi32, #tpu.memory_space<hbm>> -> memref<1x1x2x120xi32, #tpu.memory_space<hbm>>
    %dma_wait3A_640 = tpu.memref_squeeze %dma_wait3A_639 : memref<1x1x2x120xi32, #tpu.memory_space<hbm>> -> memref<2x120xi32, #tpu.memory_space<hbm>>
    tpu.wait_dma2 semaphore(%arg9 : memref<!tpu.dma_semaphore, #tpu.memory_space<semaphore_mem>>) src(%dma_wait3A_640 : memref<2x120xi32, #tpu.memory_space<hbm>>) dst(%dma_wait3A_636 : memref<2x120xi32, #tpu.memory_space<vmem>>)
    %barrier3A_641 = arith.constant 0 : index
    tpu.barrier barrier_id(%barrier3A_641)
    %mul3A_642 = arith.constant 632 : i32
    %mul3A_643 = arith.muli %arg1, %mul3A_642 : i32
    %mul3A_644 = arith.constant 632 : i32
    %mul3A_645 = arith.muli %arg1, %mul3A_644 : i32
    "tpu.region"() ({
      %run_scoped3A_646 = tpu.sem_alloc : memref<!tpu.dma_semaphore, #tpu.memory_space<semaphore_mem>>
      %dma_start3A_647 = arith.constant 0 : i32
      %dma_start3A_648 = tpu.memref_slice %arg4[%arg0, %mul3A_645, %dma_start3A_647] : memref<2x10112x128xf32, #tpu.memory_space<hbm>> -> memref<1x632x128xf32, #tpu.memory_space<hbm>>
      %dma_start3A_649 = tpu.memref_squeeze %dma_start3A_648 : memref<1x632x128xf32, #tpu.memory_space<hbm>> -> memref<632x128xf32, #tpu.memory_space<hbm>>
      %dma_start3A_650 = arith.constant 0 : i32
      %dma_start3A_651 = tpu.memref_slice %arg5[%mul3A_643, %dma_start3A_650] : memref<10112x128xf32, #tpu.memory_space<vmem_shared>> -> memref<632x128xf32, #tpu.memory_space<vmem_shared>>
      tpu.enqueue_dma source(%dma_start3A_651 : memref<632x128xf32, #tpu.memory_space<vmem_shared>>) target(%dma_start3A_649 : memref<632x128xf32, #tpu.memory_space<hbm>>) target_semaphore(%run_scoped3A_646 : memref<!tpu.dma_semaphore, #tpu.memory_space<semaphore_mem>>)
      %dma_wait3A_652 = arith.constant 0 : i32
      %dma_wait3A_653 = tpu.memref_slice %arg4[%arg0, %mul3A_645, %dma_wait3A_652] : memref<2x10112x128xf32, #tpu.memory_space<hbm>> -> memref<1x632x128xf32, #tpu.memory_space<hbm>>
      %dma_wait3A_654 = tpu.memref_squeeze %dma_wait3A_653 : memref<1x632x128xf32, #tpu.memory_space<hbm>> -> memref<632x128xf32, #tpu.memory_space<hbm>>
      %dma_wait3A_655 = arith.constant 0 : i32
      %dma_wait3A_656 = tpu.memref_slice %arg5[%mul3A_643, %dma_wait3A_655] : memref<10112x128xf32, #tpu.memory_space<vmem_shared>> -> memref<632x128xf32, #tpu.memory_space<vmem_shared>>
      tpu.wait_dma2 semaphore(%run_scoped3A_646 : memref<!tpu.dma_semaphore, #tpu.memory_space<semaphore_mem>>) src(%dma_wait3A_656 : memref<632x128xf32, #tpu.memory_space<vmem_shared>>) dst(%dma_wait3A_654 : memref<632x128xf32, #tpu.memory_space<hbm>>)
      tpu.yield
    }) : () -> ()
    return
  }
}

#map = affine_map<(d0, d1) -> (0, 0, 0)>
module attributes {stable_mosaic.version = 14 : i64} {
  func.func @k(%arg0: i32, %arg1: i32, %arg2: memref<32x84x120xi32, #tpu.memory_space<hbm>>, %arg3: memref<2x10112x128xf32, #tpu.memory_space<hbm>>, %arg4: memref<10112x128xf32, #tpu.memory_space<vmem_shared>>, %arg5: memref<84x120xi32, #tpu.memory_space<vmem>>, %arg6: memref<120x128xf32, #tpu.memory_space<vmem>>, %arg7: memref<16x128xf32, #tpu.memory_space<vmem>>, %arg8: memref<!tpu.dma_semaphore, #tpu.memory_space<semaphore_mem>>, %arg9: memref<!tpu.dma_semaphore, #tpu.memory_space<semaphore_mem>>, %arg10: memref<!tpu.dma_semaphore, #tpu.memory_space<semaphore_mem>>, %arg11: memref<!tpu.dma_semaphore, #tpu.memory_space<semaphore_mem>>) attributes {dimension_semantics = [#tpu.dimension_semantics<core_parallel>, #tpu.dimension_semantics<subcore_parallel>], iteration_bounds = array<i64: 2, 16>, scalar_prefetch = 0 : i64, scratch_operands = 8 : i64, tpu.core_type = #tpu.core_type<sc_vector_subcore>, window_params = [{transform_indices = #map}, {transform_indices = #map}]} {
    %mul3A = arith.constant 16 : i32
    %mul3A_0 = arith.muli %arg0, %mul3A : i32
    %add3A = arith.addi %mul3A_0, %arg1 : i32
    "tpu.region"() ({
      %run_scoped3A = tpu.sem_alloc : memref<!tpu.dma_semaphore, #tpu.memory_space<semaphore_mem>>
      %dma_start3A_91 = arith.constant 0 : i32
      %dma_start3A_92 = arith.constant 0 : i32
      %dma_start3A_93 = tpu.memref_slice %arg2[%add3A, %dma_start3A_91, %dma_start3A_92] : memref<32x84x120xi32, #tpu.memory_space<hbm>> -> memref<1x84x120xi32, #tpu.memory_space<hbm>>
      %dma_start3A_94 = tpu.memref_squeeze %dma_start3A_93 : memref<1x84x120xi32, #tpu.memory_space<hbm>> -> memref<84x120xi32, #tpu.memory_space<hbm>>
      %dma_start3A_95 = arith.constant 0 : i32
      %dma_start3A_96 = arith.constant 0 : i32
      %dma_start3A_97 = tpu.memref_slice %arg2[%add3A, %dma_start3A_95, %dma_start3A_96] : memref<32x84x120xi32, #tpu.memory_space<hbm>> -> memref<1x84x120xi32, #tpu.memory_space<hbm>>
      %dma_start3A_98 = tpu.memref_squeeze %dma_start3A_97 : memref<1x84x120xi32, #tpu.memory_space<hbm>> -> memref<84x120xi32, #tpu.memory_space<hbm>>
      tpu.enqueue_dma source(%dma_start3A_98 : memref<84x120xi32, #tpu.memory_space<hbm>>) target(%arg5 : memref<84x120xi32, #tpu.memory_space<vmem>>) target_semaphore(%run_scoped3A : memref<!tpu.dma_semaphore, #tpu.memory_space<semaphore_mem>>)
      %dma_wait3A_99 = arith.constant 0 : i32
      %dma_wait3A_100 = arith.constant 0 : i32
      %dma_wait3A_101 = tpu.memref_slice %arg2[%add3A, %dma_wait3A_99, %dma_wait3A_100] : memref<32x84x120xi32, #tpu.memory_space<hbm>> -> memref<1x84x120xi32, #tpu.memory_space<hbm>>
      %dma_wait3A_102 = tpu.memref_squeeze %dma_wait3A_101 : memref<1x84x120xi32, #tpu.memory_space<hbm>> -> memref<84x120xi32, #tpu.memory_space<hbm>>
      %dma_wait3A_103 = arith.constant 0 : i32
      %dma_wait3A_104 = arith.constant 0 : i32
      %dma_wait3A_105 = tpu.memref_slice %arg2[%add3A, %dma_wait3A_103, %dma_wait3A_104] : memref<32x84x120xi32, #tpu.memory_space<hbm>> -> memref<1x84x120xi32, #tpu.memory_space<hbm>>
      %dma_wait3A_106 = tpu.memref_squeeze %dma_wait3A_105 : memref<1x84x120xi32, #tpu.memory_space<hbm>> -> memref<84x120xi32, #tpu.memory_space<hbm>>
      tpu.wait_dma2 semaphore(%run_scoped3A : memref<!tpu.dma_semaphore, #tpu.memory_space<semaphore_mem>>) src(%dma_wait3A_106 : memref<84x120xi32, #tpu.memory_space<hbm>>) dst(%arg5 : memref<84x120xi32, #tpu.memory_space<vmem>>)
      tpu.yield
    }) : () -> ()
    %scan3A = arith.constant 0 : i32
    %scan3A_1 = arith.constant 0 : i32
    %scan3A_2 = arith.constant 120 : i32
    %scan3A_3 = arith.addi %scan3A_1, %scan3A_2 : i32
    %scan3A_4 = arith.constant 1 : i32
    %scan3A_5 = scf.for %scan3A_91 = %scan3A_1 to %scan3A_3 step %scan3A_4 iter_args(%scan3A_92 = %scan3A) -> (i32)  : i32 {
      %broadcast_in_dim3A = arith.constant 1.000000e+00 : f32
      %broadcast_in_dim3A_93 = vector.broadcast %broadcast_in_dim3A : f32 to vector<16xf32>
      %swap3A = arith.index_cast %scan3A_91 : i32 to index
      %swap3A_94 = arith.constant 0 : index
      %swap3A_95 = tpu.vector_load %arg6[%swap3A, %swap3A_94] {strides = array<i32>} : memref<120x128xf32, #tpu.memory_space<vmem>>, vector<1x16xf32>,
      %swap3A_96 = vector.shape_cast %swap3A_95 : vector<1x16xf32> to vector<16xf32>
      %swap3A_97 = vector.shape_cast %broadcast_in_dim3A_93 : vector<16xf32> to vector<1x16xf32>
      tpu.vector_store %arg6[%swap3A, %swap3A_94], %swap3A_97 {strides = array<i32>} : memref<120x128xf32, #tpu.memory_space<vmem>>, vector<1x16xf32>,
      %broadcast_in_dim3A_98 = arith.constant 1.000000e+00 : f32
      %broadcast_in_dim3A_99 = vector.broadcast %broadcast_in_dim3A_98 : f32 to vector<16xf32>
      %swap3A_100 = arith.index_cast %scan3A_91 : i32 to index
      %swap3A_101 = arith.constant 16 : index
      %swap3A_102 = tpu.vector_load %arg6[%swap3A_100, %swap3A_101] {strides = array<i32>} : memref<120x128xf32, #tpu.memory_space<vmem>>, vector<1x16xf32>,
      %swap3A_103 = vector.shape_cast %swap3A_102 : vector<1x16xf32> to vector<16xf32>
      %swap3A_104 = vector.shape_cast %broadcast_in_dim3A_99 : vector<16xf32> to vector<1x16xf32>
      tpu.vector_store %arg6[%swap3A_100, %swap3A_101], %swap3A_104 {strides = array<i32>} : memref<120x128xf32, #tpu.memory_space<vmem>>, vector<1x16xf32>,
      %broadcast_in_dim3A_105 = arith.constant 1.000000e+00 : f32
      %broadcast_in_dim3A_106 = vector.broadcast %broadcast_in_dim3A_105 : f32 to vector<16xf32>
      %swap3A_107 = arith.index_cast %scan3A_91 : i32 to index
      %swap3A_108 = arith.constant 32 : index
      %swap3A_109 = tpu.vector_load %arg6[%swap3A_107, %swap3A_108] {strides = array<i32>} : memref<120x128xf32, #tpu.memory_space<vmem>>, vector<1x16xf32>,
      %swap3A_110 = vector.shape_cast %swap3A_109 : vector<1x16xf32> to vector<16xf32>
      %swap3A_111 = vector.shape_cast %broadcast_in_dim3A_106 : vector<16xf32> to vector<1x16xf32>
      tpu.vector_store %arg6[%swap3A_107, %swap3A_108], %swap3A_111 {strides = array<i32>} : memref<120x128xf32, #tpu.memory_space<vmem>>, vector<1x16xf32>,
      %broadcast_in_dim3A_112 = arith.constant 1.000000e+00 : f32
      %broadcast_in_dim3A_113 = vector.broadcast %broadcast_in_dim3A_112 : f32 to vector<16xf32>
      %swap3A_114 = arith.index_cast %scan3A_91 : i32 to index
      %swap3A_115 = arith.constant 48 : index
      %swap3A_116 = tpu.vector_load %arg6[%swap3A_114, %swap3A_115] {strides = array<i32>} : memref<120x128xf32, #tpu.memory_space<vmem>>, vector<1x16xf32>,
      %swap3A_117 = vector.shape_cast %swap3A_116 : vector<1x16xf32> to vector<16xf32>
      %swap3A_118 = vector.shape_cast %broadcast_in_dim3A_113 : vector<16xf32> to vector<1x16xf32>
      tpu.vector_store %arg6[%swap3A_114, %swap3A_115], %swap3A_118 {strides = array<i32>} : memref<120x128xf32, #tpu.memory_space<vmem>>, vector<1x16xf32>,
      %broadcast_in_dim3A_119 = arith.constant 1.000000e+00 : f32
      %broadcast_in_dim3A_120 = vector.broadcast %broadcast_in_dim3A_119 : f32 to vector<16xf32>
      %swap3A_121 = arith.index_cast %scan3A_91 : i32 to index
      %swap3A_122 = arith.constant 64 : index
      %swap3A_123 = tpu.vector_load %arg6[%swap3A_121, %swap3A_122] {strides = array<i32>} : memref<120x128xf32, #tpu.memory_space<vmem>>, vector<1x16xf32>,
      %swap3A_124 = vector.shape_cast %swap3A_123 : vector<1x16xf32> to vector<16xf32>
      %swap3A_125 = vector.shape_cast %broadcast_in_dim3A_120 : vector<16xf32> to vector<1x16xf32>
      tpu.vector_store %arg6[%swap3A_121, %swap3A_122], %swap3A_125 {strides = array<i32>} : memref<120x128xf32, #tpu.memory_space<vmem>>, vector<1x16xf32>,
      %broadcast_in_dim3A_126 = arith.constant 1.000000e+00 : f32
      %broadcast_in_dim3A_127 = vector.broadcast %broadcast_in_dim3A_126 : f32 to vector<16xf32>
      %swap3A_128 = arith.index_cast %scan3A_91 : i32 to index
      %swap3A_129 = arith.constant 80 : index
      %swap3A_130 = tpu.vector_load %arg6[%swap3A_128, %swap3A_129] {strides = array<i32>} : memref<120x128xf32, #tpu.memory_space<vmem>>, vector<1x16xf32>,
      %swap3A_131 = vector.shape_cast %swap3A_130 : vector<1x16xf32> to vector<16xf32>
      %swap3A_132 = vector.shape_cast %broadcast_in_dim3A_127 : vector<16xf32> to vector<1x16xf32>
      tpu.vector_store %arg6[%swap3A_128, %swap3A_129], %swap3A_132 {strides = array<i32>} : memref<120x128xf32, #tpu.memory_space<vmem>>, vector<1x16xf32>,
      %broadcast_in_dim3A_133 = arith.constant 1.000000e+00 : f32
      %broadcast_in_dim3A_134 = vector.broadcast %broadcast_in_dim3A_133 : f32 to vector<16xf32>
      %swap3A_135 = arith.index_cast %scan3A_91 : i32 to index
      %swap3A_136 = arith.constant 96 : index
      %swap3A_137 = tpu.vector_load %arg6[%swap3A_135, %swap3A_136] {strides = array<i32>} : memref<120x128xf32, #tpu.memory_space<vmem>>, vector<1x16xf32>,
      %swap3A_138 = vector.shape_cast %swap3A_137 : vector<1x16xf32> to vector<16xf32>
      %swap3A_139 = vector.shape_cast %broadcast_in_dim3A_134 : vector<16xf32> to vector<1x16xf32>
      tpu.vector_store %arg6[%swap3A_135, %swap3A_136], %swap3A_139 {strides = array<i32>} : memref<120x128xf32, #tpu.memory_space<vmem>>, vector<1x16xf32>,
      %broadcast_in_dim3A_140 = arith.constant 1.000000e+00 : f32
      %broadcast_in_dim3A_141 = vector.broadcast %broadcast_in_dim3A_140 : f32 to vector<16xf32>
      %swap3A_142 = arith.index_cast %scan3A_91 : i32 to index
      %swap3A_143 = arith.constant 112 : index
      %swap3A_144 = tpu.vector_load %arg6[%swap3A_142, %swap3A_143] {strides = array<i32>} : memref<120x128xf32, #tpu.memory_space<vmem>>, vector<1x16xf32>,
      %swap3A_145 = vector.shape_cast %swap3A_144 : vector<1x16xf32> to vector<16xf32>
      %swap3A_146 = vector.shape_cast %broadcast_in_dim3A_141 : vector<16xf32> to vector<1x16xf32>
      tpu.vector_store %arg6[%swap3A_142, %swap3A_143], %swap3A_146 {strides = array<i32>} : memref<120x128xf32, #tpu.memory_space<vmem>>, vector<1x16xf32>,
      %scan3A_147 = arith.constant 0 : i32
      scf.yield %scan3A_147 : i32
    }
    %scan3A_6 = arith.constant 120 : i32
    %scan3A_7 = arith.constant 0 : i32
    %scan3A_8 = arith.constant 0 : i32
    %scan3A_9 = arith.constant 16 : i32
    %scan3A_10 = arith.addi %scan3A_8, %scan3A_9 : i32
    %scan3A_11 = arith.constant 1 : i32
    %scan3A_12 = scf.for %scan3A_91 = %scan3A_8 to %scan3A_10 step %scan3A_11 iter_args(%scan3A_92 = %scan3A_7) -> (i32)  : i32 {
      %broadcast_in_dim3A = arith.constant 0.000000e+00 : f32
      %broadcast_in_dim3A_93 = vector.broadcast %broadcast_in_dim3A : f32 to vector<16xf32>
      %swap3A = arith.index_cast %scan3A_91 : i32 to index
      %swap3A_94 = arith.constant 0 : index
      %swap3A_95 = tpu.vector_load %arg7[%swap3A, %swap3A_94] {strides = array<i32>} : memref<16x128xf32, #tpu.memory_space<vmem>>, vector<1x16xf32>,
      %swap3A_96 = vector.shape_cast %swap3A_95 : vector<1x16xf32> to vector<16xf32>
      %swap3A_97 = vector.shape_cast %broadcast_in_dim3A_93 : vector<16xf32> to vector<1x16xf32>
      tpu.vector_store %arg7[%swap3A, %swap3A_94], %swap3A_97 {strides = array<i32>} : memref<16x128xf32, #tpu.memory_space<vmem>>, vector<1x16xf32>,
      %broadcast_in_dim3A_98 = arith.constant 0.000000e+00 : f32
      %broadcast_in_dim3A_99 = vector.broadcast %broadcast_in_dim3A_98 : f32 to vector<16xf32>
      %swap3A_100 = arith.index_cast %scan3A_91 : i32 to index
      %swap3A_101 = arith.constant 16 : index
      %swap3A_102 = tpu.vector_load %arg7[%swap3A_100, %swap3A_101] {strides = array<i32>} : memref<16x128xf32, #tpu.memory_space<vmem>>, vector<1x16xf32>,
      %swap3A_103 = vector.shape_cast %swap3A_102 : vector<1x16xf32> to vector<16xf32>
      %swap3A_104 = vector.shape_cast %broadcast_in_dim3A_99 : vector<16xf32> to vector<1x16xf32>
      tpu.vector_store %arg7[%swap3A_100, %swap3A_101], %swap3A_104 {strides = array<i32>} : memref<16x128xf32, #tpu.memory_space<vmem>>, vector<1x16xf32>,
      %broadcast_in_dim3A_105 = arith.constant 0.000000e+00 : f32
      %broadcast_in_dim3A_106 = vector.broadcast %broadcast_in_dim3A_105 : f32 to vector<16xf32>
      %swap3A_107 = arith.index_cast %scan3A_91 : i32 to index
      %swap3A_108 = arith.constant 32 : index
      %swap3A_109 = tpu.vector_load %arg7[%swap3A_107, %swap3A_108] {strides = array<i32>} : memref<16x128xf32, #tpu.memory_space<vmem>>, vector<1x16xf32>,
      %swap3A_110 = vector.shape_cast %swap3A_109 : vector<1x16xf32> to vector<16xf32>
      %swap3A_111 = vector.shape_cast %broadcast_in_dim3A_106 : vector<16xf32> to vector<1x16xf32>
      tpu.vector_store %arg7[%swap3A_107, %swap3A_108], %swap3A_111 {strides = array<i32>} : memref<16x128xf32, #tpu.memory_space<vmem>>, vector<1x16xf32>,
      %broadcast_in_dim3A_112 = arith.constant 0.000000e+00 : f32
      %broadcast_in_dim3A_113 = vector.broadcast %broadcast_in_dim3A_112 : f32 to vector<16xf32>
      %swap3A_114 = arith.index_cast %scan3A_91 : i32 to index
      %swap3A_115 = arith.constant 48 : index
      %swap3A_116 = tpu.vector_load %arg7[%swap3A_114, %swap3A_115] {strides = array<i32>} : memref<16x128xf32, #tpu.memory_space<vmem>>, vector<1x16xf32>,
      %swap3A_117 = vector.shape_cast %swap3A_116 : vector<1x16xf32> to vector<16xf32>
      %swap3A_118 = vector.shape_cast %broadcast_in_dim3A_113 : vector<16xf32> to vector<1x16xf32>
      tpu.vector_store %arg7[%swap3A_114, %swap3A_115], %swap3A_118 {strides = array<i32>} : memref<16x128xf32, #tpu.memory_space<vmem>>, vector<1x16xf32>,
      %broadcast_in_dim3A_119 = arith.constant 0.000000e+00 : f32
      %broadcast_in_dim3A_120 = vector.broadcast %broadcast_in_dim3A_119 : f32 to vector<16xf32>
      %swap3A_121 = arith.index_cast %scan3A_91 : i32 to index
      %swap3A_122 = arith.constant 64 : index
      %swap3A_123 = tpu.vector_load %arg7[%swap3A_121, %swap3A_122] {strides = array<i32>} : memref<16x128xf32, #tpu.memory_space<vmem>>, vector<1x16xf32>,
      %swap3A_124 = vector.shape_cast %swap3A_123 : vector<1x16xf32> to vector<16xf32>
      %swap3A_125 = vector.shape_cast %broadcast_in_dim3A_120 : vector<16xf32> to vector<1x16xf32>
      tpu.vector_store %arg7[%swap3A_121, %swap3A_122], %swap3A_125 {strides = array<i32>} : memref<16x128xf32, #tpu.memory_space<vmem>>, vector<1x16xf32>,
      %broadcast_in_dim3A_126 = arith.constant 0.000000e+00 : f32
      %broadcast_in_dim3A_127 = vector.broadcast %broadcast_in_dim3A_126 : f32 to vector<16xf32>
      %swap3A_128 = arith.index_cast %scan3A_91 : i32 to index
      %swap3A_129 = arith.constant 80 : index
      %swap3A_130 = tpu.vector_load %arg7[%swap3A_128, %swap3A_129] {strides = array<i32>} : memref<16x128xf32, #tpu.memory_space<vmem>>, vector<1x16xf32>,
      %swap3A_131 = vector.shape_cast %swap3A_130 : vector<1x16xf32> to vector<16xf32>
      %swap3A_132 = vector.shape_cast %broadcast_in_dim3A_127 : vector<16xf32> to vector<1x16xf32>
      tpu.vector_store %arg7[%swap3A_128, %swap3A_129], %swap3A_132 {strides = array<i32>} : memref<16x128xf32, #tpu.memory_space<vmem>>, vector<1x16xf32>,
      %broadcast_in_dim3A_133 = arith.constant 0.000000e+00 : f32
      %broadcast_in_dim3A_134 = vector.broadcast %broadcast_in_dim3A_133 : f32 to vector<16xf32>
      %swap3A_135 = arith.index_cast %scan3A_91 : i32 to index
      %swap3A_136 = arith.constant 96 : index
      %swap3A_137 = tpu.vector_load %arg7[%swap3A_135, %swap3A_136] {strides = array<i32>} : memref<16x128xf32, #tpu.memory_space<vmem>>, vector<1x16xf32>,
      %swap3A_138 = vector.shape_cast %swap3A_137 : vector<1x16xf32> to vector<16xf32>
      %swap3A_139 = vector.shape_cast %broadcast_in_dim3A_134 : vector<16xf32> to vector<1x16xf32>
      tpu.vector_store %arg7[%swap3A_135, %swap3A_136], %swap3A_139 {strides = array<i32>} : memref<16x128xf32, #tpu.memory_space<vmem>>, vector<1x16xf32>,
      %broadcast_in_dim3A_140 = arith.constant 0.000000e+00 : f32
      %broadcast_in_dim3A_141 = vector.broadcast %broadcast_in_dim3A_140 : f32 to vector<16xf32>
      %swap3A_142 = arith.index_cast %scan3A_91 : i32 to index
      %swap3A_143 = arith.constant 112 : index
      %swap3A_144 = tpu.vector_load %arg7[%swap3A_142, %swap3A_143] {strides = array<i32>} : memref<16x128xf32, #tpu.memory_space<vmem>>, vector<1x16xf32>,
      %swap3A_145 = vector.shape_cast %swap3A_144 : vector<1x16xf32> to vector<16xf32>
      %swap3A_146 = vector.shape_cast %broadcast_in_dim3A_141 : vector<16xf32> to vector<1x16xf32>
      tpu.vector_store %arg7[%swap3A_142, %swap3A_143], %swap3A_146 {strides = array<i32>} : memref<16x128xf32, #tpu.memory_space<vmem>>, vector<1x16xf32>,
      %scan3A_147 = arith.constant 0 : i32
      scf.yield %scan3A_147 : i32
    }
    %scan3A_13 = arith.constant 16 : i32
    %scan3A_14 = arith.constant 0 : i32
    %scan3A_15 = arith.constant 0 : i32
    %scan3A_16 = arith.constant 39 : i32
    %scan3A_17 = arith.addi %scan3A_15, %scan3A_16 : i32
    %scan3A_18 = arith.constant 1 : i32
    %scan3A_19 = scf.for %scan3A_91 = %scan3A_15 to %scan3A_17 step %scan3A_18 iter_args(%scan3A_92 = %scan3A_14) -> (i32)  : i32 {
      %mul3A_93 = arith.constant 632 : i32
      %mul3A_94 = arith.muli %arg1, %mul3A_93 : i32
      %mul3A_95 = arith.constant 16 : i32
      %mul3A_96 = arith.muli %scan3A_91, %mul3A_95 : i32
      %add3A_97 = arith.addi %mul3A_94, %mul3A_96 : i32
      "tpu.region"() ({
        %run_scoped3A = tpu.sem_alloc : memref<!tpu.dma_semaphore, #tpu.memory_space<semaphore_mem>>
        %dma_start3A_99 = arith.constant 0 : i32
        %dma_start3A_100 = tpu.memref_slice %arg4[%add3A_97, %dma_start3A_99] : memref<10112x128xf32, #tpu.memory_space<vmem_shared>> -> memref<16x128xf32, #tpu.memory_space<vmem_shared>>
        %dma_start3A_101 = arith.constant 0 : i32
        %dma_start3A_102 = tpu.memref_slice %arg4[%add3A_97, %dma_start3A_101] : memref<10112x128xf32, #tpu.memory_space<vmem_shared>> -> memref<16x128xf32, #tpu.memory_space<vmem_shared>>
        tpu.enqueue_dma source(%arg7 : memref<16x128xf32, #tpu.memory_space<vmem>>) target(%dma_start3A_102 : memref<16x128xf32, #tpu.memory_space<vmem_shared>>) target_semaphore(%run_scoped3A : memref<!tpu.dma_semaphore, #tpu.memory_space<semaphore_mem>>)
        %dma_wait3A_103 = arith.constant 0 : i32
        %dma_wait3A_104 = tpu.memref_slice %arg4[%add3A_97, %dma_wait3A_103] : memref<10112x128xf32, #tpu.memory_space<vmem_shared>> -> memref<16x128xf32, #tpu.memory_space<vmem_shared>>
        %dma_wait3A_105 = arith.constant 0 : i32
        %dma_wait3A_106 = tpu.memref_slice %arg4[%add3A_97, %dma_wait3A_105] : memref<10112x128xf32, #tpu.memory_space<vmem_shared>> -> memref<16x128xf32, #tpu.memory_space<vmem_shared>>
        tpu.wait_dma2 semaphore(%run_scoped3A : memref<!tpu.dma_semaphore, #tpu.memory_space<semaphore_mem>>) src(%arg7 : memref<16x128xf32, #tpu.memory_space<vmem>>) dst(%dma_wait3A_106 : memref<16x128xf32, #tpu.memory_space<vmem_shared>>)
        tpu.yield
      }) : () -> ()
      %scan3A_98 = arith.constant 0 : i32
      scf.yield %scan3A_98 : i32
    }
    %scan3A_20 = arith.constant 39 : i32
    %mul3A_21 = arith.constant 632 : i32
    %mul3A_22 = arith.muli %arg1, %mul3A_21 : i32
    %add3A_23 = arith.constant 624 : i32
    %add3A_24 = arith.addi %mul3A_22, %add3A_23 : i32
    "tpu.region"() ({
      %run_scoped3A = tpu.sem_alloc : memref<!tpu.dma_semaphore, #tpu.memory_space<semaphore_mem>>
      %dma_start3A_91 = arith.constant 0 : i32
      %dma_start3A_92 = arith.constant 0 : i32
      %dma_start3A_93 = tpu.memref_slice %arg7[%dma_start3A_91, %dma_start3A_92] : memref<16x128xf32, #tpu.memory_space<vmem>> -> memref<8x128xf32, #tpu.memory_space<vmem>>
      %dma_start3A_94 = arith.constant 0 : i32
      %dma_start3A_95 = tpu.memref_slice %arg4[%add3A_24, %dma_start3A_94] : memref<10112x128xf32, #tpu.memory_space<vmem_shared>> -> memref<8x128xf32, #tpu.memory_space<vmem_shared>>
      %dma_start3A_96 = arith.constant 0 : i32
      %dma_start3A_97 = tpu.memref_slice %arg4[%add3A_24, %dma_start3A_96] : memref<10112x128xf32, #tpu.memory_space<vmem_shared>> -> memref<8x128xf32, #tpu.memory_space<vmem_shared>>
      %dma_start3A_98 = arith.constant 0 : i32
      %dma_start3A_99 = arith.constant 0 : i32
      %dma_start3A_100 = tpu.memref_slice %arg7[%dma_start3A_98, %dma_start3A_99] : memref<16x128xf32, #tpu.memory_space<vmem>> -> memref<8x128xf32, #tpu.memory_space<vmem>>
      tpu.enqueue_dma source(%dma_start3A_100 : memref<8x128xf32, #tpu.memory_space<vmem>>) target(%dma_start3A_97 : memref<8x128xf32, #tpu.memory_space<vmem_shared>>) target_semaphore(%run_scoped3A : memref<!tpu.dma_semaphore, #tpu.memory_space<semaphore_mem>>)
      %dma_wait3A_101 = arith.constant 0 : i32
      %dma_wait3A_102 = arith.constant 0 : i32
      %dma_wait3A_103 = tpu.memref_slice %arg7[%dma_wait3A_101, %dma_wait3A_102] : memref<16x128xf32, #tpu.memory_space<vmem>> -> memref<8x128xf32, #tpu.memory_space<vmem>>
      %dma_wait3A_104 = arith.constant 0 : i32
      %dma_wait3A_105 = tpu.memref_slice %arg4[%add3A_24, %dma_wait3A_104] : memref<10112x128xf32, #tpu.memory_space<vmem_shared>> -> memref<8x128xf32, #tpu.memory_space<vmem_shared>>
      %dma_wait3A_106 = arith.constant 0 : i32
      %dma_wait3A_107 = tpu.memref_slice %arg4[%add3A_24, %dma_wait3A_106] : memref<10112x128xf32, #tpu.memory_space<vmem_shared>> -> memref<8x128xf32, #tpu.memory_space<vmem_shared>>
      %dma_wait3A_108 = arith.constant 0 : i32
      %dma_wait3A_109 = arith.constant 0 : i32
      %dma_wait3A_110 = tpu.memref_slice %arg7[%dma_wait3A_108, %dma_wait3A_109] : memref<16x128xf32, #tpu.memory_space<vmem>> -> memref<8x128xf32, #tpu.memory_space<vmem>>
      tpu.wait_dma2 semaphore(%run_scoped3A : memref<!tpu.dma_semaphore, #tpu.memory_space<semaphore_mem>>) src(%dma_wait3A_110 : memref<8x128xf32, #tpu.memory_space<vmem>>) dst(%dma_wait3A_107 : memref<8x128xf32, #tpu.memory_space<vmem_shared>>)
      tpu.yield
    }) : () -> ()
    %barrier3A = arith.constant 0 : index
    tpu.barrier barrier_id(%barrier3A)
    %dma_start3A = arith.constant 0 : i32
    %dma_start3A_25 = arith.constant 0 : i32
    %dma_start3A_26 = tpu.memref_slice %arg5[%dma_start3A, %dma_start3A_25] : memref<84x120xi32, #tpu.memory_space<vmem>> -> memref<1x120xi32, #tpu.memory_space<vmem>>
    %dma_start3A_27 = tpu.memref_squeeze %dma_start3A_26 : memref<1x120xi32, #tpu.memory_space<vmem>> -> memref<120xi32, #tpu.memory_space<vmem>>
    %dma_start3A_28 = arith.constant 0 : i32
    %dma_start3A_29 = arith.constant 0 : i32
    %dma_start3A_30 = tpu.memref_slice %arg4[%dma_start3A_28, %dma_start3A_29] : memref<10112x128xf32, #tpu.memory_space<vmem_shared>> -> memref<10112x128xf32, #tpu.memory_space<vmem_shared>>
    tpu.enqueue_indirect_dma source(%arg6 : memref<120x128xf32, #tpu.memory_space<vmem>>) target(%dma_start3A_30 : memref<10112x128xf32, #tpu.memory_space<vmem_shared>>) offsets(%dma_start3A_27 : memref<120xi32, #tpu.memory_space<vmem>>) semaphore(%arg8 : memref<!tpu.dma_semaphore, #tpu.memory_space<semaphore_mem>>) {add = true}
    %dma_start3A_31 = arith.constant 1 : i32
    %dma_start3A_32 = arith.constant 0 : i32
    %dma_start3A_33 = tpu.memref_slice %arg5[%dma_start3A_31, %dma_start3A_32] : memref<84x120xi32, #tpu.memory_space<vmem>> -> memref<1x120xi32, #tpu.memory_space<vmem>>
    %dma_start3A_34 = tpu.memref_squeeze %dma_start3A_33 : memref<1x120xi32, #tpu.memory_space<vmem>> -> memref<120xi32, #tpu.memory_space<vmem>>
    %dma_start3A_35 = arith.constant 0 : i32
    %dma_start3A_36 = arith.constant 0 : i32
    %dma_start3A_37 = tpu.memref_slice %arg4[%dma_start3A_35, %dma_start3A_36] : memref<10112x128xf32, #tpu.memory_space<vmem_shared>> -> memref<10112x128xf32, #tpu.memory_space<vmem_shared>>
    tpu.enqueue_indirect_dma source(%arg6 : memref<120x128xf32, #tpu.memory_space<vmem>>) target(%dma_start3A_37 : memref<10112x128xf32, #tpu.memory_space<vmem_shared>>) offsets(%dma_start3A_34 : memref<120xi32, #tpu.memory_space<vmem>>) semaphore(%arg9 : memref<!tpu.dma_semaphore, #tpu.memory_space<semaphore_mem>>) {add = true}
    %dma_start3A_38 = arith.constant 2 : i32
    %dma_start3A_39 = arith.constant 0 : i32
    %dma_start3A_40 = tpu.memref_slice %arg5[%dma_start3A_38, %dma_start3A_39] : memref<84x120xi32, #tpu.memory_space<vmem>> -> memref<1x120xi32, #tpu.memory_space<vmem>>
    %dma_start3A_41 = tpu.memref_squeeze %dma_start3A_40 : memref<1x120xi32, #tpu.memory_space<vmem>> -> memref<120xi32, #tpu.memory_space<vmem>>
    %dma_start3A_42 = arith.constant 0 : i32
    %dma_start3A_43 = arith.constant 0 : i32
    %dma_start3A_44 = tpu.memref_slice %arg4[%dma_start3A_42, %dma_start3A_43] : memref<10112x128xf32, #tpu.memory_space<vmem_shared>> -> memref<10112x128xf32, #tpu.memory_space<vmem_shared>>
    tpu.enqueue_indirect_dma source(%arg6 : memref<120x128xf32, #tpu.memory_space<vmem>>) target(%dma_start3A_44 : memref<10112x128xf32, #tpu.memory_space<vmem_shared>>) offsets(%dma_start3A_41 : memref<120xi32, #tpu.memory_space<vmem>>) semaphore(%arg10 : memref<!tpu.dma_semaphore, #tpu.memory_space<semaphore_mem>>) {add = true}
    %dma_start3A_45 = arith.constant 3 : i32
    %dma_start3A_46 = arith.constant 0 : i32
    %dma_start3A_47 = tpu.memref_slice %arg5[%dma_start3A_45, %dma_start3A_46] : memref<84x120xi32, #tpu.memory_space<vmem>> -> memref<1x120xi32, #tpu.memory_space<vmem>>
    %dma_start3A_48 = tpu.memref_squeeze %dma_start3A_47 : memref<1x120xi32, #tpu.memory_space<vmem>> -> memref<120xi32, #tpu.memory_space<vmem>>
    %dma_start3A_49 = arith.constant 0 : i32
    %dma_start3A_50 = arith.constant 0 : i32
    %dma_start3A_51 = tpu.memref_slice %arg4[%dma_start3A_49, %dma_start3A_50] : memref<10112x128xf32, #tpu.memory_space<vmem_shared>> -> memref<10112x128xf32, #tpu.memory_space<vmem_shared>>
    tpu.enqueue_indirect_dma source(%arg6 : memref<120x128xf32, #tpu.memory_space<vmem>>) target(%dma_start3A_51 : memref<10112x128xf32, #tpu.memory_space<vmem_shared>>) offsets(%dma_start3A_48 : memref<120xi32, #tpu.memory_space<vmem>>) semaphore(%arg11 : memref<!tpu.dma_semaphore, #tpu.memory_space<semaphore_mem>>) {add = true}
    %scan3A_52 = arith.constant 0 : i32
    %scan3A_53 = arith.constant 0 : i32
    %scan3A_54 = arith.constant 20 : i32
    %scan3A_55 = arith.addi %scan3A_53, %scan3A_54 : i32
    %scan3A_56 = arith.constant 1 : i32
    %scan3A_57 = scf.for %scan3A_91 = %scan3A_53 to %scan3A_55 step %scan3A_56 iter_args(%scan3A_92 = %scan3A_52) -> (i32)  : i32 {
      %mul3A_93 = arith.constant 4 : i32
      %mul3A_94 = arith.muli %scan3A_91, %mul3A_93 : i32
      %add3A_95 = arith.constant 0 : i32
      %add3A_96 = arith.addi %mul3A_94, %add3A_95 : i32
      %dma_wait3A_97 = arith.constant 0 : i32
      %dma_wait3A_98 = tpu.memref_slice %arg5[%add3A_96, %dma_wait3A_97] : memref<84x120xi32, #tpu.memory_space<vmem>> -> memref<1x120xi32, #tpu.memory_space<vmem>>
      %dma_wait3A_99 = tpu.memref_squeeze %dma_wait3A_98 : memref<1x120xi32, #tpu.memory_space<vmem>> -> memref<120xi32, #tpu.memory_space<vmem>>
      %dma_wait3A_100 = arith.constant 0 : i32
      %dma_wait3A_101 = arith.constant 0 : i32
      %dma_wait3A_102 = tpu.memref_slice %arg4[%dma_wait3A_100, %dma_wait3A_101] : memref<10112x128xf32, #tpu.memory_space<vmem_shared>> -> memref<10112x128xf32, #tpu.memory_space<vmem_shared>>
      tpu.wait_indirect_dma semaphore(%arg8 : memref<!tpu.dma_semaphore, #tpu.memory_space<semaphore_mem>>) src(%arg6 : memref<120x128xf32, #tpu.memory_space<vmem>>) dst(%dma_wait3A_102 : memref<10112x128xf32, #tpu.memory_space<vmem_shared>>)
      %add3A_103 = arith.constant 4 : i32
      %add3A_104 = arith.addi %add3A_96, %add3A_103 : i32
      %dma_start3A_105 = arith.constant 0 : i32
      %dma_start3A_106 = tpu.memref_slice %arg5[%add3A_104, %dma_start3A_105] : memref<84x120xi32, #tpu.memory_space<vmem>> -> memref<1x120xi32, #tpu.memory_space<vmem>>
      %dma_start3A_107 = tpu.memref_squeeze %dma_start3A_106 : memref<1x120xi32, #tpu.memory_space<vmem>> -> memref<120xi32, #tpu.memory_space<vmem>>
      %dma_start3A_108 = arith.constant 0 : i32
      %dma_start3A_109 = arith.constant 0 : i32
      %dma_start3A_110 = tpu.memref_slice %arg4[%dma_start3A_108, %dma_start3A_109] : memref<10112x128xf32, #tpu.memory_space<vmem_shared>> -> memref<10112x128xf32, #tpu.memory_space<vmem_shared>>
      tpu.enqueue_indirect_dma source(%arg6 : memref<120x128xf32, #tpu.memory_space<vmem>>) target(%dma_start3A_110 : memref<10112x128xf32, #tpu.memory_space<vmem_shared>>) offsets(%dma_start3A_107 : memref<120xi32, #tpu.memory_space<vmem>>) semaphore(%arg8 : memref<!tpu.dma_semaphore, #tpu.memory_space<semaphore_mem>>) {add = true}
      %mul3A_111 = arith.constant 4 : i32
      %mul3A_112 = arith.muli %scan3A_91, %mul3A_111 : i32
      %add3A_113 = arith.constant 1 : i32
      %add3A_114 = arith.addi %mul3A_112, %add3A_113 : i32
      %dma_wait3A_115 = arith.constant 0 : i32
      %dma_wait3A_116 = tpu.memref_slice %arg5[%add3A_114, %dma_wait3A_115] : memref<84x120xi32, #tpu.memory_space<vmem>> -> memref<1x120xi32, #tpu.memory_space<vmem>>
      %dma_wait3A_117 = tpu.memref_squeeze %dma_wait3A_116 : memref<1x120xi32, #tpu.memory_space<vmem>> -> memref<120xi32, #tpu.memory_space<vmem>>
      %dma_wait3A_118 = arith.constant 0 : i32
      %dma_wait3A_119 = arith.constant 0 : i32
      %dma_wait3A_120 = tpu.memref_slice %arg4[%dma_wait3A_118, %dma_wait3A_119] : memref<10112x128xf32, #tpu.memory_space<vmem_shared>> -> memref<10112x128xf32, #tpu.memory_space<vmem_shared>>
      tpu.wait_indirect_dma semaphore(%arg9 : memref<!tpu.dma_semaphore, #tpu.memory_space<semaphore_mem>>) src(%arg6 : memref<120x128xf32, #tpu.memory_space<vmem>>) dst(%dma_wait3A_120 : memref<10112x128xf32, #tpu.memory_space<vmem_shared>>)
      %add3A_121 = arith.constant 4 : i32
      %add3A_122 = arith.addi %add3A_114, %add3A_121 : i32
      %dma_start3A_123 = arith.constant 0 : i32
      %dma_start3A_124 = tpu.memref_slice %arg5[%add3A_122, %dma_start3A_123] : memref<84x120xi32, #tpu.memory_space<vmem>> -> memref<1x120xi32, #tpu.memory_space<vmem>>
      %dma_start3A_125 = tpu.memref_squeeze %dma_start3A_124 : memref<1x120xi32, #tpu.memory_space<vmem>> -> memref<120xi32, #tpu.memory_space<vmem>>
      %dma_start3A_126 = arith.constant 0 : i32
      %dma_start3A_127 = arith.constant 0 : i32
      %dma_start3A_128 = tpu.memref_slice %arg4[%dma_start3A_126, %dma_start3A_127] : memref<10112x128xf32, #tpu.memory_space<vmem_shared>> -> memref<10112x128xf32, #tpu.memory_space<vmem_shared>>
      tpu.enqueue_indirect_dma source(%arg6 : memref<120x128xf32, #tpu.memory_space<vmem>>) target(%dma_start3A_128 : memref<10112x128xf32, #tpu.memory_space<vmem_shared>>) offsets(%dma_start3A_125 : memref<120xi32, #tpu.memory_space<vmem>>) semaphore(%arg9 : memref<!tpu.dma_semaphore, #tpu.memory_space<semaphore_mem>>) {add = true}
      %mul3A_129 = arith.constant 4 : i32
      %mul3A_130 = arith.muli %scan3A_91, %mul3A_129 : i32
      %add3A_131 = arith.constant 2 : i32
      %add3A_132 = arith.addi %mul3A_130, %add3A_131 : i32
      %dma_wait3A_133 = arith.constant 0 : i32
      %dma_wait3A_134 = tpu.memref_slice %arg5[%add3A_132, %dma_wait3A_133] : memref<84x120xi32, #tpu.memory_space<vmem>> -> memref<1x120xi32, #tpu.memory_space<vmem>>
      %dma_wait3A_135 = tpu.memref_squeeze %dma_wait3A_134 : memref<1x120xi32, #tpu.memory_space<vmem>> -> memref<120xi32, #tpu.memory_space<vmem>>
      %dma_wait3A_136 = arith.constant 0 : i32
      %dma_wait3A_137 = arith.constant 0 : i32
      %dma_wait3A_138 = tpu.memref_slice %arg4[%dma_wait3A_136, %dma_wait3A_137] : memref<10112x128xf32, #tpu.memory_space<vmem_shared>> -> memref<10112x128xf32, #tpu.memory_space<vmem_shared>>
      tpu.wait_indirect_dma semaphore(%arg10 : memref<!tpu.dma_semaphore, #tpu.memory_space<semaphore_mem>>) src(%arg6 : memref<120x128xf32, #tpu.memory_space<vmem>>) dst(%dma_wait3A_138 : memref<10112x128xf32, #tpu.memory_space<vmem_shared>>)
      %add3A_139 = arith.constant 4 : i32
      %add3A_140 = arith.addi %add3A_132, %add3A_139 : i32
      %dma_start3A_141 = arith.constant 0 : i32
      %dma_start3A_142 = tpu.memref_slice %arg5[%add3A_140, %dma_start3A_141] : memref<84x120xi32, #tpu.memory_space<vmem>> -> memref<1x120xi32, #tpu.memory_space<vmem>>
      %dma_start3A_143 = tpu.memref_squeeze %dma_start3A_142 : memref<1x120xi32, #tpu.memory_space<vmem>> -> memref<120xi32, #tpu.memory_space<vmem>>
      %dma_start3A_144 = arith.constant 0 : i32
      %dma_start3A_145 = arith.constant 0 : i32
      %dma_start3A_146 = tpu.memref_slice %arg4[%dma_start3A_144, %dma_start3A_145] : memref<10112x128xf32, #tpu.memory_space<vmem_shared>> -> memref<10112x128xf32, #tpu.memory_space<vmem_shared>>
      tpu.enqueue_indirect_dma source(%arg6 : memref<120x128xf32, #tpu.memory_space<vmem>>) target(%dma_start3A_146 : memref<10112x128xf32, #tpu.memory_space<vmem_shared>>) offsets(%dma_start3A_143 : memref<120xi32, #tpu.memory_space<vmem>>) semaphore(%arg10 : memref<!tpu.dma_semaphore, #tpu.memory_space<semaphore_mem>>) {add = true}
      %mul3A_147 = arith.constant 4 : i32
      %mul3A_148 = arith.muli %scan3A_91, %mul3A_147 : i32
      %add3A_149 = arith.constant 3 : i32
      %add3A_150 = arith.addi %mul3A_148, %add3A_149 : i32
      %dma_wait3A_151 = arith.constant 0 : i32
      %dma_wait3A_152 = tpu.memref_slice %arg5[%add3A_150, %dma_wait3A_151] : memref<84x120xi32, #tpu.memory_space<vmem>> -> memref<1x120xi32, #tpu.memory_space<vmem>>
      %dma_wait3A_153 = tpu.memref_squeeze %dma_wait3A_152 : memref<1x120xi32, #tpu.memory_space<vmem>> -> memref<120xi32, #tpu.memory_space<vmem>>
      %dma_wait3A_154 = arith.constant 0 : i32
      %dma_wait3A_155 = arith.constant 0 : i32
      %dma_wait3A_156 = tpu.memref_slice %arg4[%dma_wait3A_154, %dma_wait3A_155] : memref<10112x128xf32, #tpu.memory_space<vmem_shared>> -> memref<10112x128xf32, #tpu.memory_space<vmem_shared>>
      tpu.wait_indirect_dma semaphore(%arg11 : memref<!tpu.dma_semaphore, #tpu.memory_space<semaphore_mem>>) src(%arg6 : memref<120x128xf32, #tpu.memory_space<vmem>>) dst(%dma_wait3A_156 : memref<10112x128xf32, #tpu.memory_space<vmem_shared>>)
      %add3A_157 = arith.constant 4 : i32
      %add3A_158 = arith.addi %add3A_150, %add3A_157 : i32
      %dma_start3A_159 = arith.constant 0 : i32
      %dma_start3A_160 = tpu.memref_slice %arg5[%add3A_158, %dma_start3A_159] : memref<84x120xi32, #tpu.memory_space<vmem>> -> memref<1x120xi32, #tpu.memory_space<vmem>>
      %dma_start3A_161 = tpu.memref_squeeze %dma_start3A_160 : memref<1x120xi32, #tpu.memory_space<vmem>> -> memref<120xi32, #tpu.memory_space<vmem>>
      %dma_start3A_162 = arith.constant 0 : i32
      %dma_start3A_163 = arith.constant 0 : i32
      %dma_start3A_164 = tpu.memref_slice %arg4[%dma_start3A_162, %dma_start3A_163] : memref<10112x128xf32, #tpu.memory_space<vmem_shared>> -> memref<10112x128xf32, #tpu.memory_space<vmem_shared>>
      tpu.enqueue_indirect_dma source(%arg6 : memref<120x128xf32, #tpu.memory_space<vmem>>) target(%dma_start3A_164 : memref<10112x128xf32, #tpu.memory_space<vmem_shared>>) offsets(%dma_start3A_161 : memref<120xi32, #tpu.memory_space<vmem>>) semaphore(%arg11 : memref<!tpu.dma_semaphore, #tpu.memory_space<semaphore_mem>>) {add = true}
      %scan3A_165 = arith.constant 0 : i32
      scf.yield %scan3A_165 : i32
    }
    %scan3A_58 = arith.constant 20 : i32
    %dma_wait3A = arith.constant 80 : i32
    %dma_wait3A_59 = arith.constant 0 : i32
    %dma_wait3A_60 = tpu.memref_slice %arg5[%dma_wait3A, %dma_wait3A_59] : memref<84x120xi32, #tpu.memory_space<vmem>> -> memref<1x120xi32, #tpu.memory_space<vmem>>
    %dma_wait3A_61 = tpu.memref_squeeze %dma_wait3A_60 : memref<1x120xi32, #tpu.memory_space<vmem>> -> memref<120xi32, #tpu.memory_space<vmem>>
    %dma_wait3A_62 = arith.constant 0 : i32
    %dma_wait3A_63 = arith.constant 0 : i32
    %dma_wait3A_64 = tpu.memref_slice %arg4[%dma_wait3A_62, %dma_wait3A_63] : memref<10112x128xf32, #tpu.memory_space<vmem_shared>> -> memref<10112x128xf32, #tpu.memory_space<vmem_shared>>
    tpu.wait_indirect_dma semaphore(%arg8 : memref<!tpu.dma_semaphore, #tpu.memory_space<semaphore_mem>>) src(%arg6 : memref<120x128xf32, #tpu.memory_space<vmem>>) dst(%dma_wait3A_64 : memref<10112x128xf32, #tpu.memory_space<vmem_shared>>)
    %dma_wait3A_65 = arith.constant 81 : i32
    %dma_wait3A_66 = arith.constant 0 : i32
    %dma_wait3A_67 = tpu.memref_slice %arg5[%dma_wait3A_65, %dma_wait3A_66] : memref<84x120xi32, #tpu.memory_space<vmem>> -> memref<1x120xi32, #tpu.memory_space<vmem>>
    %dma_wait3A_68 = tpu.memref_squeeze %dma_wait3A_67 : memref<1x120xi32, #tpu.memory_space<vmem>> -> memref<120xi32, #tpu.memory_space<vmem>>
    %dma_wait3A_69 = arith.constant 0 : i32
    %dma_wait3A_70 = arith.constant 0 : i32
    %dma_wait3A_71 = tpu.memref_slice %arg4[%dma_wait3A_69, %dma_wait3A_70] : memref<10112x128xf32, #tpu.memory_space<vmem_shared>> -> memref<10112x128xf32, #tpu.memory_space<vmem_shared>>
    tpu.wait_indirect_dma semaphore(%arg9 : memref<!tpu.dma_semaphore, #tpu.memory_space<semaphore_mem>>) src(%arg6 : memref<120x128xf32, #tpu.memory_space<vmem>>) dst(%dma_wait3A_71 : memref<10112x128xf32, #tpu.memory_space<vmem_shared>>)
    %dma_wait3A_72 = arith.constant 82 : i32
    %dma_wait3A_73 = arith.constant 0 : i32
    %dma_wait3A_74 = tpu.memref_slice %arg5[%dma_wait3A_72, %dma_wait3A_73] : memref<84x120xi32, #tpu.memory_space<vmem>> -> memref<1x120xi32, #tpu.memory_space<vmem>>
    %dma_wait3A_75 = tpu.memref_squeeze %dma_wait3A_74 : memref<1x120xi32, #tpu.memory_space<vmem>> -> memref<120xi32, #tpu.memory_space<vmem>>
    %dma_wait3A_76 = arith.constant 0 : i32
    %dma_wait3A_77 = arith.constant 0 : i32
    %dma_wait3A_78 = tpu.memref_slice %arg4[%dma_wait3A_76, %dma_wait3A_77] : memref<10112x128xf32, #tpu.memory_space<vmem_shared>> -> memref<10112x128xf32, #tpu.memory_space<vmem_shared>>
    tpu.wait_indirect_dma semaphore(%arg10 : memref<!tpu.dma_semaphore, #tpu.memory_space<semaphore_mem>>) src(%arg6 : memref<120x128xf32, #tpu.memory_space<vmem>>) dst(%dma_wait3A_78 : memref<10112x128xf32, #tpu.memory_space<vmem_shared>>)
    %dma_wait3A_79 = arith.constant 83 : i32
    %dma_wait3A_80 = arith.constant 0 : i32
    %dma_wait3A_81 = tpu.memref_slice %arg5[%dma_wait3A_79, %dma_wait3A_80] : memref<84x120xi32, #tpu.memory_space<vmem>> -> memref<1x120xi32, #tpu.memory_space<vmem>>
    %dma_wait3A_82 = tpu.memref_squeeze %dma_wait3A_81 : memref<1x120xi32, #tpu.memory_space<vmem>> -> memref<120xi32, #tpu.memory_space<vmem>>
    %dma_wait3A_83 = arith.constant 0 : i32
    %dma_wait3A_84 = arith.constant 0 : i32
    %dma_wait3A_85 = tpu.memref_slice %arg4[%dma_wait3A_83, %dma_wait3A_84] : memref<10112x128xf32, #tpu.memory_space<vmem_shared>> -> memref<10112x128xf32, #tpu.memory_space<vmem_shared>>
    tpu.wait_indirect_dma semaphore(%arg11 : memref<!tpu.dma_semaphore, #tpu.memory_space<semaphore_mem>>) src(%arg6 : memref<120x128xf32, #tpu.memory_space<vmem>>) dst(%dma_wait3A_85 : memref<10112x128xf32, #tpu.memory_space<vmem_shared>>)
    %barrier3A_86 = arith.constant 0 : index
    tpu.barrier barrier_id(%barrier3A_86)
    %mul3A_87 = arith.constant 632 : i32
    %mul3A_88 = arith.muli %arg1, %mul3A_87 : i32
    %mul3A_89 = arith.constant 632 : i32
    %mul3A_90 = arith.muli %arg1, %mul3A_89 : i32
    "tpu.region"() ({
      %run_scoped3A = tpu.sem_alloc : memref<!tpu.dma_semaphore, #tpu.memory_space<semaphore_mem>>
      %dma_start3A_91 = arith.constant 0 : i32
      %dma_start3A_92 = tpu.memref_slice %arg3[%arg0, %mul3A_90, %dma_start3A_91] : memref<2x10112x128xf32, #tpu.memory_space<hbm>> -> memref<1x632x128xf32, #tpu.memory_space<hbm>>
      %dma_start3A_93 = tpu.memref_squeeze %dma_start3A_92 : memref<1x632x128xf32, #tpu.memory_space<hbm>> -> memref<632x128xf32, #tpu.memory_space<hbm>>
      %dma_start3A_94 = arith.constant 0 : i32
      %dma_start3A_95 = tpu.memref_slice %arg4[%mul3A_88, %dma_start3A_94] : memref<10112x128xf32, #tpu.memory_space<vmem_shared>> -> memref<632x128xf32, #tpu.memory_space<vmem_shared>>
      tpu.enqueue_dma source(%dma_start3A_95 : memref<632x128xf32, #tpu.memory_space<vmem_shared>>) target(%dma_start3A_93 : memref<632x128xf32, #tpu.memory_space<hbm>>) target_semaphore(%run_scoped3A : memref<!tpu.dma_semaphore, #tpu.memory_space<semaphore_mem>>)
      %dma_wait3A_96 = arith.constant 0 : i32
      %dma_wait3A_97 = tpu.memref_slice %arg3[%arg0, %mul3A_90, %dma_wait3A_96] : memref<2x10112x128xf32, #tpu.memory_space<hbm>> -> memref<1x632x128xf32, #tpu.memory_space<hbm>>
      %dma_wait3A_98 = tpu.memref_squeeze %dma_wait3A_97 : memref<1x632x128xf32, #tpu.memory_space<hbm>> -> memref<632x128xf32, #tpu.memory_space<hbm>>
      %dma_wait3A_99 = arith.constant 0 : i32
      %dma_wait3A_100 = tpu.memref_slice %arg4[%mul3A_88, %dma_wait3A_99] : memref<10112x128xf32, #tpu.memory_space<vmem_shared>> -> memref<632x128xf32, #tpu.memory_space<vmem_shared>>
      tpu.wait_dma2 semaphore(%run_scoped3A : memref<!tpu.dma_semaphore, #tpu.memory_space<semaphore_mem>>) src(%dma_wait3A_100 : memref<632x128xf32, #tpu.memory_space<vmem_shared>>) dst(%dma_wait3A_98 : memref<632x128xf32, #tpu.memory_space<hbm>>)
      tpu.yield
    }) : () -> ()
    return
  }
}

#map = affine_map<(d0, d1) -> (0, 0)>
#map1 = affine_map<(d0, d1) -> (0, 0, 0, 0)>
#map2 = affine_map<(d0, d1) -> (0, 0, 0)>
module attributes {stable_mosaic.version = 14 : i64} {
  func.func @k(%arg0: i32, %arg1: i32, %arg2: memref<10112x128xf32, #tpu.memory_space<hbm>>, %arg3: memref<32x84x2x120xi32, #tpu.memory_space<hbm>>, %arg4: memref<2x10112x128xf32, #tpu.memory_space<hbm>>, %arg5: memref<10112x128xf32, #tpu.memory_space<vmem_shared>>, %arg6: memref<6x2x120xi32, #tpu.memory_space<vmem>>, %arg7: memref<3x120x128xf32, #tpu.memory_space<vmem>>, %arg8: memref<!tpu.dma_semaphore, #tpu.memory_space<semaphore_mem>>, %arg9: memref<!tpu.dma_semaphore, #tpu.memory_space<semaphore_mem>>, %arg10: memref<!tpu.dma_semaphore, #tpu.memory_space<semaphore_mem>>, %arg11: memref<!tpu.dma_semaphore, #tpu.memory_space<semaphore_mem>>, %arg12: memref<!tpu.dma_semaphore, #tpu.memory_space<semaphore_mem>>, %arg13: memref<!tpu.dma_semaphore, #tpu.memory_space<semaphore_mem>>, %arg14: memref<!tpu.dma_semaphore, #tpu.memory_space<semaphore_mem>>, %arg15: memref<!tpu.dma_semaphore, #tpu.memory_space<semaphore_mem>>, %arg16: memref<!tpu.dma_semaphore, #tpu.memory_space<semaphore_mem>>, %arg17: memref<!tpu.dma_semaphore, #tpu.memory_space<semaphore_mem>>, %arg18: memref<!tpu.dma_semaphore, #tpu.memory_space<semaphore_mem>>, %arg19: memref<!tpu.dma_semaphore, #tpu.memory_space<semaphore_mem>>) attributes {dimension_semantics = [#tpu.dimension_semantics<core_parallel>, #tpu.dimension_semantics<subcore_parallel>], iteration_bounds = array<i64: 2, 16>, scalar_prefetch = 0 : i64, scratch_operands = 15 : i64, tpu.core_type = #tpu.core_type<sc_vector_subcore>, window_params = [{transform_indices = #map}, {transform_indices = #map1}, {transform_indices = #map2}]} {
    %mul3A = arith.constant 16 : i32
    %mul3A_0 = arith.muli %arg0, %mul3A : i32
    %add3A = arith.addi %mul3A_0, %arg1 : i32
    %scan3A = arith.constant 0 : i32
    %scan3A_1 = arith.constant 0 : i32
    %scan3A_2 = arith.constant 120 : i32
    %scan3A_3 = arith.addi %scan3A_1, %scan3A_2 : i32
    %scan3A_4 = arith.constant 1 : i32
    %scan3A_5 = scf.for %scan3A_646 = %scan3A_1 to %scan3A_3 step %scan3A_4 iter_args(%scan3A_647 = %scan3A) -> (i32)  : i32 {
      %broadcast_in_dim3A = arith.constant 0.000000e+00 : f32
      %broadcast_in_dim3A_648 = vector.broadcast %broadcast_in_dim3A : f32 to vector<16xf32>
      %swap3A = arith.constant 0 : i32
      %swap3A_649 = arith.index_cast %swap3A : i32 to index
      %swap3A_650 = arith.index_cast %scan3A_646 : i32 to index
      %swap3A_651 = arith.constant 0 : index
      %swap3A_652 = tpu.vector_load %arg7[%swap3A_649, %swap3A_650, %swap3A_651] {strides = array<i32>} : memref<3x120x128xf32, #tpu.memory_space<vmem>>, vector<1x1x16xf32>,
      %swap3A_653 = vector.shape_cast %swap3A_652 : vector<1x1x16xf32> to vector<16xf32>
      %swap3A_654 = vector.shape_cast %broadcast_in_dim3A_648 : vector<16xf32> to vector<1x1x16xf32>
      tpu.vector_store %arg7[%swap3A_649, %swap3A_650, %swap3A_651], %swap3A_654 {strides = array<i32>} : memref<3x120x128xf32, #tpu.memory_space<vmem>>, vector<1x1x16xf32>,
      %broadcast_in_dim3A_655 = arith.constant 0.000000e+00 : f32
      %broadcast_in_dim3A_656 = vector.broadcast %broadcast_in_dim3A_655 : f32 to vector<16xf32>
      %swap3A_657 = arith.constant 0 : i32
      %swap3A_658 = arith.index_cast %swap3A_657 : i32 to index
      %swap3A_659 = arith.index_cast %scan3A_646 : i32 to index
      %swap3A_660 = arith.constant 16 : index
      %swap3A_661 = tpu.vector_load %arg7[%swap3A_658, %swap3A_659, %swap3A_660] {strides = array<i32>} : memref<3x120x128xf32, #tpu.memory_space<vmem>>, vector<1x1x16xf32>,
      %swap3A_662 = vector.shape_cast %swap3A_661 : vector<1x1x16xf32> to vector<16xf32>
      %swap3A_663 = vector.shape_cast %broadcast_in_dim3A_656 : vector<16xf32> to vector<1x1x16xf32>
      tpu.vector_store %arg7[%swap3A_658, %swap3A_659, %swap3A_660], %swap3A_663 {strides = array<i32>} : memref<3x120x128xf32, #tpu.memory_space<vmem>>, vector<1x1x16xf32>,
      %broadcast_in_dim3A_664 = arith.constant 0.000000e+00 : f32
      %broadcast_in_dim3A_665 = vector.broadcast %broadcast_in_dim3A_664 : f32 to vector<16xf32>
      %swap3A_666 = arith.constant 0 : i32
      %swap3A_667 = arith.index_cast %swap3A_666 : i32 to index
      %swap3A_668 = arith.index_cast %scan3A_646 : i32 to index
      %swap3A_669 = arith.constant 32 : index
      %swap3A_670 = tpu.vector_load %arg7[%swap3A_667, %swap3A_668, %swap3A_669] {strides = array<i32>} : memref<3x120x128xf32, #tpu.memory_space<vmem>>, vector<1x1x16xf32>,
      %swap3A_671 = vector.shape_cast %swap3A_670 : vector<1x1x16xf32> to vector<16xf32>
      %swap3A_672 = vector.shape_cast %broadcast_in_dim3A_665 : vector<16xf32> to vector<1x1x16xf32>
      tpu.vector_store %arg7[%swap3A_667, %swap3A_668, %swap3A_669], %swap3A_672 {strides = array<i32>} : memref<3x120x128xf32, #tpu.memory_space<vmem>>, vector<1x1x16xf32>,
      %broadcast_in_dim3A_673 = arith.constant 0.000000e+00 : f32
      %broadcast_in_dim3A_674 = vector.broadcast %broadcast_in_dim3A_673 : f32 to vector<16xf32>
      %swap3A_675 = arith.constant 0 : i32
      %swap3A_676 = arith.index_cast %swap3A_675 : i32 to index
      %swap3A_677 = arith.index_cast %scan3A_646 : i32 to index
      %swap3A_678 = arith.constant 48 : index
      %swap3A_679 = tpu.vector_load %arg7[%swap3A_676, %swap3A_677, %swap3A_678] {strides = array<i32>} : memref<3x120x128xf32, #tpu.memory_space<vmem>>, vector<1x1x16xf32>,
      %swap3A_680 = vector.shape_cast %swap3A_679 : vector<1x1x16xf32> to vector<16xf32>
      %swap3A_681 = vector.shape_cast %broadcast_in_dim3A_674 : vector<16xf32> to vector<1x1x16xf32>
      tpu.vector_store %arg7[%swap3A_676, %swap3A_677, %swap3A_678], %swap3A_681 {strides = array<i32>} : memref<3x120x128xf32, #tpu.memory_space<vmem>>, vector<1x1x16xf32>,
      %broadcast_in_dim3A_682 = arith.constant 0.000000e+00 : f32
      %broadcast_in_dim3A_683 = vector.broadcast %broadcast_in_dim3A_682 : f32 to vector<16xf32>
      %swap3A_684 = arith.constant 0 : i32
      %swap3A_685 = arith.index_cast %swap3A_684 : i32 to index
      %swap3A_686 = arith.index_cast %scan3A_646 : i32 to index
      %swap3A_687 = arith.constant 64 : index
      %swap3A_688 = tpu.vector_load %arg7[%swap3A_685, %swap3A_686, %swap3A_687] {strides = array<i32>} : memref<3x120x128xf32, #tpu.memory_space<vmem>>, vector<1x1x16xf32>,
      %swap3A_689 = vector.shape_cast %swap3A_688 : vector<1x1x16xf32> to vector<16xf32>
      %swap3A_690 = vector.shape_cast %broadcast_in_dim3A_683 : vector<16xf32> to vector<1x1x16xf32>
      tpu.vector_store %arg7[%swap3A_685, %swap3A_686, %swap3A_687], %swap3A_690 {strides = array<i32>} : memref<3x120x128xf32, #tpu.memory_space<vmem>>, vector<1x1x16xf32>,
      %broadcast_in_dim3A_691 = arith.constant 0.000000e+00 : f32
      %broadcast_in_dim3A_692 = vector.broadcast %broadcast_in_dim3A_691 : f32 to vector<16xf32>
      %swap3A_693 = arith.constant 0 : i32
      %swap3A_694 = arith.index_cast %swap3A_693 : i32 to index
      %swap3A_695 = arith.index_cast %scan3A_646 : i32 to index
      %swap3A_696 = arith.constant 80 : index
      %swap3A_697 = tpu.vector_load %arg7[%swap3A_694, %swap3A_695, %swap3A_696] {strides = array<i32>} : memref<3x120x128xf32, #tpu.memory_space<vmem>>, vector<1x1x16xf32>,
      %swap3A_698 = vector.shape_cast %swap3A_697 : vector<1x1x16xf32> to vector<16xf32>
      %swap3A_699 = vector.shape_cast %broadcast_in_dim3A_692 : vector<16xf32> to vector<1x1x16xf32>
      tpu.vector_store %arg7[%swap3A_694, %swap3A_695, %swap3A_696], %swap3A_699 {strides = array<i32>} : memref<3x120x128xf32, #tpu.memory_space<vmem>>, vector<1x1x16xf32>,
      %broadcast_in_dim3A_700 = arith.constant 0.000000e+00 : f32
      %broadcast_in_dim3A_701 = vector.broadcast %broadcast_in_dim3A_700 : f32 to vector<16xf32>
      %swap3A_702 = arith.constant 0 : i32
      %swap3A_703 = arith.index_cast %swap3A_702 : i32 to index
      %swap3A_704 = arith.index_cast %scan3A_646 : i32 to index
      %swap3A_705 = arith.constant 96 : index
      %swap3A_706 = tpu.vector_load %arg7[%swap3A_703, %swap3A_704, %swap3A_705] {strides = array<i32>} : memref<3x120x128xf32, #tpu.memory_space<vmem>>, vector<1x1x16xf32>,
      %swap3A_707 = vector.shape_cast %swap3A_706 : vector<1x1x16xf32> to vector<16xf32>
      %swap3A_708 = vector.shape_cast %broadcast_in_dim3A_701 : vector<16xf32> to vector<1x1x16xf32>
      tpu.vector_store %arg7[%swap3A_703, %swap3A_704, %swap3A_705], %swap3A_708 {strides = array<i32>} : memref<3x120x128xf32, #tpu.memory_space<vmem>>, vector<1x1x16xf32>,
      %broadcast_in_dim3A_709 = arith.constant 0.000000e+00 : f32
      %broadcast_in_dim3A_710 = vector.broadcast %broadcast_in_dim3A_709 : f32 to vector<16xf32>
      %swap3A_711 = arith.constant 0 : i32
      %swap3A_712 = arith.index_cast %swap3A_711 : i32 to index
      %swap3A_713 = arith.index_cast %scan3A_646 : i32 to index
      %swap3A_714 = arith.constant 112 : index
      %swap3A_715 = tpu.vector_load %arg7[%swap3A_712, %swap3A_713, %swap3A_714] {strides = array<i32>} : memref<3x120x128xf32, #tpu.memory_space<vmem>>, vector<1x1x16xf32>,
      %swap3A_716 = vector.shape_cast %swap3A_715 : vector<1x1x16xf32> to vector<16xf32>
      %swap3A_717 = vector.shape_cast %broadcast_in_dim3A_710 : vector<16xf32> to vector<1x1x16xf32>
      tpu.vector_store %arg7[%swap3A_712, %swap3A_713, %swap3A_714], %swap3A_717 {strides = array<i32>} : memref<3x120x128xf32, #tpu.memory_space<vmem>>, vector<1x1x16xf32>,
      %scan3A_718 = arith.constant 0 : i32
      scf.yield %scan3A_718 : i32
    }
    %scan3A_6 = arith.constant 120 : i32
    %mul3A_7 = arith.constant 632 : i32
    %mul3A_8 = arith.muli %arg1, %mul3A_7 : i32
    %add3A_9 = arith.constant 0 : i32
    %add3A_10 = arith.addi %mul3A_8, %add3A_9 : i32
    %run_scoped3A = arith.constant 0 : i32
    "tpu.region"() ({
      %run_scoped3A_646 = tpu.sem_alloc : memref<!tpu.dma_semaphore, #tpu.memory_space<semaphore_mem>>
      %dma_start3A_647 = arith.constant 0 : i32
      %dma_start3A_648 = arith.constant 0 : i32
      %dma_start3A_649 = tpu.memref_slice %arg7[%run_scoped3A, %dma_start3A_647, %dma_start3A_648] : memref<3x120x128xf32, #tpu.memory_space<vmem>> -> memref<1x120x128xf32, #tpu.memory_space<vmem>>
      %dma_start3A_650 = tpu.memref_squeeze %dma_start3A_649 : memref<1x120x128xf32, #tpu.memory_space<vmem>> -> memref<120x128xf32, #tpu.memory_space<vmem>>
      %dma_start3A_651 = arith.constant 0 : i32
      %dma_start3A_652 = tpu.memref_slice %arg5[%add3A_10, %dma_start3A_651] : memref<10112x128xf32, #tpu.memory_space<vmem_shared>> -> memref<120x128xf32, #tpu.memory_space<vmem_shared>>
      %dma_start3A_653 = arith.constant 0 : i32
      %dma_start3A_654 = tpu.memref_slice %arg5[%add3A_10, %dma_start3A_653] : memref<10112x128xf32, #tpu.memory_space<vmem_shared>> -> memref<120x128xf32, #tpu.memory_space<vmem_shared>>
      %dma_start3A_655 = arith.constant 0 : i32
      %dma_start3A_656 = arith.constant 0 : i32
      %dma_start3A_657 = tpu.memref_slice %arg7[%run_scoped3A, %dma_start3A_655, %dma_start3A_656] : memref<3x120x128xf32, #tpu.memory_space<vmem>> -> memref<1x120x128xf32, #tpu.memory_space<vmem>>
      %dma_start3A_658 = tpu.memref_squeeze %dma_start3A_657 : memref<1x120x128xf32, #tpu.memory_space<vmem>> -> memref<120x128xf32, #tpu.memory_space<vmem>>
      tpu.enqueue_dma source(%dma_start3A_658 : memref<120x128xf32, #tpu.memory_space<vmem>>) target(%dma_start3A_654 : memref<120x128xf32, #tpu.memory_space<vmem_shared>>) target_semaphore(%run_scoped3A_646 : memref<!tpu.dma_semaphore, #tpu.memory_space<semaphore_mem>>)
      %dma_wait3A_659 = arith.constant 0 : i32
      %dma_wait3A_660 = arith.constant 0 : i32
      %dma_wait3A_661 = tpu.memref_slice %arg7[%run_scoped3A, %dma_wait3A_659, %dma_wait3A_660] : memref<3x120x128xf32, #tpu.memory_space<vmem>> -> memref<1x120x128xf32, #tpu.memory_space<vmem>>
      %dma_wait3A_662 = tpu.memref_squeeze %dma_wait3A_661 : memref<1x120x128xf32, #tpu.memory_space<vmem>> -> memref<120x128xf32, #tpu.memory_space<vmem>>
      %dma_wait3A_663 = arith.constant 0 : i32
      %dma_wait3A_664 = tpu.memref_slice %arg5[%add3A_10, %dma_wait3A_663] : memref<10112x128xf32, #tpu.memory_space<vmem_shared>> -> memref<120x128xf32, #tpu.memory_space<vmem_shared>>
      %dma_wait3A_665 = arith.constant 0 : i32
      %dma_wait3A_666 = tpu.memref_slice %arg5[%add3A_10, %dma_wait3A_665] : memref<10112x128xf32, #tpu.memory_space<vmem_shared>> -> memref<120x128xf32, #tpu.memory_space<vmem_shared>>
      %dma_wait3A_667 = arith.constant 0 : i32
      %dma_wait3A_668 = arith.constant 0 : i32
      %dma_wait3A_669 = tpu.memref_slice %arg7[%run_scoped3A, %dma_wait3A_667, %dma_wait3A_668] : memref<3x120x128xf32, #tpu.memory_space<vmem>> -> memref<1x120x128xf32, #tpu.memory_space<vmem>>
      %dma_wait3A_670 = tpu.memref_squeeze %dma_wait3A_669 : memref<1x120x128xf32, #tpu.memory_space<vmem>> -> memref<120x128xf32, #tpu.memory_space<vmem>>
      tpu.wait_dma2 semaphore(%run_scoped3A_646 : memref<!tpu.dma_semaphore, #tpu.memory_space<semaphore_mem>>) src(%dma_wait3A_670 : memref<120x128xf32, #tpu.memory_space<vmem>>) dst(%dma_wait3A_666 : memref<120x128xf32, #tpu.memory_space<vmem_shared>>)
      tpu.yield
    }) : () -> ()
    %mul3A_11 = arith.constant 632 : i32
    %mul3A_12 = arith.muli %arg1, %mul3A_11 : i32
    %add3A_13 = arith.constant 120 : i32
    %add3A_14 = arith.addi %mul3A_12, %add3A_13 : i32
    %run_scoped3A_15 = arith.constant 0 : i32
    "tpu.region"() ({
      %run_scoped3A_646 = tpu.sem_alloc : memref<!tpu.dma_semaphore, #tpu.memory_space<semaphore_mem>>
      %dma_start3A_647 = arith.constant 0 : i32
      %dma_start3A_648 = arith.constant 0 : i32
      %dma_start3A_649 = tpu.memref_slice %arg7[%run_scoped3A_15, %dma_start3A_647, %dma_start3A_648] : memref<3x120x128xf32, #tpu.memory_space<vmem>> -> memref<1x120x128xf32, #tpu.memory_space<vmem>>
      %dma_start3A_650 = tpu.memref_squeeze %dma_start3A_649 : memref<1x120x128xf32, #tpu.memory_space<vmem>> -> memref<120x128xf32, #tpu.memory_space<vmem>>
      %dma_start3A_651 = arith.constant 0 : i32
      %dma_start3A_652 = tpu.memref_slice %arg5[%add3A_14, %dma_start3A_651] : memref<10112x128xf32, #tpu.memory_space<vmem_shared>> -> memref<120x128xf32, #tpu.memory_space<vmem_shared>>
      %dma_start3A_653 = arith.constant 0 : i32
      %dma_start3A_654 = tpu.memref_slice %arg5[%add3A_14, %dma_start3A_653] : memref<10112x128xf32, #tpu.memory_space<vmem_shared>> -> memref<120x128xf32, #tpu.memory_space<vmem_shared>>
      %dma_start3A_655 = arith.constant 0 : i32
      %dma_start3A_656 = arith.constant 0 : i32
      %dma_start3A_657 = tpu.memref_slice %arg7[%run_scoped3A_15, %dma_start3A_655, %dma_start3A_656] : memref<3x120x128xf32, #tpu.memory_space<vmem>> -> memref<1x120x128xf32, #tpu.memory_space<vmem>>
      %dma_start3A_658 = tpu.memref_squeeze %dma_start3A_657 : memref<1x120x128xf32, #tpu.memory_space<vmem>> -> memref<120x128xf32, #tpu.memory_space<vmem>>
      tpu.enqueue_dma source(%dma_start3A_658 : memref<120x128xf32, #tpu.memory_space<vmem>>) target(%dma_start3A_654 : memref<120x128xf32, #tpu.memory_space<vmem_shared>>) target_semaphore(%run_scoped3A_646 : memref<!tpu.dma_semaphore, #tpu.memory_space<semaphore_mem>>)
      %dma_wait3A_659 = arith.constant 0 : i32
      %dma_wait3A_660 = arith.constant 0 : i32
      %dma_wait3A_661 = tpu.memref_slice %arg7[%run_scoped3A_15, %dma_wait3A_659, %dma_wait3A_660] : memref<3x120x128xf32, #tpu.memory_space<vmem>> -> memref<1x120x128xf32, #tpu.memory_space<vmem>>
      %dma_wait3A_662 = tpu.memref_squeeze %dma_wait3A_661 : memref<1x120x128xf32, #tpu.memory_space<vmem>> -> memref<120x128xf32, #tpu.memory_space<vmem>>
      %dma_wait3A_663 = arith.constant 0 : i32
      %dma_wait3A_664 = tpu.memref_slice %arg5[%add3A_14, %dma_wait3A_663] : memref<10112x128xf32, #tpu.memory_space<vmem_shared>> -> memref<120x128xf32, #tpu.memory_space<vmem_shared>>
      %dma_wait3A_665 = arith.constant 0 : i32
      %dma_wait3A_666 = tpu.memref_slice %arg5[%add3A_14, %dma_wait3A_665] : memref<10112x128xf32, #tpu.memory_space<vmem_shared>> -> memref<120x128xf32, #tpu.memory_space<vmem_shared>>
      %dma_wait3A_667 = arith.constant 0 : i32
      %dma_wait3A_668 = arith.constant 0 : i32
      %dma_wait3A_669 = tpu.memref_slice %arg7[%run_scoped3A_15, %dma_wait3A_667, %dma_wait3A_668] : memref<3x120x128xf32, #tpu.memory_space<vmem>> -> memref<1x120x128xf32, #tpu.memory_space<vmem>>
      %dma_wait3A_670 = tpu.memref_squeeze %dma_wait3A_669 : memref<1x120x128xf32, #tpu.memory_space<vmem>> -> memref<120x128xf32, #tpu.memory_space<vmem>>
      tpu.wait_dma2 semaphore(%run_scoped3A_646 : memref<!tpu.dma_semaphore, #tpu.memory_space<semaphore_mem>>) src(%dma_wait3A_670 : memref<120x128xf32, #tpu.memory_space<vmem>>) dst(%dma_wait3A_666 : memref<120x128xf32, #tpu.memory_space<vmem_shared>>)
      tpu.yield
    }) : () -> ()
    %mul3A_16 = arith.constant 632 : i32
    %mul3A_17 = arith.muli %arg1, %mul3A_16 : i32
    %add3A_18 = arith.constant 240 : i32
    %add3A_19 = arith.addi %mul3A_17, %add3A_18 : i32
    %run_scoped3A_20 = arith.constant 0 : i32
    "tpu.region"() ({
      %run_scoped3A_646 = tpu.sem_alloc : memref<!tpu.dma_semaphore, #tpu.memory_space<semaphore_mem>>
      %dma_start3A_647 = arith.constant 0 : i32
      %dma_start3A_648 = arith.constant 0 : i32
      %dma_start3A_649 = tpu.memref_slice %arg7[%run_scoped3A_20, %dma_start3A_647, %dma_start3A_648] : memref<3x120x128xf32, #tpu.memory_space<vmem>> -> memref<1x120x128xf32, #tpu.memory_space<vmem>>
      %dma_start3A_650 = tpu.memref_squeeze %dma_start3A_649 : memref<1x120x128xf32, #tpu.memory_space<vmem>> -> memref<120x128xf32, #tpu.memory_space<vmem>>
      %dma_start3A_651 = arith.constant 0 : i32
      %dma_start3A_652 = tpu.memref_slice %arg5[%add3A_19, %dma_start3A_651] : memref<10112x128xf32, #tpu.memory_space<vmem_shared>> -> memref<120x128xf32, #tpu.memory_space<vmem_shared>>
      %dma_start3A_653 = arith.constant 0 : i32
      %dma_start3A_654 = tpu.memref_slice %arg5[%add3A_19, %dma_start3A_653] : memref<10112x128xf32, #tpu.memory_space<vmem_shared>> -> memref<120x128xf32, #tpu.memory_space<vmem_shared>>
      %dma_start3A_655 = arith.constant 0 : i32
      %dma_start3A_656 = arith.constant 0 : i32
      %dma_start3A_657 = tpu.memref_slice %arg7[%run_scoped3A_20, %dma_start3A_655, %dma_start3A_656] : memref<3x120x128xf32, #tpu.memory_space<vmem>> -> memref<1x120x128xf32, #tpu.memory_space<vmem>>
      %dma_start3A_658 = tpu.memref_squeeze %dma_start3A_657 : memref<1x120x128xf32, #tpu.memory_space<vmem>> -> memref<120x128xf32, #tpu.memory_space<vmem>>
      tpu.enqueue_dma source(%dma_start3A_658 : memref<120x128xf32, #tpu.memory_space<vmem>>) target(%dma_start3A_654 : memref<120x128xf32, #tpu.memory_space<vmem_shared>>) target_semaphore(%run_scoped3A_646 : memref<!tpu.dma_semaphore, #tpu.memory_space<semaphore_mem>>)
      %dma_wait3A_659 = arith.constant 0 : i32
      %dma_wait3A_660 = arith.constant 0 : i32
      %dma_wait3A_661 = tpu.memref_slice %arg7[%run_scoped3A_20, %dma_wait3A_659, %dma_wait3A_660] : memref<3x120x128xf32, #tpu.memory_space<vmem>> -> memref<1x120x128xf32, #tpu.memory_space<vmem>>
      %dma_wait3A_662 = tpu.memref_squeeze %dma_wait3A_661 : memref<1x120x128xf32, #tpu.memory_space<vmem>> -> memref<120x128xf32, #tpu.memory_space<vmem>>
      %dma_wait3A_663 = arith.constant 0 : i32
      %dma_wait3A_664 = tpu.memref_slice %arg5[%add3A_19, %dma_wait3A_663] : memref<10112x128xf32, #tpu.memory_space<vmem_shared>> -> memref<120x128xf32, #tpu.memory_space<vmem_shared>>
      %dma_wait3A_665 = arith.constant 0 : i32
      %dma_wait3A_666 = tpu.memref_slice %arg5[%add3A_19, %dma_wait3A_665] : memref<10112x128xf32, #tpu.memory_space<vmem_shared>> -> memref<120x128xf32, #tpu.memory_space<vmem_shared>>
      %dma_wait3A_667 = arith.constant 0 : i32
      %dma_wait3A_668 = arith.constant 0 : i32
      %dma_wait3A_669 = tpu.memref_slice %arg7[%run_scoped3A_20, %dma_wait3A_667, %dma_wait3A_668] : memref<3x120x128xf32, #tpu.memory_space<vmem>> -> memref<1x120x128xf32, #tpu.memory_space<vmem>>
      %dma_wait3A_670 = tpu.memref_squeeze %dma_wait3A_669 : memref<1x120x128xf32, #tpu.memory_space<vmem>> -> memref<120x128xf32, #tpu.memory_space<vmem>>
      tpu.wait_dma2 semaphore(%run_scoped3A_646 : memref<!tpu.dma_semaphore, #tpu.memory_space<semaphore_mem>>) src(%dma_wait3A_670 : memref<120x128xf32, #tpu.memory_space<vmem>>) dst(%dma_wait3A_666 : memref<120x128xf32, #tpu.memory_space<vmem_shared>>)
      tpu.yield
    }) : () -> ()
    %mul3A_21 = arith.constant 632 : i32
    %mul3A_22 = arith.muli %arg1, %mul3A_21 : i32
    %add3A_23 = arith.constant 360 : i32
    %add3A_24 = arith.addi %mul3A_22, %add3A_23 : i32
    %run_scoped3A_25 = arith.constant 0 : i32
    "tpu.region"() ({
      %run_scoped3A_646 = tpu.sem_alloc : memref<!tpu.dma_semaphore, #tpu.memory_space<semaphore_mem>>
      %dma_start3A_647 = arith.constant 0 : i32
      %dma_start3A_648 = arith.constant 0 : i32
      %dma_start3A_649 = tpu.memref_slice %arg7[%run_scoped3A_25, %dma_start3A_647, %dma_start3A_648] : memref<3x120x128xf32, #tpu.memory_space<vmem>> -> memref<1x120x128xf32, #tpu.memory_space<vmem>>
      %dma_start3A_650 = tpu.memref_squeeze %dma_start3A_649 : memref<1x120x128xf32, #tpu.memory_space<vmem>> -> memref<120x128xf32, #tpu.memory_space<vmem>>
      %dma_start3A_651 = arith.constant 0 : i32
      %dma_start3A_652 = tpu.memref_slice %arg5[%add3A_24, %dma_start3A_651] : memref<10112x128xf32, #tpu.memory_space<vmem_shared>> -> memref<120x128xf32, #tpu.memory_space<vmem_shared>>
      %dma_start3A_653 = arith.constant 0 : i32
      %dma_start3A_654 = tpu.memref_slice %arg5[%add3A_24, %dma_start3A_653] : memref<10112x128xf32, #tpu.memory_space<vmem_shared>> -> memref<120x128xf32, #tpu.memory_space<vmem_shared>>
      %dma_start3A_655 = arith.constant 0 : i32
      %dma_start3A_656 = arith.constant 0 : i32
      %dma_start3A_657 = tpu.memref_slice %arg7[%run_scoped3A_25, %dma_start3A_655, %dma_start3A_656] : memref<3x120x128xf32, #tpu.memory_space<vmem>> -> memref<1x120x128xf32, #tpu.memory_space<vmem>>
      %dma_start3A_658 = tpu.memref_squeeze %dma_start3A_657 : memref<1x120x128xf32, #tpu.memory_space<vmem>> -> memref<120x128xf32, #tpu.memory_space<vmem>>
      tpu.enqueue_dma source(%dma_start3A_658 : memref<120x128xf32, #tpu.memory_space<vmem>>) target(%dma_start3A_654 : memref<120x128xf32, #tpu.memory_space<vmem_shared>>) target_semaphore(%run_scoped3A_646 : memref<!tpu.dma_semaphore, #tpu.memory_space<semaphore_mem>>)
      %dma_wait3A_659 = arith.constant 0 : i32
      %dma_wait3A_660 = arith.constant 0 : i32
      %dma_wait3A_661 = tpu.memref_slice %arg7[%run_scoped3A_25, %dma_wait3A_659, %dma_wait3A_660] : memref<3x120x128xf32, #tpu.memory_space<vmem>> -> memref<1x120x128xf32, #tpu.memory_space<vmem>>
      %dma_wait3A_662 = tpu.memref_squeeze %dma_wait3A_661 : memref<1x120x128xf32, #tpu.memory_space<vmem>> -> memref<120x128xf32, #tpu.memory_space<vmem>>
      %dma_wait3A_663 = arith.constant 0 : i32
      %dma_wait3A_664 = tpu.memref_slice %arg5[%add3A_24, %dma_wait3A_663] : memref<10112x128xf32, #tpu.memory_space<vmem_shared>> -> memref<120x128xf32, #tpu.memory_space<vmem_shared>>
      %dma_wait3A_665 = arith.constant 0 : i32
      %dma_wait3A_666 = tpu.memref_slice %arg5[%add3A_24, %dma_wait3A_665] : memref<10112x128xf32, #tpu.memory_space<vmem_shared>> -> memref<120x128xf32, #tpu.memory_space<vmem_shared>>
      %dma_wait3A_667 = arith.constant 0 : i32
      %dma_wait3A_668 = arith.constant 0 : i32
      %dma_wait3A_669 = tpu.memref_slice %arg7[%run_scoped3A_25, %dma_wait3A_667, %dma_wait3A_668] : memref<3x120x128xf32, #tpu.memory_space<vmem>> -> memref<1x120x128xf32, #tpu.memory_space<vmem>>
      %dma_wait3A_670 = tpu.memref_squeeze %dma_wait3A_669 : memref<1x120x128xf32, #tpu.memory_space<vmem>> -> memref<120x128xf32, #tpu.memory_space<vmem>>
      tpu.wait_dma2 semaphore(%run_scoped3A_646 : memref<!tpu.dma_semaphore, #tpu.memory_space<semaphore_mem>>) src(%dma_wait3A_670 : memref<120x128xf32, #tpu.memory_space<vmem>>) dst(%dma_wait3A_666 : memref<120x128xf32, #tpu.memory_space<vmem_shared>>)
      tpu.yield
    }) : () -> ()
    %mul3A_26 = arith.constant 632 : i32
    %mul3A_27 = arith.muli %arg1, %mul3A_26 : i32
    %add3A_28 = arith.constant 480 : i32
    %add3A_29 = arith.addi %mul3A_27, %add3A_28 : i32
    %run_scoped3A_30 = arith.constant 0 : i32
    "tpu.region"() ({
      %run_scoped3A_646 = tpu.sem_alloc : memref<!tpu.dma_semaphore, #tpu.memory_space<semaphore_mem>>
      %dma_start3A_647 = arith.constant 0 : i32
      %dma_start3A_648 = arith.constant 0 : i32
      %dma_start3A_649 = tpu.memref_slice %arg7[%run_scoped3A_30, %dma_start3A_647, %dma_start3A_648] : memref<3x120x128xf32, #tpu.memory_space<vmem>> -> memref<1x120x128xf32, #tpu.memory_space<vmem>>
      %dma_start3A_650 = tpu.memref_squeeze %dma_start3A_649 : memref<1x120x128xf32, #tpu.memory_space<vmem>> -> memref<120x128xf32, #tpu.memory_space<vmem>>
      %dma_start3A_651 = arith.constant 0 : i32
      %dma_start3A_652 = tpu.memref_slice %arg5[%add3A_29, %dma_start3A_651] : memref<10112x128xf32, #tpu.memory_space<vmem_shared>> -> memref<120x128xf32, #tpu.memory_space<vmem_shared>>
      %dma_start3A_653 = arith.constant 0 : i32
      %dma_start3A_654 = tpu.memref_slice %arg5[%add3A_29, %dma_start3A_653] : memref<10112x128xf32, #tpu.memory_space<vmem_shared>> -> memref<120x128xf32, #tpu.memory_space<vmem_shared>>
      %dma_start3A_655 = arith.constant 0 : i32
      %dma_start3A_656 = arith.constant 0 : i32
      %dma_start3A_657 = tpu.memref_slice %arg7[%run_scoped3A_30, %dma_start3A_655, %dma_start3A_656] : memref<3x120x128xf32, #tpu.memory_space<vmem>> -> memref<1x120x128xf32, #tpu.memory_space<vmem>>
      %dma_start3A_658 = tpu.memref_squeeze %dma_start3A_657 : memref<1x120x128xf32, #tpu.memory_space<vmem>> -> memref<120x128xf32, #tpu.memory_space<vmem>>
      tpu.enqueue_dma source(%dma_start3A_658 : memref<120x128xf32, #tpu.memory_space<vmem>>) target(%dma_start3A_654 : memref<120x128xf32, #tpu.memory_space<vmem_shared>>) target_semaphore(%run_scoped3A_646 : memref<!tpu.dma_semaphore, #tpu.memory_space<semaphore_mem>>)
      %dma_wait3A_659 = arith.constant 0 : i32
      %dma_wait3A_660 = arith.constant 0 : i32
      %dma_wait3A_661 = tpu.memref_slice %arg7[%run_scoped3A_30, %dma_wait3A_659, %dma_wait3A_660] : memref<3x120x128xf32, #tpu.memory_space<vmem>> -> memref<1x120x128xf32, #tpu.memory_space<vmem>>
      %dma_wait3A_662 = tpu.memref_squeeze %dma_wait3A_661 : memref<1x120x128xf32, #tpu.memory_space<vmem>> -> memref<120x128xf32, #tpu.memory_space<vmem>>
      %dma_wait3A_663 = arith.constant 0 : i32
      %dma_wait3A_664 = tpu.memref_slice %arg5[%add3A_29, %dma_wait3A_663] : memref<10112x128xf32, #tpu.memory_space<vmem_shared>> -> memref<120x128xf32, #tpu.memory_space<vmem_shared>>
      %dma_wait3A_665 = arith.constant 0 : i32
      %dma_wait3A_666 = tpu.memref_slice %arg5[%add3A_29, %dma_wait3A_665] : memref<10112x128xf32, #tpu.memory_space<vmem_shared>> -> memref<120x128xf32, #tpu.memory_space<vmem_shared>>
      %dma_wait3A_667 = arith.constant 0 : i32
      %dma_wait3A_668 = arith.constant 0 : i32
      %dma_wait3A_669 = tpu.memref_slice %arg7[%run_scoped3A_30, %dma_wait3A_667, %dma_wait3A_668] : memref<3x120x128xf32, #tpu.memory_space<vmem>> -> memref<1x120x128xf32, #tpu.memory_space<vmem>>
      %dma_wait3A_670 = tpu.memref_squeeze %dma_wait3A_669 : memref<1x120x128xf32, #tpu.memory_space<vmem>> -> memref<120x128xf32, #tpu.memory_space<vmem>>
      tpu.wait_dma2 semaphore(%run_scoped3A_646 : memref<!tpu.dma_semaphore, #tpu.memory_space<semaphore_mem>>) src(%dma_wait3A_670 : memref<120x128xf32, #tpu.memory_space<vmem>>) dst(%dma_wait3A_666 : memref<120x128xf32, #tpu.memory_space<vmem_shared>>)
      tpu.yield
    }) : () -> ()
    %mul3A_31 = arith.constant 632 : i32
    %mul3A_32 = arith.muli %arg1, %mul3A_31 : i32
    %add3A_33 = arith.constant 600 : i32
    %add3A_34 = arith.addi %mul3A_32, %add3A_33 : i32
    %run_scoped3A_35 = arith.constant 0 : i32
    "tpu.region"() ({
      %run_scoped3A_646 = tpu.sem_alloc : memref<!tpu.dma_semaphore, #tpu.memory_space<semaphore_mem>>
      %dma_start3A_647 = arith.constant 0 : i32
      %dma_start3A_648 = arith.constant 0 : i32
      %dma_start3A_649 = tpu.memref_slice %arg7[%run_scoped3A_35, %dma_start3A_647, %dma_start3A_648] : memref<3x120x128xf32, #tpu.memory_space<vmem>> -> memref<1x32x128xf32, #tpu.memory_space<vmem>>
      %dma_start3A_650 = tpu.memref_squeeze %dma_start3A_649 : memref<1x32x128xf32, #tpu.memory_space<vmem>> -> memref<32x128xf32, #tpu.memory_space<vmem>>
      %dma_start3A_651 = arith.constant 0 : i32
      %dma_start3A_652 = tpu.memref_slice %arg5[%add3A_34, %dma_start3A_651] : memref<10112x128xf32, #tpu.memory_space<vmem_shared>> -> memref<32x128xf32, #tpu.memory_space<vmem_shared>>
      %dma_start3A_653 = arith.constant 0 : i32
      %dma_start3A_654 = tpu.memref_slice %arg5[%add3A_34, %dma_start3A_653] : memref<10112x128xf32, #tpu.memory_space<vmem_shared>> -> memref<32x128xf32, #tpu.memory_space<vmem_shared>>
      %dma_start3A_655 = arith.constant 0 : i32
      %dma_start3A_656 = arith.constant 0 : i32
      %dma_start3A_657 = tpu.memref_slice %arg7[%run_scoped3A_35, %dma_start3A_655, %dma_start3A_656] : memref<3x120x128xf32, #tpu.memory_space<vmem>> -> memref<1x32x128xf32, #tpu.memory_space<vmem>>
      %dma_start3A_658 = tpu.memref_squeeze %dma_start3A_657 : memref<1x32x128xf32, #tpu.memory_space<vmem>> -> memref<32x128xf32, #tpu.memory_space<vmem>>
      tpu.enqueue_dma source(%dma_start3A_658 : memref<32x128xf32, #tpu.memory_space<vmem>>) target(%dma_start3A_654 : memref<32x128xf32, #tpu.memory_space<vmem_shared>>) target_semaphore(%run_scoped3A_646 : memref<!tpu.dma_semaphore, #tpu.memory_space<semaphore_mem>>)
      %dma_wait3A_659 = arith.constant 0 : i32
      %dma_wait3A_660 = arith.constant 0 : i32
      %dma_wait3A_661 = tpu.memref_slice %arg7[%run_scoped3A_35, %dma_wait3A_659, %dma_wait3A_660] : memref<3x120x128xf32, #tpu.memory_space<vmem>> -> memref<1x32x128xf32, #tpu.memory_space<vmem>>
      %dma_wait3A_662 = tpu.memref_squeeze %dma_wait3A_661 : memref<1x32x128xf32, #tpu.memory_space<vmem>> -> memref<32x128xf32, #tpu.memory_space<vmem>>
      %dma_wait3A_663 = arith.constant 0 : i32
      %dma_wait3A_664 = tpu.memref_slice %arg5[%add3A_34, %dma_wait3A_663] : memref<10112x128xf32, #tpu.memory_space<vmem_shared>> -> memref<32x128xf32, #tpu.memory_space<vmem_shared>>
      %dma_wait3A_665 = arith.constant 0 : i32
      %dma_wait3A_666 = tpu.memref_slice %arg5[%add3A_34, %dma_wait3A_665] : memref<10112x128xf32, #tpu.memory_space<vmem_shared>> -> memref<32x128xf32, #tpu.memory_space<vmem_shared>>
      %dma_wait3A_667 = arith.constant 0 : i32
      %dma_wait3A_668 = arith.constant 0 : i32
      %dma_wait3A_669 = tpu.memref_slice %arg7[%run_scoped3A_35, %dma_wait3A_667, %dma_wait3A_668] : memref<3x120x128xf32, #tpu.memory_space<vmem>> -> memref<1x32x128xf32, #tpu.memory_space<vmem>>
      %dma_wait3A_670 = tpu.memref_squeeze %dma_wait3A_669 : memref<1x32x128xf32, #tpu.memory_space<vmem>> -> memref<32x128xf32, #tpu.memory_space<vmem>>
      tpu.wait_dma2 semaphore(%run_scoped3A_646 : memref<!tpu.dma_semaphore, #tpu.memory_space<semaphore_mem>>) src(%dma_wait3A_670 : memref<32x128xf32, #tpu.memory_space<vmem>>) dst(%dma_wait3A_666 : memref<32x128xf32, #tpu.memory_space<vmem_shared>>)
      tpu.yield
    }) : () -> ()
    %barrier3A = arith.constant 0 : index
    tpu.barrier barrier_id(%barrier3A)
    %dma_start3A = arith.constant 0 : i32
    %dma_start3A_36 = arith.constant 0 : i32
    %dma_start3A_37 = arith.constant 0 : i32
    %dma_start3A_38 = arith.constant 0 : i32
    %dma_start3A_39 = tpu.memref_slice %arg6[%dma_start3A_36, %dma_start3A_37, %dma_start3A_38] : memref<6x2x120xi32, #tpu.memory_space<vmem>> -> memref<1x2x120xi32, #tpu.memory_space<vmem>>
    %dma_start3A_40 = tpu.memref_squeeze %dma_start3A_39 : memref<1x2x120xi32, #tpu.memory_space<vmem>> -> memref<2x120xi32, #tpu.memory_space<vmem>>
    %dma_start3A_41 = arith.constant 0 : i32
    %dma_start3A_42 = arith.constant 0 : i32
    %dma_start3A_43 = tpu.memref_slice %arg3[%add3A, %dma_start3A, %dma_start3A_41, %dma_start3A_42] : memref<32x84x2x120xi32, #tpu.memory_space<hbm>> -> memref<1x1x2x120xi32, #tpu.memory_space<hbm>>
    %dma_start3A_44 = tpu.memref_squeeze %dma_start3A_43 : memref<1x1x2x120xi32, #tpu.memory_space<hbm>> -> memref<2x120xi32, #tpu.memory_space<hbm>>
    %dma_start3A_45 = arith.constant 0 : i32
    %dma_start3A_46 = arith.constant 0 : i32
    %dma_start3A_47 = tpu.memref_slice %arg6[%dma_start3A_36, %dma_start3A_45, %dma_start3A_46] : memref<6x2x120xi32, #tpu.memory_space<vmem>> -> memref<1x2x120xi32, #tpu.memory_space<vmem>>
    %dma_start3A_48 = tpu.memref_squeeze %dma_start3A_47 : memref<1x2x120xi32, #tpu.memory_space<vmem>> -> memref<2x120xi32, #tpu.memory_space<vmem>>
    %dma_start3A_49 = arith.constant 0 : i32
    %dma_start3A_50 = arith.constant 0 : i32
    %dma_start3A_51 = tpu.memref_slice %arg3[%add3A, %dma_start3A, %dma_start3A_49, %dma_start3A_50] : memref<32x84x2x120xi32, #tpu.memory_space<hbm>> -> memref<1x1x2x120xi32, #tpu.memory_space<hbm>>
    %dma_start3A_52 = tpu.memref_squeeze %dma_start3A_51 : memref<1x1x2x120xi32, #tpu.memory_space<hbm>> -> memref<2x120xi32, #tpu.memory_space<hbm>>
    tpu.enqueue_dma source(%dma_start3A_52 : memref<2x120xi32, #tpu.memory_space<hbm>>) target(%dma_start3A_48 : memref<2x120xi32, #tpu.memory_space<vmem>>) target_semaphore(%arg8 : memref<!tpu.dma_semaphore, #tpu.memory_space<semaphore_mem>>)
    %dma_start3A_53 = arith.constant 1 : i32
    %dma_start3A_54 = arith.constant 1 : i32
    %dma_start3A_55 = arith.constant 0 : i32
    %dma_start3A_56 = arith.constant 0 : i32
    %dma_start3A_57 = tpu.memref_slice %arg6[%dma_start3A_54, %dma_start3A_55, %dma_start3A_56] : memref<6x2x120xi32, #tpu.memory_space<vmem>> -> memref<1x2x120xi32, #tpu.memory_space<vmem>>
    %dma_start3A_58 = tpu.memref_squeeze %dma_start3A_57 : memref<1x2x120xi32, #tpu.memory_space<vmem>> -> memref<2x120xi32, #tpu.memory_space<vmem>>
    %dma_start3A_59 = arith.constant 0 : i32
    %dma_start3A_60 = arith.constant 0 : i32
    %dma_start3A_61 = tpu.memref_slice %arg3[%add3A, %dma_start3A_53, %dma_start3A_59, %dma_start3A_60] : memref<32x84x2x120xi32, #tpu.memory_space<hbm>> -> memref<1x1x2x120xi32, #tpu.memory_space<hbm>>
    %dma_start3A_62 = tpu.memref_squeeze %dma_start3A_61 : memref<1x1x2x120xi32, #tpu.memory_space<hbm>> -> memref<2x120xi32, #tpu.memory_space<hbm>>
    %dma_start3A_63 = arith.constant 0 : i32
    %dma_start3A_64 = arith.constant 0 : i32
    %dma_start3A_65 = tpu.memref_slice %arg6[%dma_start3A_54, %dma_start3A_63, %dma_start3A_64] : memref<6x2x120xi32, #tpu.memory_space<vmem>> -> memref<1x2x120xi32, #tpu.memory_space<vmem>>
    %dma_start3A_66 = tpu.memref_squeeze %dma_start3A_65 : memref<1x2x120xi32, #tpu.memory_space<vmem>> -> memref<2x120xi32, #tpu.memory_space<vmem>>
    %dma_start3A_67 = arith.constant 0 : i32
    %dma_start3A_68 = arith.constant 0 : i32
    %dma_start3A_69 = tpu.memref_slice %arg3[%add3A, %dma_start3A_53, %dma_start3A_67, %dma_start3A_68] : memref<32x84x2x120xi32, #tpu.memory_space<hbm>> -> memref<1x1x2x120xi32, #tpu.memory_space<hbm>>
    %dma_start3A_70 = tpu.memref_squeeze %dma_start3A_69 : memref<1x1x2x120xi32, #tpu.memory_space<hbm>> -> memref<2x120xi32, #tpu.memory_space<hbm>>
    tpu.enqueue_dma source(%dma_start3A_70 : memref<2x120xi32, #tpu.memory_space<hbm>>) target(%dma_start3A_66 : memref<2x120xi32, #tpu.memory_space<vmem>>) target_semaphore(%arg9 : memref<!tpu.dma_semaphore, #tpu.memory_space<semaphore_mem>>)
    %dma_start3A_71 = arith.constant 2 : i32
    %dma_start3A_72 = arith.constant 2 : i32
    %dma_start3A_73 = arith.constant 0 : i32
    %dma_start3A_74 = arith.constant 0 : i32
    %dma_start3A_75 = tpu.memref_slice %arg6[%dma_start3A_72, %dma_start3A_73, %dma_start3A_74] : memref<6x2x120xi32, #tpu.memory_space<vmem>> -> memref<1x2x120xi32, #tpu.memory_space<vmem>>
    %dma_start3A_76 = tpu.memref_squeeze %dma_start3A_75 : memref<1x2x120xi32, #tpu.memory_space<vmem>> -> memref<2x120xi32, #tpu.memory_space<vmem>>
    %dma_start3A_77 = arith.constant 0 : i32
    %dma_start3A_78 = arith.constant 0 : i32
    %dma_start3A_79 = tpu.memref_slice %arg3[%add3A, %dma_start3A_71, %dma_start3A_77, %dma_start3A_78] : memref<32x84x2x120xi32, #tpu.memory_space<hbm>> -> memref<1x1x2x120xi32, #tpu.memory_space<hbm>>
    %dma_start3A_80 = tpu.memref_squeeze %dma_start3A_79 : memref<1x1x2x120xi32, #tpu.memory_space<hbm>> -> memref<2x120xi32, #tpu.memory_space<hbm>>
    %dma_start3A_81 = arith.constant 0 : i32
    %dma_start3A_82 = arith.constant 0 : i32
    %dma_start3A_83 = tpu.memref_slice %arg6[%dma_start3A_72, %dma_start3A_81, %dma_start3A_82] : memref<6x2x120xi32, #tpu.memory_space<vmem>> -> memref<1x2x120xi32, #tpu.memory_space<vmem>>
    %dma_start3A_84 = tpu.memref_squeeze %dma_start3A_83 : memref<1x2x120xi32, #tpu.memory_space<vmem>> -> memref<2x120xi32, #tpu.memory_space<vmem>>
    %dma_start3A_85 = arith.constant 0 : i32
    %dma_start3A_86 = arith.constant 0 : i32
    %dma_start3A_87 = tpu.memref_slice %arg3[%add3A, %dma_start3A_71, %dma_start3A_85, %dma_start3A_86] : memref<32x84x2x120xi32, #tpu.memory_space<hbm>> -> memref<1x1x2x120xi32, #tpu.memory_space<hbm>>
    %dma_start3A_88 = tpu.memref_squeeze %dma_start3A_87 : memref<1x1x2x120xi32, #tpu.memory_space<hbm>> -> memref<2x120xi32, #tpu.memory_space<hbm>>
    tpu.enqueue_dma source(%dma_start3A_88 : memref<2x120xi32, #tpu.memory_space<hbm>>) target(%dma_start3A_84 : memref<2x120xi32, #tpu.memory_space<vmem>>) target_semaphore(%arg10 : memref<!tpu.dma_semaphore, #tpu.memory_space<semaphore_mem>>)
    %dma_wait3A = arith.constant 0 : i32
    %dma_wait3A_89 = arith.constant 0 : i32
    %dma_wait3A_90 = arith.constant 0 : i32
    %dma_wait3A_91 = arith.constant 0 : i32
    %dma_wait3A_92 = tpu.memref_slice %arg6[%dma_wait3A_89, %dma_wait3A_90, %dma_wait3A_91] : memref<6x2x120xi32, #tpu.memory_space<vmem>> -> memref<1x2x120xi32, #tpu.memory_space<vmem>>
    %dma_wait3A_93 = tpu.memref_squeeze %dma_wait3A_92 : memref<1x2x120xi32, #tpu.memory_space<vmem>> -> memref<2x120xi32, #tpu.memory_space<vmem>>
    %dma_wait3A_94 = arith.constant 0 : i32
    %dma_wait3A_95 = arith.constant 0 : i32
    %dma_wait3A_96 = tpu.memref_slice %arg3[%add3A, %dma_wait3A, %dma_wait3A_94, %dma_wait3A_95] : memref<32x84x2x120xi32, #tpu.memory_space<hbm>> -> memref<1x1x2x120xi32, #tpu.memory_space<hbm>>
    %dma_wait3A_97 = tpu.memref_squeeze %dma_wait3A_96 : memref<1x1x2x120xi32, #tpu.memory_space<hbm>> -> memref<2x120xi32, #tpu.memory_space<hbm>>
    %dma_wait3A_98 = arith.constant 0 : i32
    %dma_wait3A_99 = arith.constant 0 : i32
    %dma_wait3A_100 = tpu.memref_slice %arg6[%dma_wait3A_89, %dma_wait3A_98, %dma_wait3A_99] : memref<6x2x120xi32, #tpu.memory_space<vmem>> -> memref<1x2x120xi32, #tpu.memory_space<vmem>>
    %dma_wait3A_101 = tpu.memref_squeeze %dma_wait3A_100 : memref<1x2x120xi32, #tpu.memory_space<vmem>> -> memref<2x120xi32, #tpu.memory_space<vmem>>
    %dma_wait3A_102 = arith.constant 0 : i32
    %dma_wait3A_103 = arith.constant 0 : i32
    %dma_wait3A_104 = tpu.memref_slice %arg3[%add3A, %dma_wait3A, %dma_wait3A_102, %dma_wait3A_103] : memref<32x84x2x120xi32, #tpu.memory_space<hbm>> -> memref<1x1x2x120xi32, #tpu.memory_space<hbm>>
    %dma_wait3A_105 = tpu.memref_squeeze %dma_wait3A_104 : memref<1x1x2x120xi32, #tpu.memory_space<hbm>> -> memref<2x120xi32, #tpu.memory_space<hbm>>
    tpu.wait_dma2 semaphore(%arg8 : memref<!tpu.dma_semaphore, #tpu.memory_space<semaphore_mem>>) src(%dma_wait3A_105 : memref<2x120xi32, #tpu.memory_space<hbm>>) dst(%dma_wait3A_101 : memref<2x120xi32, #tpu.memory_space<vmem>>)
    %dma_start3A_106 = arith.constant 0 : i32
    %dma_start3A_107 = arith.constant 0 : i32
    %dma_start3A_108 = arith.constant 0 : i32
    %dma_start3A_109 = arith.constant 0 : i32
    %dma_start3A_110 = arith.constant 0 : i32
    %dma_start3A_111 = tpu.memref_slice %arg7[%dma_start3A_108, %dma_start3A_109, %dma_start3A_110] : memref<3x120x128xf32, #tpu.memory_space<vmem>> -> memref<1x120x128xf32, #tpu.memory_space<vmem>>
    %dma_start3A_112 = tpu.memref_squeeze %dma_start3A_111 : memref<1x120x128xf32, #tpu.memory_space<vmem>> -> memref<120x128xf32, #tpu.memory_space<vmem>>
    %dma_start3A_113 = arith.constant 0 : i32
    %dma_start3A_114 = tpu.memref_slice %arg6[%dma_start3A_106, %dma_start3A_107, %dma_start3A_113] : memref<6x2x120xi32, #tpu.memory_space<vmem>> -> memref<1x1x120xi32, #tpu.memory_space<vmem>>
    %dma_start3A_115 = tpu.memref_squeeze %dma_start3A_114 : memref<1x1x120xi32, #tpu.memory_space<vmem>> -> memref<120xi32, #tpu.memory_space<vmem>>
    %dma_start3A_116 = arith.constant 0 : i32
    %dma_start3A_117 = arith.constant 0 : i32
    %dma_start3A_118 = tpu.memref_slice %arg2[%dma_start3A_116, %dma_start3A_117] : memref<10112x128xf32, #tpu.memory_space<hbm>> -> memref<10112x128xf32, #tpu.memory_space<hbm>>
    tpu.enqueue_indirect_dma source(%dma_start3A_118 : memref<10112x128xf32, #tpu.memory_space<hbm>>) target(%dma_start3A_112 : memref<120x128xf32, #tpu.memory_space<vmem>>) offsets(%dma_start3A_115 : memref<120xi32, #tpu.memory_space<vmem>>) semaphore(%arg14 : memref<!tpu.dma_semaphore, #tpu.memory_space<semaphore_mem>>)
    %dma_wait3A_119 = arith.constant 1 : i32
    %dma_wait3A_120 = arith.constant 1 : i32
    %dma_wait3A_121 = arith.constant 0 : i32
    %dma_wait3A_122 = arith.constant 0 : i32
    %dma_wait3A_123 = tpu.memref_slice %arg6[%dma_wait3A_120, %dma_wait3A_121, %dma_wait3A_122] : memref<6x2x120xi32, #tpu.memory_space<vmem>> -> memref<1x2x120xi32, #tpu.memory_space<vmem>>
    %dma_wait3A_124 = tpu.memref_squeeze %dma_wait3A_123 : memref<1x2x120xi32, #tpu.memory_space<vmem>> -> memref<2x120xi32, #tpu.memory_space<vmem>>
    %dma_wait3A_125 = arith.constant 0 : i32
    %dma_wait3A_126 = arith.constant 0 : i32
    %dma_wait3A_127 = tpu.memref_slice %arg3[%add3A, %dma_wait3A_119, %dma_wait3A_125, %dma_wait3A_126] : memref<32x84x2x120xi32, #tpu.memory_space<hbm>> -> memref<1x1x2x120xi32, #tpu.memory_space<hbm>>
    %dma_wait3A_128 = tpu.memref_squeeze %dma_wait3A_127 : memref<1x1x2x120xi32, #tpu.memory_space<hbm>> -> memref<2x120xi32, #tpu.memory_space<hbm>>
    %dma_wait3A_129 = arith.constant 0 : i32
    %dma_wait3A_130 = arith.constant 0 : i32
    %dma_wait3A_131 = tpu.memref_slice %arg6[%dma_wait3A_120, %dma_wait3A_129, %dma_wait3A_130] : memref<6x2x120xi32, #tpu.memory_space<vmem>> -> memref<1x2x120xi32, #tpu.memory_space<vmem>>
    %dma_wait3A_132 = tpu.memref_squeeze %dma_wait3A_131 : memref<1x2x120xi32, #tpu.memory_space<vmem>> -> memref<2x120xi32, #tpu.memory_space<vmem>>
    %dma_wait3A_133 = arith.constant 0 : i32
    %dma_wait3A_134 = arith.constant 0 : i32
    %dma_wait3A_135 = tpu.memref_slice %arg3[%add3A, %dma_wait3A_119, %dma_wait3A_133, %dma_wait3A_134] : memref<32x84x2x120xi32, #tpu.memory_space<hbm>> -> memref<1x1x2x120xi32, #tpu.memory_space<hbm>>
    %dma_wait3A_136 = tpu.memref_squeeze %dma_wait3A_135 : memref<1x1x2x120xi32, #tpu.memory_space<hbm>> -> memref<2x120xi32, #tpu.memory_space<hbm>>
    tpu.wait_dma2 semaphore(%arg9 : memref<!tpu.dma_semaphore, #tpu.memory_space<semaphore_mem>>) src(%dma_wait3A_136 : memref<2x120xi32, #tpu.memory_space<hbm>>) dst(%dma_wait3A_132 : memref<2x120xi32, #tpu.memory_space<vmem>>)
    %dma_start3A_137 = arith.constant 1 : i32
    %dma_start3A_138 = arith.constant 0 : i32
    %dma_start3A_139 = arith.constant 1 : i32
    %dma_start3A_140 = arith.constant 0 : i32
    %dma_start3A_141 = arith.constant 0 : i32
    %dma_start3A_142 = tpu.memref_slice %arg7[%dma_start3A_139, %dma_start3A_140, %dma_start3A_141] : memref<3x120x128xf32, #tpu.memory_space<vmem>> -> memref<1x120x128xf32, #tpu.memory_space<vmem>>
    %dma_start3A_143 = tpu.memref_squeeze %dma_start3A_142 : memref<1x120x128xf32, #tpu.memory_space<vmem>> -> memref<120x128xf32, #tpu.memory_space<vmem>>
    %dma_start3A_144 = arith.constant 0 : i32
    %dma_start3A_145 = tpu.memref_slice %arg6[%dma_start3A_137, %dma_start3A_138, %dma_start3A_144] : memref<6x2x120xi32, #tpu.memory_space<vmem>> -> memref<1x1x120xi32, #tpu.memory_space<vmem>>
    %dma_start3A_146 = tpu.memref_squeeze %dma_start3A_145 : memref<1x1x120xi32, #tpu.memory_space<vmem>> -> memref<120xi32, #tpu.memory_space<vmem>>
    %dma_start3A_147 = arith.constant 0 : i32
    %dma_start3A_148 = arith.constant 0 : i32
    %dma_start3A_149 = tpu.memref_slice %arg2[%dma_start3A_147, %dma_start3A_148] : memref<10112x128xf32, #tpu.memory_space<hbm>> -> memref<10112x128xf32, #tpu.memory_space<hbm>>
    tpu.enqueue_indirect_dma source(%dma_start3A_149 : memref<10112x128xf32, #tpu.memory_space<hbm>>) target(%dma_start3A_143 : memref<120x128xf32, #tpu.memory_space<vmem>>) offsets(%dma_start3A_146 : memref<120xi32, #tpu.memory_space<vmem>>) semaphore(%arg15 : memref<!tpu.dma_semaphore, #tpu.memory_space<semaphore_mem>>)
    %dma_start3A_150 = arith.constant 3 : i32
    %dma_start3A_151 = arith.constant 3 : i32
    %dma_start3A_152 = arith.constant 0 : i32
    %dma_start3A_153 = arith.constant 0 : i32
    %dma_start3A_154 = tpu.memref_slice %arg6[%dma_start3A_151, %dma_start3A_152, %dma_start3A_153] : memref<6x2x120xi32, #tpu.memory_space<vmem>> -> memref<1x2x120xi32, #tpu.memory_space<vmem>>
    %dma_start3A_155 = tpu.memref_squeeze %dma_start3A_154 : memref<1x2x120xi32, #tpu.memory_space<vmem>> -> memref<2x120xi32, #tpu.memory_space<vmem>>
    %dma_start3A_156 = arith.constant 0 : i32
    %dma_start3A_157 = arith.constant 0 : i32
    %dma_start3A_158 = tpu.memref_slice %arg3[%add3A, %dma_start3A_150, %dma_start3A_156, %dma_start3A_157] : memref<32x84x2x120xi32, #tpu.memory_space<hbm>> -> memref<1x1x2x120xi32, #tpu.memory_space<hbm>>
    %dma_start3A_159 = tpu.memref_squeeze %dma_start3A_158 : memref<1x1x2x120xi32, #tpu.memory_space<hbm>> -> memref<2x120xi32, #tpu.memory_space<hbm>>
    %dma_start3A_160 = arith.constant 0 : i32
    %dma_start3A_161 = arith.constant 0 : i32
    %dma_start3A_162 = tpu.memref_slice %arg6[%dma_start3A_151, %dma_start3A_160, %dma_start3A_161] : memref<6x2x120xi32, #tpu.memory_space<vmem>> -> memref<1x2x120xi32, #tpu.memory_space<vmem>>
    %dma_start3A_163 = tpu.memref_squeeze %dma_start3A_162 : memref<1x2x120xi32, #tpu.memory_space<vmem>> -> memref<2x120xi32, #tpu.memory_space<vmem>>
    %dma_start3A_164 = arith.constant 0 : i32
    %dma_start3A_165 = arith.constant 0 : i32
    %dma_start3A_166 = tpu.memref_slice %arg3[%add3A, %dma_start3A_150, %dma_start3A_164, %dma_start3A_165] : memref<32x84x2x120xi32, #tpu.memory_space<hbm>> -> memref<1x1x2x120xi32, #tpu.memory_space<hbm>>
    %dma_start3A_167 = tpu.memref_squeeze %dma_start3A_166 : memref<1x1x2x120xi32, #tpu.memory_space<hbm>> -> memref<2x120xi32, #tpu.memory_space<hbm>>
    tpu.enqueue_dma source(%dma_start3A_167 : memref<2x120xi32, #tpu.memory_space<hbm>>) target(%dma_start3A_163 : memref<2x120xi32, #tpu.memory_space<vmem>>) target_semaphore(%arg11 : memref<!tpu.dma_semaphore, #tpu.memory_space<semaphore_mem>>)
    %dma_wait3A_168 = arith.constant 0 : i32
    %dma_wait3A_169 = arith.constant 0 : i32
    %dma_wait3A_170 = arith.constant 0 : i32
    %dma_wait3A_171 = arith.constant 0 : i32
    %dma_wait3A_172 = arith.constant 0 : i32
    %dma_wait3A_173 = tpu.memref_slice %arg7[%dma_wait3A_170, %dma_wait3A_171, %dma_wait3A_172] : memref<3x120x128xf32, #tpu.memory_space<vmem>> -> memref<1x120x128xf32, #tpu.memory_space<vmem>>
    %dma_wait3A_174 = tpu.memref_squeeze %dma_wait3A_173 : memref<1x120x128xf32, #tpu.memory_space<vmem>> -> memref<120x128xf32, #tpu.memory_space<vmem>>
    %dma_wait3A_175 = arith.constant 0 : i32
    %dma_wait3A_176 = tpu.memref_slice %arg6[%dma_wait3A_168, %dma_wait3A_169, %dma_wait3A_175] : memref<6x2x120xi32, #tpu.memory_space<vmem>> -> memref<1x1x120xi32, #tpu.memory_space<vmem>>
    %dma_wait3A_177 = tpu.memref_squeeze %dma_wait3A_176 : memref<1x1x120xi32, #tpu.memory_space<vmem>> -> memref<120xi32, #tpu.memory_space<vmem>>
    %dma_wait3A_178 = arith.constant 0 : i32
    %dma_wait3A_179 = arith.constant 0 : i32
    %dma_wait3A_180 = tpu.memref_slice %arg2[%dma_wait3A_178, %dma_wait3A_179] : memref<10112x128xf32, #tpu.memory_space<hbm>> -> memref<10112x128xf32, #tpu.memory_space<hbm>>
    tpu.wait_indirect_dma semaphore(%arg14 : memref<!tpu.dma_semaphore, #tpu.memory_space<semaphore_mem>>) src(%dma_wait3A_180 : memref<10112x128xf32, #tpu.memory_space<hbm>>) dst(%dma_wait3A_174 : memref<120x128xf32, #tpu.memory_space<vmem>>)
    %dma_start3A_181 = arith.constant 0 : i32
    %dma_start3A_182 = arith.constant 0 : i32
    %dma_start3A_183 = arith.constant 1 : i32
    %dma_start3A_184 = arith.constant 0 : i32
    %dma_start3A_185 = arith.constant 0 : i32
    %dma_start3A_186 = tpu.memref_slice %arg7[%dma_start3A_181, %dma_start3A_184, %dma_start3A_185] : memref<3x120x128xf32, #tpu.memory_space<vmem>> -> memref<1x120x128xf32, #tpu.memory_space<vmem>>
    %dma_start3A_187 = tpu.memref_squeeze %dma_start3A_186 : memref<1x120x128xf32, #tpu.memory_space<vmem>> -> memref<120x128xf32, #tpu.memory_space<vmem>>
    %dma_start3A_188 = arith.constant 0 : i32
    %dma_start3A_189 = tpu.memref_slice %arg6[%dma_start3A_182, %dma_start3A_183, %dma_start3A_188] : memref<6x2x120xi32, #tpu.memory_space<vmem>> -> memref<1x1x120xi32, #tpu.memory_space<vmem>>
    %dma_start3A_190 = tpu.memref_squeeze %dma_start3A_189 : memref<1x1x120xi32, #tpu.memory_space<vmem>> -> memref<120xi32, #tpu.memory_space<vmem>>
    %dma_start3A_191 = arith.constant 0 : i32
    %dma_start3A_192 = arith.constant 0 : i32
    %dma_start3A_193 = tpu.memref_slice %arg5[%dma_start3A_191, %dma_start3A_192] : memref<10112x128xf32, #tpu.memory_space<vmem_shared>> -> memref<10112x128xf32, #tpu.memory_space<vmem_shared>>
    tpu.enqueue_indirect_dma source(%dma_start3A_187 : memref<120x128xf32, #tpu.memory_space<vmem>>) target(%dma_start3A_193 : memref<10112x128xf32, #tpu.memory_space<vmem_shared>>) offsets(%dma_start3A_190 : memref<120xi32, #tpu.memory_space<vmem>>) semaphore(%arg17 : memref<!tpu.dma_semaphore, #tpu.memory_space<semaphore_mem>>) {add = true}
    %dma_wait3A_194 = arith.constant 2 : i32
    %dma_wait3A_195 = arith.constant 2 : i32
    %dma_wait3A_196 = arith.constant 0 : i32
    %dma_wait3A_197 = arith.constant 0 : i32
    %dma_wait3A_198 = tpu.memref_slice %arg6[%dma_wait3A_195, %dma_wait3A_196, %dma_wait3A_197] : memref<6x2x120xi32, #tpu.memory_space<vmem>> -> memref<1x2x120xi32, #tpu.memory_space<vmem>>
    %dma_wait3A_199 = tpu.memref_squeeze %dma_wait3A_198 : memref<1x2x120xi32, #tpu.memory_space<vmem>> -> memref<2x120xi32, #tpu.memory_space<vmem>>
    %dma_wait3A_200 = arith.constant 0 : i32
    %dma_wait3A_201 = arith.constant 0 : i32
    %dma_wait3A_202 = tpu.memref_slice %arg3[%add3A, %dma_wait3A_194, %dma_wait3A_200, %dma_wait3A_201] : memref<32x84x2x120xi32, #tpu.memory_space<hbm>> -> memref<1x1x2x120xi32, #tpu.memory_space<hbm>>
    %dma_wait3A_203 = tpu.memref_squeeze %dma_wait3A_202 : memref<1x1x2x120xi32, #tpu.memory_space<hbm>> -> memref<2x120xi32, #tpu.memory_space<hbm>>
    %dma_wait3A_204 = arith.constant 0 : i32
    %dma_wait3A_205 = arith.constant 0 : i32
    %dma_wait3A_206 = tpu.memref_slice %arg6[%dma_wait3A_195, %dma_wait3A_204, %dma_wait3A_205] : memref<6x2x120xi32, #tpu.memory_space<vmem>> -> memref<1x2x120xi32, #tpu.memory_space<vmem>>
    %dma_wait3A_207 = tpu.memref_squeeze %dma_wait3A_206 : memref<1x2x120xi32, #tpu.memory_space<vmem>> -> memref<2x120xi32, #tpu.memory_space<vmem>>
    %dma_wait3A_208 = arith.constant 0 : i32
    %dma_wait3A_209 = arith.constant 0 : i32
    %dma_wait3A_210 = tpu.memref_slice %arg3[%add3A, %dma_wait3A_194, %dma_wait3A_208, %dma_wait3A_209] : memref<32x84x2x120xi32, #tpu.memory_space<hbm>> -> memref<1x1x2x120xi32, #tpu.memory_space<hbm>>
    %dma_wait3A_211 = tpu.memref_squeeze %dma_wait3A_210 : memref<1x1x2x120xi32, #tpu.memory_space<hbm>> -> memref<2x120xi32, #tpu.memory_space<hbm>>
    tpu.wait_dma2 semaphore(%arg10 : memref<!tpu.dma_semaphore, #tpu.memory_space<semaphore_mem>>) src(%dma_wait3A_211 : memref<2x120xi32, #tpu.memory_space<hbm>>) dst(%dma_wait3A_207 : memref<2x120xi32, #tpu.memory_space<vmem>>)
    %dma_start3A_212 = arith.constant 2 : i32
    %dma_start3A_213 = arith.constant 0 : i32
    %dma_start3A_214 = arith.constant 2 : i32
    %dma_start3A_215 = arith.constant 0 : i32
    %dma_start3A_216 = arith.constant 0 : i32
    %dma_start3A_217 = tpu.memref_slice %arg7[%dma_start3A_214, %dma_start3A_215, %dma_start3A_216] : memref<3x120x128xf32, #tpu.memory_space<vmem>> -> memref<1x120x128xf32, #tpu.memory_space<vmem>>
    %dma_start3A_218 = tpu.memref_squeeze %dma_start3A_217 : memref<1x120x128xf32, #tpu.memory_space<vmem>> -> memref<120x128xf32, #tpu.memory_space<vmem>>
    %dma_start3A_219 = arith.constant 0 : i32
    %dma_start3A_220 = tpu.memref_slice %arg6[%dma_start3A_212, %dma_start3A_213, %dma_start3A_219] : memref<6x2x120xi32, #tpu.memory_space<vmem>> -> memref<1x1x120xi32, #tpu.memory_space<vmem>>
    %dma_start3A_221 = tpu.memref_squeeze %dma_start3A_220 : memref<1x1x120xi32, #tpu.memory_space<vmem>> -> memref<120xi32, #tpu.memory_space<vmem>>
    %dma_start3A_222 = arith.constant 0 : i32
    %dma_start3A_223 = arith.constant 0 : i32
    %dma_start3A_224 = tpu.memref_slice %arg2[%dma_start3A_222, %dma_start3A_223] : memref<10112x128xf32, #tpu.memory_space<hbm>> -> memref<10112x128xf32, #tpu.memory_space<hbm>>
    tpu.enqueue_indirect_dma source(%dma_start3A_224 : memref<10112x128xf32, #tpu.memory_space<hbm>>) target(%dma_start3A_218 : memref<120x128xf32, #tpu.memory_space<vmem>>) offsets(%dma_start3A_221 : memref<120xi32, #tpu.memory_space<vmem>>) semaphore(%arg16 : memref<!tpu.dma_semaphore, #tpu.memory_space<semaphore_mem>>)
    %dma_start3A_225 = arith.constant 4 : i32
    %dma_start3A_226 = arith.constant 4 : i32
    %dma_start3A_227 = arith.constant 0 : i32
    %dma_start3A_228 = arith.constant 0 : i32
    %dma_start3A_229 = tpu.memref_slice %arg6[%dma_start3A_226, %dma_start3A_227, %dma_start3A_228] : memref<6x2x120xi32, #tpu.memory_space<vmem>> -> memref<1x2x120xi32, #tpu.memory_space<vmem>>
    %dma_start3A_230 = tpu.memref_squeeze %dma_start3A_229 : memref<1x2x120xi32, #tpu.memory_space<vmem>> -> memref<2x120xi32, #tpu.memory_space<vmem>>
    %dma_start3A_231 = arith.constant 0 : i32
    %dma_start3A_232 = arith.constant 0 : i32
    %dma_start3A_233 = tpu.memref_slice %arg3[%add3A, %dma_start3A_225, %dma_start3A_231, %dma_start3A_232] : memref<32x84x2x120xi32, #tpu.memory_space<hbm>> -> memref<1x1x2x120xi32, #tpu.memory_space<hbm>>
    %dma_start3A_234 = tpu.memref_squeeze %dma_start3A_233 : memref<1x1x2x120xi32, #tpu.memory_space<hbm>> -> memref<2x120xi32, #tpu.memory_space<hbm>>
    %dma_start3A_235 = arith.constant 0 : i32
    %dma_start3A_236 = arith.constant 0 : i32
    %dma_start3A_237 = tpu.memref_slice %arg6[%dma_start3A_226, %dma_start3A_235, %dma_start3A_236] : memref<6x2x120xi32, #tpu.memory_space<vmem>> -> memref<1x2x120xi32, #tpu.memory_space<vmem>>
    %dma_start3A_238 = tpu.memref_squeeze %dma_start3A_237 : memref<1x2x120xi32, #tpu.memory_space<vmem>> -> memref<2x120xi32, #tpu.memory_space<vmem>>
    %dma_start3A_239 = arith.constant 0 : i32
    %dma_start3A_240 = arith.constant 0 : i32
    %dma_start3A_241 = tpu.memref_slice %arg3[%add3A, %dma_start3A_225, %dma_start3A_239, %dma_start3A_240] : memref<32x84x2x120xi32, #tpu.memory_space<hbm>> -> memref<1x1x2x120xi32, #tpu.memory_space<hbm>>
    %dma_start3A_242 = tpu.memref_squeeze %dma_start3A_241 : memref<1x1x2x120xi32, #tpu.memory_space<hbm>> -> memref<2x120xi32, #tpu.memory_space<hbm>>
    tpu.enqueue_dma source(%dma_start3A_242 : memref<2x120xi32, #tpu.memory_space<hbm>>) target(%dma_start3A_238 : memref<2x120xi32, #tpu.memory_space<vmem>>) target_semaphore(%arg12 : memref<!tpu.dma_semaphore, #tpu.memory_space<semaphore_mem>>)
    %dma_wait3A_243 = arith.constant 1 : i32
    %dma_wait3A_244 = arith.constant 0 : i32
    %dma_wait3A_245 = arith.constant 1 : i32
    %dma_wait3A_246 = arith.constant 0 : i32
    %dma_wait3A_247 = arith.constant 0 : i32
    %dma_wait3A_248 = tpu.memref_slice %arg7[%dma_wait3A_245, %dma_wait3A_246, %dma_wait3A_247] : memref<3x120x128xf32, #tpu.memory_space<vmem>> -> memref<1x120x128xf32, #tpu.memory_space<vmem>>
    %dma_wait3A_249 = tpu.memref_squeeze %dma_wait3A_248 : memref<1x120x128xf32, #tpu.memory_space<vmem>> -> memref<120x128xf32, #tpu.memory_space<vmem>>
    %dma_wait3A_250 = arith.constant 0 : i32
    %dma_wait3A_251 = tpu.memref_slice %arg6[%dma_wait3A_243, %dma_wait3A_244, %dma_wait3A_250] : memref<6x2x120xi32, #tpu.memory_space<vmem>> -> memref<1x1x120xi32, #tpu.memory_space<vmem>>
    %dma_wait3A_252 = tpu.memref_squeeze %dma_wait3A_251 : memref<1x1x120xi32, #tpu.memory_space<vmem>> -> memref<120xi32, #tpu.memory_space<vmem>>
    %dma_wait3A_253 = arith.constant 0 : i32
    %dma_wait3A_254 = arith.constant 0 : i32
    %dma_wait3A_255 = tpu.memref_slice %arg2[%dma_wait3A_253, %dma_wait3A_254] : memref<10112x128xf32, #tpu.memory_space<hbm>> -> memref<10112x128xf32, #tpu.memory_space<hbm>>
    tpu.wait_indirect_dma semaphore(%arg15 : memref<!tpu.dma_semaphore, #tpu.memory_space<semaphore_mem>>) src(%dma_wait3A_255 : memref<10112x128xf32, #tpu.memory_space<hbm>>) dst(%dma_wait3A_249 : memref<120x128xf32, #tpu.memory_space<vmem>>)
    %dma_start3A_256 = arith.constant 1 : i32
    %dma_start3A_257 = arith.constant 1 : i32
    %dma_start3A_258 = arith.constant 1 : i32
    %dma_start3A_259 = arith.constant 0 : i32
    %dma_start3A_260 = arith.constant 0 : i32
    %dma_start3A_261 = tpu.memref_slice %arg7[%dma_start3A_256, %dma_start3A_259, %dma_start3A_260] : memref<3x120x128xf32, #tpu.memory_space<vmem>> -> memref<1x120x128xf32, #tpu.memory_space<vmem>>
    %dma_start3A_262 = tpu.memref_squeeze %dma_start3A_261 : memref<1x120x128xf32, #tpu.memory_space<vmem>> -> memref<120x128xf32, #tpu.memory_space<vmem>>
    %dma_start3A_263 = arith.constant 0 : i32
    %dma_start3A_264 = tpu.memref_slice %arg6[%dma_start3A_257, %dma_start3A_258, %dma_start3A_263] : memref<6x2x120xi32, #tpu.memory_space<vmem>> -> memref<1x1x120xi32, #tpu.memory_space<vmem>>
    %dma_start3A_265 = tpu.memref_squeeze %dma_start3A_264 : memref<1x1x120xi32, #tpu.memory_space<vmem>> -> memref<120xi32, #tpu.memory_space<vmem>>
    %dma_start3A_266 = arith.constant 0 : i32
    %dma_start3A_267 = arith.constant 0 : i32
    %dma_start3A_268 = tpu.memref_slice %arg5[%dma_start3A_266, %dma_start3A_267] : memref<10112x128xf32, #tpu.memory_space<vmem_shared>> -> memref<10112x128xf32, #tpu.memory_space<vmem_shared>>
    tpu.enqueue_indirect_dma source(%dma_start3A_262 : memref<120x128xf32, #tpu.memory_space<vmem>>) target(%dma_start3A_268 : memref<10112x128xf32, #tpu.memory_space<vmem_shared>>) offsets(%dma_start3A_265 : memref<120xi32, #tpu.memory_space<vmem>>) semaphore(%arg18 : memref<!tpu.dma_semaphore, #tpu.memory_space<semaphore_mem>>) {add = true}
    %dma_wait3A_269 = arith.constant 0 : i32
    %dma_wait3A_270 = arith.constant 0 : i32
    %dma_wait3A_271 = arith.constant 1 : i32
    %dma_wait3A_272 = arith.constant 0 : i32
    %dma_wait3A_273 = arith.constant 0 : i32
    %dma_wait3A_274 = tpu.memref_slice %arg7[%dma_wait3A_269, %dma_wait3A_272, %dma_wait3A_273] : memref<3x120x128xf32, #tpu.memory_space<vmem>> -> memref<1x120x128xf32, #tpu.memory_space<vmem>>
    %dma_wait3A_275 = tpu.memref_squeeze %dma_wait3A_274 : memref<1x120x128xf32, #tpu.memory_space<vmem>> -> memref<120x128xf32, #tpu.memory_space<vmem>>
    %dma_wait3A_276 = arith.constant 0 : i32
    %dma_wait3A_277 = tpu.memref_slice %arg6[%dma_wait3A_270, %dma_wait3A_271, %dma_wait3A_276] : memref<6x2x120xi32, #tpu.memory_space<vmem>> -> memref<1x1x120xi32, #tpu.memory_space<vmem>>
    %dma_wait3A_278 = tpu.memref_squeeze %dma_wait3A_277 : memref<1x1x120xi32, #tpu.memory_space<vmem>> -> memref<120xi32, #tpu.memory_space<vmem>>
    %dma_wait3A_279 = arith.constant 0 : i32
    %dma_wait3A_280 = arith.constant 0 : i32
    %dma_wait3A_281 = tpu.memref_slice %arg5[%dma_wait3A_279, %dma_wait3A_280] : memref<10112x128xf32, #tpu.memory_space<vmem_shared>> -> memref<10112x128xf32, #tpu.memory_space<vmem_shared>>
    tpu.wait_indirect_dma semaphore(%arg17 : memref<!tpu.dma_semaphore, #tpu.memory_space<semaphore_mem>>) src(%dma_wait3A_275 : memref<120x128xf32, #tpu.memory_space<vmem>>) dst(%dma_wait3A_281 : memref<10112x128xf32, #tpu.memory_space<vmem_shared>>)
    %dma_wait3A_282 = arith.constant 3 : i32
    %dma_wait3A_283 = arith.constant 3 : i32
    %dma_wait3A_284 = arith.constant 0 : i32
    %dma_wait3A_285 = arith.constant 0 : i32
    %dma_wait3A_286 = tpu.memref_slice %arg6[%dma_wait3A_283, %dma_wait3A_284, %dma_wait3A_285] : memref<6x2x120xi32, #tpu.memory_space<vmem>> -> memref<1x2x120xi32, #tpu.memory_space<vmem>>
    %dma_wait3A_287 = tpu.memref_squeeze %dma_wait3A_286 : memref<1x2x120xi32, #tpu.memory_space<vmem>> -> memref<2x120xi32, #tpu.memory_space<vmem>>
    %dma_wait3A_288 = arith.constant 0 : i32
    %dma_wait3A_289 = arith.constant 0 : i32
    %dma_wait3A_290 = tpu.memref_slice %arg3[%add3A, %dma_wait3A_282, %dma_wait3A_288, %dma_wait3A_289] : memref<32x84x2x120xi32, #tpu.memory_space<hbm>> -> memref<1x1x2x120xi32, #tpu.memory_space<hbm>>
    %dma_wait3A_291 = tpu.memref_squeeze %dma_wait3A_290 : memref<1x1x2x120xi32, #tpu.memory_space<hbm>> -> memref<2x120xi32, #tpu.memory_space<hbm>>
    %dma_wait3A_292 = arith.constant 0 : i32
    %dma_wait3A_293 = arith.constant 0 : i32
    %dma_wait3A_294 = tpu.memref_slice %arg6[%dma_wait3A_283, %dma_wait3A_292, %dma_wait3A_293] : memref<6x2x120xi32, #tpu.memory_space<vmem>> -> memref<1x2x120xi32, #tpu.memory_space<vmem>>
    %dma_wait3A_295 = tpu.memref_squeeze %dma_wait3A_294 : memref<1x2x120xi32, #tpu.memory_space<vmem>> -> memref<2x120xi32, #tpu.memory_space<vmem>>
    %dma_wait3A_296 = arith.constant 0 : i32
    %dma_wait3A_297 = arith.constant 0 : i32
    %dma_wait3A_298 = tpu.memref_slice %arg3[%add3A, %dma_wait3A_282, %dma_wait3A_296, %dma_wait3A_297] : memref<32x84x2x120xi32, #tpu.memory_space<hbm>> -> memref<1x1x2x120xi32, #tpu.memory_space<hbm>>
    %dma_wait3A_299 = tpu.memref_squeeze %dma_wait3A_298 : memref<1x1x2x120xi32, #tpu.memory_space<hbm>> -> memref<2x120xi32, #tpu.memory_space<hbm>>
    tpu.wait_dma2 semaphore(%arg11 : memref<!tpu.dma_semaphore, #tpu.memory_space<semaphore_mem>>) src(%dma_wait3A_299 : memref<2x120xi32, #tpu.memory_space<hbm>>) dst(%dma_wait3A_295 : memref<2x120xi32, #tpu.memory_space<vmem>>)
    %dma_start3A_300 = arith.constant 3 : i32
    %dma_start3A_301 = arith.constant 0 : i32
    %dma_start3A_302 = arith.constant 0 : i32
    %dma_start3A_303 = arith.constant 0 : i32
    %dma_start3A_304 = arith.constant 0 : i32
    %dma_start3A_305 = tpu.memref_slice %arg7[%dma_start3A_302, %dma_start3A_303, %dma_start3A_304] : memref<3x120x128xf32, #tpu.memory_space<vmem>> -> memref<1x120x128xf32, #tpu.memory_space<vmem>>
    %dma_start3A_306 = tpu.memref_squeeze %dma_start3A_305 : memref<1x120x128xf32, #tpu.memory_space<vmem>> -> memref<120x128xf32, #tpu.memory_space<vmem>>
    %dma_start3A_307 = arith.constant 0 : i32
    %dma_start3A_308 = tpu.memref_slice %arg6[%dma_start3A_300, %dma_start3A_301, %dma_start3A_307] : memref<6x2x120xi32, #tpu.memory_space<vmem>> -> memref<1x1x120xi32, #tpu.memory_space<vmem>>
    %dma_start3A_309 = tpu.memref_squeeze %dma_start3A_308 : memref<1x1x120xi32, #tpu.memory_space<vmem>> -> memref<120xi32, #tpu.memory_space<vmem>>
    %dma_start3A_310 = arith.constant 0 : i32
    %dma_start3A_311 = arith.constant 0 : i32
    %dma_start3A_312 = tpu.memref_slice %arg2[%dma_start3A_310, %dma_start3A_311] : memref<10112x128xf32, #tpu.memory_space<hbm>> -> memref<10112x128xf32, #tpu.memory_space<hbm>>
    tpu.enqueue_indirect_dma source(%dma_start3A_312 : memref<10112x128xf32, #tpu.memory_space<hbm>>) target(%dma_start3A_306 : memref<120x128xf32, #tpu.memory_space<vmem>>) offsets(%dma_start3A_309 : memref<120xi32, #tpu.memory_space<vmem>>) semaphore(%arg14 : memref<!tpu.dma_semaphore, #tpu.memory_space<semaphore_mem>>)
    %dma_wait3A_313 = arith.constant 2 : i32
    %dma_wait3A_314 = arith.constant 0 : i32
    %dma_wait3A_315 = arith.constant 2 : i32
    %dma_wait3A_316 = arith.constant 0 : i32
    %dma_wait3A_317 = arith.constant 0 : i32
    %dma_wait3A_318 = tpu.memref_slice %arg7[%dma_wait3A_315, %dma_wait3A_316, %dma_wait3A_317] : memref<3x120x128xf32, #tpu.memory_space<vmem>> -> memref<1x120x128xf32, #tpu.memory_space<vmem>>
    %dma_wait3A_319 = tpu.memref_squeeze %dma_wait3A_318 : memref<1x120x128xf32, #tpu.memory_space<vmem>> -> memref<120x128xf32, #tpu.memory_space<vmem>>
    %dma_wait3A_320 = arith.constant 0 : i32
    %dma_wait3A_321 = tpu.memref_slice %arg6[%dma_wait3A_313, %dma_wait3A_314, %dma_wait3A_320] : memref<6x2x120xi32, #tpu.memory_space<vmem>> -> memref<1x1x120xi32, #tpu.memory_space<vmem>>
    %dma_wait3A_322 = tpu.memref_squeeze %dma_wait3A_321 : memref<1x1x120xi32, #tpu.memory_space<vmem>> -> memref<120xi32, #tpu.memory_space<vmem>>
    %dma_wait3A_323 = arith.constant 0 : i32
    %dma_wait3A_324 = arith.constant 0 : i32
    %dma_wait3A_325 = tpu.memref_slice %arg2[%dma_wait3A_323, %dma_wait3A_324] : memref<10112x128xf32, #tpu.memory_space<hbm>> -> memref<10112x128xf32, #tpu.memory_space<hbm>>
    tpu.wait_indirect_dma semaphore(%arg16 : memref<!tpu.dma_semaphore, #tpu.memory_space<semaphore_mem>>) src(%dma_wait3A_325 : memref<10112x128xf32, #tpu.memory_space<hbm>>) dst(%dma_wait3A_319 : memref<120x128xf32, #tpu.memory_space<vmem>>)
    %dma_start3A_326 = arith.constant 5 : i32
    %dma_start3A_327 = arith.constant 5 : i32
    %dma_start3A_328 = arith.constant 0 : i32
    %dma_start3A_329 = arith.constant 0 : i32
    %dma_start3A_330 = tpu.memref_slice %arg6[%dma_start3A_327, %dma_start3A_328, %dma_start3A_329] : memref<6x2x120xi32, #tpu.memory_space<vmem>> -> memref<1x2x120xi32, #tpu.memory_space<vmem>>
    %dma_start3A_331 = tpu.memref_squeeze %dma_start3A_330 : memref<1x2x120xi32, #tpu.memory_space<vmem>> -> memref<2x120xi32, #tpu.memory_space<vmem>>
    %dma_start3A_332 = arith.constant 0 : i32
    %dma_start3A_333 = arith.constant 0 : i32
    %dma_start3A_334 = tpu.memref_slice %arg3[%add3A, %dma_start3A_326, %dma_start3A_332, %dma_start3A_333] : memref<32x84x2x120xi32, #tpu.memory_space<hbm>> -> memref<1x1x2x120xi32, #tpu.memory_space<hbm>>
    %dma_start3A_335 = tpu.memref_squeeze %dma_start3A_334 : memref<1x1x2x120xi32, #tpu.memory_space<hbm>> -> memref<2x120xi32, #tpu.memory_space<hbm>>
    %dma_start3A_336 = arith.constant 0 : i32
    %dma_start3A_337 = arith.constant 0 : i32
    %dma_start3A_338 = tpu.memref_slice %arg6[%dma_start3A_327, %dma_start3A_336, %dma_start3A_337] : memref<6x2x120xi32, #tpu.memory_space<vmem>> -> memref<1x2x120xi32, #tpu.memory_space<vmem>>
    %dma_start3A_339 = tpu.memref_squeeze %dma_start3A_338 : memref<1x2x120xi32, #tpu.memory_space<vmem>> -> memref<2x120xi32, #tpu.memory_space<vmem>>
    %dma_start3A_340 = arith.constant 0 : i32
    %dma_start3A_341 = arith.constant 0 : i32
    %dma_start3A_342 = tpu.memref_slice %arg3[%add3A, %dma_start3A_326, %dma_start3A_340, %dma_start3A_341] : memref<32x84x2x120xi32, #tpu.memory_space<hbm>> -> memref<1x1x2x120xi32, #tpu.memory_space<hbm>>
    %dma_start3A_343 = tpu.memref_squeeze %dma_start3A_342 : memref<1x1x2x120xi32, #tpu.memory_space<hbm>> -> memref<2x120xi32, #tpu.memory_space<hbm>>
    tpu.enqueue_dma source(%dma_start3A_343 : memref<2x120xi32, #tpu.memory_space<hbm>>) target(%dma_start3A_339 : memref<2x120xi32, #tpu.memory_space<vmem>>) target_semaphore(%arg13 : memref<!tpu.dma_semaphore, #tpu.memory_space<semaphore_mem>>)
    %dma_start3A_344 = arith.constant 2 : i32
    %dma_start3A_345 = arith.constant 2 : i32
    %dma_start3A_346 = arith.constant 1 : i32
    %dma_start3A_347 = arith.constant 0 : i32
    %dma_start3A_348 = arith.constant 0 : i32
    %dma_start3A_349 = tpu.memref_slice %arg7[%dma_start3A_344, %dma_start3A_347, %dma_start3A_348] : memref<3x120x128xf32, #tpu.memory_space<vmem>> -> memref<1x120x128xf32, #tpu.memory_space<vmem>>
    %dma_start3A_350 = tpu.memref_squeeze %dma_start3A_349 : memref<1x120x128xf32, #tpu.memory_space<vmem>> -> memref<120x128xf32, #tpu.memory_space<vmem>>
    %dma_start3A_351 = arith.constant 0 : i32
    %dma_start3A_352 = tpu.memref_slice %arg6[%dma_start3A_345, %dma_start3A_346, %dma_start3A_351] : memref<6x2x120xi32, #tpu.memory_space<vmem>> -> memref<1x1x120xi32, #tpu.memory_space<vmem>>
    %dma_start3A_353 = tpu.memref_squeeze %dma_start3A_352 : memref<1x1x120xi32, #tpu.memory_space<vmem>> -> memref<120xi32, #tpu.memory_space<vmem>>
    %dma_start3A_354 = arith.constant 0 : i32
    %dma_start3A_355 = arith.constant 0 : i32
    %dma_start3A_356 = tpu.memref_slice %arg5[%dma_start3A_354, %dma_start3A_355] : memref<10112x128xf32, #tpu.memory_space<vmem_shared>> -> memref<10112x128xf32, #tpu.memory_space<vmem_shared>>
    tpu.enqueue_indirect_dma source(%dma_start3A_350 : memref<120x128xf32, #tpu.memory_space<vmem>>) target(%dma_start3A_356 : memref<10112x128xf32, #tpu.memory_space<vmem_shared>>) offsets(%dma_start3A_353 : memref<120xi32, #tpu.memory_space<vmem>>) semaphore(%arg19 : memref<!tpu.dma_semaphore, #tpu.memory_space<semaphore_mem>>) {add = true}
    %dma_wait3A_357 = arith.constant 1 : i32
    %dma_wait3A_358 = arith.constant 1 : i32
    %dma_wait3A_359 = arith.constant 1 : i32
    %dma_wait3A_360 = arith.constant 0 : i32
    %dma_wait3A_361 = arith.constant 0 : i32
    %dma_wait3A_362 = tpu.memref_slice %arg7[%dma_wait3A_357, %dma_wait3A_360, %dma_wait3A_361] : memref<3x120x128xf32, #tpu.memory_space<vmem>> -> memref<1x120x128xf32, #tpu.memory_space<vmem>>
    %dma_wait3A_363 = tpu.memref_squeeze %dma_wait3A_362 : memref<1x120x128xf32, #tpu.memory_space<vmem>> -> memref<120x128xf32, #tpu.memory_space<vmem>>
    %dma_wait3A_364 = arith.constant 0 : i32
    %dma_wait3A_365 = tpu.memref_slice %arg6[%dma_wait3A_358, %dma_wait3A_359, %dma_wait3A_364] : memref<6x2x120xi32, #tpu.memory_space<vmem>> -> memref<1x1x120xi32, #tpu.memory_space<vmem>>
    %dma_wait3A_366 = tpu.memref_squeeze %dma_wait3A_365 : memref<1x1x120xi32, #tpu.memory_space<vmem>> -> memref<120xi32, #tpu.memory_space<vmem>>
    %dma_wait3A_367 = arith.constant 0 : i32
    %dma_wait3A_368 = arith.constant 0 : i32
    %dma_wait3A_369 = tpu.memref_slice %arg5[%dma_wait3A_367, %dma_wait3A_368] : memref<10112x128xf32, #tpu.memory_space<vmem_shared>> -> memref<10112x128xf32, #tpu.memory_space<vmem_shared>>
    tpu.wait_indirect_dma semaphore(%arg18 : memref<!tpu.dma_semaphore, #tpu.memory_space<semaphore_mem>>) src(%dma_wait3A_363 : memref<120x128xf32, #tpu.memory_space<vmem>>) dst(%dma_wait3A_369 : memref<10112x128xf32, #tpu.memory_space<vmem_shared>>)
    %dma_wait3A_370 = arith.constant 4 : i32
    %dma_wait3A_371 = arith.constant 4 : i32
    %dma_wait3A_372 = arith.constant 0 : i32
    %dma_wait3A_373 = arith.constant 0 : i32
    %dma_wait3A_374 = tpu.memref_slice %arg6[%dma_wait3A_371, %dma_wait3A_372, %dma_wait3A_373] : memref<6x2x120xi32, #tpu.memory_space<vmem>> -> memref<1x2x120xi32, #tpu.memory_space<vmem>>
    %dma_wait3A_375 = tpu.memref_squeeze %dma_wait3A_374 : memref<1x2x120xi32, #tpu.memory_space<vmem>> -> memref<2x120xi32, #tpu.memory_space<vmem>>
    %dma_wait3A_376 = arith.constant 0 : i32
    %dma_wait3A_377 = arith.constant 0 : i32
    %dma_wait3A_378 = tpu.memref_slice %arg3[%add3A, %dma_wait3A_370, %dma_wait3A_376, %dma_wait3A_377] : memref<32x84x2x120xi32, #tpu.memory_space<hbm>> -> memref<1x1x2x120xi32, #tpu.memory_space<hbm>>
    %dma_wait3A_379 = tpu.memref_squeeze %dma_wait3A_378 : memref<1x1x2x120xi32, #tpu.memory_space<hbm>> -> memref<2x120xi32, #tpu.memory_space<hbm>>
    %dma_wait3A_380 = arith.constant 0 : i32
    %dma_wait3A_381 = arith.constant 0 : i32
    %dma_wait3A_382 = tpu.memref_slice %arg6[%dma_wait3A_371, %dma_wait3A_380, %dma_wait3A_381] : memref<6x2x120xi32, #tpu.memory_space<vmem>> -> memref<1x2x120xi32, #tpu.memory_space<vmem>>
    %dma_wait3A_383 = tpu.memref_squeeze %dma_wait3A_382 : memref<1x2x120xi32, #tpu.memory_space<vmem>> -> memref<2x120xi32, #tpu.memory_space<vmem>>
    %dma_wait3A_384 = arith.constant 0 : i32
    %dma_wait3A_385 = arith.constant 0 : i32
    %dma_wait3A_386 = tpu.memref_slice %arg3[%add3A, %dma_wait3A_370, %dma_wait3A_384, %dma_wait3A_385] : memref<32x84x2x120xi32, #tpu.memory_space<hbm>> -> memref<1x1x2x120xi32, #tpu.memory_space<hbm>>
    %dma_wait3A_387 = tpu.memref_squeeze %dma_wait3A_386 : memref<1x1x2x120xi32, #tpu.memory_space<hbm>> -> memref<2x120xi32, #tpu.memory_space<hbm>>
    tpu.wait_dma2 semaphore(%arg12 : memref<!tpu.dma_semaphore, #tpu.memory_space<semaphore_mem>>) src(%dma_wait3A_387 : memref<2x120xi32, #tpu.memory_space<hbm>>) dst(%dma_wait3A_383 : memref<2x120xi32, #tpu.memory_space<vmem>>)
    %dma_start3A_388 = arith.constant 4 : i32
    %dma_start3A_389 = arith.constant 0 : i32
    %dma_start3A_390 = arith.constant 1 : i32
    %dma_start3A_391 = arith.constant 0 : i32
    %dma_start3A_392 = arith.constant 0 : i32
    %dma_start3A_393 = tpu.memref_slice %arg7[%dma_start3A_390, %dma_start3A_391, %dma_start3A_392] : memref<3x120x128xf32, #tpu.memory_space<vmem>> -> memref<1x120x128xf32, #tpu.memory_space<vmem>>
    %dma_start3A_394 = tpu.memref_squeeze %dma_start3A_393 : memref<1x120x128xf32, #tpu.memory_space<vmem>> -> memref<120x128xf32, #tpu.memory_space<vmem>>
    %dma_start3A_395 = arith.constant 0 : i32
    %dma_start3A_396 = tpu.memref_slice %arg6[%dma_start3A_388, %dma_start3A_389, %dma_start3A_395] : memref<6x2x120xi32, #tpu.memory_space<vmem>> -> memref<1x1x120xi32, #tpu.memory_space<vmem>>
    %dma_start3A_397 = tpu.memref_squeeze %dma_start3A_396 : memref<1x1x120xi32, #tpu.memory_space<vmem>> -> memref<120xi32, #tpu.memory_space<vmem>>
    %dma_start3A_398 = arith.constant 0 : i32
    %dma_start3A_399 = arith.constant 0 : i32
    %dma_start3A_400 = tpu.memref_slice %arg2[%dma_start3A_398, %dma_start3A_399] : memref<10112x128xf32, #tpu.memory_space<hbm>> -> memref<10112x128xf32, #tpu.memory_space<hbm>>
    tpu.enqueue_indirect_dma source(%dma_start3A_400 : memref<10112x128xf32, #tpu.memory_space<hbm>>) target(%dma_start3A_394 : memref<120x128xf32, #tpu.memory_space<vmem>>) offsets(%dma_start3A_397 : memref<120xi32, #tpu.memory_space<vmem>>) semaphore(%arg15 : memref<!tpu.dma_semaphore, #tpu.memory_space<semaphore_mem>>)
    %dma_wait3A_401 = arith.constant 3 : i32
    %dma_wait3A_402 = arith.constant 0 : i32
    %dma_wait3A_403 = arith.constant 0 : i32
    %dma_wait3A_404 = arith.constant 0 : i32
    %dma_wait3A_405 = arith.constant 0 : i32
    %dma_wait3A_406 = tpu.memref_slice %arg7[%dma_wait3A_403, %dma_wait3A_404, %dma_wait3A_405] : memref<3x120x128xf32, #tpu.memory_space<vmem>> -> memref<1x120x128xf32, #tpu.memory_space<vmem>>
    %dma_wait3A_407 = tpu.memref_squeeze %dma_wait3A_406 : memref<1x120x128xf32, #tpu.memory_space<vmem>> -> memref<120x128xf32, #tpu.memory_space<vmem>>
    %dma_wait3A_408 = arith.constant 0 : i32
    %dma_wait3A_409 = tpu.memref_slice %arg6[%dma_wait3A_401, %dma_wait3A_402, %dma_wait3A_408] : memref<6x2x120xi32, #tpu.memory_space<vmem>> -> memref<1x1x120xi32, #tpu.memory_space<vmem>>
    %dma_wait3A_410 = tpu.memref_squeeze %dma_wait3A_409 : memref<1x1x120xi32, #tpu.memory_space<vmem>> -> memref<120xi32, #tpu.memory_space<vmem>>
    %dma_wait3A_411 = arith.constant 0 : i32
    %dma_wait3A_412 = arith.constant 0 : i32
    %dma_wait3A_413 = tpu.memref_slice %arg2[%dma_wait3A_411, %dma_wait3A_412] : memref<10112x128xf32, #tpu.memory_space<hbm>> -> memref<10112x128xf32, #tpu.memory_space<hbm>>
    tpu.wait_indirect_dma semaphore(%arg14 : memref<!tpu.dma_semaphore, #tpu.memory_space<semaphore_mem>>) src(%dma_wait3A_413 : memref<10112x128xf32, #tpu.memory_space<hbm>>) dst(%dma_wait3A_407 : memref<120x128xf32, #tpu.memory_space<vmem>>)
    %dma_start3A_414 = arith.constant 6 : i32
    %dma_start3A_415 = arith.constant 0 : i32
    %dma_start3A_416 = arith.constant 0 : i32
    %dma_start3A_417 = arith.constant 0 : i32
    %dma_start3A_418 = tpu.memref_slice %arg6[%dma_start3A_415, %dma_start3A_416, %dma_start3A_417] : memref<6x2x120xi32, #tpu.memory_space<vmem>> -> memref<1x2x120xi32, #tpu.memory_space<vmem>>
    %dma_start3A_419 = tpu.memref_squeeze %dma_start3A_418 : memref<1x2x120xi32, #tpu.memory_space<vmem>> -> memref<2x120xi32, #tpu.memory_space<vmem>>
    %dma_start3A_420 = arith.constant 0 : i32
    %dma_start3A_421 = arith.constant 0 : i32
    %dma_start3A_422 = tpu.memref_slice %arg3[%add3A, %dma_start3A_414, %dma_start3A_420, %dma_start3A_421] : memref<32x84x2x120xi32, #tpu.memory_space<hbm>> -> memref<1x1x2x120xi32, #tpu.memory_space<hbm>>
    %dma_start3A_423 = tpu.memref_squeeze %dma_start3A_422 : memref<1x1x2x120xi32, #tpu.memory_space<hbm>> -> memref<2x120xi32, #tpu.memory_space<hbm>>
    %dma_start3A_424 = arith.constant 0 : i32
    %dma_start3A_425 = arith.constant 0 : i32
    %dma_start3A_426 = tpu.memref_slice %arg6[%dma_start3A_415, %dma_start3A_424, %dma_start3A_425] : memref<6x2x120xi32, #tpu.memory_space<vmem>> -> memref<1x2x120xi32, #tpu.memory_space<vmem>>
    %dma_start3A_427 = tpu.memref_squeeze %dma_start3A_426 : memref<1x2x120xi32, #tpu.memory_space<vmem>> -> memref<2x120xi32, #tpu.memory_space<vmem>>
    %dma_start3A_428 = arith.constant 0 : i32
    %dma_start3A_429 = arith.constant 0 : i32
    %dma_start3A_430 = tpu.memref_slice %arg3[%add3A, %dma_start3A_414, %dma_start3A_428, %dma_start3A_429] : memref<32x84x2x120xi32, #tpu.memory_space<hbm>> -> memref<1x1x2x120xi32, #tpu.memory_space<hbm>>
    %dma_start3A_431 = tpu.memref_squeeze %dma_start3A_430 : memref<1x1x2x120xi32, #tpu.memory_space<hbm>> -> memref<2x120xi32, #tpu.memory_space<hbm>>
    tpu.enqueue_dma source(%dma_start3A_431 : memref<2x120xi32, #tpu.memory_space<hbm>>) target(%dma_start3A_427 : memref<2x120xi32, #tpu.memory_space<vmem>>) target_semaphore(%arg8 : memref<!tpu.dma_semaphore, #tpu.memory_space<semaphore_mem>>)
    %dma_start3A_432 = arith.constant 0 : i32
    %dma_start3A_433 = arith.constant 3 : i32
    %dma_start3A_434 = arith.constant 1 : i32
    %dma_start3A_435 = arith.constant 0 : i32
    %dma_start3A_436 = arith.constant 0 : i32
    %dma_start3A_437 = tpu.memref_slice %arg7[%dma_start3A_432, %dma_start3A_435, %dma_start3A_436] : memref<3x120x128xf32, #tpu.memory_space<vmem>> -> memref<1x120x128xf32, #tpu.memory_space<vmem>>
    %dma_start3A_438 = tpu.memref_squeeze %dma_start3A_437 : memref<1x120x128xf32, #tpu.memory_space<vmem>> -> memref<120x128xf32, #tpu.memory_space<vmem>>
    %dma_start3A_439 = arith.constant 0 : i32
    %dma_start3A_440 = tpu.memref_slice %arg6[%dma_start3A_433, %dma_start3A_434, %dma_start3A_439] : memref<6x2x120xi32, #tpu.memory_space<vmem>> -> memref<1x1x120xi32, #tpu.memory_space<vmem>>
    %dma_start3A_441 = tpu.memref_squeeze %dma_start3A_440 : memref<1x1x120xi32, #tpu.memory_space<vmem>> -> memref<120xi32, #tpu.memory_space<vmem>>
    %dma_start3A_442 = arith.constant 0 : i32
    %dma_start3A_443 = arith.constant 0 : i32
    %dma_start3A_444 = tpu.memref_slice %arg5[%dma_start3A_442, %dma_start3A_443] : memref<10112x128xf32, #tpu.memory_space<vmem_shared>> -> memref<10112x128xf32, #tpu.memory_space<vmem_shared>>
    tpu.enqueue_indirect_dma source(%dma_start3A_438 : memref<120x128xf32, #tpu.memory_space<vmem>>) target(%dma_start3A_444 : memref<10112x128xf32, #tpu.memory_space<vmem_shared>>) offsets(%dma_start3A_441 : memref<120xi32, #tpu.memory_space<vmem>>) semaphore(%arg17 : memref<!tpu.dma_semaphore, #tpu.memory_space<semaphore_mem>>) {add = true}
    %dma_wait3A_445 = arith.constant 2 : i32
    %dma_wait3A_446 = arith.constant 2 : i32
    %dma_wait3A_447 = arith.constant 1 : i32
    %dma_wait3A_448 = arith.constant 0 : i32
    %dma_wait3A_449 = arith.constant 0 : i32
    %dma_wait3A_450 = tpu.memref_slice %arg7[%dma_wait3A_445, %dma_wait3A_448, %dma_wait3A_449] : memref<3x120x128xf32, #tpu.memory_space<vmem>> -> memref<1x120x128xf32, #tpu.memory_space<vmem>>
    %dma_wait3A_451 = tpu.memref_squeeze %dma_wait3A_450 : memref<1x120x128xf32, #tpu.memory_space<vmem>> -> memref<120x128xf32, #tpu.memory_space<vmem>>
    %dma_wait3A_452 = arith.constant 0 : i32
    %dma_wait3A_453 = tpu.memref_slice %arg6[%dma_wait3A_446, %dma_wait3A_447, %dma_wait3A_452] : memref<6x2x120xi32, #tpu.memory_space<vmem>> -> memref<1x1x120xi32, #tpu.memory_space<vmem>>
    %dma_wait3A_454 = tpu.memref_squeeze %dma_wait3A_453 : memref<1x1x120xi32, #tpu.memory_space<vmem>> -> memref<120xi32, #tpu.memory_space<vmem>>
    %dma_wait3A_455 = arith.constant 0 : i32
    %dma_wait3A_456 = arith.constant 0 : i32
    %dma_wait3A_457 = tpu.memref_slice %arg5[%dma_wait3A_455, %dma_wait3A_456] : memref<10112x128xf32, #tpu.memory_space<vmem_shared>> -> memref<10112x128xf32, #tpu.memory_space<vmem_shared>>
    tpu.wait_indirect_dma semaphore(%arg19 : memref<!tpu.dma_semaphore, #tpu.memory_space<semaphore_mem>>) src(%dma_wait3A_451 : memref<120x128xf32, #tpu.memory_space<vmem>>) dst(%dma_wait3A_457 : memref<10112x128xf32, #tpu.memory_space<vmem_shared>>)
    %dma_wait3A_458 = arith.constant 5 : i32
    %dma_wait3A_459 = arith.constant 5 : i32
    %dma_wait3A_460 = arith.constant 0 : i32
    %dma_wait3A_461 = arith.constant 0 : i32
    %dma_wait3A_462 = tpu.memref_slice %arg6[%dma_wait3A_459, %dma_wait3A_460, %dma_wait3A_461] : memref<6x2x120xi32, #tpu.memory_space<vmem>> -> memref<1x2x120xi32, #tpu.memory_space<vmem>>
    %dma_wait3A_463 = tpu.memref_squeeze %dma_wait3A_462 : memref<1x2x120xi32, #tpu.memory_space<vmem>> -> memref<2x120xi32, #tpu.memory_space<vmem>>
    %dma_wait3A_464 = arith.constant 0 : i32
    %dma_wait3A_465 = arith.constant 0 : i32
    %dma_wait3A_466 = tpu.memref_slice %arg3[%add3A, %dma_wait3A_458, %dma_wait3A_464, %dma_wait3A_465] : memref<32x84x2x120xi32, #tpu.memory_space<hbm>> -> memref<1x1x2x120xi32, #tpu.memory_space<hbm>>
    %dma_wait3A_467 = tpu.memref_squeeze %dma_wait3A_466 : memref<1x1x2x120xi32, #tpu.memory_space<hbm>> -> memref<2x120xi32, #tpu.memory_space<hbm>>
    %dma_wait3A_468 = arith.constant 0 : i32
    %dma_wait3A_469 = arith.constant 0 : i32
    %dma_wait3A_470 = tpu.memref_slice %arg6[%dma_wait3A_459, %dma_wait3A_468, %dma_wait3A_469] : memref<6x2x120xi32, #tpu.memory_space<vmem>> -> memref<1x2x120xi32, #tpu.memory_space<vmem>>
    %dma_wait3A_471 = tpu.memref_squeeze %dma_wait3A_470 : memref<1x2x120xi32, #tpu.memory_space<vmem>> -> memref<2x120xi32, #tpu.memory_space<vmem>>
    %dma_wait3A_472 = arith.constant 0 : i32
    %dma_wait3A_473 = arith.constant 0 : i32
    %dma_wait3A_474 = tpu.memref_slice %arg3[%add3A, %dma_wait3A_458, %dma_wait3A_472, %dma_wait3A_473] : memref<32x84x2x120xi32, #tpu.memory_space<hbm>> -> memref<1x1x2x120xi32, #tpu.memory_space<hbm>>
    %dma_wait3A_475 = tpu.memref_squeeze %dma_wait3A_474 : memref<1x1x2x120xi32, #tpu.memory_space<hbm>> -> memref<2x120xi32, #tpu.memory_space<hbm>>
    tpu.wait_dma2 semaphore(%arg13 : memref<!tpu.dma_semaphore, #tpu.memory_space<semaphore_mem>>) src(%dma_wait3A_475 : memref<2x120xi32, #tpu.memory_space<hbm>>) dst(%dma_wait3A_471 : memref<2x120xi32, #tpu.memory_space<vmem>>)
    %dma_start3A_476 = arith.constant 5 : i32
    %dma_start3A_477 = arith.constant 0 : i32
    %dma_start3A_478 = arith.constant 2 : i32
    %dma_start3A_479 = arith.constant 0 : i32
    %dma_start3A_480 = arith.constant 0 : i32
    %dma_start3A_481 = tpu.memref_slice %arg7[%dma_start3A_478, %dma_start3A_479, %dma_start3A_480] : memref<3x120x128xf32, #tpu.memory_space<vmem>> -> memref<1x120x128xf32, #tpu.memory_space<vmem>>
    %dma_start3A_482 = tpu.memref_squeeze %dma_start3A_481 : memref<1x120x128xf32, #tpu.memory_space<vmem>> -> memref<120x128xf32, #tpu.memory_space<vmem>>
    %dma_start3A_483 = arith.constant 0 : i32
    %dma_start3A_484 = tpu.memref_slice %arg6[%dma_start3A_476, %dma_start3A_477, %dma_start3A_483] : memref<6x2x120xi32, #tpu.memory_space<vmem>> -> memref<1x1x120xi32, #tpu.memory_space<vmem>>
    %dma_start3A_485 = tpu.memref_squeeze %dma_start3A_484 : memref<1x1x120xi32, #tpu.memory_space<vmem>> -> memref<120xi32, #tpu.memory_space<vmem>>
    %dma_start3A_486 = arith.constant 0 : i32
    %dma_start3A_487 = arith.constant 0 : i32
    %dma_start3A_488 = tpu.memref_slice %arg2[%dma_start3A_486, %dma_start3A_487] : memref<10112x128xf32, #tpu.memory_space<hbm>> -> memref<10112x128xf32, #tpu.memory_space<hbm>>
    tpu.enqueue_indirect_dma source(%dma_start3A_488 : memref<10112x128xf32, #tpu.memory_space<hbm>>) target(%dma_start3A_482 : memref<120x128xf32, #tpu.memory_space<vmem>>) offsets(%dma_start3A_485 : memref<120xi32, #tpu.memory_space<vmem>>) semaphore(%arg16 : memref<!tpu.dma_semaphore, #tpu.memory_space<semaphore_mem>>)
    %dma_wait3A_489 = arith.constant 4 : i32
    %dma_wait3A_490 = arith.constant 0 : i32
    %dma_wait3A_491 = arith.constant 1 : i32
    %dma_wait3A_492 = arith.constant 0 : i32
    %dma_wait3A_493 = arith.constant 0 : i32
    %dma_wait3A_494 = tpu.memref_slice %arg7[%dma_wait3A_491, %dma_wait3A_492, %dma_wait3A_493] : memref<3x120x128xf32, #tpu.memory_space<vmem>> -> memref<1x120x128xf32, #tpu.memory_space<vmem>>
    %dma_wait3A_495 = tpu.memref_squeeze %dma_wait3A_494 : memref<1x120x128xf32, #tpu.memory_space<vmem>> -> memref<120x128xf32, #tpu.memory_space<vmem>>
    %dma_wait3A_496 = arith.constant 0 : i32
    %dma_wait3A_497 = tpu.memref_slice %arg6[%dma_wait3A_489, %dma_wait3A_490, %dma_wait3A_496] : memref<6x2x120xi32, #tpu.memory_space<vmem>> -> memref<1x1x120xi32, #tpu.memory_space<vmem>>
    %dma_wait3A_498 = tpu.memref_squeeze %dma_wait3A_497 : memref<1x1x120xi32, #tpu.memory_space<vmem>> -> memref<120xi32, #tpu.memory_space<vmem>>
    %dma_wait3A_499 = arith.constant 0 : i32
    %dma_wait3A_500 = arith.constant 0 : i32
    %dma_wait3A_501 = tpu.memref_slice %arg2[%dma_wait3A_499, %dma_wait3A_500] : memref<10112x128xf32, #tpu.memory_space<hbm>> -> memref<10112x128xf32, #tpu.memory_space<hbm>>
    tpu.wait_indirect_dma semaphore(%arg15 : memref<!tpu.dma_semaphore, #tpu.memory_space<semaphore_mem>>) src(%dma_wait3A_501 : memref<10112x128xf32, #tpu.memory_space<hbm>>) dst(%dma_wait3A_495 : memref<120x128xf32, #tpu.memory_space<vmem>>)
    %dma_start3A_502 = arith.constant 7 : i32
    %dma_start3A_503 = arith.constant 1 : i32
    %dma_start3A_504 = arith.constant 0 : i32
    %dma_start3A_505 = arith.constant 0 : i32
    %dma_start3A_506 = tpu.memref_slice %arg6[%dma_start3A_503, %dma_start3A_504, %dma_start3A_505] : memref<6x2x120xi32, #tpu.memory_space<vmem>> -> memref<1x2x120xi32, #tpu.memory_space<vmem>>
    %dma_start3A_507 = tpu.memref_squeeze %dma_start3A_506 : memref<1x2x120xi32, #tpu.memory_space<vmem>> -> memref<2x120xi32, #tpu.memory_space<vmem>>
    %dma_start3A_508 = arith.constant 0 : i32
    %dma_start3A_509 = arith.constant 0 : i32
    %dma_start3A_510 = tpu.memref_slice %arg3[%add3A, %dma_start3A_502, %dma_start3A_508, %dma_start3A_509] : memref<32x84x2x120xi32, #tpu.memory_space<hbm>> -> memref<1x1x2x120xi32, #tpu.memory_space<hbm>>
    %dma_start3A_511 = tpu.memref_squeeze %dma_start3A_510 : memref<1x1x2x120xi32, #tpu.memory_space<hbm>> -> memref<2x120xi32, #tpu.memory_space<hbm>>
    %dma_start3A_512 = arith.constant 0 : i32
    %dma_start3A_513 = arith.constant 0 : i32
    %dma_start3A_514 = tpu.memref_slice %arg6[%dma_start3A_503, %dma_start3A_512, %dma_start3A_513] : memref<6x2x120xi32, #tpu.memory_space<vmem>> -> memref<1x2x120xi32, #tpu.memory_space<vmem>>
    %dma_start3A_515 = tpu.memref_squeeze %dma_start3A_514 : memref<1x2x120xi32, #tpu.memory_space<vmem>> -> memref<2x120xi32, #tpu.memory_space<vmem>>
    %dma_start3A_516 = arith.constant 0 : i32
    %dma_start3A_517 = arith.constant 0 : i32
    %dma_start3A_518 = tpu.memref_slice %arg3[%add3A, %dma_start3A_502, %dma_start3A_516, %dma_start3A_517] : memref<32x84x2x120xi32, #tpu.memory_space<hbm>> -> memref<1x1x2x120xi32, #tpu.memory_space<hbm>>
    %dma_start3A_519 = tpu.memref_squeeze %dma_start3A_518 : memref<1x1x2x120xi32, #tpu.memory_space<hbm>> -> memref<2x120xi32, #tpu.memory_space<hbm>>
    tpu.enqueue_dma source(%dma_start3A_519 : memref<2x120xi32, #tpu.memory_space<hbm>>) target(%dma_start3A_515 : memref<2x120xi32, #tpu.memory_space<vmem>>) target_semaphore(%arg9 : memref<!tpu.dma_semaphore, #tpu.memory_space<semaphore_mem>>)
    %dma_start3A_520 = arith.constant 1 : i32
    %dma_start3A_521 = arith.constant 4 : i32
    %dma_start3A_522 = arith.constant 1 : i32
    %dma_start3A_523 = arith.constant 0 : i32
    %dma_start3A_524 = arith.constant 0 : i32
    %dma_start3A_525 = tpu.memref_slice %arg7[%dma_start3A_520, %dma_start3A_523, %dma_start3A_524] : memref<3x120x128xf32, #tpu.memory_space<vmem>> -> memref<1x120x128xf32, #tpu.memory_space<vmem>>
    %dma_start3A_526 = tpu.memref_squeeze %dma_start3A_525 : memref<1x120x128xf32, #tpu.memory_space<vmem>> -> memref<120x128xf32, #tpu.memory_space<vmem>>
    %dma_start3A_527 = arith.constant 0 : i32
    %dma_start3A_528 = tpu.memref_slice %arg6[%dma_start3A_521, %dma_start3A_522, %dma_start3A_527] : memref<6x2x120xi32, #tpu.memory_space<vmem>> -> memref<1x1x120xi32, #tpu.memory_space<vmem>>
    %dma_start3A_529 = tpu.memref_squeeze %dma_start3A_528 : memref<1x1x120xi32, #tpu.memory_space<vmem>> -> memref<120xi32, #tpu.memory_space<vmem>>
    %dma_start3A_530 = arith.constant 0 : i32
    %dma_start3A_531 = arith.constant 0 : i32
    %dma_start3A_532 = tpu.memref_slice %arg5[%dma_start3A_530, %dma_start3A_531] : memref<10112x128xf32, #tpu.memory_space<vmem_shared>> -> memref<10112x128xf32, #tpu.memory_space<vmem_shared>>
    tpu.enqueue_indirect_dma source(%dma_start3A_526 : memref<120x128xf32, #tpu.memory_space<vmem>>) target(%dma_start3A_532 : memref<10112x128xf32, #tpu.memory_space<vmem_shared>>) offsets(%dma_start3A_529 : memref<120xi32, #tpu.memory_space<vmem>>) semaphore(%arg18 : memref<!tpu.dma_semaphore, #tpu.memory_space<semaphore_mem>>) {add = true}
    %scan3A_533 = arith.constant 0 : i32
    %scan3A_534 = arith.constant 1 : i32
    %scan3A_535 = arith.constant 13 : i32
    %scan3A_536 = arith.addi %scan3A_534, %scan3A_535 : i32
    %scan3A_537 = arith.constant 1 : i32
    %scan3A_538 = scf.for %scan3A_646 = %scan3A_534 to %scan3A_536 step %scan3A_537 iter_args(%scan3A_647 = %scan3A_533) -> (i32)  : i32 {
      %mul3A_648 = arith.constant 6 : i32
      %mul3A_649 = arith.muli %mul3A_648, %scan3A_646 : i32
      %add3A_650 = arith.constant 0 : i32
      %add3A_651 = arith.addi %mul3A_649, %add3A_650 : i32
      %sub3A = arith.constant 3 : i32
      %sub3A_652 = arith.subi %add3A_651, %sub3A : i32
      %jit3A = arith.constant 6 : i32
      %eq3A = arith.constant 0 : i32
      %eq3A_653 = arith.cmpi eq, %jit3A, %eq3A : i32
      %jit3A_654 = arith.constant 1 : i32
      %select_n3A = arith.select %eq3A_653, %jit3A_654, %jit3A : i32
      %rem3A = arith.remsi %sub3A_652, %select_n3A : i32
      %ne3A = arith.constant 0 : i32
      %ne3A_655 = arith.cmpi ne, %rem3A, %ne3A : i32
      %lt3A = arith.constant 0 : i32
      %lt3A_656 = arith.cmpi slt, %rem3A, %lt3A : i32
      %lt3A_657 = arith.constant 0 : i32
      %lt3A_658 = arith.cmpi slt, %select_n3A, %lt3A_657 : i32
      %ne3A_659 = arith.xori %lt3A_656, %lt3A_658 : i1
      %and3A = arith.andi %ne3A_659, %ne3A_655 : i1
      %add3A_660 = arith.addi %rem3A, %select_n3A : i32
      %select_n3A_661 = arith.select %and3A, %add3A_660, %rem3A : i32
      %dma_wait3A_662 = arith.constant 0 : i32
      %dma_wait3A_663 = arith.constant 1 : i32
      %dma_wait3A_664 = arith.constant 0 : i32
      %dma_wait3A_665 = arith.constant 0 : i32
      %dma_wait3A_666 = tpu.memref_slice %arg7[%dma_wait3A_662, %dma_wait3A_664, %dma_wait3A_665] : memref<3x120x128xf32, #tpu.memory_space<vmem>> -> memref<1x120x128xf32, #tpu.memory_space<vmem>>
      %dma_wait3A_667 = tpu.memref_squeeze %dma_wait3A_666 : memref<1x120x128xf32, #tpu.memory_space<vmem>> -> memref<120x128xf32, #tpu.memory_space<vmem>>
      %dma_wait3A_668 = arith.constant 0 : i32
      %dma_wait3A_669 = tpu.memref_slice %arg6[%select_n3A_661, %dma_wait3A_663, %dma_wait3A_668] : memref<6x2x120xi32, #tpu.memory_space<vmem>> -> memref<1x1x120xi32, #tpu.memory_space<vmem>>
      %dma_wait3A_670 = tpu.memref_squeeze %dma_wait3A_669 : memref<1x1x120xi32, #tpu.memory_space<vmem>> -> memref<120xi32, #tpu.memory_space<vmem>>
      %dma_wait3A_671 = arith.constant 0 : i32
      %dma_wait3A_672 = arith.constant 0 : i32
      %dma_wait3A_673 = tpu.memref_slice %arg5[%dma_wait3A_671, %dma_wait3A_672] : memref<10112x128xf32, #tpu.memory_space<vmem_shared>> -> memref<10112x128xf32, #tpu.memory_space<vmem_shared>>
      tpu.wait_indirect_dma semaphore(%arg17 : memref<!tpu.dma_semaphore, #tpu.memory_space<semaphore_mem>>) src(%dma_wait3A_667 : memref<120x128xf32, #tpu.memory_space<vmem>>) dst(%dma_wait3A_673 : memref<10112x128xf32, #tpu.memory_space<vmem_shared>>)
      %add3A_674 = arith.constant 0 : i32
      %add3A_675 = arith.addi %mul3A_649, %add3A_674 : i32
      %dma_wait3A_676 = arith.constant 0 : i32
      %dma_wait3A_677 = arith.constant 0 : i32
      %dma_wait3A_678 = arith.constant 0 : i32
      %dma_wait3A_679 = tpu.memref_slice %arg6[%dma_wait3A_676, %dma_wait3A_677, %dma_wait3A_678] : memref<6x2x120xi32, #tpu.memory_space<vmem>> -> memref<1x2x120xi32, #tpu.memory_space<vmem>>
      %dma_wait3A_680 = tpu.memref_squeeze %dma_wait3A_679 : memref<1x2x120xi32, #tpu.memory_space<vmem>> -> memref<2x120xi32, #tpu.memory_space<vmem>>
      %dma_wait3A_681 = arith.constant 0 : i32
      %dma_wait3A_682 = arith.constant 0 : i32
      %dma_wait3A_683 = tpu.memref_slice %arg3[%add3A, %add3A_675, %dma_wait3A_681, %dma_wait3A_682] : memref<32x84x2x120xi32, #tpu.memory_space<hbm>> -> memref<1x1x2x120xi32, #tpu.memory_space<hbm>>
      %dma_wait3A_684 = tpu.memref_squeeze %dma_wait3A_683 : memref<1x1x2x120xi32, #tpu.memory_space<hbm>> -> memref<2x120xi32, #tpu.memory_space<hbm>>
      %dma_wait3A_685 = arith.constant 0 : i32
      %dma_wait3A_686 = arith.constant 0 : i32
      %dma_wait3A_687 = tpu.memref_slice %arg6[%dma_wait3A_676, %dma_wait3A_685, %dma_wait3A_686] : memref<6x2x120xi32, #tpu.memory_space<vmem>> -> memref<1x2x120xi32, #tpu.memory_space<vmem>>
      %dma_wait3A_688 = tpu.memref_squeeze %dma_wait3A_687 : memref<1x2x120xi32, #tpu.memory_space<vmem>> -> memref<2x120xi32, #tpu.memory_space<vmem>>
      %dma_wait3A_689 = arith.constant 0 : i32
      %dma_wait3A_690 = arith.constant 0 : i32
      %dma_wait3A_691 = tpu.memref_slice %arg3[%add3A, %add3A_675, %dma_wait3A_689, %dma_wait3A_690] : memref<32x84x2x120xi32, #tpu.memory_space<hbm>> -> memref<1x1x2x120xi32, #tpu.memory_space<hbm>>
      %dma_wait3A_692 = tpu.memref_squeeze %dma_wait3A_691 : memref<1x1x2x120xi32, #tpu.memory_space<hbm>> -> memref<2x120xi32, #tpu.memory_space<hbm>>
      tpu.wait_dma2 semaphore(%arg8 : memref<!tpu.dma_semaphore, #tpu.memory_space<semaphore_mem>>) src(%dma_wait3A_692 : memref<2x120xi32, #tpu.memory_space<hbm>>) dst(%dma_wait3A_688 : memref<2x120xi32, #tpu.memory_space<vmem>>)
      %add3A_693 = arith.constant 0 : i32
      %add3A_694 = arith.addi %mul3A_649, %add3A_693 : i32
      %jit3A_695 = arith.constant 6 : i32
      %eq3A_696 = arith.constant 0 : i32
      %eq3A_697 = arith.cmpi eq, %jit3A_695, %eq3A_696 : i32
      %jit3A_698 = arith.constant 1 : i32
      %select_n3A_699 = arith.select %eq3A_697, %jit3A_698, %jit3A_695 : i32
      %rem3A_700 = arith.remsi %add3A_694, %select_n3A_699 : i32
      %ne3A_701 = arith.constant 0 : i32
      %ne3A_702 = arith.cmpi ne, %rem3A_700, %ne3A_701 : i32
      %lt3A_703 = arith.constant 0 : i32
      %lt3A_704 = arith.cmpi slt, %rem3A_700, %lt3A_703 : i32
      %lt3A_705 = arith.constant 0 : i32
      %lt3A_706 = arith.cmpi slt, %select_n3A_699, %lt3A_705 : i32
      %ne3A_707 = arith.xori %lt3A_704, %lt3A_706 : i1
      %and3A_708 = arith.andi %ne3A_707, %ne3A_702 : i1
      %add3A_709 = arith.addi %rem3A_700, %select_n3A_699 : i32
      %select_n3A_710 = arith.select %and3A_708, %add3A_709, %rem3A_700 : i32
      %dma_start3A_711 = arith.constant 0 : i32
      %dma_start3A_712 = arith.constant 0 : i32
      %dma_start3A_713 = arith.constant 0 : i32
      %dma_start3A_714 = arith.constant 0 : i32
      %dma_start3A_715 = tpu.memref_slice %arg7[%dma_start3A_712, %dma_start3A_713, %dma_start3A_714] : memref<3x120x128xf32, #tpu.memory_space<vmem>> -> memref<1x120x128xf32, #tpu.memory_space<vmem>>
      %dma_start3A_716 = tpu.memref_squeeze %dma_start3A_715 : memref<1x120x128xf32, #tpu.memory_space<vmem>> -> memref<120x128xf32, #tpu.memory_space<vmem>>
      %dma_start3A_717 = arith.constant 0 : i32
      %dma_start3A_718 = tpu.memref_slice %arg6[%select_n3A_710, %dma_start3A_711, %dma_start3A_717] : memref<6x2x120xi32, #tpu.memory_space<vmem>> -> memref<1x1x120xi32, #tpu.memory_space<vmem>>
      %dma_start3A_719 = tpu.memref_squeeze %dma_start3A_718 : memref<1x1x120xi32, #tpu.memory_space<vmem>> -> memref<120xi32, #tpu.memory_space<vmem>>
      %dma_start3A_720 = arith.constant 0 : i32
      %dma_start3A_721 = arith.constant 0 : i32
      %dma_start3A_722 = tpu.memref_slice %arg2[%dma_start3A_720, %dma_start3A_721] : memref<10112x128xf32, #tpu.memory_space<hbm>> -> memref<10112x128xf32, #tpu.memory_space<hbm>>
      tpu.enqueue_indirect_dma source(%dma_start3A_722 : memref<10112x128xf32, #tpu.memory_space<hbm>>) target(%dma_start3A_716 : memref<120x128xf32, #tpu.memory_space<vmem>>) offsets(%dma_start3A_719 : memref<120xi32, #tpu.memory_space<vmem>>) semaphore(%arg14 : memref<!tpu.dma_semaphore, #tpu.memory_space<semaphore_mem>>)
      %dma_wait3A_723 = arith.constant 5 : i32
      %dma_wait3A_724 = arith.constant 0 : i32
      %dma_wait3A_725 = arith.constant 2 : i32
      %dma_wait3A_726 = arith.constant 0 : i32
      %dma_wait3A_727 = arith.constant 0 : i32
      %dma_wait3A_728 = tpu.memref_slice %arg7[%dma_wait3A_725, %dma_wait3A_726, %dma_wait3A_727] : memref<3x120x128xf32, #tpu.memory_space<vmem>> -> memref<1x120x128xf32, #tpu.memory_space<vmem>>
      %dma_wait3A_729 = tpu.memref_squeeze %dma_wait3A_728 : memref<1x120x128xf32, #tpu.memory_space<vmem>> -> memref<120x128xf32, #tpu.memory_space<vmem>>
      %dma_wait3A_730 = arith.constant 0 : i32
      %dma_wait3A_731 = tpu.memref_slice %arg6[%dma_wait3A_723, %dma_wait3A_724, %dma_wait3A_730] : memref<6x2x120xi32, #tpu.memory_space<vmem>> -> memref<1x1x120xi32, #tpu.memory_space<vmem>>
      %dma_wait3A_732 = tpu.memref_squeeze %dma_wait3A_731 : memref<1x1x120xi32, #tpu.memory_space<vmem>> -> memref<120xi32, #tpu.memory_space<vmem>>
      %dma_wait3A_733 = arith.constant 0 : i32
      %dma_wait3A_734 = arith.constant 0 : i32
      %dma_wait3A_735 = tpu.memref_slice %arg2[%dma_wait3A_733, %dma_wait3A_734] : memref<10112x128xf32, #tpu.memory_space<hbm>> -> memref<10112x128xf32, #tpu.memory_space<hbm>>
      tpu.wait_indirect_dma semaphore(%arg16 : memref<!tpu.dma_semaphore, #tpu.memory_space<semaphore_mem>>) src(%dma_wait3A_735 : memref<10112x128xf32, #tpu.memory_space<hbm>>) dst(%dma_wait3A_729 : memref<120x128xf32, #tpu.memory_space<vmem>>)
      %add3A_736 = arith.constant 0 : i32
      %add3A_737 = arith.addi %mul3A_649, %add3A_736 : i32
      %add3A_738 = arith.constant 2 : i32
      %add3A_739 = arith.addi %add3A_737, %add3A_738 : i32
      %min3A = arith.constant 83 : i32
      %min3A_740 = arith.minsi %add3A_739, %min3A : i32
      %dma_start3A_741 = arith.constant 2 : i32
      %dma_start3A_742 = arith.constant 0 : i32
      %dma_start3A_743 = arith.constant 0 : i32
      %dma_start3A_744 = tpu.memref_slice %arg6[%dma_start3A_741, %dma_start3A_742, %dma_start3A_743] : memref<6x2x120xi32, #tpu.memory_space<vmem>> -> memref<1x2x120xi32, #tpu.memory_space<vmem>>
      %dma_start3A_745 = tpu.memref_squeeze %dma_start3A_744 : memref<1x2x120xi32, #tpu.memory_space<vmem>> -> memref<2x120xi32, #tpu.memory_space<vmem>>
      %dma_start3A_746 = arith.constant 0 : i32
      %dma_start3A_747 = arith.constant 0 : i32
      %dma_start3A_748 = tpu.memref_slice %arg3[%add3A, %min3A_740, %dma_start3A_746, %dma_start3A_747] : memref<32x84x2x120xi32, #tpu.memory_space<hbm>> -> memref<1x1x2x120xi32, #tpu.memory_space<hbm>>
      %dma_start3A_749 = tpu.memref_squeeze %dma_start3A_748 : memref<1x1x2x120xi32, #tpu.memory_space<hbm>> -> memref<2x120xi32, #tpu.memory_space<hbm>>
      %dma_start3A_750 = arith.constant 0 : i32
      %dma_start3A_751 = arith.constant 0 : i32
      %dma_start3A_752 = tpu.memref_slice %arg6[%dma_start3A_741, %dma_start3A_750, %dma_start3A_751] : memref<6x2x120xi32, #tpu.memory_space<vmem>> -> memref<1x2x120xi32, #tpu.memory_space<vmem>>
      %dma_start3A_753 = tpu.memref_squeeze %dma_start3A_752 : memref<1x2x120xi32, #tpu.memory_space<vmem>> -> memref<2x120xi32, #tpu.memory_space<vmem>>
      %dma_start3A_754 = arith.constant 0 : i32
      %dma_start3A_755 = arith.constant 0 : i32
      %dma_start3A_756 = tpu.memref_slice %arg3[%add3A, %min3A_740, %dma_start3A_754, %dma_start3A_755] : memref<32x84x2x120xi32, #tpu.memory_space<hbm>> -> memref<1x1x2x120xi32, #tpu.memory_space<hbm>>
      %dma_start3A_757 = tpu.memref_squeeze %dma_start3A_756 : memref<1x1x2x120xi32, #tpu.memory_space<hbm>> -> memref<2x120xi32, #tpu.memory_space<hbm>>
      tpu.enqueue_dma source(%dma_start3A_757 : memref<2x120xi32, #tpu.memory_space<hbm>>) target(%dma_start3A_753 : memref<2x120xi32, #tpu.memory_space<vmem>>) target_semaphore(%arg10 : memref<!tpu.dma_semaphore, #tpu.memory_space<semaphore_mem>>)
      %dma_start3A_758 = arith.constant 2 : i32
      %dma_start3A_759 = arith.constant 5 : i32
      %dma_start3A_760 = arith.constant 1 : i32
      %dma_start3A_761 = arith.constant 0 : i32
      %dma_start3A_762 = arith.constant 0 : i32
      %dma_start3A_763 = tpu.memref_slice %arg7[%dma_start3A_758, %dma_start3A_761, %dma_start3A_762] : memref<3x120x128xf32, #tpu.memory_space<vmem>> -> memref<1x120x128xf32, #tpu.memory_space<vmem>>
      %dma_start3A_764 = tpu.memref_squeeze %dma_start3A_763 : memref<1x120x128xf32, #tpu.memory_space<vmem>> -> memref<120x128xf32, #tpu.memory_space<vmem>>
      %dma_start3A_765 = arith.constant 0 : i32
      %dma_start3A_766 = tpu.memref_slice %arg6[%dma_start3A_759, %dma_start3A_760, %dma_start3A_765] : memref<6x2x120xi32, #tpu.memory_space<vmem>> -> memref<1x1x120xi32, #tpu.memory_space<vmem>>
      %dma_start3A_767 = tpu.memref_squeeze %dma_start3A_766 : memref<1x1x120xi32, #tpu.memory_space<vmem>> -> memref<120xi32, #tpu.memory_space<vmem>>
      %dma_start3A_768 = arith.constant 0 : i32
      %dma_start3A_769 = arith.constant 0 : i32
      %dma_start3A_770 = tpu.memref_slice %arg5[%dma_start3A_768, %dma_start3A_769] : memref<10112x128xf32, #tpu.memory_space<vmem_shared>> -> memref<10112x128xf32, #tpu.memory_space<vmem_shared>>
      tpu.enqueue_indirect_dma source(%dma_start3A_764 : memref<120x128xf32, #tpu.memory_space<vmem>>) target(%dma_start3A_770 : memref<10112x128xf32, #tpu.memory_space<vmem_shared>>) offsets(%dma_start3A_767 : memref<120xi32, #tpu.memory_space<vmem>>) semaphore(%arg19 : memref<!tpu.dma_semaphore, #tpu.memory_space<semaphore_mem>>) {add = true}
      %add3A_771 = arith.constant 1 : i32
      %add3A_772 = arith.addi %mul3A_649, %add3A_771 : i32
      %sub3A_773 = arith.constant 3 : i32
      %sub3A_774 = arith.subi %add3A_772, %sub3A_773 : i32
      %jit3A_775 = arith.constant 6 : i32
      %eq3A_776 = arith.constant 0 : i32
      %eq3A_777 = arith.cmpi eq, %jit3A_775, %eq3A_776 : i32
      %jit3A_778 = arith.constant 1 : i32
      %select_n3A_779 = arith.select %eq3A_777, %jit3A_778, %jit3A_775 : i32
      %rem3A_780 = arith.remsi %sub3A_774, %select_n3A_779 : i32
      %ne3A_781 = arith.constant 0 : i32
      %ne3A_782 = arith.cmpi ne, %rem3A_780, %ne3A_781 : i32
      %lt3A_783 = arith.constant 0 : i32
      %lt3A_784 = arith.cmpi slt, %rem3A_780, %lt3A_783 : i32
      %lt3A_785 = arith.constant 0 : i32
      %lt3A_786 = arith.cmpi slt, %select_n3A_779, %lt3A_785 : i32
      %ne3A_787 = arith.xori %lt3A_784, %lt3A_786 : i1
      %and3A_788 = arith.andi %ne3A_787, %ne3A_782 : i1
      %add3A_789 = arith.addi %rem3A_780, %select_n3A_779 : i32
      %select_n3A_790 = arith.select %and3A_788, %add3A_789, %rem3A_780 : i32
      %dma_wait3A_791 = arith.constant 1 : i32
      %dma_wait3A_792 = arith.constant 1 : i32
      %dma_wait3A_793 = arith.constant 0 : i32
      %dma_wait3A_794 = arith.constant 0 : i32
      %dma_wait3A_795 = tpu.memref_slice %arg7[%dma_wait3A_791, %dma_wait3A_793, %dma_wait3A_794] : memref<3x120x128xf32, #tpu.memory_space<vmem>> -> memref<1x120x128xf32, #tpu.memory_space<vmem>>
      %dma_wait3A_796 = tpu.memref_squeeze %dma_wait3A_795 : memref<1x120x128xf32, #tpu.memory_space<vmem>> -> memref<120x128xf32, #tpu.memory_space<vmem>>
      %dma_wait3A_797 = arith.constant 0 : i32
      %dma_wait3A_798 = tpu.memref_slice %arg6[%select_n3A_790, %dma_wait3A_792, %dma_wait3A_797] : memref<6x2x120xi32, #tpu.memory_space<vmem>> -> memref<1x1x120xi32, #tpu.memory_space<vmem>>
      %dma_wait3A_799 = tpu.memref_squeeze %dma_wait3A_798 : memref<1x1x120xi32, #tpu.memory_space<vmem>> -> memref<120xi32, #tpu.memory_space<vmem>>
      %dma_wait3A_800 = arith.constant 0 : i32
      %dma_wait3A_801 = arith.constant 0 : i32
      %dma_wait3A_802 = tpu.memref_slice %arg5[%dma_wait3A_800, %dma_wait3A_801] : memref<10112x128xf32, #tpu.memory_space<vmem_shared>> -> memref<10112x128xf32, #tpu.memory_space<vmem_shared>>
      tpu.wait_indirect_dma semaphore(%arg18 : memref<!tpu.dma_semaphore, #tpu.memory_space<semaphore_mem>>) src(%dma_wait3A_796 : memref<120x128xf32, #tpu.memory_space<vmem>>) dst(%dma_wait3A_802 : memref<10112x128xf32, #tpu.memory_space<vmem_shared>>)
      %add3A_803 = arith.constant 1 : i32
      %add3A_804 = arith.addi %mul3A_649, %add3A_803 : i32
      %dma_wait3A_805 = arith.constant 1 : i32
      %dma_wait3A_806 = arith.constant 0 : i32
      %dma_wait3A_807 = arith.constant 0 : i32
      %dma_wait3A_808 = tpu.memref_slice %arg6[%dma_wait3A_805, %dma_wait3A_806, %dma_wait3A_807] : memref<6x2x120xi32, #tpu.memory_space<vmem>> -> memref<1x2x120xi32, #tpu.memory_space<vmem>>
      %dma_wait3A_809 = tpu.memref_squeeze %dma_wait3A_808 : memref<1x2x120xi32, #tpu.memory_space<vmem>> -> memref<2x120xi32, #tpu.memory_space<vmem>>
      %dma_wait3A_810 = arith.constant 0 : i32
      %dma_wait3A_811 = arith.constant 0 : i32
      %dma_wait3A_812 = tpu.memref_slice %arg3[%add3A, %add3A_804, %dma_wait3A_810, %dma_wait3A_811] : memref<32x84x2x120xi32, #tpu.memory_space<hbm>> -> memref<1x1x2x120xi32, #tpu.memory_space<hbm>>
      %dma_wait3A_813 = tpu.memref_squeeze %dma_wait3A_812 : memref<1x1x2x120xi32, #tpu.memory_space<hbm>> -> memref<2x120xi32, #tpu.memory_space<hbm>>
      %dma_wait3A_814 = arith.constant 0 : i32
      %dma_wait3A_815 = arith.constant 0 : i32
      %dma_wait3A_816 = tpu.memref_slice %arg6[%dma_wait3A_805, %dma_wait3A_814, %dma_wait3A_815] : memref<6x2x120xi32, #tpu.memory_space<vmem>> -> memref<1x2x120xi32, #tpu.memory_space<vmem>>
      %dma_wait3A_817 = tpu.memref_squeeze %dma_wait3A_816 : memref<1x2x120xi32, #tpu.memory_space<vmem>> -> memref<2x120xi32, #tpu.memory_space<vmem>>
      %dma_wait3A_818 = arith.constant 0 : i32
      %dma_wait3A_819 = arith.constant 0 : i32
      %dma_wait3A_820 = tpu.memref_slice %arg3[%add3A, %add3A_804, %dma_wait3A_818, %dma_wait3A_819] : memref<32x84x2x120xi32, #tpu.memory_space<hbm>> -> memref<1x1x2x120xi32, #tpu.memory_space<hbm>>
      %dma_wait3A_821 = tpu.memref_squeeze %dma_wait3A_820 : memref<1x1x2x120xi32, #tpu.memory_space<hbm>> -> memref<2x120xi32, #tpu.memory_space<hbm>>
      tpu.wait_dma2 semaphore(%arg9 : memref<!tpu.dma_semaphore, #tpu.memory_space<semaphore_mem>>) src(%dma_wait3A_821 : memref<2x120xi32, #tpu.memory_space<hbm>>) dst(%dma_wait3A_817 : memref<2x120xi32, #tpu.memory_space<vmem>>)
      %add3A_822 = arith.constant 1 : i32
      %add3A_823 = arith.addi %mul3A_649, %add3A_822 : i32
      %jit3A_824 = arith.constant 6 : i32
      %eq3A_825 = arith.constant 0 : i32
      %eq3A_826 = arith.cmpi eq, %jit3A_824, %eq3A_825 : i32
      %jit3A_827 = arith.constant 1 : i32
      %select_n3A_828 = arith.select %eq3A_826, %jit3A_827, %jit3A_824 : i32
      %rem3A_829 = arith.remsi %add3A_823, %select_n3A_828 : i32
      %ne3A_830 = arith.constant 0 : i32
      %ne3A_831 = arith.cmpi ne, %rem3A_829, %ne3A_830 : i32
      %lt3A_832 = arith.constant 0 : i32
      %lt3A_833 = arith.cmpi slt, %rem3A_829, %lt3A_832 : i32
      %lt3A_834 = arith.constant 0 : i32
      %lt3A_835 = arith.cmpi slt, %select_n3A_828, %lt3A_834 : i32
      %ne3A_836 = arith.xori %lt3A_833, %lt3A_835 : i1
      %and3A_837 = arith.andi %ne3A_836, %ne3A_831 : i1
      %add3A_838 = arith.addi %rem3A_829, %select_n3A_828 : i32
      %select_n3A_839 = arith.select %and3A_837, %add3A_838, %rem3A_829 : i32
      %dma_start3A_840 = arith.constant 0 : i32
      %dma_start3A_841 = arith.constant 1 : i32
      %dma_start3A_842 = arith.constant 0 : i32
      %dma_start3A_843 = arith.constant 0 : i32
      %dma_start3A_844 = tpu.memref_slice %arg7[%dma_start3A_841, %dma_start3A_842, %dma_start3A_843] : memref<3x120x128xf32, #tpu.memory_space<vmem>> -> memref<1x120x128xf32, #tpu.memory_space<vmem>>
      %dma_start3A_845 = tpu.memref_squeeze %dma_start3A_844 : memref<1x120x128xf32, #tpu.memory_space<vmem>> -> memref<120x128xf32, #tpu.memory_space<vmem>>
      %dma_start3A_846 = arith.constant 0 : i32
      %dma_start3A_847 = tpu.memref_slice %arg6[%select_n3A_839, %dma_start3A_840, %dma_start3A_846] : memref<6x2x120xi32, #tpu.memory_space<vmem>> -> memref<1x1x120xi32, #tpu.memory_space<vmem>>
      %dma_start3A_848 = tpu.memref_squeeze %dma_start3A_847 : memref<1x1x120xi32, #tpu.memory_space<vmem>> -> memref<120xi32, #tpu.memory_space<vmem>>
      %dma_start3A_849 = arith.constant 0 : i32
      %dma_start3A_850 = arith.constant 0 : i32
      %dma_start3A_851 = tpu.memref_slice %arg2[%dma_start3A_849, %dma_start3A_850] : memref<10112x128xf32, #tpu.memory_space<hbm>> -> memref<10112x128xf32, #tpu.memory_space<hbm>>
      tpu.enqueue_indirect_dma source(%dma_start3A_851 : memref<10112x128xf32, #tpu.memory_space<hbm>>) target(%dma_start3A_845 : memref<120x128xf32, #tpu.memory_space<vmem>>) offsets(%dma_start3A_848 : memref<120xi32, #tpu.memory_space<vmem>>) semaphore(%arg15 : memref<!tpu.dma_semaphore, #tpu.memory_space<semaphore_mem>>)
      %dma_wait3A_852 = arith.constant 0 : i32
      %dma_wait3A_853 = arith.constant 0 : i32
      %dma_wait3A_854 = arith.constant 0 : i32
      %dma_wait3A_855 = arith.constant 0 : i32
      %dma_wait3A_856 = arith.constant 0 : i32
      %dma_wait3A_857 = tpu.memref_slice %arg7[%dma_wait3A_854, %dma_wait3A_855, %dma_wait3A_856] : memref<3x120x128xf32, #tpu.memory_space<vmem>> -> memref<1x120x128xf32, #tpu.memory_space<vmem>>
      %dma_wait3A_858 = tpu.memref_squeeze %dma_wait3A_857 : memref<1x120x128xf32, #tpu.memory_space<vmem>> -> memref<120x128xf32, #tpu.memory_space<vmem>>
      %dma_wait3A_859 = arith.constant 0 : i32
      %dma_wait3A_860 = tpu.memref_slice %arg6[%dma_wait3A_852, %dma_wait3A_853, %dma_wait3A_859] : memref<6x2x120xi32, #tpu.memory_space<vmem>> -> memref<1x1x120xi32, #tpu.memory_space<vmem>>
      %dma_wait3A_861 = tpu.memref_squeeze %dma_wait3A_860 : memref<1x1x120xi32, #tpu.memory_space<vmem>> -> memref<120xi32, #tpu.memory_space<vmem>>
      %dma_wait3A_862 = arith.constant 0 : i32
      %dma_wait3A_863 = arith.constant 0 : i32
      %dma_wait3A_864 = tpu.memref_slice %arg2[%dma_wait3A_862, %dma_wait3A_863] : memref<10112x128xf32, #tpu.memory_space<hbm>> -> memref<10112x128xf32, #tpu.memory_space<hbm>>
      tpu.wait_indirect_dma semaphore(%arg14 : memref<!tpu.dma_semaphore, #tpu.memory_space<semaphore_mem>>) src(%dma_wait3A_864 : memref<10112x128xf32, #tpu.memory_space<hbm>>) dst(%dma_wait3A_858 : memref<120x128xf32, #tpu.memory_space<vmem>>)
      %add3A_865 = arith.constant 1 : i32
      %add3A_866 = arith.addi %mul3A_649, %add3A_865 : i32
      %add3A_867 = arith.constant 2 : i32
      %add3A_868 = arith.addi %add3A_866, %add3A_867 : i32
      %min3A_869 = arith.constant 83 : i32
      %min3A_870 = arith.minsi %add3A_868, %min3A_869 : i32
      %dma_start3A_871 = arith.constant 3 : i32
      %dma_start3A_872 = arith.constant 0 : i32
      %dma_start3A_873 = arith.constant 0 : i32
      %dma_start3A_874 = tpu.memref_slice %arg6[%dma_start3A_871, %dma_start3A_872, %dma_start3A_873] : memref<6x2x120xi32, #tpu.memory_space<vmem>> -> memref<1x2x120xi32, #tpu.memory_space<vmem>>
      %dma_start3A_875 = tpu.memref_squeeze %dma_start3A_874 : memref<1x2x120xi32, #tpu.memory_space<vmem>> -> memref<2x120xi32, #tpu.memory_space<vmem>>
      %dma_start3A_876 = arith.constant 0 : i32
      %dma_start3A_877 = arith.constant 0 : i32
      %dma_start3A_878 = tpu.memref_slice %arg3[%add3A, %min3A_870, %dma_start3A_876, %dma_start3A_877] : memref<32x84x2x120xi32, #tpu.memory_space<hbm>> -> memref<1x1x2x120xi32, #tpu.memory_space<hbm>>
      %dma_start3A_879 = tpu.memref_squeeze %dma_start3A_878 : memref<1x1x2x120xi32, #tpu.memory_space<hbm>> -> memref<2x120xi32, #tpu.memory_space<hbm>>
      %dma_start3A_880 = arith.constant 0 : i32
      %dma_start3A_881 = arith.constant 0 : i32
      %dma_start3A_882 = tpu.memref_slice %arg6[%dma_start3A_871, %dma_start3A_880, %dma_start3A_881] : memref<6x2x120xi32, #tpu.memory_space<vmem>> -> memref<1x2x120xi32, #tpu.memory_space<vmem>>
      %dma_start3A_883 = tpu.memref_squeeze %dma_start3A_882 : memref<1x2x120xi32, #tpu.memory_space<vmem>> -> memref<2x120xi32, #tpu.memory_space<vmem>>
      %dma_start3A_884 = arith.constant 0 : i32
      %dma_start3A_885 = arith.constant 0 : i32
      %dma_start3A_886 = tpu.memref_slice %arg3[%add3A, %min3A_870, %dma_start3A_884, %dma_start3A_885] : memref<32x84x2x120xi32, #tpu.memory_space<hbm>> -> memref<1x1x2x120xi32, #tpu.memory_space<hbm>>
      %dma_start3A_887 = tpu.memref_squeeze %dma_start3A_886 : memref<1x1x2x120xi32, #tpu.memory_space<hbm>> -> memref<2x120xi32, #tpu.memory_space<hbm>>
      tpu.enqueue_dma source(%dma_start3A_887 : memref<2x120xi32, #tpu.memory_space<hbm>>) target(%dma_start3A_883 : memref<2x120xi32, #tpu.memory_space<vmem>>) target_semaphore(%arg11 : memref<!tpu.dma_semaphore, #tpu.memory_space<semaphore_mem>>)
      %dma_start3A_888 = arith.constant 0 : i32
      %dma_start3A_889 = arith.constant 0 : i32
      %dma_start3A_890 = arith.constant 1 : i32
      %dma_start3A_891 = arith.constant 0 : i32
      %dma_start3A_892 = arith.constant 0 : i32
      %dma_start3A_893 = tpu.memref_slice %arg7[%dma_start3A_888, %dma_start3A_891, %dma_start3A_892] : memref<3x120x128xf32, #tpu.memory_space<vmem>> -> memref<1x120x128xf32, #tpu.memory_space<vmem>>
      %dma_start3A_894 = tpu.memref_squeeze %dma_start3A_893 : memref<1x120x128xf32, #tpu.memory_space<vmem>> -> memref<120x128xf32, #tpu.memory_space<vmem>>
      %dma_start3A_895 = arith.constant 0 : i32
      %dma_start3A_896 = tpu.memref_slice %arg6[%dma_start3A_889, %dma_start3A_890, %dma_start3A_895] : memref<6x2x120xi32, #tpu.memory_space<vmem>> -> memref<1x1x120xi32, #tpu.memory_space<vmem>>
      %dma_start3A_897 = tpu.memref_squeeze %dma_start3A_896 : memref<1x1x120xi32, #tpu.memory_space<vmem>> -> memref<120xi32, #tpu.memory_space<vmem>>
      %dma_start3A_898 = arith.constant 0 : i32
      %dma_start3A_899 = arith.constant 0 : i32
      %dma_start3A_900 = tpu.memref_slice %arg5[%dma_start3A_898, %dma_start3A_899] : memref<10112x128xf32, #tpu.memory_space<vmem_shared>> -> memref<10112x128xf32, #tpu.memory_space<vmem_shared>>
      tpu.enqueue_indirect_dma source(%dma_start3A_894 : memref<120x128xf32, #tpu.memory_space<vmem>>) target(%dma_start3A_900 : memref<10112x128xf32, #tpu.memory_space<vmem_shared>>) offsets(%dma_start3A_897 : memref<120xi32, #tpu.memory_space<vmem>>) semaphore(%arg17 : memref<!tpu.dma_semaphore, #tpu.memory_space<semaphore_mem>>) {add = true}
      %add3A_901 = arith.constant 2 : i32
      %add3A_902 = arith.addi %mul3A_649, %add3A_901 : i32
      %sub3A_903 = arith.constant 3 : i32
      %sub3A_904 = arith.subi %add3A_902, %sub3A_903 : i32
      %jit3A_905 = arith.constant 6 : i32
      %eq3A_906 = arith.constant 0 : i32
      %eq3A_907 = arith.cmpi eq, %jit3A_905, %eq3A_906 : i32
      %jit3A_908 = arith.constant 1 : i32
      %select_n3A_909 = arith.select %eq3A_907, %jit3A_908, %jit3A_905 : i32
      %rem3A_910 = arith.remsi %sub3A_904, %select_n3A_909 : i32
      %ne3A_911 = arith.constant 0 : i32
      %ne3A_912 = arith.cmpi ne, %rem3A_910, %ne3A_911 : i32
      %lt3A_913 = arith.constant 0 : i32
      %lt3A_914 = arith.cmpi slt, %rem3A_910, %lt3A_913 : i32
      %lt3A_915 = arith.constant 0 : i32
      %lt3A_916 = arith.cmpi slt, %select_n3A_909, %lt3A_915 : i32
      %ne3A_917 = arith.xori %lt3A_914, %lt3A_916 : i1
      %and3A_918 = arith.andi %ne3A_917, %ne3A_912 : i1
      %add3A_919 = arith.addi %rem3A_910, %select_n3A_909 : i32
      %select_n3A_920 = arith.select %and3A_918, %add3A_919, %rem3A_910 : i32
      %dma_wait3A_921 = arith.constant 2 : i32
      %dma_wait3A_922 = arith.constant 1 : i32
      %dma_wait3A_923 = arith.constant 0 : i32
      %dma_wait3A_924 = arith.constant 0 : i32
      %dma_wait3A_925 = tpu.memref_slice %arg7[%dma_wait3A_921, %dma_wait3A_923, %dma_wait3A_924] : memref<3x120x128xf32, #tpu.memory_space<vmem>> -> memref<1x120x128xf32, #tpu.memory_space<vmem>>
      %dma_wait3A_926 = tpu.memref_squeeze %dma_wait3A_925 : memref<1x120x128xf32, #tpu.memory_space<vmem>> -> memref<120x128xf32, #tpu.memory_space<vmem>>
      %dma_wait3A_927 = arith.constant 0 : i32
      %dma_wait3A_928 = tpu.memref_slice %arg6[%select_n3A_920, %dma_wait3A_922, %dma_wait3A_927] : memref<6x2x120xi32, #tpu.memory_space<vmem>> -> memref<1x1x120xi32, #tpu.memory_space<vmem>>
      %dma_wait3A_929 = tpu.memref_squeeze %dma_wait3A_928 : memref<1x1x120xi32, #tpu.memory_space<vmem>> -> memref<120xi32, #tpu.memory_space<vmem>>
      %dma_wait3A_930 = arith.constant 0 : i32
      %dma_wait3A_931 = arith.constant 0 : i32
      %dma_wait3A_932 = tpu.memref_slice %arg5[%dma_wait3A_930, %dma_wait3A_931] : memref<10112x128xf32, #tpu.memory_space<vmem_shared>> -> memref<10112x128xf32, #tpu.memory_space<vmem_shared>>
      tpu.wait_indirect_dma semaphore(%arg19 : memref<!tpu.dma_semaphore, #tpu.memory_space<semaphore_mem>>) src(%dma_wait3A_926 : memref<120x128xf32, #tpu.memory_space<vmem>>) dst(%dma_wait3A_932 : memref<10112x128xf32, #tpu.memory_space<vmem_shared>>)
      %add3A_933 = arith.constant 2 : i32
      %add3A_934 = arith.addi %mul3A_649, %add3A_933 : i32
      %dma_wait3A_935 = arith.constant 2 : i32
      %dma_wait3A_936 = arith.constant 0 : i32
      %dma_wait3A_937 = arith.constant 0 : i32
      %dma_wait3A_938 = tpu.memref_slice %arg6[%dma_wait3A_935, %dma_wait3A_936, %dma_wait3A_937] : memref<6x2x120xi32, #tpu.memory_space<vmem>> -> memref<1x2x120xi32, #tpu.memory_space<vmem>>
      %dma_wait3A_939 = tpu.memref_squeeze %dma_wait3A_938 : memref<1x2x120xi32, #tpu.memory_space<vmem>> -> memref<2x120xi32, #tpu.memory_space<vmem>>
      %dma_wait3A_940 = arith.constant 0 : i32
      %dma_wait3A_941 = arith.constant 0 : i32
      %dma_wait3A_942 = tpu.memref_slice %arg3[%add3A, %add3A_934, %dma_wait3A_940, %dma_wait3A_941] : memref<32x84x2x120xi32, #tpu.memory_space<hbm>> -> memref<1x1x2x120xi32, #tpu.memory_space<hbm>>
      %dma_wait3A_943 = tpu.memref_squeeze %dma_wait3A_942 : memref<1x1x2x120xi32, #tpu.memory_space<hbm>> -> memref<2x120xi32, #tpu.memory_space<hbm>>
      %dma_wait3A_944 = arith.constant 0 : i32
      %dma_wait3A_945 = arith.constant 0 : i32
      %dma_wait3A_946 = tpu.memref_slice %arg6[%dma_wait3A_935, %dma_wait3A_944, %dma_wait3A_945] : memref<6x2x120xi32, #tpu.memory_space<vmem>> -> memref<1x2x120xi32, #tpu.memory_space<vmem>>
      %dma_wait3A_947 = tpu.memref_squeeze %dma_wait3A_946 : memref<1x2x120xi32, #tpu.memory_space<vmem>> -> memref<2x120xi32, #tpu.memory_space<vmem>>
      %dma_wait3A_948 = arith.constant 0 : i32
      %dma_wait3A_949 = arith.constant 0 : i32
      %dma_wait3A_950 = tpu.memref_slice %arg3[%add3A, %add3A_934, %dma_wait3A_948, %dma_wait3A_949] : memref<32x84x2x120xi32, #tpu.memory_space<hbm>> -> memref<1x1x2x120xi32, #tpu.memory_space<hbm>>
      %dma_wait3A_951 = tpu.memref_squeeze %dma_wait3A_950 : memref<1x1x2x120xi32, #tpu.memory_space<hbm>> -> memref<2x120xi32, #tpu.memory_space<hbm>>
      tpu.wait_dma2 semaphore(%arg10 : memref<!tpu.dma_semaphore, #tpu.memory_space<semaphore_mem>>) src(%dma_wait3A_951 : memref<2x120xi32, #tpu.memory_space<hbm>>) dst(%dma_wait3A_947 : memref<2x120xi32, #tpu.memory_space<vmem>>)
      %add3A_952 = arith.constant 2 : i32
      %add3A_953 = arith.addi %mul3A_649, %add3A_952 : i32
      %jit3A_954 = arith.constant 6 : i32
      %eq3A_955 = arith.constant 0 : i32
      %eq3A_956 = arith.cmpi eq, %jit3A_954, %eq3A_955 : i32
      %jit3A_957 = arith.constant 1 : i32
      %select_n3A_958 = arith.select %eq3A_956, %jit3A_957, %jit3A_954 : i32
      %rem3A_959 = arith.remsi %add3A_953, %select_n3A_958 : i32
      %ne3A_960 = arith.constant 0 : i32
      %ne3A_961 = arith.cmpi ne, %rem3A_959, %ne3A_960 : i32
      %lt3A_962 = arith.constant 0 : i32
      %lt3A_963 = arith.cmpi slt, %rem3A_959, %lt3A_962 : i32
      %lt3A_964 = arith.constant 0 : i32
      %lt3A_965 = arith.cmpi slt, %select_n3A_958, %lt3A_964 : i32
      %ne3A_966 = arith.xori %lt3A_963, %lt3A_965 : i1
      %and3A_967 = arith.andi %ne3A_966, %ne3A_961 : i1
      %add3A_968 = arith.addi %rem3A_959, %select_n3A_958 : i32
      %select_n3A_969 = arith.select %and3A_967, %add3A_968, %rem3A_959 : i32
      %dma_start3A_970 = arith.constant 0 : i32
      %dma_start3A_971 = arith.constant 2 : i32
      %dma_start3A_972 = arith.constant 0 : i32
      %dma_start3A_973 = arith.constant 0 : i32
      %dma_start3A_974 = tpu.memref_slice %arg7[%dma_start3A_971, %dma_start3A_972, %dma_start3A_973] : memref<3x120x128xf32, #tpu.memory_space<vmem>> -> memref<1x120x128xf32, #tpu.memory_space<vmem>>
      %dma_start3A_975 = tpu.memref_squeeze %dma_start3A_974 : memref<1x120x128xf32, #tpu.memory_space<vmem>> -> memref<120x128xf32, #tpu.memory_space<vmem>>
      %dma_start3A_976 = arith.constant 0 : i32
      %dma_start3A_977 = tpu.memref_slice %arg6[%select_n3A_969, %dma_start3A_970, %dma_start3A_976] : memref<6x2x120xi32, #tpu.memory_space<vmem>> -> memref<1x1x120xi32, #tpu.memory_space<vmem>>
      %dma_start3A_978 = tpu.memref_squeeze %dma_start3A_977 : memref<1x1x120xi32, #tpu.memory_space<vmem>> -> memref<120xi32, #tpu.memory_space<vmem>>
      %dma_start3A_979 = arith.constant 0 : i32
      %dma_start3A_980 = arith.constant 0 : i32
      %dma_start3A_981 = tpu.memref_slice %arg2[%dma_start3A_979, %dma_start3A_980] : memref<10112x128xf32, #tpu.memory_space<hbm>> -> memref<10112x128xf32, #tpu.memory_space<hbm>>
      tpu.enqueue_indirect_dma source(%dma_start3A_981 : memref<10112x128xf32, #tpu.memory_space<hbm>>) target(%dma_start3A_975 : memref<120x128xf32, #tpu.memory_space<vmem>>) offsets(%dma_start3A_978 : memref<120xi32, #tpu.memory_space<vmem>>) semaphore(%arg16 : memref<!tpu.dma_semaphore, #tpu.memory_space<semaphore_mem>>)
      %dma_wait3A_982 = arith.constant 1 : i32
      %dma_wait3A_983 = arith.constant 0 : i32
      %dma_wait3A_984 = arith.constant 1 : i32
      %dma_wait3A_985 = arith.constant 0 : i32
      %dma_wait3A_986 = arith.constant 0 : i32
      %dma_wait3A_987 = tpu.memref_slice %arg7[%dma_wait3A_984, %dma_wait3A_985, %dma_wait3A_986] : memref<3x120x128xf32, #tpu.memory_space<vmem>> -> memref<1x120x128xf32, #tpu.memory_space<vmem>>
      %dma_wait3A_988 = tpu.memref_squeeze %dma_wait3A_987 : memref<1x120x128xf32, #tpu.memory_space<vmem>> -> memref<120x128xf32, #tpu.memory_space<vmem>>
      %dma_wait3A_989 = arith.constant 0 : i32
      %dma_wait3A_990 = tpu.memref_slice %arg6[%dma_wait3A_982, %dma_wait3A_983, %dma_wait3A_989] : memref<6x2x120xi32, #tpu.memory_space<vmem>> -> memref<1x1x120xi32, #tpu.memory_space<vmem>>
      %dma_wait3A_991 = tpu.memref_squeeze %dma_wait3A_990 : memref<1x1x120xi32, #tpu.memory_space<vmem>> -> memref<120xi32, #tpu.memory_space<vmem>>
      %dma_wait3A_992 = arith.constant 0 : i32
      %dma_wait3A_993 = arith.constant 0 : i32
      %dma_wait3A_994 = tpu.memref_slice %arg2[%dma_wait3A_992, %dma_wait3A_993] : memref<10112x128xf32, #tpu.memory_space<hbm>> -> memref<10112x128xf32, #tpu.memory_space<hbm>>
      tpu.wait_indirect_dma semaphore(%arg15 : memref<!tpu.dma_semaphore, #tpu.memory_space<semaphore_mem>>) src(%dma_wait3A_994 : memref<10112x128xf32, #tpu.memory_space<hbm>>) dst(%dma_wait3A_988 : memref<120x128xf32, #tpu.memory_space<vmem>>)
      %add3A_995 = arith.constant 2 : i32
      %add3A_996 = arith.addi %mul3A_649, %add3A_995 : i32
      %add3A_997 = arith.constant 2 : i32
      %add3A_998 = arith.addi %add3A_996, %add3A_997 : i32
      %min3A_999 = arith.constant 83 : i32
      %min3A_1000 = arith.minsi %add3A_998, %min3A_999 : i32
      %dma_start3A_1001 = arith.constant 4 : i32
      %dma_start3A_1002 = arith.constant 0 : i32
      %dma_start3A_1003 = arith.constant 0 : i32
      %dma_start3A_1004 = tpu.memref_slice %arg6[%dma_start3A_1001, %dma_start3A_1002, %dma_start3A_1003] : memref<6x2x120xi32, #tpu.memory_space<vmem>> -> memref<1x2x120xi32, #tpu.memory_space<vmem>>
      %dma_start3A_1005 = tpu.memref_squeeze %dma_start3A_1004 : memref<1x2x120xi32, #tpu.memory_space<vmem>> -> memref<2x120xi32, #tpu.memory_space<vmem>>
      %dma_start3A_1006 = arith.constant 0 : i32
      %dma_start3A_1007 = arith.constant 0 : i32
      %dma_start3A_1008 = tpu.memref_slice %arg3[%add3A, %min3A_1000, %dma_start3A_1006, %dma_start3A_1007] : memref<32x84x2x120xi32, #tpu.memory_space<hbm>> -> memref<1x1x2x120xi32, #tpu.memory_space<hbm>>
      %dma_start3A_1009 = tpu.memref_squeeze %dma_start3A_1008 : memref<1x1x2x120xi32, #tpu.memory_space<hbm>> -> memref<2x120xi32, #tpu.memory_space<hbm>>
      %dma_start3A_1010 = arith.constant 0 : i32
      %dma_start3A_1011 = arith.constant 0 : i32
      %dma_start3A_1012 = tpu.memref_slice %arg6[%dma_start3A_1001, %dma_start3A_1010, %dma_start3A_1011] : memref<6x2x120xi32, #tpu.memory_space<vmem>> -> memref<1x2x120xi32, #tpu.memory_space<vmem>>
      %dma_start3A_1013 = tpu.memref_squeeze %dma_start3A_1012 : memref<1x2x120xi32, #tpu.memory_space<vmem>> -> memref<2x120xi32, #tpu.memory_space<vmem>>
      %dma_start3A_1014 = arith.constant 0 : i32
      %dma_start3A_1015 = arith.constant 0 : i32
      %dma_start3A_1016 = tpu.memref_slice %arg3[%add3A, %min3A_1000, %dma_start3A_1014, %dma_start3A_1015] : memref<32x84x2x120xi32, #tpu.memory_space<hbm>> -> memref<1x1x2x120xi32, #tpu.memory_space<hbm>>
      %dma_start3A_1017 = tpu.memref_squeeze %dma_start3A_1016 : memref<1x1x2x120xi32, #tpu.memory_space<hbm>> -> memref<2x120xi32, #tpu.memory_space<hbm>>
      tpu.enqueue_dma source(%dma_start3A_1017 : memref<2x120xi32, #tpu.memory_space<hbm>>) target(%dma_start3A_1013 : memref<2x120xi32, #tpu.memory_space<vmem>>) target_semaphore(%arg12 : memref<!tpu.dma_semaphore, #tpu.memory_space<semaphore_mem>>)
      %dma_start3A_1018 = arith.constant 1 : i32
      %dma_start3A_1019 = arith.constant 1 : i32
      %dma_start3A_1020 = arith.constant 1 : i32
      %dma_start3A_1021 = arith.constant 0 : i32
      %dma_start3A_1022 = arith.constant 0 : i32
      %dma_start3A_1023 = tpu.memref_slice %arg7[%dma_start3A_1018, %dma_start3A_1021, %dma_start3A_1022] : memref<3x120x128xf32, #tpu.memory_space<vmem>> -> memref<1x120x128xf32, #tpu.memory_space<vmem>>
      %dma_start3A_1024 = tpu.memref_squeeze %dma_start3A_1023 : memref<1x120x128xf32, #tpu.memory_space<vmem>> -> memref<120x128xf32, #tpu.memory_space<vmem>>
      %dma_start3A_1025 = arith.constant 0 : i32
      %dma_start3A_1026 = tpu.memref_slice %arg6[%dma_start3A_1019, %dma_start3A_1020, %dma_start3A_1025] : memref<6x2x120xi32, #tpu.memory_space<vmem>> -> memref<1x1x120xi32, #tpu.memory_space<vmem>>
      %dma_start3A_1027 = tpu.memref_squeeze %dma_start3A_1026 : memref<1x1x120xi32, #tpu.memory_space<vmem>> -> memref<120xi32, #tpu.memory_space<vmem>>
      %dma_start3A_1028 = arith.constant 0 : i32
      %dma_start3A_1029 = arith.constant 0 : i32
      %dma_start3A_1030 = tpu.memref_slice %arg5[%dma_start3A_1028, %dma_start3A_1029] : memref<10112x128xf32, #tpu.memory_space<vmem_shared>> -> memref<10112x128xf32, #tpu.memory_space<vmem_shared>>
      tpu.enqueue_indirect_dma source(%dma_start3A_1024 : memref<120x128xf32, #tpu.memory_space<vmem>>) target(%dma_start3A_1030 : memref<10112x128xf32, #tpu.memory_space<vmem_shared>>) offsets(%dma_start3A_1027 : memref<120xi32, #tpu.memory_space<vmem>>) semaphore(%arg18 : memref<!tpu.dma_semaphore, #tpu.memory_space<semaphore_mem>>) {add = true}
      %add3A_1031 = arith.constant 3 : i32
      %add3A_1032 = arith.addi %mul3A_649, %add3A_1031 : i32
      %sub3A_1033 = arith.constant 3 : i32
      %sub3A_1034 = arith.subi %add3A_1032, %sub3A_1033 : i32
      %jit3A_1035 = arith.constant 6 : i32
      %eq3A_1036 = arith.constant 0 : i32
      %eq3A_1037 = arith.cmpi eq, %jit3A_1035, %eq3A_1036 : i32
      %jit3A_1038 = arith.constant 1 : i32
      %select_n3A_1039 = arith.select %eq3A_1037, %jit3A_1038, %jit3A_1035 : i32
      %rem3A_1040 = arith.remsi %sub3A_1034, %select_n3A_1039 : i32
      %ne3A_1041 = arith.constant 0 : i32
      %ne3A_1042 = arith.cmpi ne, %rem3A_1040, %ne3A_1041 : i32
      %lt3A_1043 = arith.constant 0 : i32
      %lt3A_1044 = arith.cmpi slt, %rem3A_1040, %lt3A_1043 : i32
      %lt3A_1045 = arith.constant 0 : i32
      %lt3A_1046 = arith.cmpi slt, %select_n3A_1039, %lt3A_1045 : i32
      %ne3A_1047 = arith.xori %lt3A_1044, %lt3A_1046 : i1
      %and3A_1048 = arith.andi %ne3A_1047, %ne3A_1042 : i1
      %add3A_1049 = arith.addi %rem3A_1040, %select_n3A_1039 : i32
      %select_n3A_1050 = arith.select %and3A_1048, %add3A_1049, %rem3A_1040 : i32
      %dma_wait3A_1051 = arith.constant 0 : i32
      %dma_wait3A_1052 = arith.constant 1 : i32
      %dma_wait3A_1053 = arith.constant 0 : i32
      %dma_wait3A_1054 = arith.constant 0 : i32
      %dma_wait3A_1055 = tpu.memref_slice %arg7[%dma_wait3A_1051, %dma_wait3A_1053, %dma_wait3A_1054] : memref<3x120x128xf32, #tpu.memory_space<vmem>> -> memref<1x120x128xf32, #tpu.memory_space<vmem>>
      %dma_wait3A_1056 = tpu.memref_squeeze %dma_wait3A_1055 : memref<1x120x128xf32, #tpu.memory_space<vmem>> -> memref<120x128xf32, #tpu.memory_space<vmem>>
      %dma_wait3A_1057 = arith.constant 0 : i32
      %dma_wait3A_1058 = tpu.memref_slice %arg6[%select_n3A_1050, %dma_wait3A_1052, %dma_wait3A_1057] : memref<6x2x120xi32, #tpu.memory_space<vmem>> -> memref<1x1x120xi32, #tpu.memory_space<vmem>>
      %dma_wait3A_1059 = tpu.memref_squeeze %dma_wait3A_1058 : memref<1x1x120xi32, #tpu.memory_space<vmem>> -> memref<120xi32, #tpu.memory_space<vmem>>
      %dma_wait3A_1060 = arith.constant 0 : i32
      %dma_wait3A_1061 = arith.constant 0 : i32
      %dma_wait3A_1062 = tpu.memref_slice %arg5[%dma_wait3A_1060, %dma_wait3A_1061] : memref<10112x128xf32, #tpu.memory_space<vmem_shared>> -> memref<10112x128xf32, #tpu.memory_space<vmem_shared>>
      tpu.wait_indirect_dma semaphore(%arg17 : memref<!tpu.dma_semaphore, #tpu.memory_space<semaphore_mem>>) src(%dma_wait3A_1056 : memref<120x128xf32, #tpu.memory_space<vmem>>) dst(%dma_wait3A_1062 : memref<10112x128xf32, #tpu.memory_space<vmem_shared>>)
      %add3A_1063 = arith.constant 3 : i32
      %add3A_1064 = arith.addi %mul3A_649, %add3A_1063 : i32
      %dma_wait3A_1065 = arith.constant 3 : i32
      %dma_wait3A_1066 = arith.constant 0 : i32
      %dma_wait3A_1067 = arith.constant 0 : i32
      %dma_wait3A_1068 = tpu.memref_slice %arg6[%dma_wait3A_1065, %dma_wait3A_1066, %dma_wait3A_1067] : memref<6x2x120xi32, #tpu.memory_space<vmem>> -> memref<1x2x120xi32, #tpu.memory_space<vmem>>
      %dma_wait3A_1069 = tpu.memref_squeeze %dma_wait3A_1068 : memref<1x2x120xi32, #tpu.memory_space<vmem>> -> memref<2x120xi32, #tpu.memory_space<vmem>>
      %dma_wait3A_1070 = arith.constant 0 : i32
      %dma_wait3A_1071 = arith.constant 0 : i32
      %dma_wait3A_1072 = tpu.memref_slice %arg3[%add3A, %add3A_1064, %dma_wait3A_1070, %dma_wait3A_1071] : memref<32x84x2x120xi32, #tpu.memory_space<hbm>> -> memref<1x1x2x120xi32, #tpu.memory_space<hbm>>
      %dma_wait3A_1073 = tpu.memref_squeeze %dma_wait3A_1072 : memref<1x1x2x120xi32, #tpu.memory_space<hbm>> -> memref<2x120xi32, #tpu.memory_space<hbm>>
      %dma_wait3A_1074 = arith.constant 0 : i32
      %dma_wait3A_1075 = arith.constant 0 : i32
      %dma_wait3A_1076 = tpu.memref_slice %arg6[%dma_wait3A_1065, %dma_wait3A_1074, %dma_wait3A_1075] : memref<6x2x120xi32, #tpu.memory_space<vmem>> -> memref<1x2x120xi32, #tpu.memory_space<vmem>>
      %dma_wait3A_1077 = tpu.memref_squeeze %dma_wait3A_1076 : memref<1x2x120xi32, #tpu.memory_space<vmem>> -> memref<2x120xi32, #tpu.memory_space<vmem>>
      %dma_wait3A_1078 = arith.constant 0 : i32
      %dma_wait3A_1079 = arith.constant 0 : i32
      %dma_wait3A_1080 = tpu.memref_slice %arg3[%add3A, %add3A_1064, %dma_wait3A_1078, %dma_wait3A_1079] : memref<32x84x2x120xi32, #tpu.memory_space<hbm>> -> memref<1x1x2x120xi32, #tpu.memory_space<hbm>>
      %dma_wait3A_1081 = tpu.memref_squeeze %dma_wait3A_1080 : memref<1x1x2x120xi32, #tpu.memory_space<hbm>> -> memref<2x120xi32, #tpu.memory_space<hbm>>
      tpu.wait_dma2 semaphore(%arg11 : memref<!tpu.dma_semaphore, #tpu.memory_space<semaphore_mem>>) src(%dma_wait3A_1081 : memref<2x120xi32, #tpu.memory_space<hbm>>) dst(%dma_wait3A_1077 : memref<2x120xi32, #tpu.memory_space<vmem>>)
      %add3A_1082 = arith.constant 3 : i32
      %add3A_1083 = arith.addi %mul3A_649, %add3A_1082 : i32
      %jit3A_1084 = arith.constant 6 : i32
      %eq3A_1085 = arith.constant 0 : i32
      %eq3A_1086 = arith.cmpi eq, %jit3A_1084, %eq3A_1085 : i32
      %jit3A_1087 = arith.constant 1 : i32
      %select_n3A_1088 = arith.select %eq3A_1086, %jit3A_1087, %jit3A_1084 : i32
      %rem3A_1089 = arith.remsi %add3A_1083, %select_n3A_1088 : i32
      %ne3A_1090 = arith.constant 0 : i32
      %ne3A_1091 = arith.cmpi ne, %rem3A_1089, %ne3A_1090 : i32
      %lt3A_1092 = arith.constant 0 : i32
      %lt3A_1093 = arith.cmpi slt, %rem3A_1089, %lt3A_1092 : i32
      %lt3A_1094 = arith.constant 0 : i32
      %lt3A_1095 = arith.cmpi slt, %select_n3A_1088, %lt3A_1094 : i32
      %ne3A_1096 = arith.xori %lt3A_1093, %lt3A_1095 : i1
      %and3A_1097 = arith.andi %ne3A_1096, %ne3A_1091 : i1
      %add3A_1098 = arith.addi %rem3A_1089, %select_n3A_1088 : i32
      %select_n3A_1099 = arith.select %and3A_1097, %add3A_1098, %rem3A_1089 : i32
      %dma_start3A_1100 = arith.constant 0 : i32
      %dma_start3A_1101 = arith.constant 0 : i32
      %dma_start3A_1102 = arith.constant 0 : i32
      %dma_start3A_1103 = arith.constant 0 : i32
      %dma_start3A_1104 = tpu.memref_slice %arg7[%dma_start3A_1101, %dma_start3A_1102, %dma_start3A_1103] : memref<3x120x128xf32, #tpu.memory_space<vmem>> -> memref<1x120x128xf32, #tpu.memory_space<vmem>>
      %dma_start3A_1105 = tpu.memref_squeeze %dma_start3A_1104 : memref<1x120x128xf32, #tpu.memory_space<vmem>> -> memref<120x128xf32, #tpu.memory_space<vmem>>
      %dma_start3A_1106 = arith.constant 0 : i32
      %dma_start3A_1107 = tpu.memref_slice %arg6[%select_n3A_1099, %dma_start3A_1100, %dma_start3A_1106] : memref<6x2x120xi32, #tpu.memory_space<vmem>> -> memref<1x1x120xi32, #tpu.memory_space<vmem>>
      %dma_start3A_1108 = tpu.memref_squeeze %dma_start3A_1107 : memref<1x1x120xi32, #tpu.memory_space<vmem>> -> memref<120xi32, #tpu.memory_space<vmem>>
      %dma_start3A_1109 = arith.constant 0 : i32
      %dma_start3A_1110 = arith.constant 0 : i32
      %dma_start3A_1111 = tpu.memref_slice %arg2[%dma_start3A_1109, %dma_start3A_1110] : memref<10112x128xf32, #tpu.memory_space<hbm>> -> memref<10112x128xf32, #tpu.memory_space<hbm>>
      tpu.enqueue_indirect_dma source(%dma_start3A_1111 : memref<10112x128xf32, #tpu.memory_space<hbm>>) target(%dma_start3A_1105 : memref<120x128xf32, #tpu.memory_space<vmem>>) offsets(%dma_start3A_1108 : memref<120xi32, #tpu.memory_space<vmem>>) semaphore(%arg14 : memref<!tpu.dma_semaphore, #tpu.memory_space<semaphore_mem>>)
      %dma_wait3A_1112 = arith.constant 2 : i32
      %dma_wait3A_1113 = arith.constant 0 : i32
      %dma_wait3A_1114 = arith.constant 2 : i32
      %dma_wait3A_1115 = arith.constant 0 : i32
      %dma_wait3A_1116 = arith.constant 0 : i32
      %dma_wait3A_1117 = tpu.memref_slice %arg7[%dma_wait3A_1114, %dma_wait3A_1115, %dma_wait3A_1116] : memref<3x120x128xf32, #tpu.memory_space<vmem>> -> memref<1x120x128xf32, #tpu.memory_space<vmem>>
      %dma_wait3A_1118 = tpu.memref_squeeze %dma_wait3A_1117 : memref<1x120x128xf32, #tpu.memory_space<vmem>> -> memref<120x128xf32, #tpu.memory_space<vmem>>
      %dma_wait3A_1119 = arith.constant 0 : i32
      %dma_wait3A_1120 = tpu.memref_slice %arg6[%dma_wait3A_1112, %dma_wait3A_1113, %dma_wait3A_1119] : memref<6x2x120xi32, #tpu.memory_space<vmem>> -> memref<1x1x120xi32, #tpu.memory_space<vmem>>
      %dma_wait3A_1121 = tpu.memref_squeeze %dma_wait3A_1120 : memref<1x1x120xi32, #tpu.memory_space<vmem>> -> memref<120xi32, #tpu.memory_space<vmem>>
      %dma_wait3A_1122 = arith.constant 0 : i32
      %dma_wait3A_1123 = arith.constant 0 : i32
      %dma_wait3A_1124 = tpu.memref_slice %arg2[%dma_wait3A_1122, %dma_wait3A_1123] : memref<10112x128xf32, #tpu.memory_space<hbm>> -> memref<10112x128xf32, #tpu.memory_space<hbm>>
      tpu.wait_indirect_dma semaphore(%arg16 : memref<!tpu.dma_semaphore, #tpu.memory_space<semaphore_mem>>) src(%dma_wait3A_1124 : memref<10112x128xf32, #tpu.memory_space<hbm>>) dst(%dma_wait3A_1118 : memref<120x128xf32, #tpu.memory_space<vmem>>)
      %add3A_1125 = arith.constant 3 : i32
      %add3A_1126 = arith.addi %mul3A_649, %add3A_1125 : i32
      %add3A_1127 = arith.constant 2 : i32
      %add3A_1128 = arith.addi %add3A_1126, %add3A_1127 : i32
      %min3A_1129 = arith.constant 83 : i32
      %min3A_1130 = arith.minsi %add3A_1128, %min3A_1129 : i32
      %dma_start3A_1131 = arith.constant 5 : i32
      %dma_start3A_1132 = arith.constant 0 : i32
      %dma_start3A_1133 = arith.constant 0 : i32
      %dma_start3A_1134 = tpu.memref_slice %arg6[%dma_start3A_1131, %dma_start3A_1132, %dma_start3A_1133] : memref<6x2x120xi32, #tpu.memory_space<vmem>> -> memref<1x2x120xi32, #tpu.memory_space<vmem>>
      %dma_start3A_1135 = tpu.memref_squeeze %dma_start3A_1134 : memref<1x2x120xi32, #tpu.memory_space<vmem>> -> memref<2x120xi32, #tpu.memory_space<vmem>>
      %dma_start3A_1136 = arith.constant 0 : i32
      %dma_start3A_1137 = arith.constant 0 : i32
      %dma_start3A_1138 = tpu.memref_slice %arg3[%add3A, %min3A_1130, %dma_start3A_1136, %dma_start3A_1137] : memref<32x84x2x120xi32, #tpu.memory_space<hbm>> -> memref<1x1x2x120xi32, #tpu.memory_space<hbm>>
      %dma_start3A_1139 = tpu.memref_squeeze %dma_start3A_1138 : memref<1x1x2x120xi32, #tpu.memory_space<hbm>> -> memref<2x120xi32, #tpu.memory_space<hbm>>
      %dma_start3A_1140 = arith.constant 0 : i32
      %dma_start3A_1141 = arith.constant 0 : i32
      %dma_start3A_1142 = tpu.memref_slice %arg6[%dma_start3A_1131, %dma_start3A_1140, %dma_start3A_1141] : memref<6x2x120xi32, #tpu.memory_space<vmem>> -> memref<1x2x120xi32, #tpu.memory_space<vmem>>
      %dma_start3A_1143 = tpu.memref_squeeze %dma_start3A_1142 : memref<1x2x120xi32, #tpu.memory_space<vmem>> -> memref<2x120xi32, #tpu.memory_space<vmem>>
      %dma_start3A_1144 = arith.constant 0 : i32
      %dma_start3A_1145 = arith.constant 0 : i32
      %dma_start3A_1146 = tpu.memref_slice %arg3[%add3A, %min3A_1130, %dma_start3A_1144, %dma_start3A_1145] : memref<32x84x2x120xi32, #tpu.memory_space<hbm>> -> memref<1x1x2x120xi32, #tpu.memory_space<hbm>>
      %dma_start3A_1147 = tpu.memref_squeeze %dma_start3A_1146 : memref<1x1x2x120xi32, #tpu.memory_space<hbm>> -> memref<2x120xi32, #tpu.memory_space<hbm>>
      tpu.enqueue_dma source(%dma_start3A_1147 : memref<2x120xi32, #tpu.memory_space<hbm>>) target(%dma_start3A_1143 : memref<2x120xi32, #tpu.memory_space<vmem>>) target_semaphore(%arg13 : memref<!tpu.dma_semaphore, #tpu.memory_space<semaphore_mem>>)
      %dma_start3A_1148 = arith.constant 2 : i32
      %dma_start3A_1149 = arith.constant 2 : i32
      %dma_start3A_1150 = arith.constant 1 : i32
      %dma_start3A_1151 = arith.constant 0 : i32
      %dma_start3A_1152 = arith.constant 0 : i32
      %dma_start3A_1153 = tpu.memref_slice %arg7[%dma_start3A_1148, %dma_start3A_1151, %dma_start3A_1152] : memref<3x120x128xf32, #tpu.memory_space<vmem>> -> memref<1x120x128xf32, #tpu.memory_space<vmem>>
      %dma_start3A_1154 = tpu.memref_squeeze %dma_start3A_1153 : memref<1x120x128xf32, #tpu.memory_space<vmem>> -> memref<120x128xf32, #tpu.memory_space<vmem>>
      %dma_start3A_1155 = arith.constant 0 : i32
      %dma_start3A_1156 = tpu.memref_slice %arg6[%dma_start3A_1149, %dma_start3A_1150, %dma_start3A_1155] : memref<6x2x120xi32, #tpu.memory_space<vmem>> -> memref<1x1x120xi32, #tpu.memory_space<vmem>>
      %dma_start3A_1157 = tpu.memref_squeeze %dma_start3A_1156 : memref<1x1x120xi32, #tpu.memory_space<vmem>> -> memref<120xi32, #tpu.memory_space<vmem>>
      %dma_start3A_1158 = arith.constant 0 : i32
      %dma_start3A_1159 = arith.constant 0 : i32
      %dma_start3A_1160 = tpu.memref_slice %arg5[%dma_start3A_1158, %dma_start3A_1159] : memref<10112x128xf32, #tpu.memory_space<vmem_shared>> -> memref<10112x128xf32, #tpu.memory_space<vmem_shared>>
      tpu.enqueue_indirect_dma source(%dma_start3A_1154 : memref<120x128xf32, #tpu.memory_space<vmem>>) target(%dma_start3A_1160 : memref<10112x128xf32, #tpu.memory_space<vmem_shared>>) offsets(%dma_start3A_1157 : memref<120xi32, #tpu.memory_space<vmem>>) semaphore(%arg19 : memref<!tpu.dma_semaphore, #tpu.memory_space<semaphore_mem>>) {add = true}
      %add3A_1161 = arith.constant 4 : i32
      %add3A_1162 = arith.addi %mul3A_649, %add3A_1161 : i32
      %sub3A_1163 = arith.constant 3 : i32
      %sub3A_1164 = arith.subi %add3A_1162, %sub3A_1163 : i32
      %jit3A_1165 = arith.constant 6 : i32
      %eq3A_1166 = arith.constant 0 : i32
      %eq3A_1167 = arith.cmpi eq, %jit3A_1165, %eq3A_1166 : i32
      %jit3A_1168 = arith.constant 1 : i32
      %select_n3A_1169 = arith.select %eq3A_1167, %jit3A_1168, %jit3A_1165 : i32
      %rem3A_1170 = arith.remsi %sub3A_1164, %select_n3A_1169 : i32
      %ne3A_1171 = arith.constant 0 : i32
      %ne3A_1172 = arith.cmpi ne, %rem3A_1170, %ne3A_1171 : i32
      %lt3A_1173 = arith.constant 0 : i32
      %lt3A_1174 = arith.cmpi slt, %rem3A_1170, %lt3A_1173 : i32
      %lt3A_1175 = arith.constant 0 : i32
      %lt3A_1176 = arith.cmpi slt, %select_n3A_1169, %lt3A_1175 : i32
      %ne3A_1177 = arith.xori %lt3A_1174, %lt3A_1176 : i1
      %and3A_1178 = arith.andi %ne3A_1177, %ne3A_1172 : i1
      %add3A_1179 = arith.addi %rem3A_1170, %select_n3A_1169 : i32
      %select_n3A_1180 = arith.select %and3A_1178, %add3A_1179, %rem3A_1170 : i32
      %dma_wait3A_1181 = arith.constant 1 : i32
      %dma_wait3A_1182 = arith.constant 1 : i32
      %dma_wait3A_1183 = arith.constant 0 : i32
      %dma_wait3A_1184 = arith.constant 0 : i32
      %dma_wait3A_1185 = tpu.memref_slice %arg7[%dma_wait3A_1181, %dma_wait3A_1183, %dma_wait3A_1184] : memref<3x120x128xf32, #tpu.memory_space<vmem>> -> memref<1x120x128xf32, #tpu.memory_space<vmem>>
      %dma_wait3A_1186 = tpu.memref_squeeze %dma_wait3A_1185 : memref<1x120x128xf32, #tpu.memory_space<vmem>> -> memref<120x128xf32, #tpu.memory_space<vmem>>
      %dma_wait3A_1187 = arith.constant 0 : i32
      %dma_wait3A_1188 = tpu.memref_slice %arg6[%select_n3A_1180, %dma_wait3A_1182, %dma_wait3A_1187] : memref<6x2x120xi32, #tpu.memory_space<vmem>> -> memref<1x1x120xi32, #tpu.memory_space<vmem>>
      %dma_wait3A_1189 = tpu.memref_squeeze %dma_wait3A_1188 : memref<1x1x120xi32, #tpu.memory_space<vmem>> -> memref<120xi32, #tpu.memory_space<vmem>>
      %dma_wait3A_1190 = arith.constant 0 : i32
      %dma_wait3A_1191 = arith.constant 0 : i32
      %dma_wait3A_1192 = tpu.memref_slice %arg5[%dma_wait3A_1190, %dma_wait3A_1191] : memref<10112x128xf32, #tpu.memory_space<vmem_shared>> -> memref<10112x128xf32, #tpu.memory_space<vmem_shared>>
      tpu.wait_indirect_dma semaphore(%arg18 : memref<!tpu.dma_semaphore, #tpu.memory_space<semaphore_mem>>) src(%dma_wait3A_1186 : memref<120x128xf32, #tpu.memory_space<vmem>>) dst(%dma_wait3A_1192 : memref<10112x128xf32, #tpu.memory_space<vmem_shared>>)
      %add3A_1193 = arith.constant 4 : i32
      %add3A_1194 = arith.addi %mul3A_649, %add3A_1193 : i32
      %dma_wait3A_1195 = arith.constant 4 : i32
      %dma_wait3A_1196 = arith.constant 0 : i32
      %dma_wait3A_1197 = arith.constant 0 : i32
      %dma_wait3A_1198 = tpu.memref_slice %arg6[%dma_wait3A_1195, %dma_wait3A_1196, %dma_wait3A_1197] : memref<6x2x120xi32, #tpu.memory_space<vmem>> -> memref<1x2x120xi32, #tpu.memory_space<vmem>>
      %dma_wait3A_1199 = tpu.memref_squeeze %dma_wait3A_1198 : memref<1x2x120xi32, #tpu.memory_space<vmem>> -> memref<2x120xi32, #tpu.memory_space<vmem>>
      %dma_wait3A_1200 = arith.constant 0 : i32
      %dma_wait3A_1201 = arith.constant 0 : i32
      %dma_wait3A_1202 = tpu.memref_slice %arg3[%add3A, %add3A_1194, %dma_wait3A_1200, %dma_wait3A_1201] : memref<32x84x2x120xi32, #tpu.memory_space<hbm>> -> memref<1x1x2x120xi32, #tpu.memory_space<hbm>>
      %dma_wait3A_1203 = tpu.memref_squeeze %dma_wait3A_1202 : memref<1x1x2x120xi32, #tpu.memory_space<hbm>> -> memref<2x120xi32, #tpu.memory_space<hbm>>
      %dma_wait3A_1204 = arith.constant 0 : i32
      %dma_wait3A_1205 = arith.constant 0 : i32
      %dma_wait3A_1206 = tpu.memref_slice %arg6[%dma_wait3A_1195, %dma_wait3A_1204, %dma_wait3A_1205] : memref<6x2x120xi32, #tpu.memory_space<vmem>> -> memref<1x2x120xi32, #tpu.memory_space<vmem>>
      %dma_wait3A_1207 = tpu.memref_squeeze %dma_wait3A_1206 : memref<1x2x120xi32, #tpu.memory_space<vmem>> -> memref<2x120xi32, #tpu.memory_space<vmem>>
      %dma_wait3A_1208 = arith.constant 0 : i32
      %dma_wait3A_1209 = arith.constant 0 : i32
      %dma_wait3A_1210 = tpu.memref_slice %arg3[%add3A, %add3A_1194, %dma_wait3A_1208, %dma_wait3A_1209] : memref<32x84x2x120xi32, #tpu.memory_space<hbm>> -> memref<1x1x2x120xi32, #tpu.memory_space<hbm>>
      %dma_wait3A_1211 = tpu.memref_squeeze %dma_wait3A_1210 : memref<1x1x2x120xi32, #tpu.memory_space<hbm>> -> memref<2x120xi32, #tpu.memory_space<hbm>>
      tpu.wait_dma2 semaphore(%arg12 : memref<!tpu.dma_semaphore, #tpu.memory_space<semaphore_mem>>) src(%dma_wait3A_1211 : memref<2x120xi32, #tpu.memory_space<hbm>>) dst(%dma_wait3A_1207 : memref<2x120xi32, #tpu.memory_space<vmem>>)
      %add3A_1212 = arith.constant 4 : i32
      %add3A_1213 = arith.addi %mul3A_649, %add3A_1212 : i32
      %jit3A_1214 = arith.constant 6 : i32
      %eq3A_1215 = arith.constant 0 : i32
      %eq3A_1216 = arith.cmpi eq, %jit3A_1214, %eq3A_1215 : i32
      %jit3A_1217 = arith.constant 1 : i32
      %select_n3A_1218 = arith.select %eq3A_1216, %jit3A_1217, %jit3A_1214 : i32
      %rem3A_1219 = arith.remsi %add3A_1213, %select_n3A_1218 : i32
      %ne3A_1220 = arith.constant 0 : i32
      %ne3A_1221 = arith.cmpi ne, %rem3A_1219, %ne3A_1220 : i32
      %lt3A_1222 = arith.constant 0 : i32
      %lt3A_1223 = arith.cmpi slt, %rem3A_1219, %lt3A_1222 : i32
      %lt3A_1224 = arith.constant 0 : i32
      %lt3A_1225 = arith.cmpi slt, %select_n3A_1218, %lt3A_1224 : i32
      %ne3A_1226 = arith.xori %lt3A_1223, %lt3A_1225 : i1
      %and3A_1227 = arith.andi %ne3A_1226, %ne3A_1221 : i1
      %add3A_1228 = arith.addi %rem3A_1219, %select_n3A_1218 : i32
      %select_n3A_1229 = arith.select %and3A_1227, %add3A_1228, %rem3A_1219 : i32
      %dma_start3A_1230 = arith.constant 0 : i32
      %dma_start3A_1231 = arith.constant 1 : i32
      %dma_start3A_1232 = arith.constant 0 : i32
      %dma_start3A_1233 = arith.constant 0 : i32
      %dma_start3A_1234 = tpu.memref_slice %arg7[%dma_start3A_1231, %dma_start3A_1232, %dma_start3A_1233] : memref<3x120x128xf32, #tpu.memory_space<vmem>> -> memref<1x120x128xf32, #tpu.memory_space<vmem>>
      %dma_start3A_1235 = tpu.memref_squeeze %dma_start3A_1234 : memref<1x120x128xf32, #tpu.memory_space<vmem>> -> memref<120x128xf32, #tpu.memory_space<vmem>>
      %dma_start3A_1236 = arith.constant 0 : i32
      %dma_start3A_1237 = tpu.memref_slice %arg6[%select_n3A_1229, %dma_start3A_1230, %dma_start3A_1236] : memref<6x2x120xi32, #tpu.memory_space<vmem>> -> memref<1x1x120xi32, #tpu.memory_space<vmem>>
      %dma_start3A_1238 = tpu.memref_squeeze %dma_start3A_1237 : memref<1x1x120xi32, #tpu.memory_space<vmem>> -> memref<120xi32, #tpu.memory_space<vmem>>
      %dma_start3A_1239 = arith.constant 0 : i32
      %dma_start3A_1240 = arith.constant 0 : i32
      %dma_start3A_1241 = tpu.memref_slice %arg2[%dma_start3A_1239, %dma_start3A_1240] : memref<10112x128xf32, #tpu.memory_space<hbm>> -> memref<10112x128xf32, #tpu.memory_space<hbm>>
      tpu.enqueue_indirect_dma source(%dma_start3A_1241 : memref<10112x128xf32, #tpu.memory_space<hbm>>) target(%dma_start3A_1235 : memref<120x128xf32, #tpu.memory_space<vmem>>) offsets(%dma_start3A_1238 : memref<120xi32, #tpu.memory_space<vmem>>) semaphore(%arg15 : memref<!tpu.dma_semaphore, #tpu.memory_space<semaphore_mem>>)
      %dma_wait3A_1242 = arith.constant 3 : i32
      %dma_wait3A_1243 = arith.constant 0 : i32
      %dma_wait3A_1244 = arith.constant 0 : i32
      %dma_wait3A_1245 = arith.constant 0 : i32
      %dma_wait3A_1246 = arith.constant 0 : i32
      %dma_wait3A_1247 = tpu.memref_slice %arg7[%dma_wait3A_1244, %dma_wait3A_1245, %dma_wait3A_1246] : memref<3x120x128xf32, #tpu.memory_space<vmem>> -> memref<1x120x128xf32, #tpu.memory_space<vmem>>
      %dma_wait3A_1248 = tpu.memref_squeeze %dma_wait3A_1247 : memref<1x120x128xf32, #tpu.memory_space<vmem>> -> memref<120x128xf32, #tpu.memory_space<vmem>>
      %dma_wait3A_1249 = arith.constant 0 : i32
      %dma_wait3A_1250 = tpu.memref_slice %arg6[%dma_wait3A_1242, %dma_wait3A_1243, %dma_wait3A_1249] : memref<6x2x120xi32, #tpu.memory_space<vmem>> -> memref<1x1x120xi32, #tpu.memory_space<vmem>>
      %dma_wait3A_1251 = tpu.memref_squeeze %dma_wait3A_1250 : memref<1x1x120xi32, #tpu.memory_space<vmem>> -> memref<120xi32, #tpu.memory_space<vmem>>
      %dma_wait3A_1252 = arith.constant 0 : i32
      %dma_wait3A_1253 = arith.constant 0 : i32
      %dma_wait3A_1254 = tpu.memref_slice %arg2[%dma_wait3A_1252, %dma_wait3A_1253] : memref<10112x128xf32, #tpu.memory_space<hbm>> -> memref<10112x128xf32, #tpu.memory_space<hbm>>
      tpu.wait_indirect_dma semaphore(%arg14 : memref<!tpu.dma_semaphore, #tpu.memory_space<semaphore_mem>>) src(%dma_wait3A_1254 : memref<10112x128xf32, #tpu.memory_space<hbm>>) dst(%dma_wait3A_1248 : memref<120x128xf32, #tpu.memory_space<vmem>>)
      %add3A_1255 = arith.constant 4 : i32
      %add3A_1256 = arith.addi %mul3A_649, %add3A_1255 : i32
      %add3A_1257 = arith.constant 2 : i32
      %add3A_1258 = arith.addi %add3A_1256, %add3A_1257 : i32
      %min3A_1259 = arith.constant 83 : i32
      %min3A_1260 = arith.minsi %add3A_1258, %min3A_1259 : i32
      %dma_start3A_1261 = arith.constant 0 : i32
      %dma_start3A_1262 = arith.constant 0 : i32
      %dma_start3A_1263 = arith.constant 0 : i32
      %dma_start3A_1264 = tpu.memref_slice %arg6[%dma_start3A_1261, %dma_start3A_1262, %dma_start3A_1263] : memref<6x2x120xi32, #tpu.memory_space<vmem>> -> memref<1x2x120xi32, #tpu.memory_space<vmem>>
      %dma_start3A_1265 = tpu.memref_squeeze %dma_start3A_1264 : memref<1x2x120xi32, #tpu.memory_space<vmem>> -> memref<2x120xi32, #tpu.memory_space<vmem>>
      %dma_start3A_1266 = arith.constant 0 : i32
      %dma_start3A_1267 = arith.constant 0 : i32
      %dma_start3A_1268 = tpu.memref_slice %arg3[%add3A, %min3A_1260, %dma_start3A_1266, %dma_start3A_1267] : memref<32x84x2x120xi32, #tpu.memory_space<hbm>> -> memref<1x1x2x120xi32, #tpu.memory_space<hbm>>
      %dma_start3A_1269 = tpu.memref_squeeze %dma_start3A_1268 : memref<1x1x2x120xi32, #tpu.memory_space<hbm>> -> memref<2x120xi32, #tpu.memory_space<hbm>>
      %dma_start3A_1270 = arith.constant 0 : i32
      %dma_start3A_1271 = arith.constant 0 : i32
      %dma_start3A_1272 = tpu.memref_slice %arg6[%dma_start3A_1261, %dma_start3A_1270, %dma_start3A_1271] : memref<6x2x120xi32, #tpu.memory_space<vmem>> -> memref<1x2x120xi32, #tpu.memory_space<vmem>>
      %dma_start3A_1273 = tpu.memref_squeeze %dma_start3A_1272 : memref<1x2x120xi32, #tpu.memory_space<vmem>> -> memref<2x120xi32, #tpu.memory_space<vmem>>
      %dma_start3A_1274 = arith.constant 0 : i32
      %dma_start3A_1275 = arith.constant 0 : i32
      %dma_start3A_1276 = tpu.memref_slice %arg3[%add3A, %min3A_1260, %dma_start3A_1274, %dma_start3A_1275] : memref<32x84x2x120xi32, #tpu.memory_space<hbm>> -> memref<1x1x2x120xi32, #tpu.memory_space<hbm>>
      %dma_start3A_1277 = tpu.memref_squeeze %dma_start3A_1276 : memref<1x1x2x120xi32, #tpu.memory_space<hbm>> -> memref<2x120xi32, #tpu.memory_space<hbm>>
      tpu.enqueue_dma source(%dma_start3A_1277 : memref<2x120xi32, #tpu.memory_space<hbm>>) target(%dma_start3A_1273 : memref<2x120xi32, #tpu.memory_space<vmem>>) target_semaphore(%arg8 : memref<!tpu.dma_semaphore, #tpu.memory_space<semaphore_mem>>)
      %dma_start3A_1278 = arith.constant 0 : i32
      %dma_start3A_1279 = arith.constant 3 : i32
      %dma_start3A_1280 = arith.constant 1 : i32
      %dma_start3A_1281 = arith.constant 0 : i32
      %dma_start3A_1282 = arith.constant 0 : i32
      %dma_start3A_1283 = tpu.memref_slice %arg7[%dma_start3A_1278, %dma_start3A_1281, %dma_start3A_1282] : memref<3x120x128xf32, #tpu.memory_space<vmem>> -> memref<1x120x128xf32, #tpu.memory_space<vmem>>
      %dma_start3A_1284 = tpu.memref_squeeze %dma_start3A_1283 : memref<1x120x128xf32, #tpu.memory_space<vmem>> -> memref<120x128xf32, #tpu.memory_space<vmem>>
      %dma_start3A_1285 = arith.constant 0 : i32
      %dma_start3A_1286 = tpu.memref_slice %arg6[%dma_start3A_1279, %dma_start3A_1280, %dma_start3A_1285] : memref<6x2x120xi32, #tpu.memory_space<vmem>> -> memref<1x1x120xi32, #tpu.memory_space<vmem>>
      %dma_start3A_1287 = tpu.memref_squeeze %dma_start3A_1286 : memref<1x1x120xi32, #tpu.memory_space<vmem>> -> memref<120xi32, #tpu.memory_space<vmem>>
      %dma_start3A_1288 = arith.constant 0 : i32
      %dma_start3A_1289 = arith.constant 0 : i32
      %dma_start3A_1290 = tpu.memref_slice %arg5[%dma_start3A_1288, %dma_start3A_1289] : memref<10112x128xf32, #tpu.memory_space<vmem_shared>> -> memref<10112x128xf32, #tpu.memory_space<vmem_shared>>
      tpu.enqueue_indirect_dma source(%dma_start3A_1284 : memref<120x128xf32, #tpu.memory_space<vmem>>) target(%dma_start3A_1290 : memref<10112x128xf32, #tpu.memory_space<vmem_shared>>) offsets(%dma_start3A_1287 : memref<120xi32, #tpu.memory_space<vmem>>) semaphore(%arg17 : memref<!tpu.dma_semaphore, #tpu.memory_space<semaphore_mem>>) {add = true}
      %add3A_1291 = arith.constant 5 : i32
      %add3A_1292 = arith.addi %mul3A_649, %add3A_1291 : i32
      %sub3A_1293 = arith.constant 3 : i32
      %sub3A_1294 = arith.subi %add3A_1292, %sub3A_1293 : i32
      %jit3A_1295 = arith.constant 6 : i32
      %eq3A_1296 = arith.constant 0 : i32
      %eq3A_1297 = arith.cmpi eq, %jit3A_1295, %eq3A_1296 : i32
      %jit3A_1298 = arith.constant 1 : i32
      %select_n3A_1299 = arith.select %eq3A_1297, %jit3A_1298, %jit3A_1295 : i32
      %rem3A_1300 = arith.remsi %sub3A_1294, %select_n3A_1299 : i32
      %ne3A_1301 = arith.constant 0 : i32
      %ne3A_1302 = arith.cmpi ne, %rem3A_1300, %ne3A_1301 : i32
      %lt3A_1303 = arith.constant 0 : i32
      %lt3A_1304 = arith.cmpi slt, %rem3A_1300, %lt3A_1303 : i32
      %lt3A_1305 = arith.constant 0 : i32
      %lt3A_1306 = arith.cmpi slt, %select_n3A_1299, %lt3A_1305 : i32
      %ne3A_1307 = arith.xori %lt3A_1304, %lt3A_1306 : i1
      %and3A_1308 = arith.andi %ne3A_1307, %ne3A_1302 : i1
      %add3A_1309 = arith.addi %rem3A_1300, %select_n3A_1299 : i32
      %select_n3A_1310 = arith.select %and3A_1308, %add3A_1309, %rem3A_1300 : i32
      %dma_wait3A_1311 = arith.constant 2 : i32
      %dma_wait3A_1312 = arith.constant 1 : i32
      %dma_wait3A_1313 = arith.constant 0 : i32
      %dma_wait3A_1314 = arith.constant 0 : i32
      %dma_wait3A_1315 = tpu.memref_slice %arg7[%dma_wait3A_1311, %dma_wait3A_1313, %dma_wait3A_1314] : memref<3x120x128xf32, #tpu.memory_space<vmem>> -> memref<1x120x128xf32, #tpu.memory_space<vmem>>
      %dma_wait3A_1316 = tpu.memref_squeeze %dma_wait3A_1315 : memref<1x120x128xf32, #tpu.memory_space<vmem>> -> memref<120x128xf32, #tpu.memory_space<vmem>>
      %dma_wait3A_1317 = arith.constant 0 : i32
      %dma_wait3A_1318 = tpu.memref_slice %arg6[%select_n3A_1310, %dma_wait3A_1312, %dma_wait3A_1317] : memref<6x2x120xi32, #tpu.memory_space<vmem>> -> memref<1x1x120xi32, #tpu.memory_space<vmem>>
      %dma_wait3A_1319 = tpu.memref_squeeze %dma_wait3A_1318 : memref<1x1x120xi32, #tpu.memory_space<vmem>> -> memref<120xi32, #tpu.memory_space<vmem>>
      %dma_wait3A_1320 = arith.constant 0 : i32
      %dma_wait3A_1321 = arith.constant 0 : i32
      %dma_wait3A_1322 = tpu.memref_slice %arg5[%dma_wait3A_1320, %dma_wait3A_1321] : memref<10112x128xf32, #tpu.memory_space<vmem_shared>> -> memref<10112x128xf32, #tpu.memory_space<vmem_shared>>
      tpu.wait_indirect_dma semaphore(%arg19 : memref<!tpu.dma_semaphore, #tpu.memory_space<semaphore_mem>>) src(%dma_wait3A_1316 : memref<120x128xf32, #tpu.memory_space<vmem>>) dst(%dma_wait3A_1322 : memref<10112x128xf32, #tpu.memory_space<vmem_shared>>)
      %add3A_1323 = arith.constant 5 : i32
      %add3A_1324 = arith.addi %mul3A_649, %add3A_1323 : i32
      %dma_wait3A_1325 = arith.constant 5 : i32
      %dma_wait3A_1326 = arith.constant 0 : i32
      %dma_wait3A_1327 = arith.constant 0 : i32
      %dma_wait3A_1328 = tpu.memref_slice %arg6[%dma_wait3A_1325, %dma_wait3A_1326, %dma_wait3A_1327] : memref<6x2x120xi32, #tpu.memory_space<vmem>> -> memref<1x2x120xi32, #tpu.memory_space<vmem>>
      %dma_wait3A_1329 = tpu.memref_squeeze %dma_wait3A_1328 : memref<1x2x120xi32, #tpu.memory_space<vmem>> -> memref<2x120xi32, #tpu.memory_space<vmem>>
      %dma_wait3A_1330 = arith.constant 0 : i32
      %dma_wait3A_1331 = arith.constant 0 : i32
      %dma_wait3A_1332 = tpu.memref_slice %arg3[%add3A, %add3A_1324, %dma_wait3A_1330, %dma_wait3A_1331] : memref<32x84x2x120xi32, #tpu.memory_space<hbm>> -> memref<1x1x2x120xi32, #tpu.memory_space<hbm>>
      %dma_wait3A_1333 = tpu.memref_squeeze %dma_wait3A_1332 : memref<1x1x2x120xi32, #tpu.memory_space<hbm>> -> memref<2x120xi32, #tpu.memory_space<hbm>>
      %dma_wait3A_1334 = arith.constant 0 : i32
      %dma_wait3A_1335 = arith.constant 0 : i32
      %dma_wait3A_1336 = tpu.memref_slice %arg6[%dma_wait3A_1325, %dma_wait3A_1334, %dma_wait3A_1335] : memref<6x2x120xi32, #tpu.memory_space<vmem>> -> memref<1x2x120xi32, #tpu.memory_space<vmem>>
      %dma_wait3A_1337 = tpu.memref_squeeze %dma_wait3A_1336 : memref<1x2x120xi32, #tpu.memory_space<vmem>> -> memref<2x120xi32, #tpu.memory_space<vmem>>
      %dma_wait3A_1338 = arith.constant 0 : i32
      %dma_wait3A_1339 = arith.constant 0 : i32
      %dma_wait3A_1340 = tpu.memref_slice %arg3[%add3A, %add3A_1324, %dma_wait3A_1338, %dma_wait3A_1339] : memref<32x84x2x120xi32, #tpu.memory_space<hbm>> -> memref<1x1x2x120xi32, #tpu.memory_space<hbm>>
      %dma_wait3A_1341 = tpu.memref_squeeze %dma_wait3A_1340 : memref<1x1x2x120xi32, #tpu.memory_space<hbm>> -> memref<2x120xi32, #tpu.memory_space<hbm>>
      tpu.wait_dma2 semaphore(%arg13 : memref<!tpu.dma_semaphore, #tpu.memory_space<semaphore_mem>>) src(%dma_wait3A_1341 : memref<2x120xi32, #tpu.memory_space<hbm>>) dst(%dma_wait3A_1337 : memref<2x120xi32, #tpu.memory_space<vmem>>)
      %add3A_1342 = arith.constant 5 : i32
      %add3A_1343 = arith.addi %mul3A_649, %add3A_1342 : i32
      %jit3A_1344 = arith.constant 6 : i32
      %eq3A_1345 = arith.constant 0 : i32
      %eq3A_1346 = arith.cmpi eq, %jit3A_1344, %eq3A_1345 : i32
      %jit3A_1347 = arith.constant 1 : i32
      %select_n3A_1348 = arith.select %eq3A_1346, %jit3A_1347, %jit3A_1344 : i32
      %rem3A_1349 = arith.remsi %add3A_1343, %select_n3A_1348 : i32
      %ne3A_1350 = arith.constant 0 : i32
      %ne3A_1351 = arith.cmpi ne, %rem3A_1349, %ne3A_1350 : i32
      %lt3A_1352 = arith.constant 0 : i32
      %lt3A_1353 = arith.cmpi slt, %rem3A_1349, %lt3A_1352 : i32
      %lt3A_1354 = arith.constant 0 : i32
      %lt3A_1355 = arith.cmpi slt, %select_n3A_1348, %lt3A_1354 : i32
      %ne3A_1356 = arith.xori %lt3A_1353, %lt3A_1355 : i1
      %and3A_1357 = arith.andi %ne3A_1356, %ne3A_1351 : i1
      %add3A_1358 = arith.addi %rem3A_1349, %select_n3A_1348 : i32
      %select_n3A_1359 = arith.select %and3A_1357, %add3A_1358, %rem3A_1349 : i32
      %dma_start3A_1360 = arith.constant 0 : i32
      %dma_start3A_1361 = arith.constant 2 : i32
      %dma_start3A_1362 = arith.constant 0 : i32
      %dma_start3A_1363 = arith.constant 0 : i32
      %dma_start3A_1364 = tpu.memref_slice %arg7[%dma_start3A_1361, %dma_start3A_1362, %dma_start3A_1363] : memref<3x120x128xf32, #tpu.memory_space<vmem>> -> memref<1x120x128xf32, #tpu.memory_space<vmem>>
      %dma_start3A_1365 = tpu.memref_squeeze %dma_start3A_1364 : memref<1x120x128xf32, #tpu.memory_space<vmem>> -> memref<120x128xf32, #tpu.memory_space<vmem>>
      %dma_start3A_1366 = arith.constant 0 : i32
      %dma_start3A_1367 = tpu.memref_slice %arg6[%select_n3A_1359, %dma_start3A_1360, %dma_start3A_1366] : memref<6x2x120xi32, #tpu.memory_space<vmem>> -> memref<1x1x120xi32, #tpu.memory_space<vmem>>
      %dma_start3A_1368 = tpu.memref_squeeze %dma_start3A_1367 : memref<1x1x120xi32, #tpu.memory_space<vmem>> -> memref<120xi32, #tpu.memory_space<vmem>>
      %dma_start3A_1369 = arith.constant 0 : i32
      %dma_start3A_1370 = arith.constant 0 : i32
      %dma_start3A_1371 = tpu.memref_slice %arg2[%dma_start3A_1369, %dma_start3A_1370] : memref<10112x128xf32, #tpu.memory_space<hbm>> -> memref<10112x128xf32, #tpu.memory_space<hbm>>
      tpu.enqueue_indirect_dma source(%dma_start3A_1371 : memref<10112x128xf32, #tpu.memory_space<hbm>>) target(%dma_start3A_1365 : memref<120x128xf32, #tpu.memory_space<vmem>>) offsets(%dma_start3A_1368 : memref<120xi32, #tpu.memory_space<vmem>>) semaphore(%arg16 : memref<!tpu.dma_semaphore, #tpu.memory_space<semaphore_mem>>)
      %dma_wait3A_1372 = arith.constant 4 : i32
      %dma_wait3A_1373 = arith.constant 0 : i32
      %dma_wait3A_1374 = arith.constant 1 : i32
      %dma_wait3A_1375 = arith.constant 0 : i32
      %dma_wait3A_1376 = arith.constant 0 : i32
      %dma_wait3A_1377 = tpu.memref_slice %arg7[%dma_wait3A_1374, %dma_wait3A_1375, %dma_wait3A_1376] : memref<3x120x128xf32, #tpu.memory_space<vmem>> -> memref<1x120x128xf32, #tpu.memory_space<vmem>>
      %dma_wait3A_1378 = tpu.memref_squeeze %dma_wait3A_1377 : memref<1x120x128xf32, #tpu.memory_space<vmem>> -> memref<120x128xf32, #tpu.memory_space<vmem>>
      %dma_wait3A_1379 = arith.constant 0 : i32
      %dma_wait3A_1380 = tpu.memref_slice %arg6[%dma_wait3A_1372, %dma_wait3A_1373, %dma_wait3A_1379] : memref<6x2x120xi32, #tpu.memory_space<vmem>> -> memref<1x1x120xi32, #tpu.memory_space<vmem>>
      %dma_wait3A_1381 = tpu.memref_squeeze %dma_wait3A_1380 : memref<1x1x120xi32, #tpu.memory_space<vmem>> -> memref<120xi32, #tpu.memory_space<vmem>>
      %dma_wait3A_1382 = arith.constant 0 : i32
      %dma_wait3A_1383 = arith.constant 0 : i32
      %dma_wait3A_1384 = tpu.memref_slice %arg2[%dma_wait3A_1382, %dma_wait3A_1383] : memref<10112x128xf32, #tpu.memory_space<hbm>> -> memref<10112x128xf32, #tpu.memory_space<hbm>>
      tpu.wait_indirect_dma semaphore(%arg15 : memref<!tpu.dma_semaphore, #tpu.memory_space<semaphore_mem>>) src(%dma_wait3A_1384 : memref<10112x128xf32, #tpu.memory_space<hbm>>) dst(%dma_wait3A_1378 : memref<120x128xf32, #tpu.memory_space<vmem>>)
      %add3A_1385 = arith.constant 5 : i32
      %add3A_1386 = arith.addi %mul3A_649, %add3A_1385 : i32
      %add3A_1387 = arith.constant 2 : i32
      %add3A_1388 = arith.addi %add3A_1386, %add3A_1387 : i32
      %min3A_1389 = arith.constant 83 : i32
      %min3A_1390 = arith.minsi %add3A_1388, %min3A_1389 : i32
      %dma_start3A_1391 = arith.constant 1 : i32
      %dma_start3A_1392 = arith.constant 0 : i32
      %dma_start3A_1393 = arith.constant 0 : i32
      %dma_start3A_1394 = tpu.memref_slice %arg6[%dma_start3A_1391, %dma_start3A_1392, %dma_start3A_1393] : memref<6x2x120xi32, #tpu.memory_space<vmem>> -> memref<1x2x120xi32, #tpu.memory_space<vmem>>
      %dma_start3A_1395 = tpu.memref_squeeze %dma_start3A_1394 : memref<1x2x120xi32, #tpu.memory_space<vmem>> -> memref<2x120xi32, #tpu.memory_space<vmem>>
      %dma_start3A_1396 = arith.constant 0 : i32
      %dma_start3A_1397 = arith.constant 0 : i32
      %dma_start3A_1398 = tpu.memref_slice %arg3[%add3A, %min3A_1390, %dma_start3A_1396, %dma_start3A_1397] : memref<32x84x2x120xi32, #tpu.memory_space<hbm>> -> memref<1x1x2x120xi32, #tpu.memory_space<hbm>>
      %dma_start3A_1399 = tpu.memref_squeeze %dma_start3A_1398 : memref<1x1x2x120xi32, #tpu.memory_space<hbm>> -> memref<2x120xi32, #tpu.memory_space<hbm>>
      %dma_start3A_1400 = arith.constant 0 : i32
      %dma_start3A_1401 = arith.constant 0 : i32
      %dma_start3A_1402 = tpu.memref_slice %arg6[%dma_start3A_1391, %dma_start3A_1400, %dma_start3A_1401] : memref<6x2x120xi32, #tpu.memory_space<vmem>> -> memref<1x2x120xi32, #tpu.memory_space<vmem>>
      %dma_start3A_1403 = tpu.memref_squeeze %dma_start3A_1402 : memref<1x2x120xi32, #tpu.memory_space<vmem>> -> memref<2x120xi32, #tpu.memory_space<vmem>>
      %dma_start3A_1404 = arith.constant 0 : i32
      %dma_start3A_1405 = arith.constant 0 : i32
      %dma_start3A_1406 = tpu.memref_slice %arg3[%add3A, %min3A_1390, %dma_start3A_1404, %dma_start3A_1405] : memref<32x84x2x120xi32, #tpu.memory_space<hbm>> -> memref<1x1x2x120xi32, #tpu.memory_space<hbm>>
      %dma_start3A_1407 = tpu.memref_squeeze %dma_start3A_1406 : memref<1x1x2x120xi32, #tpu.memory_space<hbm>> -> memref<2x120xi32, #tpu.memory_space<hbm>>
      tpu.enqueue_dma source(%dma_start3A_1407 : memref<2x120xi32, #tpu.memory_space<hbm>>) target(%dma_start3A_1403 : memref<2x120xi32, #tpu.memory_space<vmem>>) target_semaphore(%arg9 : memref<!tpu.dma_semaphore, #tpu.memory_space<semaphore_mem>>)
      %dma_start3A_1408 = arith.constant 1 : i32
      %dma_start3A_1409 = arith.constant 4 : i32
      %dma_start3A_1410 = arith.constant 1 : i32
      %dma_start3A_1411 = arith.constant 0 : i32
      %dma_start3A_1412 = arith.constant 0 : i32
      %dma_start3A_1413 = tpu.memref_slice %arg7[%dma_start3A_1408, %dma_start3A_1411, %dma_start3A_1412] : memref<3x120x128xf32, #tpu.memory_space<vmem>> -> memref<1x120x128xf32, #tpu.memory_space<vmem>>
      %dma_start3A_1414 = tpu.memref_squeeze %dma_start3A_1413 : memref<1x120x128xf32, #tpu.memory_space<vmem>> -> memref<120x128xf32, #tpu.memory_space<vmem>>
      %dma_start3A_1415 = arith.constant 0 : i32
      %dma_start3A_1416 = tpu.memref_slice %arg6[%dma_start3A_1409, %dma_start3A_1410, %dma_start3A_1415] : memref<6x2x120xi32, #tpu.memory_space<vmem>> -> memref<1x1x120xi32, #tpu.memory_space<vmem>>
      %dma_start3A_1417 = tpu.memref_squeeze %dma_start3A_1416 : memref<1x1x120xi32, #tpu.memory_space<vmem>> -> memref<120xi32, #tpu.memory_space<vmem>>
      %dma_start3A_1418 = arith.constant 0 : i32
      %dma_start3A_1419 = arith.constant 0 : i32
      %dma_start3A_1420 = tpu.memref_slice %arg5[%dma_start3A_1418, %dma_start3A_1419] : memref<10112x128xf32, #tpu.memory_space<vmem_shared>> -> memref<10112x128xf32, #tpu.memory_space<vmem_shared>>
      tpu.enqueue_indirect_dma source(%dma_start3A_1414 : memref<120x128xf32, #tpu.memory_space<vmem>>) target(%dma_start3A_1420 : memref<10112x128xf32, #tpu.memory_space<vmem_shared>>) offsets(%dma_start3A_1417 : memref<120xi32, #tpu.memory_space<vmem>>) semaphore(%arg18 : memref<!tpu.dma_semaphore, #tpu.memory_space<semaphore_mem>>) {add = true}
      %scan3A_1421 = arith.constant 0 : i32
      scf.yield %scan3A_1421 : i32
    }
    %scan3A_539 = arith.constant 13 : i32
    %dma_wait3A_540 = arith.constant 5 : i32
    %dma_wait3A_541 = arith.constant 0 : i32
    %dma_wait3A_542 = arith.constant 2 : i32
    %dma_wait3A_543 = arith.constant 0 : i32
    %dma_wait3A_544 = arith.constant 0 : i32
    %dma_wait3A_545 = tpu.memref_slice %arg7[%dma_wait3A_542, %dma_wait3A_543, %dma_wait3A_544] : memref<3x120x128xf32, #tpu.memory_space<vmem>> -> memref<1x120x128xf32, #tpu.memory_space<vmem>>
    %dma_wait3A_546 = tpu.memref_squeeze %dma_wait3A_545 : memref<1x120x128xf32, #tpu.memory_space<vmem>> -> memref<120x128xf32, #tpu.memory_space<vmem>>
    %dma_wait3A_547 = arith.constant 0 : i32
    %dma_wait3A_548 = tpu.memref_slice %arg6[%dma_wait3A_540, %dma_wait3A_541, %dma_wait3A_547] : memref<6x2x120xi32, #tpu.memory_space<vmem>> -> memref<1x1x120xi32, #tpu.memory_space<vmem>>
    %dma_wait3A_549 = tpu.memref_squeeze %dma_wait3A_548 : memref<1x1x120xi32, #tpu.memory_space<vmem>> -> memref<120xi32, #tpu.memory_space<vmem>>
    %dma_wait3A_550 = arith.constant 0 : i32
    %dma_wait3A_551 = arith.constant 0 : i32
    %dma_wait3A_552 = tpu.memref_slice %arg2[%dma_wait3A_550, %dma_wait3A_551] : memref<10112x128xf32, #tpu.memory_space<hbm>> -> memref<10112x128xf32, #tpu.memory_space<hbm>>
    tpu.wait_indirect_dma semaphore(%arg16 : memref<!tpu.dma_semaphore, #tpu.memory_space<semaphore_mem>>) src(%dma_wait3A_552 : memref<10112x128xf32, #tpu.memory_space<hbm>>) dst(%dma_wait3A_546 : memref<120x128xf32, #tpu.memory_space<vmem>>)
    %dma_start3A_553 = arith.constant 2 : i32
    %dma_start3A_554 = arith.constant 5 : i32
    %dma_start3A_555 = arith.constant 1 : i32
    %dma_start3A_556 = arith.constant 0 : i32
    %dma_start3A_557 = arith.constant 0 : i32
    %dma_start3A_558 = tpu.memref_slice %arg7[%dma_start3A_553, %dma_start3A_556, %dma_start3A_557] : memref<3x120x128xf32, #tpu.memory_space<vmem>> -> memref<1x120x128xf32, #tpu.memory_space<vmem>>
    %dma_start3A_559 = tpu.memref_squeeze %dma_start3A_558 : memref<1x120x128xf32, #tpu.memory_space<vmem>> -> memref<120x128xf32, #tpu.memory_space<vmem>>
    %dma_start3A_560 = arith.constant 0 : i32
    %dma_start3A_561 = tpu.memref_slice %arg6[%dma_start3A_554, %dma_start3A_555, %dma_start3A_560] : memref<6x2x120xi32, #tpu.memory_space<vmem>> -> memref<1x1x120xi32, #tpu.memory_space<vmem>>
    %dma_start3A_562 = tpu.memref_squeeze %dma_start3A_561 : memref<1x1x120xi32, #tpu.memory_space<vmem>> -> memref<120xi32, #tpu.memory_space<vmem>>
    %dma_start3A_563 = arith.constant 0 : i32
    %dma_start3A_564 = arith.constant 0 : i32
    %dma_start3A_565 = tpu.memref_slice %arg5[%dma_start3A_563, %dma_start3A_564] : memref<10112x128xf32, #tpu.memory_space<vmem_shared>> -> memref<10112x128xf32, #tpu.memory_space<vmem_shared>>
    tpu.enqueue_indirect_dma source(%dma_start3A_559 : memref<120x128xf32, #tpu.memory_space<vmem>>) target(%dma_start3A_565 : memref<10112x128xf32, #tpu.memory_space<vmem_shared>>) offsets(%dma_start3A_562 : memref<120xi32, #tpu.memory_space<vmem>>) semaphore(%arg19 : memref<!tpu.dma_semaphore, #tpu.memory_space<semaphore_mem>>) {add = true}
    %dma_wait3A_566 = arith.constant 0 : i32
    %dma_wait3A_567 = arith.constant 3 : i32
    %dma_wait3A_568 = arith.constant 1 : i32
    %dma_wait3A_569 = arith.constant 0 : i32
    %dma_wait3A_570 = arith.constant 0 : i32
    %dma_wait3A_571 = tpu.memref_slice %arg7[%dma_wait3A_566, %dma_wait3A_569, %dma_wait3A_570] : memref<3x120x128xf32, #tpu.memory_space<vmem>> -> memref<1x120x128xf32, #tpu.memory_space<vmem>>
    %dma_wait3A_572 = tpu.memref_squeeze %dma_wait3A_571 : memref<1x120x128xf32, #tpu.memory_space<vmem>> -> memref<120x128xf32, #tpu.memory_space<vmem>>
    %dma_wait3A_573 = arith.constant 0 : i32
    %dma_wait3A_574 = tpu.memref_slice %arg6[%dma_wait3A_567, %dma_wait3A_568, %dma_wait3A_573] : memref<6x2x120xi32, #tpu.memory_space<vmem>> -> memref<1x1x120xi32, #tpu.memory_space<vmem>>
    %dma_wait3A_575 = tpu.memref_squeeze %dma_wait3A_574 : memref<1x1x120xi32, #tpu.memory_space<vmem>> -> memref<120xi32, #tpu.memory_space<vmem>>
    %dma_wait3A_576 = arith.constant 0 : i32
    %dma_wait3A_577 = arith.constant 0 : i32
    %dma_wait3A_578 = tpu.memref_slice %arg5[%dma_wait3A_576, %dma_wait3A_577] : memref<10112x128xf32, #tpu.memory_space<vmem_shared>> -> memref<10112x128xf32, #tpu.memory_space<vmem_shared>>
    tpu.wait_indirect_dma semaphore(%arg17 : memref<!tpu.dma_semaphore, #tpu.memory_space<semaphore_mem>>) src(%dma_wait3A_572 : memref<120x128xf32, #tpu.memory_space<vmem>>) dst(%dma_wait3A_578 : memref<10112x128xf32, #tpu.memory_space<vmem_shared>>)
    %dma_wait3A_579 = arith.constant 1 : i32
    %dma_wait3A_580 = arith.constant 4 : i32
    %dma_wait3A_581 = arith.constant 1 : i32
    %dma_wait3A_582 = arith.constant 0 : i32
    %dma_wait3A_583 = arith.constant 0 : i32
    %dma_wait3A_584 = tpu.memref_slice %arg7[%dma_wait3A_579, %dma_wait3A_582, %dma_wait3A_583] : memref<3x120x128xf32, #tpu.memory_space<vmem>> -> memref<1x120x128xf32, #tpu.memory_space<vmem>>
    %dma_wait3A_585 = tpu.memref_squeeze %dma_wait3A_584 : memref<1x120x128xf32, #tpu.memory_space<vmem>> -> memref<120x128xf32, #tpu.memory_space<vmem>>
    %dma_wait3A_586 = arith.constant 0 : i32
    %dma_wait3A_587 = tpu.memref_slice %arg6[%dma_wait3A_580, %dma_wait3A_581, %dma_wait3A_586] : memref<6x2x120xi32, #tpu.memory_space<vmem>> -> memref<1x1x120xi32, #tpu.memory_space<vmem>>
    %dma_wait3A_588 = tpu.memref_squeeze %dma_wait3A_587 : memref<1x1x120xi32, #tpu.memory_space<vmem>> -> memref<120xi32, #tpu.memory_space<vmem>>
    %dma_wait3A_589 = arith.constant 0 : i32
    %dma_wait3A_590 = arith.constant 0 : i32
    %dma_wait3A_591 = tpu.memref_slice %arg5[%dma_wait3A_589, %dma_wait3A_590] : memref<10112x128xf32, #tpu.memory_space<vmem_shared>> -> memref<10112x128xf32, #tpu.memory_space<vmem_shared>>
    tpu.wait_indirect_dma semaphore(%arg18 : memref<!tpu.dma_semaphore, #tpu.memory_space<semaphore_mem>>) src(%dma_wait3A_585 : memref<120x128xf32, #tpu.memory_space<vmem>>) dst(%dma_wait3A_591 : memref<10112x128xf32, #tpu.memory_space<vmem_shared>>)
    %dma_wait3A_592 = arith.constant 2 : i32
    %dma_wait3A_593 = arith.constant 5 : i32
    %dma_wait3A_594 = arith.constant 1 : i32
    %dma_wait3A_595 = arith.constant 0 : i32
    %dma_wait3A_596 = arith.constant 0 : i32
    %dma_wait3A_597 = tpu.memref_slice %arg7[%dma_wait3A_592, %dma_wait3A_595, %dma_wait3A_596] : memref<3x120x128xf32, #tpu.memory_space<vmem>> -> memref<1x120x128xf32, #tpu.memory_space<vmem>>
    %dma_wait3A_598 = tpu.memref_squeeze %dma_wait3A_597 : memref<1x120x128xf32, #tpu.memory_space<vmem>> -> memref<120x128xf32, #tpu.memory_space<vmem>>
    %dma_wait3A_599 = arith.constant 0 : i32
    %dma_wait3A_600 = tpu.memref_slice %arg6[%dma_wait3A_593, %dma_wait3A_594, %dma_wait3A_599] : memref<6x2x120xi32, #tpu.memory_space<vmem>> -> memref<1x1x120xi32, #tpu.memory_space<vmem>>
    %dma_wait3A_601 = tpu.memref_squeeze %dma_wait3A_600 : memref<1x1x120xi32, #tpu.memory_space<vmem>> -> memref<120xi32, #tpu.memory_space<vmem>>
    %dma_wait3A_602 = arith.constant 0 : i32
    %dma_wait3A_603 = arith.constant 0 : i32
    %dma_wait3A_604 = tpu.memref_slice %arg5[%dma_wait3A_602, %dma_wait3A_603] : memref<10112x128xf32, #tpu.memory_space<vmem_shared>> -> memref<10112x128xf32, #tpu.memory_space<vmem_shared>>
    tpu.wait_indirect_dma semaphore(%arg19 : memref<!tpu.dma_semaphore, #tpu.memory_space<semaphore_mem>>) src(%dma_wait3A_598 : memref<120x128xf32, #tpu.memory_space<vmem>>) dst(%dma_wait3A_604 : memref<10112x128xf32, #tpu.memory_space<vmem_shared>>)
    %dma_wait3A_605 = arith.constant 83 : i32
    %dma_wait3A_606 = arith.constant 0 : i32
    %dma_wait3A_607 = arith.constant 0 : i32
    %dma_wait3A_608 = arith.constant 0 : i32
    %dma_wait3A_609 = tpu.memref_slice %arg6[%dma_wait3A_606, %dma_wait3A_607, %dma_wait3A_608] : memref<6x2x120xi32, #tpu.memory_space<vmem>> -> memref<1x2x120xi32, #tpu.memory_space<vmem>>
    %dma_wait3A_610 = tpu.memref_squeeze %dma_wait3A_609 : memref<1x2x120xi32, #tpu.memory_space<vmem>> -> memref<2x120xi32, #tpu.memory_space<vmem>>
    %dma_wait3A_611 = arith.constant 0 : i32
    %dma_wait3A_612 = arith.constant 0 : i32
    %dma_wait3A_613 = tpu.memref_slice %arg3[%add3A, %dma_wait3A_605, %dma_wait3A_611, %dma_wait3A_612] : memref<32x84x2x120xi32, #tpu.memory_space<hbm>> -> memref<1x1x2x120xi32, #tpu.memory_space<hbm>>
    %dma_wait3A_614 = tpu.memref_squeeze %dma_wait3A_613 : memref<1x1x2x120xi32, #tpu.memory_space<hbm>> -> memref<2x120xi32, #tpu.memory_space<hbm>>
    %dma_wait3A_615 = arith.constant 0 : i32
    %dma_wait3A_616 = arith.constant 0 : i32
    %dma_wait3A_617 = tpu.memref_slice %arg6[%dma_wait3A_606, %dma_wait3A_615, %dma_wait3A_616] : memref<6x2x120xi32, #tpu.memory_space<vmem>> -> memref<1x2x120xi32, #tpu.memory_space<vmem>>
    %dma_wait3A_618 = tpu.memref_squeeze %dma_wait3A_617 : memref<1x2x120xi32, #tpu.memory_space<vmem>> -> memref<2x120xi32, #tpu.memory_space<vmem>>
    %dma_wait3A_619 = arith.constant 0 : i32
    %dma_wait3A_620 = arith.constant 0 : i32
    %dma_wait3A_621 = tpu.memref_slice %arg3[%add3A, %dma_wait3A_605, %dma_wait3A_619, %dma_wait3A_620] : memref<32x84x2x120xi32, #tpu.memory_space<hbm>> -> memref<1x1x2x120xi32, #tpu.memory_space<hbm>>
    %dma_wait3A_622 = tpu.memref_squeeze %dma_wait3A_621 : memref<1x1x2x120xi32, #tpu.memory_space<hbm>> -> memref<2x120xi32, #tpu.memory_space<hbm>>
    tpu.wait_dma2 semaphore(%arg8 : memref<!tpu.dma_semaphore, #tpu.memory_space<semaphore_mem>>) src(%dma_wait3A_622 : memref<2x120xi32, #tpu.memory_space<hbm>>) dst(%dma_wait3A_618 : memref<2x120xi32, #tpu.memory_space<vmem>>)
    %dma_wait3A_623 = arith.constant 83 : i32
    %dma_wait3A_624 = arith.constant 1 : i32
    %dma_wait3A_625 = arith.constant 0 : i32
    %dma_wait3A_626 = arith.constant 0 : i32
    %dma_wait3A_627 = tpu.memref_slice %arg6[%dma_wait3A_624, %dma_wait3A_625, %dma_wait3A_626] : memref<6x2x120xi32, #tpu.memory_space<vmem>> -> memref<1x2x120xi32, #tpu.memory_space<vmem>>
    %dma_wait3A_628 = tpu.memref_squeeze %dma_wait3A_627 : memref<1x2x120xi32, #tpu.memory_space<vmem>> -> memref<2x120xi32, #tpu.memory_space<vmem>>
    %dma_wait3A_629 = arith.constant 0 : i32
    %dma_wait3A_630 = arith.constant 0 : i32
    %dma_wait3A_631 = tpu.memref_slice %arg3[%add3A, %dma_wait3A_623, %dma_wait3A_629, %dma_wait3A_630] : memref<32x84x2x120xi32, #tpu.memory_space<hbm>> -> memref<1x1x2x120xi32, #tpu.memory_space<hbm>>
    %dma_wait3A_632 = tpu.memref_squeeze %dma_wait3A_631 : memref<1x1x2x120xi32, #tpu.memory_space<hbm>> -> memref<2x120xi32, #tpu.memory_space<hbm>>
    %dma_wait3A_633 = arith.constant 0 : i32
    %dma_wait3A_634 = arith.constant 0 : i32
    %dma_wait3A_635 = tpu.memref_slice %arg6[%dma_wait3A_624, %dma_wait3A_633, %dma_wait3A_634] : memref<6x2x120xi32, #tpu.memory_space<vmem>> -> memref<1x2x120xi32, #tpu.memory_space<vmem>>
    %dma_wait3A_636 = tpu.memref_squeeze %dma_wait3A_635 : memref<1x2x120xi32, #tpu.memory_space<vmem>> -> memref<2x120xi32, #tpu.memory_space<vmem>>
    %dma_wait3A_637 = arith.constant 0 : i32
    %dma_wait3A_638 = arith.constant 0 : i32
    %dma_wait3A_639 = tpu.memref_slice %arg3[%add3A, %dma_wait3A_623, %dma_wait3A_637, %dma_wait3A_638] : memref<32x84x2x120xi32, #tpu.memory_space<hbm>> -> memref<1x1x2x120xi32, #tpu.memory_space<hbm>>
    %dma_wait3A_640 = tpu.memref_squeeze %dma_wait3A_639 : memref<1x1x2x120xi32, #tpu.memory_space<hbm>> -> memref<2x120xi32, #tpu.memory_space<hbm>>
    tpu.wait_dma2 semaphore(%arg9 : memref<!tpu.dma_semaphore, #tpu.memory_space<semaphore_mem>>) src(%dma_wait3A_640 : memref<2x120xi32, #tpu.memory_space<hbm>>) dst(%dma_wait3A_636 : memref<2x120xi32, #tpu.memory_space<vmem>>)
    %barrier3A_641 = arith.constant 0 : index
    tpu.barrier barrier_id(%barrier3A_641)
    %mul3A_642 = arith.constant 632 : i32
    %mul3A_643 = arith.muli %arg1, %mul3A_642 : i32
    %mul3A_644 = arith.constant 632 : i32
    %mul3A_645 = arith.muli %arg1, %mul3A_644 : i32
    "tpu.region"() ({
      %run_scoped3A_646 = tpu.sem_alloc : memref<!tpu.dma_semaphore, #tpu.memory_space<semaphore_mem>>
      %dma_start3A_647 = arith.constant 0 : i32
      %dma_start3A_648 = tpu.memref_slice %arg4[%arg0, %mul3A_645, %dma_start3A_647] : memref<2x10112x128xf32, #tpu.memory_space<hbm>> -> memref<1x632x128xf32, #tpu.memory_space<hbm>>
      %dma_start3A_649 = tpu.memref_squeeze %dma_start3A_648 : memref<1x632x128xf32, #tpu.memory_space<hbm>> -> memref<632x128xf32, #tpu.memory_space<hbm>>
      %dma_start3A_650 = arith.constant 0 : i32
      %dma_start3A_651 = tpu.memref_slice %arg5[%mul3A_643, %dma_start3A_650] : memref<10112x128xf32, #tpu.memory_space<vmem_shared>> -> memref<632x128xf32, #tpu.memory_space<vmem_shared>>
      tpu.enqueue_dma source(%dma_start3A_651 : memref<632x128xf32, #tpu.memory_space<vmem_shared>>) target(%dma_start3A_649 : memref<632x128xf32, #tpu.memory_space<hbm>>) target_semaphore(%run_scoped3A_646 : memref<!tpu.dma_semaphore, #tpu.memory_space<semaphore_mem>>)
      %dma_wait3A_652 = arith.constant 0 : i32
      %dma_wait3A_653 = tpu.memref_slice %arg4[%arg0, %mul3A_645, %dma_wait3A_652] : memref<2x10112x128xf32, #tpu.memory_space<hbm>> -> memref<1x632x128xf32, #tpu.memory_space<hbm>>
      %dma_wait3A_654 = tpu.memref_squeeze %dma_wait3A_653 : memref<1x632x128xf32, #tpu.memory_space<hbm>> -> memref<632x128xf32, #tpu.memory_space<hbm>>
      %dma_wait3A_655 = arith.constant 0 : i32
      %dma_wait3A_656 = tpu.memref_slice %arg5[%mul3A_643, %dma_wait3A_655] : memref<10112x128xf32, #tpu.memory_space<vmem_shared>> -> memref<632x128xf32, #tpu.memory_space<vmem_shared>>
      tpu.wait_dma2 semaphore(%run_scoped3A_646 : memref<!tpu.dma_semaphore, #tpu.memory_space<semaphore_mem>>) src(%dma_wait3A_656 : memref<632x128xf32, #tpu.memory_space<vmem_shared>>) dst(%dma_wait3A_654 : memref<632x128xf32, #tpu.memory_space<hbm>>)
      tpu.yield
    }) : () -> ()
    return
  }
}

module attributes {stable_mosaic.version = 14 : i64} {
  func.func @_tc_scale(%arg0: i32, %arg1: memref<4096x128xf32, #tpu.memory_space<vmem>>, %arg2: memref<2x4096x128xf32, #tpu.memory_space<vmem>>, %arg3: memref<4096x128xf32, #tpu.memory_space<vmem>>, %arg4: memref<4096x128xf32, #tpu.memory_space<vmem>>) attributes {dimension_semantics = [#tpu.dimension_semantics<arbitrary>], iteration_bounds = array<i64: 3>, scalar_prefetch = 0 : i64, scratch_operands = 0 : i64, tpu.core_type = #tpu.core_type<tc>, window_params = [{transform_indices = @transform_0, window_bounds = array<i64: 4096, 128>}, {transform_indices = @transform_1, window_bounds = array<i64: 2, 4096, 128>}, {transform_indices = @transform_2, window_bounds = array<i64: 4096, 128>}, {transform_indices = @transform_3, window_bounds = array<i64: 4096, 128>}]} {
    %get3A = arith.constant 0 : index
    %get3A_0 = arith.constant 0 : index
    %get3A_1 = arith.constant 0 : index
    %get3A_2 = vector.load %arg2[%get3A, %get3A_0, %get3A_1] : memref<2x4096x128xf32, #tpu.memory_space<vmem>>, vector<1x4096x1xf32>
    %get3A_3 = vector.shape_cast %get3A_2 : vector<1x4096x1xf32> to vector<4096x1xf32>
    %add3A = arith.constant 1.000000e+00 : f32
    %add3A_4 = vector.broadcast %add3A : f32 to vector<4096x1xf32>
    %add3A_5 = arith.addf %add3A_4, %get3A_3 : vector<4096x1xf32>
    %get3A_6 = arith.constant 1 : index
    %get3A_7 = arith.constant 0 : index
    %get3A_8 = arith.constant 0 : index
    %get3A_9 = vector.load %arg2[%get3A_6, %get3A_7, %get3A_8] : memref<2x4096x128xf32, #tpu.memory_space<vmem>>, vector<1x4096x1xf32>
    %get3A_10 = vector.shape_cast %get3A_9 : vector<1x4096x1xf32> to vector<4096x1xf32>
    %add3A_11 = arith.addf %add3A_5, %get3A_10 : vector<4096x1xf32>
    %rsqrt3A = math.rsqrt %add3A_11 : vector<4096x1xf32>
    %broadcast_in_dim3A = vector.shape_cast %rsqrt3A : vector<4096x1xf32> to vector<4096x1xf32>
    %broadcast_in_dim3A_12 = vector.broadcast %broadcast_in_dim3A : vector<4096x1xf32> to vector<4096x128xf32>
    %swap3A = arith.constant 0 : index
    %swap3A_13 = arith.constant 0 : index
    %swap3A_14 = vector.load %arg4[%swap3A, %swap3A_13] : memref<4096x128xf32, #tpu.memory_space<vmem>>, vector<4096x128xf32>
    tpu.vector_store %arg4[%swap3A, %swap3A_13], %broadcast_in_dim3A_12 {strides = array<i32>} : memref<4096x128xf32, #tpu.memory_space<vmem>>, vector<4096x128xf32>,
    %get3A_15 = arith.constant 0 : index
    %get3A_16 = arith.constant 0 : index
    %get3A_17 = vector.load %arg1[%get3A_15, %get3A_16] : memref<4096x128xf32, #tpu.memory_space<vmem>>, vector<4096x128xf32>
    %mul3A = vector.broadcast %rsqrt3A : vector<4096x1xf32> to vector<4096x128xf32>
    %mul3A_18 = arith.mulf %get3A_17, %mul3A : vector<4096x128xf32>
    %swap3A_19 = arith.constant 0 : index
    %swap3A_20 = arith.constant 0 : index
    %swap3A_21 = vector.load %arg3[%swap3A_19, %swap3A_20] : memref<4096x128xf32, #tpu.memory_space<vmem>>, vector<4096x128xf32>
    tpu.vector_store %arg3[%swap3A_19, %swap3A_20], %mul3A_18 {strides = array<i32>} : memref<4096x128xf32, #tpu.memory_space<vmem>>, vector<4096x128xf32>,
    return
  }
  func.func @transform_0(%arg0: i32) -> (i32, i32) {
    %c0_i32 = arith.constant 0 : i32
    %c0_i32_0 = arith.constant 0 : i32
    return %arg0, %c0_i32 : i32, i32
  }
  func.func @transform_1(%arg0: i32) -> (i32, i32, i32) {
    %c0_i32 = arith.constant 0 : i32
    %c0_i32_0 = arith.constant 0 : i32
    %c0_i32_1 = arith.constant 0 : i32
    return %c0_i32, %arg0, %c0_i32_0 : i32, i32, i32
  }
  func.func @transform_2(%arg0: i32) -> (i32, i32) {
    %c0_i32 = arith.constant 0 : i32
    %c0_i32_0 = arith.constant 0 : i32
    return %arg0, %c0_i32 : i32, i32
  }
  func.func @transform_3(%arg0: i32) -> (i32, i32) {
    %c0_i32 = arith.constant 0 : i32
    %c0_i32_0 = arith.constant 0 : i32
    return %arg0, %c0_i32 : i32, i32
  }
}

module attributes {stable_mosaic.version = 14 : i64} {
  func.func @_tc_mid(%arg0: i32, %arg1: memref<2x4096x128xf32, #tpu.memory_space<vmem>>, %arg2: memref<4096x128xf32, #tpu.memory_space<vmem>>, %arg3: memref<4096x128xf32, #tpu.memory_space<vmem>>, %arg4: memref<128x256xf32, #tpu.memory_space<vmem>>, %arg5: memref<1x256xf32, #tpu.memory_space<vmem>>, %arg6: memref<256x128xf32, #tpu.memory_space<vmem>>, %arg7: memref<4096x128xf32, #tpu.memory_space<vmem>>) attributes {dimension_semantics = [#tpu.dimension_semantics<arbitrary>], iteration_bounds = array<i64: 3>, scalar_prefetch = 0 : i64, scratch_operands = 0 : i64, tpu.core_type = #tpu.core_type<tc>, window_params = [{transform_indices = @transform_0, window_bounds = array<i64: 2, 4096, 128>}, {transform_indices = @transform_1, window_bounds = array<i64: 4096, 128>}, {transform_indices = @transform_2, window_bounds = array<i64: 4096, 128>}, {pipeline_mode = #tpu.pipeline_mode<synchronous>, transform_indices = @transform_3, window_bounds = array<i64: 128, 256>}, {pipeline_mode = #tpu.pipeline_mode<synchronous>, transform_indices = @transform_4, window_bounds = array<i64: 1, 256>}, {pipeline_mode = #tpu.pipeline_mode<synchronous>, transform_indices = @transform_5, window_bounds = array<i64: 256, 128>}, {transform_indices = @transform_6, window_bounds = array<i64: 4096, 128>}]} {
    %get3A = arith.constant 0 : index
    %get3A_0 = arith.constant 0 : index
    %get3A_1 = vector.load %arg3[%get3A, %get3A_0] : memref<4096x128xf32, #tpu.memory_space<vmem>>, vector<4096x128xf32>
    %get3A_2 = arith.constant 0 : index
    %get3A_3 = arith.constant 0 : index
    %get3A_4 = arith.constant 0 : index
    %get3A_5 = vector.load %arg1[%get3A_2, %get3A_3, %get3A_4] : memref<2x4096x128xf32, #tpu.memory_space<vmem>>, vector<1x4096x128xf32>
    %get3A_6 = vector.shape_cast %get3A_5 : vector<1x4096x128xf32> to vector<4096x128xf32>
    %get3A_7 = arith.constant 1 : index
    %get3A_8 = arith.constant 0 : index
    %get3A_9 = arith.constant 0 : index
    %get3A_10 = vector.load %arg1[%get3A_7, %get3A_8, %get3A_9] : memref<2x4096x128xf32, #tpu.memory_space<vmem>>, vector<1x4096x128xf32>
    %get3A_11 = vector.shape_cast %get3A_10 : vector<1x4096x128xf32> to vector<4096x128xf32>
    %add3A = arith.addf %get3A_6, %get3A_11 : vector<4096x128xf32>
    %get3A_12 = arith.constant 0 : index
    %get3A_13 = arith.constant 0 : index
    %get3A_14 = vector.load %arg2[%get3A_12, %get3A_13] : memref<4096x128xf32, #tpu.memory_space<vmem>>, vector<4096x128xf32>
    %add3A_15 = arith.addf %add3A, %get3A_14 : vector<4096x128xf32>
    %mul3A = arith.mulf %get3A_1, %add3A_15 : vector<4096x128xf32>
    %get3A_16 = arith.constant 0 : index
    %get3A_17 = arith.constant 0 : index
    %get3A_18 = vector.load %arg4[%get3A_16, %get3A_17] : memref<128x256xf32, #tpu.memory_space<vmem>>, vector<128x256xf32>
    %dot_general3A = arith.constant dense<0.000000e+00> : vector<4096x256xf32>
    %dot_general3A_19 = tpu.matmul %mul3A, %get3A_18, %dot_general3A {dimension_numbers = #tpu.dot_dimension_numbers<[1], [0], [0], [1], [0, 0, 1, 1], [], []>, transpose_lhs_hint = false} : vector<4096x128xf32>, vector<128x256xf32>, vector<4096x256xf32> -> vector<4096x256xf32>
    %get3A_20 = arith.constant 0 : index
    %get3A_21 = arith.constant 0 : index
    %get3A_22 = vector.load %arg5[%get3A_20, %get3A_21] : memref<1x256xf32, #tpu.memory_space<vmem>>, vector<1x256xf32>
    %add3A_23 = vector.broadcast %get3A_22 : vector<1x256xf32> to vector<4096x256xf32>
    %add3A_24 = arith.addf %dot_general3A_19, %add3A_23 : vector<4096x256xf32>
    %max3A = arith.constant 0.000000e+00 : f32
    %max3A_25 = vector.broadcast %max3A : f32 to vector<4096x256xf32>
    %max3A_26 = arith.maximumf %add3A_24, %max3A_25 : vector<4096x256xf32>
    %get3A_27 = arith.constant 0 : index
    %get3A_28 = arith.constant 0 : index
    %get3A_29 = vector.load %arg6[%get3A_27, %get3A_28] : memref<256x128xf32, #tpu.memory_space<vmem>>, vector<256x128xf32>
    %dot_general3A_30 = arith.constant dense<0.000000e+00> : vector<4096x128xf32>
    %dot_general3A_31 = tpu.matmul %max3A_26, %get3A_29, %dot_general3A_30 {dimension_numbers = #tpu.dot_dimension_numbers<[1], [0], [0], [1], [0, 0, 1, 1], [], []>, transpose_lhs_hint = false} : vector<4096x256xf32>, vector<256x128xf32>, vector<4096x128xf32> -> vector<4096x128xf32>
    %get3A_32 = arith.constant 0 : index
    %get3A_33 = arith.constant 0 : index
    %get3A_34 = vector.load %arg3[%get3A_32, %get3A_33] : memref<4096x128xf32, #tpu.memory_space<vmem>>, vector<4096x128xf32>
    %mul3A_35 = arith.mulf %dot_general3A_31, %get3A_34 : vector<4096x128xf32>
    %swap3A = arith.constant 0 : index
    %swap3A_36 = arith.constant 0 : index
    %swap3A_37 = vector.load %arg7[%swap3A, %swap3A_36] : memref<4096x128xf32, #tpu.memory_space<vmem>>, vector<4096x128xf32>
    tpu.vector_store %arg7[%swap3A, %swap3A_36], %mul3A_35 {strides = array<i32>} : memref<4096x128xf32, #tpu.memory_space<vmem>>, vector<4096x128xf32>,
    return
  }
  func.func @transform_0(%arg0: i32) -> (i32, i32, i32) {
    %c0_i32 = arith.constant 0 : i32
    %c0_i32_0 = arith.constant 0 : i32
    %c0_i32_1 = arith.constant 0 : i32
    return %c0_i32, %arg0, %c0_i32_0 : i32, i32, i32
  }
  func.func @transform_1(%arg0: i32) -> (i32, i32) {
    %c0_i32 = arith.constant 0 : i32
    %c0_i32_0 = arith.constant 0 : i32
    return %arg0, %c0_i32 : i32, i32
  }
  func.func @transform_2(%arg0: i32) -> (i32, i32) {
    %c0_i32 = arith.constant 0 : i32
    %c0_i32_0 = arith.constant 0 : i32
    return %arg0, %c0_i32 : i32, i32
  }
  func.func @transform_3(%arg0: i32) -> (i32, i32) {
    %c0_i32 = arith.constant 0 : i32
    %c0_i32_0 = arith.constant 0 : i32
    %c0_i32_1 = arith.constant 0 : i32
    return %c0_i32, %c0_i32_0 : i32, i32
  }
  func.func @transform_4(%arg0: i32) -> (i32, i32) {
    %c0_i32 = arith.constant 0 : i32
    %c0_i32_0 = arith.constant 0 : i32
    %c0_i32_1 = arith.constant 0 : i32
    return %c0_i32, %c0_i32_0 : i32, i32
  }
  func.func @transform_5(%arg0: i32) -> (i32, i32) {
    %c0_i32 = arith.constant 0 : i32
    %c0_i32_0 = arith.constant 0 : i32
    %c0_i32_1 = arith.constant 0 : i32
    return %c0_i32, %c0_i32_0 : i32, i32
  }
  func.func @transform_6(%arg0: i32) -> (i32, i32) {
    %c0_i32 = arith.constant 0 : i32
    %c0_i32_0 = arith.constant 0 : i32
    return %arg0, %c0_i32 : i32, i32
  }
}

module attributes {stable_mosaic.version = 14 : i64} {
  func.func @_tc_final(%arg0: i32, %arg1: memref<2x4096x128xf32, #tpu.memory_space<vmem>>, %arg2: memref<4096x128xf32, #tpu.memory_space<vmem>>, %arg3: memref<4096x128xf32, #tpu.memory_space<vmem>>, %arg4: memref<1x128xf32, #tpu.memory_space<vmem>>, %arg5: memref<4096x128xf32, #tpu.memory_space<vmem>>) attributes {dimension_semantics = [#tpu.dimension_semantics<arbitrary>], iteration_bounds = array<i64: 3>, scalar_prefetch = 0 : i64, scratch_operands = 0 : i64, tpu.core_type = #tpu.core_type<tc>, window_params = [{transform_indices = @transform_0, window_bounds = array<i64: 2, 4096, 128>}, {transform_indices = @transform_1, window_bounds = array<i64: 4096, 128>}, {transform_indices = @transform_2, window_bounds = array<i64: 4096, 128>}, {pipeline_mode = #tpu.pipeline_mode<synchronous>, transform_indices = @transform_3, window_bounds = array<i64: 1, 128>}, {transform_indices = @transform_4, window_bounds = array<i64: 4096, 128>}]} {
    %get3A = arith.constant 0 : index
    %get3A_0 = arith.constant 0 : index
    %get3A_1 = vector.load %arg3[%get3A, %get3A_0] : memref<4096x128xf32, #tpu.memory_space<vmem>>, vector<4096x128xf32>
    %get3A_2 = arith.constant 0 : index
    %get3A_3 = arith.constant 0 : index
    %get3A_4 = arith.constant 0 : index
    %get3A_5 = vector.load %arg1[%get3A_2, %get3A_3, %get3A_4] : memref<2x4096x128xf32, #tpu.memory_space<vmem>>, vector<1x4096x128xf32>
    %get3A_6 = vector.shape_cast %get3A_5 : vector<1x4096x128xf32> to vector<4096x128xf32>
    %get3A_7 = arith.constant 1 : index
    %get3A_8 = arith.constant 0 : index
    %get3A_9 = arith.constant 0 : index
    %get3A_10 = vector.load %arg1[%get3A_7, %get3A_8, %get3A_9] : memref<2x4096x128xf32, #tpu.memory_space<vmem>>, vector<1x4096x128xf32>
    %get3A_11 = vector.shape_cast %get3A_10 : vector<1x4096x128xf32> to vector<4096x128xf32>
    %add3A = arith.addf %get3A_6, %get3A_11 : vector<4096x128xf32>
    %get3A_12 = arith.constant 0 : index
    %get3A_13 = arith.constant 0 : index
    %get3A_14 = vector.load %arg2[%get3A_12, %get3A_13] : memref<4096x128xf32, #tpu.memory_space<vmem>>, vector<4096x128xf32>
    %add3A_15 = arith.addf %add3A, %get3A_14 : vector<4096x128xf32>
    %mul3A = arith.mulf %get3A_1, %add3A_15 : vector<4096x128xf32>
    %get3A_16 = arith.constant 0 : index
    %get3A_17 = arith.constant 0 : index
    %get3A_18 = vector.load %arg4[%get3A_16, %get3A_17] : memref<1x128xf32, #tpu.memory_space<vmem>>, vector<1x128xf32>
    %add3A_19 = vector.broadcast %get3A_18 : vector<1x128xf32> to vector<4096x128xf32>
    %add3A_20 = arith.addf %mul3A, %add3A_19 : vector<4096x128xf32>
    %swap3A = arith.constant 0 : index
    %swap3A_21 = arith.constant 0 : index
    %swap3A_22 = vector.load %arg5[%swap3A, %swap3A_21] : memref<4096x128xf32, #tpu.memory_space<vmem>>, vector<4096x128xf32>
    tpu.vector_store %arg5[%swap3A, %swap3A_21], %add3A_20 {strides = array<i32>} : memref<4096x128xf32, #tpu.memory_space<vmem>>, vector<4096x128xf32>,
    return
  }
  func.func @transform_0(%arg0: i32) -> (i32, i32, i32) {
    %c0_i32 = arith.constant 0 : i32
    %c0_i32_0 = arith.constant 0 : i32
    %c0_i32_1 = arith.constant 0 : i32
    return %c0_i32, %arg0, %c0_i32_0 : i32, i32, i32
  }
  func.func @transform_1(%arg0: i32) -> (i32, i32) {
    %c0_i32 = arith.constant 0 : i32
    %c0_i32_0 = arith.constant 0 : i32
    return %arg0, %c0_i32 : i32, i32
  }
  func.func @transform_2(%arg0: i32) -> (i32, i32) {
    %c0_i32 = arith.constant 0 : i32
    %c0_i32_0 = arith.constant 0 : i32
    return %arg0, %c0_i32 : i32, i32
  }
  func.func @transform_3(%arg0: i32) -> (i32, i32) {
    %c0_i32 = arith.constant 0 : i32
    %c0_i32_0 = arith.constant 0 : i32
    %c0_i32_1 = arith.constant 0 : i32
    return %c0_i32, %c0_i32_0 : i32, i32
  }
  func.func @transform_4(%arg0: i32) -> (i32, i32) {
    %c0_i32 = arith.constant 0 : i32
    %c0_i32_0 = arith.constant 0 : i32
    return %arg0, %c0_i32 : i32, i32
  }
}

</mosaic_0001>

<sc_bundles>
// kernel: kernel.11.cloned.1.call-start
scs
__scs_entry_jumppad:
0x0: {  	(pc) =	sbr.rel $0x88, $3  }
0x1: {  	(tag) =	ssettag $0x0;
	lr =	simm.s32 $0x1  }
0x2: {  	[smem:$0x3F9B] =	sst lr;
	_ =	strace $0xD0000000  }
0x3: {  	_ = 	snop  }
0x4: {  	_ = 	snop  }
0x5: {  	_ = 	snop  }
0x6: {  	_ = 	snop  }
0x7: {  	_ = 	snop  }
__scs_overlays_trampoline_lowered:
0x8: {  	[smem:$0x3FAA] =	sst s0  }
0x9: {  	[smem:$0x3FAB] =	sst s1  }
0xa: {  	[smem:$0x3FAC] =	sst s2  }
0xb: {  	[smem:$0x3FAD] =	sst s3  }
0xc: {  	[smem:$0x3FAE] =	sst s4  }
0xd: {  	[smem:$0x3FAF] =	sst s5  }
0xe: {  	[smem:$0x3FB0] =	sst s6  }
0xf: {  	[smem:$0x3FB1] =	sst s7  }
0x10: {  	[smem:$0x3FB2] =	sst s8  }
0x11: {  	[smem:$0x3FB3] =	sst s9;
	s0 =	simm.s32 @!p0 $0x0  }
0x12: {  	s1 =	sld [smem:$0x3F99];
	s0 =	simm.s32 @p0 $0x1  }
0x13: {  	[smem:$0x3FB4] =	sst s0;
	s0 =	simm.s32 @!p1 $0x0  }
0x14: {  	s2 =	sld [smem:$0x3F98];
	s0 =	simm.s32 @p1 $0x1  }
0x15: {  	[smem:$0x3FB5] =	sst s0;
	s0 =	simm.s32 @!p2 $0x0  }
0x16: {  	s3 =	sld [smem:$0x3FDB];
	s0 =	simm.s32 @p2 $0x1  }
0x17: {  	s4 =	simm.s32 $0x1BF5;
	[smem:$0x3FB7] =	sst s0  }
0x18: {  	s0 =	sld [smem:$0x3F9A];
	_ =	swait.ge [sflag:s4], $0x0  }
0x19: {  	s7 =	sld [smem:$0x3F9B]  }
0x1a: {  	s8 =	sadd.s32 $0xFFFFE003, lr  }
0x1b: {  	s9 =	sadd.s32 $0xFFFFFEF7, lr;
	s5 =	simm.s32 $0xFFFFFFFF;
	p2 =	slt.u32 s8, $0xFFFFF086  }
0x1c: {  	p1 =	slt.u32 s9, $0xF7A;
	s5 =	simm.s32 @!p2 $0x0  }
0x1d: {  	s5 =	simm.s32 @p1 $0x1;
	p0 =	seq.s32 s7, s2  }
0x1e: {  	s7 =	smul.u32 @!p0 $0xF7A, s2;
	p2 =	seq.s32 @!p0 s5, $0x0  }
0x1f: {  	s9 =	smul.u32 $0xF7A, s1;
	s8 =	simm.s32 @!p0 $0x1BF5;
	p2 =	por !p2, p0  }
0x20: {  	[sflag:s8] =	ssyncset.s32 @!p0 $0xFFFFF086;
	s6 =	sadd.s32 @!p0 s3, s7;
	s7 =	simm.s32 @!p0 $0x108  }
0x21: {  	s3 =	sadd.s32 s3, s9;
	s6 =	sadd.s32 @!p0 $0x88, s6;
	s7 =	simm.s32 @p2 $0x1082  }
0x22: {  	[simem:s7], [sflag:s8] =	dma.local @!p0 [hbm:s6], $0xF7A  }
0x23: {  	s9 =	sor.u32 $0xD0000000, s2;
	s6 =	simm.s32 $0x108;
	_ =	swait.ge @!p0 [sflag:s8], $0x0  }
0x24: {  	s3 =	sadd.s32 $0x88, s3;
	s6 =	simm.s32 @!p1 $0x1082;
	[sflag:s4] =	ssyncset.s32 $0xFFFFF086  }
0x25: {  	[simem:s6], [sflag:s4] =	dma.local [hbm:s3], $0xF7A  }
0x26: {  	[smem:$0x3F9B] =	sst s1;
	(tag) =	ssettag s2;
	_ =	strace s9  }
0x27: {  	s1 =	sld [smem:$0x3FAB]  }
0x28: {  	s2 =	sld [smem:$0x3FAC]  }
0x29: {  	s4 =	sld [smem:$0x3FAE]  }
0x2a: {  	p0 =	seq.s32 s5, $0x0;
	s5 =	sld [smem:$0x3FAF]  }
0x2b: {  	s6 =	sld [smem:$0x3FB0]  }
0x2c: {  	s7 =	sld [smem:$0x3FB1]  }
0x2d: {  	s3 =	simm.s32 $0x108;
	s8 =	sld [smem:$0x3FB2]  }
0x2e: {  	s3 =	simm.s32 @!p0 $0x1082;
	s9 =	sld [smem:$0x3FB3]  }
0x2f: {  	lr =	sadd.s32 s0, s3;
	s0 =	sld [smem:$0x3FAA]  }
0x30: {  	s3 =	sld [smem:$0x3FAD]  }
0x31: {  	[smem:$0x3FB6] =	sst s10  }
0x32: {  	s10 =	sld [smem:$0x3FB4];
	_ =	sdelay $0x3  }
0x33: {  	p0 =	seq.s32 s10, $0x1;
	s10 =	sld [smem:$0x3FB6];
	_ =	sdelay $0x3  }
0x34: {  	[smem:$0x3FB6] =	sst s10  }
0x35: {  	s10 =	sld [smem:$0x3FB5];
	_ =	sdelay $0x3  }
0x36: {  	p1 =	seq.s32 s10, $0x1;
	s10 =	sld [smem:$0x3FB6];
	_ =	sdelay $0x3  }
0x37: {  	[smem:$0x3FB6] =	sst s10  }
0x38: {  	s10 =	sld [smem:$0x3FB7]  }
0x39: {  	_ = 	snop;
	(pc) =	sbr.ind lr, $3  }
0x3a: {  	_ = 	snop  }
0x3b: {  	_ = 	snop  }
0x3c: {  	p2 =	seq.s32 s10, $0x1;
	s10 =	sld [smem:$0x3FB6]  }
0x3d: {  	_ =	shalt  }
0x3e: {  	_ =	shalt  }
0x3f: {  	_ =	shalt  }
0x40: {  	_ =	shalt  }
0x41: {  	_ =	shalt  }
0x42: {  	_ =	shalt  }
0x43: {  	_ =	shalt  }
0x44: {  	_ =	shalt  }
0x45: {  	_ =	shalt  }
0x46: {  	_ =	shalt  }
0x47: {  	_ =	shalt  }
0x48: {  	_ =	shalt  }
0x49: {  	_ =	shalt  }
0x4a: {  	_ =	shalt  }
0x4b: {  	_ =	shalt  }
0x4c: {  	_ =	shalt  }
0x4d: {  	_ =	shalt  }
0x4e: {  	_ =	shalt  }
0x4f: {  	_ =	shalt  }
0x50: {  	_ =	shalt  }
0x51: {  	_ =	shalt  }
0x52: {  	_ =	shalt  }
0x53: {  	_ =	shalt  }
0x54: {  	_ =	shalt  }
0x55: {  	_ =	shalt  }
0x56: {  	_ =	shalt  }
0x57: {  	_ =	shalt  }
0x58: {  	_ =	shalt  }
0x59: {  	_ =	shalt  }
0x5a: {  	_ =	shalt  }
0x5b: {  	_ =	shalt  }
0x5c: {  	_ =	shalt  }
0x5d: {  	_ =	shalt  }
0x5e: {  	_ =	shalt  }
0x5f: {  	_ =	shalt  }
0x60: {  	_ =	shalt  }
0x61: {  	_ =	shalt  }
0x62: {  	_ =	shalt  }
0x63: {  	_ =	shalt  }
0x64: {  	_ =	shalt  }
0x65: {  	_ =	shalt  }
0x66: {  	_ =	shalt  }
0x67: {  	_ =	shalt  }
0x68: {  	_ =	shalt  }
0x69: {  	_ =	shalt  }
0x6a: {  	_ =	shalt  }
0x6b: {  	_ =	shalt  }
0x6c: {  	_ =	shalt  }
0x6d: {  	_ =	shalt  }
0x6e: {  	_ =	shalt  }
0x6f: {  	_ =	shalt  }
0x70: {  	_ =	shalt  }
0x71: {  	_ =	shalt  }
0x72: {  	_ =	shalt  }
0x73: {  	_ =	shalt  }
0x74: {  	_ =	shalt  }
0x75: {  	_ =	shalt  }
0x76: {  	_ =	shalt  }
0x77: {  	_ =	shalt  }
0x78: {  	_ =	shalt  }
0x79: {  	_ =	shalt  }
0x7a: {  	_ =	shalt  }
0x7b: {  	_ =	shalt  }
0x7c: {  	_ =	shalt  }
0x7d: {  	_ =	shalt  }
0x7e: {  	_ =	shalt  }
0x7f: {  	_ =	shalt  }
0x80: {  	_ =	shalt  }
0x81: {  	_ =	shalt  }
0x82: {  	_ =	shalt  }
0x83: {  	_ =	shalt  }
0x84: {  	_ =	shalt  }
0x85: {  	_ =	shalt  }
0x86: {  	_ =	shalt  }
0x87: {  	_ =	shalt  }
.Lfunc_end0:
.L_simem_size_0:
called_computation.1_lowered:
.L_overlay_start_0:
0x88: {  	s2 =	sld [smem:$0x3FD9]  }
0x89: {  	s3 =	sld [smem:$0x3FFE];
	_ =	sdelay $0x1  }
0x8a: {  	s1 =	srdreg.scid  }
0x8b: {  	s0 =	sand.u32 $0x1, s1  }
0x8c: {  	s17 =	sshll.u32 s0, $0xA;
	s2 =	sadd.s32 s3, s2  }
0x8d: {  	s2 =	sadd.s32 s2, s17  }
0x8e: {  	[smem:$0x3FC2] =	sst s2  }
0x8f: {  	_ = 	snop  }
0x90: {  	s2 =	sld [smem:$0x3FD0];
	(tm) =	ssettm $0x1  }
0x91: {  	s18 =	sld [smem:$0x3FFB];
	_ =	sdelay $0x3  }
0x92: {  	_ =	strace s18  }
0x93: {  	s3 =	sld [smem:$0x3FFC];
	_ =	sdelay $0x3  }
0x94: {  	_ =	strace s3  }
0x95: {  	s3 =	sld [smem:$0x3FFD];
	_ =	sdelay $0x3  }
0x96: {  	_ =	strace s3  }
0x97: {  	_ =	strace $0x8FFFFFFF  }
0x98: {  	s19 =	sld [smem:$0x3FDB];
	_ =	sdelay $0x1  }
0x99: {  	s4 =	simm.s32 $_scs_section_size  }
0x9a: {  	s5 =	simm.s32 $_size__tile_overlayer_lowered;
	s6 =	simm.s32 $_tile_overlayer_lowered  }
0x9b: {  	s22 =	simm.s32 $0x1BFF;
	s21 =	sshll.u32 s6, $0x1;
	s3 =	sadd.s32 s4, s19  }
0x9c: {  	s7 =	simm.s32 $0x0;
	s20 =	sshll.u32 s5, $0x1;
	s5 =	sadd.s32 s21, s3  }
0x9d: {  	[timem:s7], [sflag:s22] =	dma.local [hbm:s5], s20  }
0x9e: {  	_ =	swait.ge [sflag:s22], s20  }
0x9f: {  	s4 =	ssub.s32 $0x0, s20;
	[sflag:s22] =	ssyncset.done $0x0  }
0xa0: {  	[sflag:s22] =	ssyncadd.s32 s4;
	_ =	sdelay $0x1  }
0xa1: {  	s23 =	simm.s32 $0x1B8B  }
0xa2: {  	_ =	swait.ge [sflag:s23], $0x1  }
0xa3: {  	[sflag:s23] =	ssyncset.done $0x0  }
0xa4: {  	s25 =	simm.s32 $0x1B8E;
	s24 =	sld [smem:$0x3FFE];
	[sflag:s23] =	ssyncadd.s32 $0xFFFFFFFF  }
0xa5: {  	s26 =	simm.s32 $execute0_lowered;
	[smem:$0x3FD2] =	sst s25  }
0xa6: {  	s5 =	sshll.u32 s26, $0x1;
	_ =	strace $0x80000049;
	[dreg:$0x1] =	wrdreg $0xFFFFFFFF  }
0xa7: {  	s28 =	simm.s32 $_size_execute0_lowered;
	s3 =	sadd.s32 s3, s5;
	[dreg:$0x0] =	wrdreg $0x0  }
0xa8: {  	s5 =	sshll.u32 s28, $0x1;
	[dreg:$0x2] =	wrdreg s3  }
0xa9: {  	[dreg:$0x3] =	wrdreg s5  }
0xaa: {  	[dreg:$0x4] =	wrdreg $0xC0  }
0xab: {  	_ =	task [dreg:s7], $0x5FFFF  }
0xac: {  	[dreg:$0x1] =	wrdreg $0xFFFFFFFF  }
0xad: {  	[dreg:$0x0] =	wrdreg $0x60  }
0xae: {  	[dreg:$0x2] =	wrdreg s24  }
0xaf: {  	[dreg:$0x3] =	wrdreg s2  }
0xb0: {  	[dreg:$0x4] =	wrdreg $0x0  }
0xb1: {  	[dreg:$0x5] =	wrdreg $0x9  }
0xb2: {  	_ =	task.clear_ibuf [dreg:s7], $0x6FFFF;
	_ =	strace $0x90000049  }
0xb3: {  	s29 =	simm.s32 $0x9;
	_ =	strace $0x8000004B  }
0xb4: {  	_ =	swait.ge [sflag:s29], $0x1  }
0xb5: {  	[sflag:s29] =	ssyncadd.s32 $0xFFFFFFFF  }
0xb6: {  	_ =	strace $0x9000004B  }
0xb7: {  	_ =	sfence  }
0xb8: {  	s30 =	sld [smem:$0x0];
	_ =	sdelay $0x2  }
0xb9: {  	s31 =	sshll.u32 s1, $0xD;
	s1 =	sshrl.u32 s1, $0x2  }
0xba: {  	s3 =	sand.u32 $0x4000, s31;
	s1 =	sadd.s32 s1, s30  }
0xbb: {  	s0 =	sor.u32 s3, s0;
	s1 =	sshll.u32 s1, $0x11  }
0xbc: {  	s0 =	sor.u32 s1, s0  }
0xbd: {  	s0 =	sadd.s32 $0x8F2B, s0  }
0xbe: {  	[sflag:s0] =	ssyncadd.remote.s32 $0x1  }
0xbf: {  	_ =	sfence.sel $0xFFFF  }
0xc0: {  	[dreg:$0x0] =	wrdreg $0xFFFFFFFF;
	(pc) =	sbr.abs _section_cstart, $3  }
0xc1: {  	[dreg:$0x1] =	wrdreg $0xFFFFFFFF  }
0xc2: {  	_ =	task.clear_ibuf [dreg:s7], $0x2FFFF;
	_ =	strace $0x9FFFFFFF  }
0xc3: {  	(tm) =	ssettm $0x7FFFFFFF  }
tec
execute0_lowered:
.L_overlay_start_1:
0x0: {  	(tag) =	ssettag $0x1  }
0x1: {  	s0 =	rddreg [dreg:$0x0];
	s1 =	srdreg.scid  }
0x2: {  	s31 =	rddreg [dreg:$0x1];
	s9 =	stileid.u32  }
0x3: {  	s3 =	rddreg [dreg:$0x2];
	s5 =	smul.u32 $0x13C00, s9  }
0x4: {  	s4 =	simm.s32 $0x0;
	s28 =	simm.s32 $0x13C80;
	s6 =	smul.u32 $0x4F000, s9  }
0x5: {  	s1 =	sand.u32 $0x1, s1;
	[smem:$0x7FF] =	sst s4;
	s11 =	smul.u32 $0x5400, s9  }
0x6: {  	s30 =	simm.s32 $0xC;
	s2 =	smul.u32 $0x13C000, s1;
	_ =	strace $0x8000004A  }
0x7: {  	s20 =	sshll.u32 s1, $0x4;
	s7 =	ssub.s32 $0x2, s1;
	s1 =	smul.u32 $0x54000, s1  }
0x8: {  	s6 =	sshrl.u32 s6, $0x2;
	s8 =	sshrl.u32 s7, $0x1;
	s2 =	sadd.s32 s5, s2  }
0x9: {  	s5 =	sadd.s32 $0x2600, s0;
	s14 =	sadd.s32 s6, s3;
	s21 =	ssub.s32 s7, s8  }
0xa: {  	s1 =	sadd.s32 s11, s1;
	s22 =	sadd.s32 $0x3C00, s14;
	[dreg:$0x5] =	wrdreg s14  }
0xb: {  	s6 =	simm.s32 $0x3;
	s23 =	sadd.s32 $0x7800, s14;
	[dreg:$0x6] =	wrdreg s22  }
0xc: {  	s11 =	simm.s32 $0x1BA00;
	s24 =	sadd.s32 $0xB400, s14;
	[dreg:$0x7] =	wrdreg s23  }
0xd: {  	s2 =	sshrl.u32 s2, $0x3;
	s25 =	sadd.s32 $0xF000, s14;
	[dreg:$0x8] =	wrdreg s24  }
0xe: {  	s29 =	sadd.s32 $0x12C00, s14;
	s18 =	sadd.s32 $0xB00, s1;
	[dreg:$0x9] =	wrdreg s25  }
0xf: {  	s19 =	smax.u32 s21, $0x1;
	s21 =	sadd.s32 $0xA00, s1;
	[dreg:$0xa] =	wrdreg s29  }
0x10: {  	s0 =	sadd.s32 s2, s0;
	s2 =	sor.u32 s9, s20;
	[dreg:$0x12] =	wrdreg s19  }
0x11: {  	s20 =	sshrl.u32 s18, $0x3;
	s22 =	sadd.s32 $0x900, s1;
	s1 =	sadd.s32 $0x800, s1  }
0x12: {  	s19 =	simm.s32 $0xD;
	s9 =	simm.s32 $0x2;
	s18 =	simm.s32 $0x17E00  }
0x13: {  	s2 =	smul.u32 $0x5400, s2;
	s0 =	sadd.s32 $0x29E00, s0;
	s24 =	sshrl.u32 s1, $0x3  }
0x14: {  	s1 =	simm.s32 $0x0;
	[dreg:$0x11] =	wrdreg s0;
	s0 =	sadd.s32 s20, s31  }
0x15: {  	s29 =	sadd.s32 $0x600, s2;
	[dreg:$0x13] =	wrdreg s0;
	s0 =	sshrl.u32 s21, $0x3  }
0x16: {  	s26 =	sshrl.u32 s2, $0x3;
	s0 =	sadd.s32 s0, s31;
	[dreg:$0x4] =	wrdreg s29  }
0x17: {  	s20 =	simm.s32 $0x8;
	s10 =	sadd.s32 s31, s26;
	[dreg:$0x14] =	wrdreg s0  }
0x18: {  	s17 =	sadd.s32 $0x700, s2;
	s7 =	sadd.s32 $0x20, s10;
	[dreg:$0xb] =	wrdreg s10  }
0x19: {  	s21 =	simm.s32 $0x13D80;
	s8 =	sadd.s32 $0x40, s10;
	[dreg:$0xc] =	wrdreg s7  }
0x1a: {  	s13 =	sshrl.u32 s29, $0x3;
	s12 =	sadd.s32 $0x60, s10;
	[dreg:$0xd] =	wrdreg s8  }
0x1b: {  	s15 =	sshrl.u32 s17, $0x3;
	s2 =	sadd.s32 s31, s13;
	[dreg:$0xe] =	wrdreg s12  }
0x1c: {  	s16 =	sadd.s32 s31, s15;
	s0 =	sadd.s32 s24, s31;
	[dreg:$0xf] =	wrdreg s2  }
0x1d: {  	s25 =	sadd.s32 $0x80, s10;
	s26 =	sadd.s32 $0xA0, s10;
	[dreg:$0x10] =	wrdreg s16  }
0x1e: {  	s10 =	simm.s32 $0x14200;
	s24 =	simm.s32 $0x13C00;
	[dreg:$0x16] =	wrdreg s0  }
0x1f: {  	s15 =	simm.s32 $0x13F00;
	s13 =	simm.s32 $0x7;
	[dreg:$0x17] =	wrdreg s25  }
0x20: {  	s2 =	sshrl.u32 s22, $0x3;
	[dreg:$0x18] =	wrdreg s26;
	s22 =	simm.s32 $0x13D00  }
0x21: {  	s25 =	simm.s32 $0x13E00;
	s7 =	simm.s32 $0x1;
	s8 =	simm.s32 $0x78  }
0x22: {  	s16 =	simm.s32 $0x14000;
	s26 =	simm.s32 $0xA;
	s23 =	sadd.s32 s2, s31  }
0x23: {  	v0 =	vimm.f32 $0.0e+00;
	s12 =	simm.s32 $0x9;
	[dreg:$0x15] =	wrdreg s23;
	s23 =	simm.s32 $0xB  }
.LBB2_1:
0x24: {  	[dreg:$0x19] =	wrdreg s1;
	s1 =	simm.s32 $0x0;
	s2 =	simm.s32 $0x200  }
.LBB2_2:
0x25: {  	p0 =	sne.s32 s2, $0xEE00;
	[tilespmem:s1+$0x14270] =	vst v0  }
0x26: {  	[tilespmem:s1+$0x14200] =	vst v0  }
0x27: {  	[tilespmem:s1+$0x14210] =	vst v0  }
.Ltmp0:
0x28: {  	[tilespmem:s1+$0x14220] =	vst v0;
	(pc) =	sbr.rel @p0 .LBB2_2-.Ltmp0, $4  }
0x29: {  	[tilespmem:s1+$0x14230] =	vst v0  }
0x2a: {  	[tilespmem:s1+$0x14240] =	vst v0  }
0x2b: {  	[tilespmem:s1+$0x14250] =	vst v0  }
0x2c: {  	[tilespmem:s1+$0x14260] =	vst v0;
	s1 =	sshra.s32 s2, $0x2;
	s2 =	sadd.s32 $0x200, s2  }
0x2d: {  	[tilespmem:s1+$0x14270] =	vst v0  }
0x2e: {  	[tilespmem:s1+$0x14200] =	vst v0  }
0x2f: {  	[tilespmem:s1+$0x14210] =	vst v0  }
0x30: {  	[tilespmem:s1+$0x14220] =	vst v0  }
0x31: {  	[tilespmem:s1+$0x14230] =	vst v0  }
0x32: {  	[tilespmem:s1+$0x14240] =	vst v0  }
0x33: {  	[tilespmem:s1+$0x14250] =	vst v0  }
0x34: {  	[tilespmem:s1+$0x14260] =	vst v0  }
0x35: {  	[spmem:s14] =	stream.linear.scatter [tilespmem:s10], [sflag:$0xD], $0x3C00, $0x38;
	[tilespmem:$0x1F600] =	vst v63  }
0x36: {  	_ =	swait.ge [sflag:s19], $0x3C00  }
0x37: {  	[sflag:s19] =	ssyncset.done $0x0  }
0x38: {  	s0 =	rddreg [dreg:$0x6];
	[sflag:s19] =	ssyncadd.s32 $0xFFFFC400  }
0x39: {  	[spmem:s0] =	stream.linear.scatter [tilespmem:s10], [sflag:$0xD], $0x3C00, $0x38;
	[tilespmem:$0x1F600] =	vst v63  }
0x3a: {  	_ =	swait.ge [sflag:s19], $0x3C00  }
0x3b: {  	[sflag:s19] =	ssyncset.done $0x0  }
0x3c: {  	s29 =	rddreg [dreg:$0x7];
	[sflag:s19] =	ssyncadd.s32 $0xFFFFC400  }
0x3d: {  	[spmem:s29] =	stream.linear.scatter [tilespmem:s10], [sflag:$0xD], $0x3C00, $0x38;
	[tilespmem:$0x1F600] =	vst v63  }
0x3e: {  	_ =	swait.ge [sflag:s19], $0x3C00  }
0x3f: {  	[sflag:s19] =	ssyncset.done $0x0  }
0x40: {  	s1 =	rddreg [dreg:$0x8];
	[sflag:s19] =	ssyncadd.s32 $0xFFFFC400  }
0x41: {  	[spmem:s1] =	stream.linear.scatter [tilespmem:s10], [sflag:$0xD], $0x3C00, $0x38;
	[tilespmem:$0x1F600] =	vst v63  }
0x42: {  	_ =	swait.ge [sflag:s19], $0x3C00  }
0x43: {  	[sflag:s19] =	ssyncset.done $0x0  }
0x44: {  	s2 =	rddreg [dreg:$0x9];
	[sflag:s19] =	ssyncadd.s32 $0xFFFFC400  }
0x45: {  	[spmem:s2] =	stream.linear.scatter [tilespmem:s10], [sflag:$0xD], $0x3C00, $0x38;
	[tilespmem:$0x1F600] =	vst v63  }
0x46: {  	_ =	swait.ge [sflag:s19], $0x3C00  }
0x47: {  	[sflag:s19] =	ssyncset.done $0x0  }
0x48: {  	s14 =	rddreg [dreg:$0xa];
	[sflag:s19] =	ssyncadd.s32 $0xFFFFC400  }
0x49: {  	[spmem:s14] =	stream.linear.scatter [tilespmem:s10], [sflag:$0xD], $0x1000, $0x38;
	[tilespmem:$0x1F600] =	vst v63  }
0x4a: {  	_ =	swait.ge [sflag:s19], $0x1000  }
0x4b: {  	[sflag:s19] =	ssyncset.done $0x0  }
0x4c: {  	[sflag:s19] =	ssyncadd.s32 $0xFFFFF000  }
0x4d: {  	[bflag:$0x0] =	sbarrier.arrive $0xFFFF  }
0x4e: {  	s19 =	rddreg [dreg:$0xb]  }
0x4f: {  	[tilespmem:s24], [sflag:$0x1] =	stream.linear.gather [hbm4b:s19+s4], $0x100, $0x38;
	[tilespmem:$0x1F600] =	vst v63  }
0x50: {  	s29 =	rddreg [dreg:$0xc]  }
0x51: {  	[tilespmem:s22], [sflag:$0x2] =	stream.linear.gather [hbm4b:s29+s4], $0x100, $0x38;
	[tilespmem:$0x1F600] =	vst v63  }
0x52: {  	s1 =	rddreg [dreg:$0xd]  }
0x53: {  	[tilespmem:s25], [sflag:$0x3] =	stream.linear.gather [hbm4b:s1+s4], $0x100, $0x38;
	[tilespmem:$0x1F600] =	vst v63  }
0x54: {  	_ =	swait.ge [sflag:s7], $0x100  }
0x55: {  	[sflag:s7] =	ssyncset.done $0x0  }
0x56: {  	[sflag:s7] =	ssyncadd.s32 $0xFFFFFF00  }
0x57: {  	[tilespmem:s10], [sflag:$0x7] =	stream.indirect.gather [hbm4b:s5+s8], $0x80, s24, s8, $0xb8;
	[tilespmem:$0x1F600] =	vst v63  }
0x58: {  	_ =	swait.ge [sflag:s9], $0x100  }
0x59: {  	[sflag:s9] =	ssyncset.done $0x0  }
0x5a: {  	[sflag:s9] =	ssyncadd.s32 $0xFFFFFF00  }
0x5b: {  	[tilespmem:s18], [sflag:$0x8] =	stream.indirect.gather [hbm4b:s5+s8], $0x80, s22, s8, $0xb8;
	[tilespmem:$0x1F600] =	vst v63  }
0x5c: {  	s2 =	rddreg [dreg:$0xe]  }
0x5d: {  	[tilespmem:s15], [sflag:$0x4] =	stream.linear.gather [hbm4b:s2+s4], $0x100, $0x38;
	[tilespmem:$0x1F600] =	vst v63  }
0x5e: {  	_ =	swait.ge [sflag:s13], $0x3C00  }
0x5f: {  	[sflag:s13] =	ssyncset.done $0x0  }
0x60: {  	[sflag:s13] =	ssyncadd.s32 $0xFFFFC400  }
0x61: {  	[spmem:s3] =	stream.indirect.scatter.add.f32 [tilespmem:s10], [sflag:$0xA], $0x80, s28, s8, $0xb8;
	[tilespmem:$0x1F600] =	vst v63  }
0x62: {  	_ =	swait.ge [sflag:s6], $0x100  }
0x63: {  	[sflag:s6] =	ssyncset.done $0x0  }
0x64: {  	[sflag:s6] =	ssyncadd.s32 $0xFFFFFF00  }
0x65: {  	[tilespmem:s11], [sflag:$0x9] =	stream.indirect.gather [hbm4b:s5+s8], $0x80, s25, s8, $0xb8;
	[tilespmem:$0x1F600] =	vst v63  }
0x66: {  	s6 =	rddreg [dreg:$0x17]  }
0x67: {  	[tilespmem:s16], [sflag:$0x5] =	stream.linear.gather [hbm4b:s6+s4], $0x100, $0x38;
	[tilespmem:$0x1F600] =	vst v63  }
0x68: {  	_ =	swait.ge [sflag:s20], $0x3C00  }
0x69: {  	[sflag:s20] =	ssyncset.done $0x0  }
0x6a: {  	[sflag:s20] =	ssyncadd.s32 $0xFFFFC400  }
0x6b: {  	[spmem:s3] =	stream.indirect.scatter.add.f32 [tilespmem:s18], [sflag:$0xB], $0x80, s21, s8, $0xb8;
	[tilespmem:$0x1F600] =	vst v63  }
0x6c: {  	_ =	swait.ge [sflag:s26], $0x3C00  }
0x6d: {  	[sflag:s26] =	ssyncset.done $0x0  }
0x6e: {  	s21 =	simm.s32 $0x4;
	[sflag:s26] =	ssyncadd.s32 $0xFFFFC400  }
0x6f: {  	_ =	swait.ge [sflag:s21], $0x100  }
0x70: {  	[sflag:s21] =	ssyncset.done $0x0  }
0x71: {  	[sflag:s21] =	ssyncadd.s32 $0xFFFFFF00  }
0x72: {  	[tilespmem:s10], [sflag:$0x7] =	stream.indirect.gather [hbm4b:s5+s8], $0x80, s15, s8, $0xb8;
	[tilespmem:$0x1F600] =	vst v63  }
0x73: {  	_ =	swait.ge [sflag:s12], $0x3C00  }
0x74: {  	[sflag:s12] =	ssyncset.done $0x0  }
0x75: {  	s14 =	simm.s32 $0x14100;
	s10 =	rddreg [dreg:$0x18];
	[sflag:s12] =	ssyncadd.s32 $0xFFFFC400  }
0x76: {  	[tilespmem:s14], [sflag:$0x6] =	stream.linear.gather [hbm4b:s10+s4], $0x100, $0x38;
	[tilespmem:$0x1F600] =	vst v63  }
0x77: {  	s18 =	simm.s32 $0x13E80  }
0x78: {  	[spmem:s3] =	stream.indirect.scatter.add.f32 [tilespmem:s11], [sflag:$0xC], $0x80, s18, s8, $0xb8;
	[tilespmem:$0x1F600] =	vst v63  }
0x79: {  	_ =	swait.ge [sflag:s23], $0x3C00  }
0x7a: {  	[sflag:s23] =	ssyncset.done $0x0  }
0x7b: {  	s29 =	simm.s32 $0x5;
	[sflag:s23] =	ssyncadd.s32 $0xFFFFC400  }
0x7c: {  	_ =	swait.ge [sflag:s29], $0x100  }
0x7d: {  	[sflag:s29] =	ssyncset.done $0x0  }
0x7e: {  	s18 =	simm.s32 $0x17E00;
	[sflag:s29] =	ssyncadd.s32 $0xFFFFFF00  }
0x7f: {  	[tilespmem:s18], [sflag:$0x8] =	stream.indirect.gather [hbm4b:s5+s8], $0x80, s16, s8, $0xb8;
	[tilespmem:$0x1F600] =	vst v63  }
0x80: {  	_ =	swait.ge [sflag:s13], $0x3C00  }
0x81: {  	[sflag:s13] =	ssyncset.done $0x0  }
0x82: {  	s19 =	rddreg [dreg:$0xf];
	[sflag:s13] =	ssyncadd.s32 $0xFFFFC400  }
0x83: {  	[tilespmem:s24], [sflag:$0x1] =	stream.linear.gather [hbm4b:s19+s4], $0x100, $0x38;
	[tilespmem:$0x1F600] =	vst v63  }
0x84: {  	s1 =	simm.s32 $0x13F80;
	s10 =	simm.s32 $0x14200  }
0x85: {  	[spmem:s3] =	stream.indirect.scatter.add.f32 [tilespmem:s10], [sflag:$0xA], $0x80, s1, s8, $0xb8;
	[tilespmem:$0x1F600] =	vst v63  }
0x86: {  	_ =	swait.ge [sflag:s30], $0x3C00  }
0x87: {  	[sflag:s30] =	ssyncset.done $0x0  }
0x88: {  	s1 =	simm.s32 $0x6;
	[sflag:s30] =	ssyncadd.s32 $0xFFFFC400  }
0x89: {  	_ =	swait.ge [sflag:s1], $0x100  }
0x8a: {  	[sflag:s1] =	ssyncset.done $0x0  }
0x8b: {  	s2 =	simm.s32 $0x14100;
	s11 =	simm.s32 $0x1BA00;
	[sflag:s1] =	ssyncadd.s32 $0xFFFFFF00  }
0x8c: {  	[tilespmem:s11], [sflag:$0x9] =	stream.indirect.gather [hbm4b:s5+s8], $0x80, s2, s8, $0xb8;
	[tilespmem:$0x1F600] =	vst v63  }
0x8d: {  	_ =	swait.ge [sflag:s20], $0x3C00  }
0x8e: {  	[sflag:s20] =	ssyncset.done $0x0  }
0x8f: {  	s6 =	rddreg [dreg:$0x10];
	[sflag:s20] =	ssyncadd.s32 $0xFFFFC400  }
0x90: {  	[tilespmem:s22], [sflag:$0x2] =	stream.linear.gather [hbm4b:s6+s4], $0x100, $0x38;
	[tilespmem:$0x1F600] =	vst v63  }
0x91: {  	s14 =	simm.s32 $0x14080  }
0x92: {  	[spmem:s3] =	stream.indirect.scatter.add.f32 [tilespmem:s18], [sflag:$0xB], $0x80, s14, s8, $0xb8;
	[tilespmem:$0x1F600] =	vst v63  }
0x93: {  	_ =	swait.ge [sflag:s26], $0x3C00  }
0x94: {  	[sflag:s26] =	ssyncset.done $0x0  }
0x95: {  	[sflag:s26] =	ssyncadd.s32 $0xFFFFC400  }
0x96: {  	_ =	swait.ge [sflag:s7], $0x100  }
0x97: {  	[sflag:s7] =	ssyncset.done $0x0  }
0x98: {  	[sflag:s7] =	ssyncadd.s32 $0xFFFFFF00  }
0x99: {  	[tilespmem:s10], [sflag:$0x7] =	stream.indirect.gather [hbm4b:s5+s8], $0x80, s24, s8, $0xb8;
	[tilespmem:$0x1F600] =	vst v63  }
0x9a: {  	s16 =	sor.u32 $0x1, s1;
	_ =	swait.ge [sflag:s12], $0x3C00  }
0x9b: {  	s19 =	sand.u32 $0xFF, s16;
	[sflag:s12] =	ssyncset.done $0x0  }
0x9c: {  	s14 =	smul.u32 $0xAB, s19;
	s6 =	rddreg [dreg:$0x16];
	[sflag:s12] =	ssyncadd.s32 $0xFFFFC400  }
0x9d: {  	[tilespmem:s25], [sflag:$0x3] =	stream.linear.gather [hbm4b:s6+s4], $0x100, $0x38;
	[tilespmem:$0x1F600] =	vst v63  }
0x9e: {  	s14 =	sshrl.u32 s14, $0xA;
	s7 =	simm.s32 $0x14180  }
0x9f: {  	[spmem:s3] =	stream.indirect.scatter.add.f32 [tilespmem:s11], [sflag:$0xC], $0x80, s7, s8, $0xb8;
	[tilespmem:$0x1F600] =	vst v63  }
0xa0: {  	s14 =	smul.u32 $0x6, s14;
	_ =	swait.ge [sflag:s23], $0x3C00  }
0xa1: {  	[sflag:s23] =	ssyncset.done $0x0  }
0xa2: {  	s2 =	ssub.s32 s16, s14;
	[sflag:s23] =	ssyncadd.s32 $0xFFFFC400  }
0xa3: {  	s2 =	sand.u32 $0xFF, s2;
	_ =	swait.ge [sflag:s9], $0x100  }
0xa4: {  	s2 =	sshll.u32 s2, $0x8;
	[sflag:s9] =	ssyncset.done $0x0  }
0xa5: {  	s2 =	sadd.s32 $0x13C00, s2;
	[sflag:s9] =	ssyncadd.s32 $0xFFFFFF00  }
0xa6: {  	[tilespmem:s18], [sflag:$0x8] =	stream.indirect.gather [hbm4b:s5+s8], $0x80, s2, s8, $0xb8;
	[tilespmem:$0x1F600] =	vst v63  }
0xa7: {  	_ =	swait.ge [sflag:s13], $0x3C00  }
0xa8: {  	[sflag:s13] =	ssyncset.done $0x0  }
0xa9: {  	s19 =	rddreg [dreg:$0x15];
	[sflag:s13] =	ssyncadd.s32 $0xFFFFC400  }
0xaa: {  	[tilespmem:s15], [sflag:$0x4] =	stream.linear.gather [hbm4b:s19+s4], $0x100, $0x38;
	[tilespmem:$0x1F600] =	vst v63  }
0xab: {  	_ = 	snop  }
0xac: {  	[spmem:s3] =	stream.indirect.scatter.add.f32 [tilespmem:s10], [sflag:$0xA], $0x80, s28, s8, $0xb8;
	[tilespmem:$0x1F600] =	vst v63  }
0xad: {  	_ =	swait.ge [sflag:s30], $0x3C00  }
0xae: {  	[sflag:s30] =	ssyncset.done $0x0  }
0xaf: {  	s6 =	simm.s32 $0x3;
	[sflag:s30] =	ssyncadd.s32 $0xFFFFC400  }
0xb0: {  	_ =	swait.ge [sflag:s6], $0x100  }
0xb1: {  	[sflag:s6] =	ssyncset.done $0x0  }
0xb2: {  	[sflag:s6] =	ssyncadd.s32 $0xFFFFFF00  }
0xb3: {  	[tilespmem:s11], [sflag:$0x9] =	stream.indirect.gather [hbm4b:s5+s8], $0x80, s25, s8, $0xb8;
	[tilespmem:$0x1F600] =	vst v63  }
0xb4: {  	_ =	swait.ge [sflag:s20], $0x3C00  }
0xb5: {  	[sflag:s20] =	ssyncset.done $0x0  }
0xb6: {  	s7 =	simm.s32 $0x14000;
	s16 =	rddreg [dreg:$0x14];
	[sflag:s20] =	ssyncadd.s32 $0xFFFFC400  }
0xb7: {  	[tilespmem:s7], [sflag:$0x5] =	stream.linear.gather [hbm4b:s16+s4], $0x100, $0x38;
	[tilespmem:$0x1F600] =	vst v63  }
0xb8: {  	s14 =	simm.s32 $0x13D80  }
0xb9: {  	[spmem:s3] =	stream.indirect.scatter.add.f32 [tilespmem:s18], [sflag:$0xB], $0x80, s14, s8, $0xb8;
	[tilespmem:$0x1F600] =	vst v63  }
0xba: {  	_ =	swait.ge [sflag:s26], $0x3C00  }
0xbb: {  	[sflag:s26] =	ssyncset.done $0x0  }
0xbc: {  	[sflag:s26] =	ssyncadd.s32 $0xFFFFC400  }
0xbd: {  	_ =	swait.ge [sflag:s21], $0x100  }
0xbe: {  	[sflag:s21] =	ssyncset.done $0x0  }
0xbf: {  	[sflag:s21] =	ssyncadd.s32 $0xFFFFFF00  }
0xc0: {  	[tilespmem:s10], [sflag:$0x7] =	stream.indirect.gather [hbm4b:s5+s8], $0x80, s15, s8, $0xb8;
	[tilespmem:$0x1F600] =	vst v63  }
0xc1: {  	_ =	swait.ge [sflag:s12], $0x3C00  }
0xc2: {  	[sflag:s12] =	ssyncset.done $0x0  }
0xc3: {  	s9 =	simm.s32 $0x14100;
	s14 =	rddreg [dreg:$0x13];
	[sflag:s12] =	ssyncadd.s32 $0xFFFFC400  }
0xc4: {  	[tilespmem:s9], [sflag:$0x6] =	stream.linear.gather [hbm4b:s14+s4], $0x100, $0x38;
	[tilespmem:$0x1F600] =	vst v63  }
0xc5: {  	s15 =	simm.s32 $0x13E80  }
0xc6: {  	[spmem:s3] =	stream.indirect.scatter.add.f32 [tilespmem:s11], [sflag:$0xC], $0x80, s15, s8, $0xb8;
	[tilespmem:$0x1F600] =	vst v63  }
0xc7: {  	_ =	swait.ge [sflag:s23], $0x3C00  }
0xc8: {  	[sflag:s23] =	ssyncset.done $0x0  }
0xc9: {  	[sflag:s23] =	ssyncadd.s32 $0xFFFFC400  }
0xca: {  	_ =	swait.ge [sflag:s29], $0x100  }
0xcb: {  	[sflag:s29] =	ssyncset.done $0x0  }
0xcc: {  	[sflag:s29] =	ssyncadd.s32 $0xFFFFFF00  }
0xcd: {  	[tilespmem:s18], [sflag:$0x8] =	stream.indirect.gather [hbm4b:s5+s8], $0x80, s7, s8, $0xb8;
	[tilespmem:$0x1F600] =	vst v63  }
0xce: {  	s21 =	smin.u32 s1, $0x4D;
	_ =	swait.ge [sflag:s13], $0x3C00  }
0xcf: {  	s2 =	sshll.u32 s21, $0x8;
	s25 =	rddreg [dreg:$0x4]  }
0xd0: {  	s2 =	sadd.s32 s2, s25  }
0xd1: {  	[sflag:s13] =	ssyncset.done $0x0;
	s2 =	sshrl.u32 s2, $0x3  }
0xd2: {  	[sflag:s13] =	ssyncadd.s32 $0xFFFFC400;
	s2 =	sadd.s32 s31, s2  }
0xd3: {  	[tilespmem:s24], [sflag:$0x1] =	stream.linear.gather [hbm4b:s2+s4], $0x100, $0x38;
	[tilespmem:$0x1F600] =	vst v63  }
0xd4: {  	s28 =	simm.s32 $0x13F80  }
0xd5: {  	[spmem:s3] =	stream.indirect.scatter.add.f32 [tilespmem:s10], [sflag:$0xA], $0x80, s28, s8, $0xb8;
	[tilespmem:$0x1F600] =	vst v63  }
0xd6: {  	_ =	swait.ge [sflag:s30], $0x3C00  }
0xd7: {  	s1 =	smin.u32 s1, $0x4C;
	[sflag:s30] =	ssyncset.done $0x0  }
0xd8: {  	s21 =	simm.s32 $0x6;
	s1 =	sshll.u32 s1, $0x8;
	[sflag:s30] =	ssyncadd.s32 $0xFFFFC400  }
0xd9: {  	s1 =	sadd.s32 s1, s17;
	_ =	swait.ge [sflag:s21], $0x100  }
0xda: {  	s1 =	sshrl.u32 s1, $0x3;
	[sflag:s21] =	ssyncset.done $0x0  }
0xdb: {  	s1 =	sadd.s32 s31, s1;
	s15 =	simm.s32 $0x2;
	[sflag:s21] =	ssyncadd.s32 $0xFFFFFF00  }
0xdc: {  	[tilespmem:s11], [sflag:$0x9] =	stream.indirect.gather [hbm4b:s5+s8], $0x80, s9, s8, $0xb8;
	[tilespmem:$0x1F600] =	vst v63  }
0xdd: {  	s7 =	simm.s32 $0x13E00;
	s25 =	simm.s32 $0xC;
	_ =	swait.ge [sflag:s20], $0x3C00  }
0xde: {  	s2 =	smov.u32 s19;
	[sflag:s20] =	ssyncset.done $0x0;
	s29 =	rddreg [dreg:$0x16]  }
0xdf: {  	s9 =	simm.s32 $0x1;
	[sflag:s20] =	ssyncadd.s32 $0xFFFFC400;
	s24 =	sadd.s32 $0xC0, s29  }
0xe0: {  	[tilespmem:s22], [sflag:$0x2] =	stream.linear.gather [hbm4b:s1+s4], $0x100, $0x38;
	[tilespmem:$0x1F600] =	vst v63  }
0xe1: {  	s22 =	simm.s32 $0x13C00;
	s1 =	smov.u32 s14;
	s14 =	smov.u32 s16  }
.LBB2_4:
0xe2: {  	s0 =	simm.s32 $0x14080  }
0xe3: {  	[spmem:s3] =	stream.indirect.scatter.add.f32 [tilespmem:s18], [sflag:$0xB], $0x80, s0, s8, $0xb8;
	[tilespmem:$0x1F600] =	vst v63  }
0xe4: {  	_ =	swait.ge [sflag:s26], $0x3C00  }
0xe5: {  	[sflag:s26] =	ssyncset.done $0x0  }
0xe6: {  	[sflag:s26] =	ssyncadd.s32 $0xFFFFC400  }
0xe7: {  	_ =	swait.ge [sflag:s9], $0x100  }
0xe8: {  	[sflag:s9] =	ssyncset.done $0x0  }
0xe9: {  	s16 =	smov.u32 s25;
	[sflag:s9] =	ssyncadd.s32 $0xFFFFFF00  }
0xea: {  	[tilespmem:s10], [sflag:$0x7] =	stream.indirect.gather [hbm4b:s5+s8], $0x80, s22, s8, $0xb8;
	[tilespmem:$0x1F600] =	vst v63  }
0xeb: {  	s0 =	sor.u32 $0x1, s16;
	_ =	swait.ge [sflag:s12], $0x3C00  }
0xec: {  	s28 =	smov.u32 s31;
	s31 =	sand.u32 $0xFF, s0;
	[sflag:s12] =	ssyncset.done $0x0  }
0xed: {  	s31 =	smul.u32 $0xAB, s31;
	[sflag:s12] =	ssyncadd.s32 $0xFFFFC400  }
0xee: {  	[tilespmem:s7], [sflag:$0x3] =	stream.linear.gather [hbm4b:s24+s4], $0x100, $0x38;
	[tilespmem:$0x1F600] =	vst v63  }
0xef: {  	s29 =	simm.s32 $0x14180;
	s31 =	sshrl.u32 s31, $0xA  }
0xf0: {  	[spmem:s3] =	stream.indirect.scatter.add.f32 [tilespmem:s11], [sflag:$0xC], $0x80, s29, s8, $0xb8;
	[tilespmem:$0x1F600] =	vst v63  }
0xf1: {  	s31 =	smul.u32 $0x6, s31;
	_ =	swait.ge [sflag:s23], $0x3C00  }
0xf2: {  	[sflag:s23] =	ssyncset.done $0x0  }
0xf3: {  	s19 =	smov.u32 s17;
	s17 =	ssub.s32 s0, s31;
	[sflag:s23] =	ssyncadd.s32 $0xFFFFC400  }
0xf4: {  	s17 =	sand.u32 $0xFF, s17;
	_ =	swait.ge [sflag:s15], $0x100  }
0xf5: {  	s17 =	sshll.u32 s17, $0x8;
	[sflag:s15] =	ssyncset.done $0x0  }
0xf6: {  	s17 =	sadd.s32 $0x13C00, s17;
	[sflag:s15] =	ssyncadd.s32 $0xFFFFFF00  }
0xf7: {  	[tilespmem:s18], [sflag:$0x8] =	stream.indirect.gather [hbm4b:s5+s8], $0x80, s17, s8, $0xb8;
	[tilespmem:$0x1F600] =	vst v63  }
0xf8: {  	_ =	swait.ge [sflag:s13], $0x3C00  }
0xf9: {  	[sflag:s13] =	ssyncset.done $0x0  }
0xfa: {  	s2 =	sadd.s32 $0xC0, s2;
	s17 =	simm.s32 $0x13F00;
	[sflag:s13] =	ssyncadd.s32 $0xFFFFC400  }
0xfb: {  	[tilespmem:s17], [sflag:$0x4] =	stream.linear.gather [hbm4b:s2+s4], $0x100, $0x38;
	[tilespmem:$0x1F600] =	vst v63  }
0xfc: {  	s31 =	smov.u32 s28;
	s28 =	simm.s32 $0x13C80  }
0xfd: {  	[spmem:s3] =	stream.indirect.scatter.add.f32 [tilespmem:s10], [sflag:$0xA], $0x80, s28, s8, $0xb8;
	[tilespmem:$0x1F600] =	vst v63  }
0xfe: {  	_ =	swait.ge [sflag:s30], $0x3C00  }
0xff: {  	[sflag:s30] =	ssyncset.done $0x0  }
0x100: {  	[sflag:s30] =	ssyncadd.s32 $0xFFFFC400  }
0x101: {  	_ =	swait.ge [sflag:s6], $0x100  }
0x102: {  	[sflag:s6] =	ssyncset.done $0x0  }
0x103: {  	[sflag:s6] =	ssyncadd.s32 $0xFFFFFF00  }
0x104: {  	[tilespmem:s11], [sflag:$0x9] =	stream.indirect.gather [hbm4b:s5+s8], $0x80, s7, s8, $0xb8;
	[tilespmem:$0x1F600] =	vst v63  }
0x105: {  	_ =	swait.ge [sflag:s20], $0x3C00  }
0x106: {  	[sflag:s20] =	ssyncset.done $0x0  }
0x107: {  	s14 =	sadd.s32 $0xC0, s14;
	s28 =	simm.s32 $0x14000;
	[sflag:s20] =	ssyncadd.s32 $0xFFFFC400  }
0x108: {  	[tilespmem:s28], [sflag:$0x5] =	stream.linear.gather [hbm4b:s14+s4], $0x100, $0x38;
	[tilespmem:$0x1F600] =	vst v63  }
0x109: {  	s29 =	simm.s32 $0x13D80  }
0x10a: {  	[spmem:s3] =	stream.indirect.scatter.add.f32 [tilespmem:s18], [sflag:$0xB], $0x80, s29, s8, $0xb8;
	[tilespmem:$0x1F600] =	vst v63  }
0x10b: {  	_ =	swait.ge [sflag:s26], $0x3C00  }
0x10c: {  	[sflag:s26] =	ssyncset.done $0x0  }
0x10d: {  	s29 =	simm.s32 $0x4;
	[sflag:s26] =	ssyncadd.s32 $0xFFFFC400  }
0x10e: {  	_ =	swait.ge [sflag:s29], $0x100  }
0x10f: {  	[sflag:s29] =	ssyncset.done $0x0  }
0x110: {  	[sflag:s29] =	ssyncadd.s32 $0xFFFFFF00  }
0x111: {  	[tilespmem:s10], [sflag:$0x7] =	stream.indirect.gather [hbm4b:s5+s8], $0x80, s17, s8, $0xb8;
	[tilespmem:$0x1F600] =	vst v63  }
0x112: {  	_ =	swait.ge [sflag:s12], $0x3C00  }
0x113: {  	[sflag:s12] =	ssyncset.done $0x0  }
0x114: {  	s1 =	sadd.s32 $0xC0, s1;
	s0 =	simm.s32 $0x14100;
	[sflag:s12] =	ssyncadd.s32 $0xFFFFC400  }
0x115: {  	[tilespmem:s0], [sflag:$0x6] =	stream.linear.gather [hbm4b:s1+s4], $0x100, $0x38;
	[tilespmem:$0x1F600] =	vst v63  }
0x116: {  	s29 =	simm.s32 $0x13E80  }
0x117: {  	[spmem:s3] =	stream.indirect.scatter.add.f32 [tilespmem:s11], [sflag:$0xC], $0x80, s29, s8, $0xb8;
	[tilespmem:$0x1F600] =	vst v63  }
0x118: {  	_ =	swait.ge [sflag:s23], $0x3C00  }
0x119: {  	[sflag:s23] =	ssyncset.done $0x0  }
0x11a: {  	s29 =	simm.s32 $0x5;
	[sflag:s23] =	ssyncadd.s32 $0xFFFFC400  }
0x11b: {  	_ =	swait.ge [sflag:s29], $0x100  }
0x11c: {  	[sflag:s29] =	ssyncset.done $0x0  }
0x11d: {  	[sflag:s29] =	ssyncadd.s32 $0xFFFFFF00  }
0x11e: {  	[tilespmem:s18], [sflag:$0x8] =	stream.indirect.gather [hbm4b:s5+s8], $0x80, s28, s8, $0xb8;
	[tilespmem:$0x1F600] =	vst v63  }
0x11f: {  	s17 =	smin.u32 s16, $0x4D;
	_ =	swait.ge [sflag:s13], $0x3C00  }
0x120: {  	s17 =	sshll.u32 s17, $0x8;
	s29 =	rddreg [dreg:$0x4]  }
0x121: {  	s17 =	sadd.s32 s17, s29  }
0x122: {  	[sflag:s13] =	ssyncset.done $0x0;
	s17 =	sshrl.u32 s17, $0x3  }
0x123: {  	[sflag:s13] =	ssyncadd.s32 $0xFFFFC400;
	s17 =	sadd.s32 s31, s17  }
0x124: {  	[tilespmem:s22], [sflag:$0x1] =	stream.linear.gather [hbm4b:s17+s4], $0x100, $0x38;
	[tilespmem:$0x1F600] =	vst v63  }
0x125: {  	s28 =	simm.s32 $0x13F80  }
0x126: {  	[spmem:s3] =	stream.indirect.scatter.add.f32 [tilespmem:s10], [sflag:$0xA], $0x80, s28, s8, $0xb8;
	[tilespmem:$0x1F600] =	vst v63  }
0x127: {  	_ =	swait.ge [sflag:s30], $0x3C00  }
0x128: {  	[sflag:s30] =	ssyncset.done $0x0  }
0x129: {  	[sflag:s30] =	ssyncadd.s32 $0xFFFFC400  }
0x12a: {  	_ =	swait.ge [sflag:s21], $0x100  }
0x12b: {  	[sflag:s21] =	ssyncset.done $0x0  }
0x12c: {  	p0 =	sne.s32 s25, $0x4E;
	s16 =	smin.u32 s16, $0x4C;
	[sflag:s21] =	ssyncadd.s32 $0xFFFFFF00  }
0x12d: {  	[tilespmem:s11], [sflag:$0x9] =	stream.indirect.gather [hbm4b:s5+s8], $0x80, s0, s8, $0xb8;
	[tilespmem:$0x1F600] =	vst v63  }
.Ltmp1:
0x12e: {  	s16 =	sshll.u32 s16, $0x8;
	s17 =	smov.u32 s19;
	(pc) =	sbr.rel @p0 .LBB2_4-.Ltmp1, $4  }
0x12f: {  	s25 =	sadd.s32 $0x6, s25;
	s16 =	sadd.s32 s16, s17;
	_ =	swait.ge [sflag:s20], $0x3C00  }
0x130: {  	s24 =	sadd.s32 $0xC0, s24;
	s16 =	sshrl.u32 s16, $0x3;
	[sflag:s20] =	ssyncset.done $0x0  }
0x131: {  	s29 =	simm.s32 $0x13D00;
	s16 =	sadd.s32 s31, s16;
	[sflag:s20] =	ssyncadd.s32 $0xFFFFC400  }
0x132: {  	[tilespmem:s29], [sflag:$0x2] =	stream.linear.gather [hbm4b:s16+s4], $0x100, $0x38;
	[tilespmem:$0x1F600] =	vst v63  }
0x133: {  	s0 =	simm.s32 $0x14080  }
0x134: {  	[spmem:s3] =	stream.indirect.scatter.add.f32 [tilespmem:s18], [sflag:$0xB], $0x80, s0, s8, $0xb8;
	[tilespmem:$0x1F600] =	vst v63  }
0x135: {  	_ =	swait.ge [sflag:s12], $0x3C00  }
0x136: {  	[sflag:s12] =	ssyncset.done $0x0  }
0x137: {  	s22 =	simm.s32 $0x14180;
	[sflag:s12] =	ssyncadd.s32 $0xFFFFC400  }
0x138: {  	[spmem:s3] =	stream.indirect.scatter.add.f32 [tilespmem:s11], [sflag:$0xC], $0x80, s22, s8, $0xb8;
	[tilespmem:$0x1F600] =	vst v63  }
0x139: {  	_ =	swait.ge [sflag:s26], $0x3C00  }
0x13a: {  	[sflag:s26] =	ssyncset.done $0x0  }
0x13b: {  	[sflag:s26] =	ssyncadd.s32 $0xFFFFC400  }
0x13c: {  	_ =	swait.ge [sflag:s23], $0x3C00  }
0x13d: {  	[sflag:s23] =	ssyncset.done $0x0  }
0x13e: {  	[sflag:s23] =	ssyncadd.s32 $0xFFFFC400  }
0x13f: {  	_ =	swait.ge [sflag:s30], $0x3C00  }
0x140: {  	[sflag:s30] =	ssyncset.done $0x0  }
0x141: {  	[sflag:s30] =	ssyncadd.s32 $0xFFFFC400  }
0x142: {  	_ =	swait.ge [sflag:s9], $0x100  }
0x143: {  	[sflag:s9] =	ssyncset.done $0x0  }
0x144: {  	[sflag:s9] =	ssyncadd.s32 $0xFFFFFF00  }
0x145: {  	_ =	swait.ge [sflag:s15], $0x100  }
0x146: {  	[sflag:s15] =	ssyncset.done $0x0  }
0x147: {  	[sflag:s15] =	ssyncadd.s32 $0xFFFFFF00  }
0x148: {  	s1 =	stileid.u32;
	[bflag:$0x0] =	sbarrier.arrive $0xFFFF  }
0x149: {  	s19 =	simm.s32 $0xD;
	s1 =	sshll.u32 s1, $0x6;
	s14 =	rddreg [dreg:$0x5]  }
0x14a: {  	s1 =	sor.u32 $0x1C0D, s1;
	s24 =	rddreg [dreg:$0x11];
	s2 =	sshrl.u32 s14, $0x3  }
0x14b: {  	[hbm:s24], [sflag:s1] =	dma.local [spmem:s2], $0x2780  }
0x14c: {  	_ =	swait.ge [sflag:s19], $0x2780  }
0x14d: {  	s25 =	rddreg [dreg:$0x19]  }
0x14e: {  	s29 =	rddreg [dreg:$0x12];
	s1 =	sadd.s32 $0x1, s25  }
0x14f: {  	s7 =	simm.s32 $0x1;
	p0 =	sne.s32 s1, s29  }
.Ltmp2:
0x150: {  	s28 =	simm.s32 $0x13C80;
	s6 =	simm.s32 $0x3;
	(pc) =	sbr.rel @p0 .LBB2_1-.Ltmp2, $4  }
0x151: {  	s16 =	simm.s32 $0x14000;
	s21 =	simm.s32 $0x13D80;
	s10 =	simm.s32 $0x14200  }
0x152: {  	s18 =	simm.s32 $0x17E00;
	s22 =	simm.s32 $0x13D00;
	s11 =	simm.s32 $0x1BA00  }
0x153: {  	s9 =	simm.s32 $0x2;
	s15 =	simm.s32 $0x13F00;
	[sflag:s19] =	ssyncset.done $0x0  }
0x154: {  	s24 =	simm.s32 $0x13C00;
	[sflag:s19] =	ssyncadd.s32 $0xFFFFD880;
	s25 =	simm.s32 $0x13E00  }
0x155: {  	_ =	sfence.sel $0x180000  }
0x156: {  	[bflag:$0x0] =	sbarrier.arrive $0xFFFF  }
0x157: {  	_ =	strace $0x9000004A  }
0x158: {  	s0 =	stileid.u32;
	[bflag:$0x2] =	sbarrier.arrive $0xFFFF  }
0x159: {  	p0 =	sne.s32 s0, $0x0;
	s0 =	rddreg [dreg:$0x3]  }
0x15a: {  	s0 =	sadd.s32 @!p0 $0x100000, s0  }
0x15b: {  	[sflag:s0] =	ssyncadd.tile.s32 @!p0 $0x1;
	_ =	shalt  }
.Lfunc_end2:
_tile_overlayer_lowered:
.L_overlay_start_2:
0x15c: {  	(tag) =	ssettag $0x2  }
0x15d: {  	s0 =	rddreg [dreg:$0x0];
	s2 =	stileid.u32  }
0x15e: {  	s1 =	rddreg [dreg:$0x1];
	p0 =	sne.s32 s2, $0x0  }
0x15f: {  	s3 =	rddreg [dreg:$0x2];
	[bflag:$0x3] =	sbarrier.arrive $0xFFFF;
	s2 =	simm.s32 @!p0 $0x1C0D  }
0x160: {  	[timem:s3], [sflag:s2] =	dma.local @!p0 [hbm:s0], s1  }
0x161: {  	s0 =	simm.s32 @!p0 $0xD  }
0x162: {  	_ =	swait.ge @!p0 [sflag:s0], s1  }
0x163: {  	s1 =	ssub.s32 @!p0 $0x0, s1;
	[sflag:s0] =	ssyncset.done @!p0 $0x0  }
0x164: {  	[sflag:s0] =	ssyncadd.s32 @!p0 s1  }
0x165: {  	[bflag:$0x3] =	sbarrier.arrive $0xFFFF  }
0x166: {  	_ =	shalt  }

// kernel: kernel.14.cloned.1.call-start
scs
__scs_entry_jumppad:
0x0: {  	(pc) =	sbr.rel $0x88, $3  }
0x1: {  	(tag) =	ssettag $0x0;
	lr =	simm.s32 $0x1  }
0x2: {  	[smem:$0x3F9B] =	sst lr;
	_ =	strace $0xD0000000  }
0x3: {  	_ = 	snop  }
0x4: {  	_ = 	snop  }
0x5: {  	_ = 	snop  }
0x6: {  	_ = 	snop  }
0x7: {  	_ = 	snop  }
__scs_overlays_trampoline_lowered:
0x8: {  	[smem:$0x3FAA] =	sst s0  }
0x9: {  	[smem:$0x3FAB] =	sst s1  }
0xa: {  	[smem:$0x3FAC] =	sst s2  }
0xb: {  	[smem:$0x3FAD] =	sst s3  }
0xc: {  	[smem:$0x3FAE] =	sst s4  }
0xd: {  	[smem:$0x3FAF] =	sst s5  }
0xe: {  	[smem:$0x3FB0] =	sst s6  }
0xf: {  	[smem:$0x3FB1] =	sst s7  }
0x10: {  	[smem:$0x3FB2] =	sst s8  }
0x11: {  	[smem:$0x3FB3] =	sst s9;
	s0 =	simm.s32 @!p0 $0x0  }
0x12: {  	s1 =	sld [smem:$0x3F99];
	s0 =	simm.s32 @p0 $0x1  }
0x13: {  	[smem:$0x3FB4] =	sst s0;
	s0 =	simm.s32 @!p1 $0x0  }
0x14: {  	s2 =	sld [smem:$0x3F98];
	s0 =	simm.s32 @p1 $0x1  }
0x15: {  	[smem:$0x3FB5] =	sst s0;
	s0 =	simm.s32 @!p2 $0x0  }
0x16: {  	s3 =	sld [smem:$0x3FDB];
	s0 =	simm.s32 @p2 $0x1  }
0x17: {  	s4 =	simm.s32 $0x1BF5;
	[smem:$0x3FB7] =	sst s0  }
0x18: {  	s0 =	sld [smem:$0x3F9A];
	_ =	swait.ge [sflag:s4], $0x0  }
0x19: {  	s7 =	sld [smem:$0x3F9B]  }
0x1a: {  	s8 =	sadd.s32 $0xFFFFE003, lr  }
0x1b: {  	s9 =	sadd.s32 $0xFFFFFEF7, lr;
	s5 =	simm.s32 $0xFFFFFFFF;
	p2 =	slt.u32 s8, $0xFFFFF086  }
0x1c: {  	p1 =	slt.u32 s9, $0xF7A;
	s5 =	simm.s32 @!p2 $0x0  }
0x1d: {  	s5 =	simm.s32 @p1 $0x1;
	p0 =	seq.s32 s7, s2  }
0x1e: {  	s7 =	smul.u32 @!p0 $0xF7A, s2;
	p2 =	seq.s32 @!p0 s5, $0x0  }
0x1f: {  	s9 =	smul.u32 $0xF7A, s1;
	s8 =	simm.s32 @!p0 $0x1BF5;
	p2 =	por !p2, p0  }
0x20: {  	[sflag:s8] =	ssyncset.s32 @!p0 $0xFFFFF086;
	s6 =	sadd.s32 @!p0 s3, s7;
	s7 =	simm.s32 @!p0 $0x108  }
0x21: {  	s3 =	sadd.s32 s3, s9;
	s6 =	sadd.s32 @!p0 $0x88, s6;
	s7 =	simm.s32 @p2 $0x1082  }
0x22: {  	[simem:s7], [sflag:s8] =	dma.local @!p0 [hbm:s6], $0xF7A  }
0x23: {  	s9 =	sor.u32 $0xD0000000, s2;
	s6 =	simm.s32 $0x108;
	_ =	swait.ge @!p0 [sflag:s8], $0x0  }
0x24: {  	s3 =	sadd.s32 $0x88, s3;
	s6 =	simm.s32 @!p1 $0x1082;
	[sflag:s4] =	ssyncset.s32 $0xFFFFF086  }
0x25: {  	[simem:s6], [sflag:s4] =	dma.local [hbm:s3], $0xF7A  }
0x26: {  	[smem:$0x3F9B] =	sst s1;
	(tag) =	ssettag s2;
	_ =	strace s9  }
0x27: {  	s1 =	sld [smem:$0x3FAB]  }
0x28: {  	s2 =	sld [smem:$0x3FAC]  }
0x29: {  	s4 =	sld [smem:$0x3FAE]  }
0x2a: {  	p0 =	seq.s32 s5, $0x0;
	s5 =	sld [smem:$0x3FAF]  }
0x2b: {  	s6 =	sld [smem:$0x3FB0]  }
0x2c: {  	s7 =	sld [smem:$0x3FB1]  }
0x2d: {  	s3 =	simm.s32 $0x108;
	s8 =	sld [smem:$0x3FB2]  }
0x2e: {  	s3 =	simm.s32 @!p0 $0x1082;
	s9 =	sld [smem:$0x3FB3]  }
0x2f: {  	lr =	sadd.s32 s0, s3;
	s0 =	sld [smem:$0x3FAA]  }
0x30: {  	s3 =	sld [smem:$0x3FAD]  }
0x31: {  	[smem:$0x3FB6] =	sst s10  }
0x32: {  	s10 =	sld [smem:$0x3FB4];
	_ =	sdelay $0x3  }
0x33: {  	p0 =	seq.s32 s10, $0x1;
	s10 =	sld [smem:$0x3FB6];
	_ =	sdelay $0x3  }
0x34: {  	[smem:$0x3FB6] =	sst s10  }
0x35: {  	s10 =	sld [smem:$0x3FB5];
	_ =	sdelay $0x3  }
0x36: {  	p1 =	seq.s32 s10, $0x1;
	s10 =	sld [smem:$0x3FB6];
	_ =	sdelay $0x3  }
0x37: {  	[smem:$0x3FB6] =	sst s10  }
0x38: {  	s10 =	sld [smem:$0x3FB7]  }
0x39: {  	_ = 	snop;
	(pc) =	sbr.ind lr, $3  }
0x3a: {  	_ = 	snop  }
0x3b: {  	_ = 	snop  }
0x3c: {  	p2 =	seq.s32 s10, $0x1;
	s10 =	sld [smem:$0x3FB6]  }
0x3d: {  	_ =	shalt  }
0x3e: {  	_ =	shalt  }
0x3f: {  	_ =	shalt  }
0x40: {  	_ =	shalt  }
0x41: {  	_ =	shalt  }
0x42: {  	_ =	shalt  }
0x43: {  	_ =	shalt  }
0x44: {  	_ =	shalt  }
0x45: {  	_ =	shalt  }
0x46: {  	_ =	shalt  }
0x47: {  	_ =	shalt  }
0x48: {  	_ =	shalt  }
0x49: {  	_ =	shalt  }
0x4a: {  	_ =	shalt  }
0x4b: {  	_ =	shalt  }
0x4c: {  	_ =	shalt  }
0x4d: {  	_ =	shalt  }
0x4e: {  	_ =	shalt  }
0x4f: {  	_ =	shalt  }
0x50: {  	_ =	shalt  }
0x51: {  	_ =	shalt  }
0x52: {  	_ =	shalt  }
0x53: {  	_ =	shalt  }
0x54: {  	_ =	shalt  }
0x55: {  	_ =	shalt  }
0x56: {  	_ =	shalt  }
0x57: {  	_ =	shalt  }
0x58: {  	_ =	shalt  }
0x59: {  	_ =	shalt  }
0x5a: {  	_ =	shalt  }
0x5b: {  	_ =	shalt  }
0x5c: {  	_ =	shalt  }
0x5d: {  	_ =	shalt  }
0x5e: {  	_ =	shalt  }
0x5f: {  	_ =	shalt  }
0x60: {  	_ =	shalt  }
0x61: {  	_ =	shalt  }
0x62: {  	_ =	shalt  }
0x63: {  	_ =	shalt  }
0x64: {  	_ =	shalt  }
0x65: {  	_ =	shalt  }
0x66: {  	_ =	shalt  }
0x67: {  	_ =	shalt  }
0x68: {  	_ =	shalt  }
0x69: {  	_ =	shalt  }
0x6a: {  	_ =	shalt  }
0x6b: {  	_ =	shalt  }
0x6c: {  	_ =	shalt  }
0x6d: {  	_ =	shalt  }
0x6e: {  	_ =	shalt  }
0x6f: {  	_ =	shalt  }
0x70: {  	_ =	shalt  }
0x71: {  	_ =	shalt  }
0x72: {  	_ =	shalt  }
0x73: {  	_ =	shalt  }
0x74: {  	_ =	shalt  }
0x75: {  	_ =	shalt  }
0x76: {  	_ =	shalt  }
0x77: {  	_ =	shalt  }
0x78: {  	_ =	shalt  }
0x79: {  	_ =	shalt  }
0x7a: {  	_ =	shalt  }
0x7b: {  	_ =	shalt  }
0x7c: {  	_ =	shalt  }
0x7d: {  	_ =	shalt  }
0x7e: {  	_ =	shalt  }
0x7f: {  	_ =	shalt  }
0x80: {  	_ =	shalt  }
0x81: {  	_ =	shalt  }
0x82: {  	_ =	shalt  }
0x83: {  	_ =	shalt  }
0x84: {  	_ =	shalt  }
0x85: {  	_ =	shalt  }
0x86: {  	_ =	shalt  }
0x87: {  	_ =	shalt  }
.Lfunc_end0:
.L_simem_size_0:
called_computation.2_lowered:
.L_overlay_start_0:
0x88: {  	s2 =	sld [smem:$0x3FD9]  }
0x89: {  	s3 =	sld [smem:$0x3FFE];
	_ =	sdelay $0x1  }
0x8a: {  	s1 =	srdreg.scid  }
0x8b: {  	s0 =	sand.u32 $0x1, s1  }
0x8c: {  	s17 =	sshll.u32 s0, $0xA;
	s2 =	sadd.s32 s3, s2  }
0x8d: {  	s2 =	sadd.s32 s2, s17  }
0x8e: {  	[smem:$0x3FC2] =	sst s2  }
0x8f: {  	_ = 	snop  }
0x90: {  	s2 =	sld [smem:$0x3FD0];
	(tm) =	ssettm $0x1  }
0x91: {  	s18 =	sld [smem:$0x3FFB];
	_ =	sdelay $0x3  }
0x92: {  	_ =	strace s18  }
0x93: {  	s3 =	sld [smem:$0x3FFC];
	_ =	sdelay $0x3  }
0x94: {  	_ =	strace s3  }
0x95: {  	s3 =	sld [smem:$0x3FFD];
	_ =	sdelay $0x3  }
0x96: {  	_ =	strace s3  }
0x97: {  	_ =	strace $0x8FFFFFFF  }
0x98: {  	s19 =	sld [smem:$0x3FDB];
	_ =	sdelay $0x1  }
0x99: {  	s4 =	simm.s32 $_scs_section_size  }
0x9a: {  	s5 =	simm.s32 $_size__tile_overlayer_lowered;
	s6 =	simm.s32 $_tile_overlayer_lowered  }
0x9b: {  	s22 =	simm.s32 $0x1BFF;
	s21 =	sshll.u32 s6, $0x1;
	s3 =	sadd.s32 s4, s19  }
0x9c: {  	s7 =	simm.s32 $0x0;
	s20 =	sshll.u32 s5, $0x1;
	s5 =	sadd.s32 s21, s3  }
0x9d: {  	[timem:s7], [sflag:s22] =	dma.local [hbm:s5], s20  }
0x9e: {  	_ =	swait.ge [sflag:s22], s20  }
0x9f: {  	s4 =	ssub.s32 $0x0, s20;
	[sflag:s22] =	ssyncset.done $0x0  }
0xa0: {  	[sflag:s22] =	ssyncadd.s32 s4;
	_ =	sdelay $0x1  }
0xa1: {  	s23 =	simm.s32 $0x1B8B  }
0xa2: {  	_ =	swait.ge [sflag:s23], $0x1  }
0xa3: {  	[sflag:s23] =	ssyncset.done $0x0  }
0xa4: {  	s25 =	simm.s32 $0x1B8E;
	s24 =	sld [smem:$0x3FFE];
	[sflag:s23] =	ssyncadd.s32 $0xFFFFFFFF  }
0xa5: {  	s26 =	simm.s32 $execute0_lowered;
	[smem:$0x3FD2] =	sst s25  }
0xa6: {  	s5 =	sshll.u32 s26, $0x1;
	_ =	strace $0x8000004C;
	[dreg:$0x1] =	wrdreg $0xFFFFFFFF  }
0xa7: {  	s28 =	simm.s32 $_size_execute0_lowered;
	s3 =	sadd.s32 s3, s5;
	[dreg:$0x0] =	wrdreg $0x0  }
0xa8: {  	s5 =	sshll.u32 s28, $0x1;
	[dreg:$0x2] =	wrdreg s3  }
0xa9: {  	[dreg:$0x3] =	wrdreg s5  }
0xaa: {  	[dreg:$0x4] =	wrdreg $0xC0  }
0xab: {  	_ =	task [dreg:s7], $0x5FFFF  }
0xac: {  	[dreg:$0x1] =	wrdreg $0xFFFFFFFF  }
0xad: {  	[dreg:$0x0] =	wrdreg $0x60  }
0xae: {  	[dreg:$0x2] =	wrdreg s24  }
0xaf: {  	[dreg:$0x3] =	wrdreg s2  }
0xb0: {  	[dreg:$0x4] =	wrdreg $0x0  }
0xb1: {  	[dreg:$0x5] =	wrdreg $0x9  }
0xb2: {  	_ =	task.clear_ibuf [dreg:s7], $0x6FFFF;
	_ =	strace $0x9000004C  }
0xb3: {  	s29 =	simm.s32 $0x9;
	_ =	strace $0x8000004E  }
0xb4: {  	_ =	swait.ge [sflag:s29], $0x1  }
0xb5: {  	[sflag:s29] =	ssyncadd.s32 $0xFFFFFFFF  }
0xb6: {  	_ =	strace $0x9000004E  }
0xb7: {  	_ =	sfence  }
0xb8: {  	s30 =	sld [smem:$0x0];
	_ =	sdelay $0x2  }
0xb9: {  	s31 =	sshll.u32 s1, $0xD;
	s1 =	sshrl.u32 s1, $0x2  }
0xba: {  	s3 =	sand.u32 $0x4000, s31;
	s1 =	sadd.s32 s1, s30  }
0xbb: {  	s0 =	sor.u32 s3, s0;
	s1 =	sshll.u32 s1, $0x11  }
0xbc: {  	s0 =	sor.u32 s1, s0  }
0xbd: {  	s0 =	sadd.s32 $0x8F2B, s0  }
0xbe: {  	[sflag:s0] =	ssyncadd.remote.s32 $0x1  }
0xbf: {  	_ =	sfence.sel $0xFFFF  }
0xc0: {  	[dreg:$0x0] =	wrdreg $0xFFFFFFFF;
	(pc) =	sbr.abs _section_cstart, $3  }
0xc1: {  	[dreg:$0x1] =	wrdreg $0xFFFFFFFF  }
0xc2: {  	_ =	task.clear_ibuf [dreg:s7], $0x2FFFF;
	_ =	strace $0x9FFFFFFF  }
0xc3: {  	(tm) =	ssettm $0x7FFFFFFF  }
tec
execute0_lowered:
.L_overlay_start_1:
0x0: {  	(tag) =	ssettag $0x1  }
0x1: {  	s0 =	rddreg [dreg:$0x0];
	s1 =	srdreg.scid  }
0x2: {  	s31 =	rddreg [dreg:$0x1];
	s9 =	stileid.u32  }
0x3: {  	s3 =	rddreg [dreg:$0x2];
	s5 =	smul.u32 $0x13C00, s9  }
0x4: {  	s4 =	simm.s32 $0x0;
	s28 =	simm.s32 $0x13C80;
	s6 =	smul.u32 $0x4F000, s9  }
0x5: {  	s1 =	sand.u32 $0x1, s1;
	[smem:$0x7FF] =	sst s4;
	s11 =	smul.u32 $0x5400, s9  }
0x6: {  	s30 =	simm.s32 $0xC;
	s2 =	smul.u32 $0x13C000, s1;
	_ =	strace $0x8000004D  }
0x7: {  	s20 =	sshll.u32 s1, $0x4;
	s7 =	ssub.s32 $0x2, s1;
	s1 =	smul.u32 $0x54000, s1  }
0x8: {  	s6 =	sshrl.u32 s6, $0x2;
	s8 =	sshrl.u32 s7, $0x1;
	s2 =	sadd.s32 s5, s2  }
0x9: {  	s5 =	sadd.s32 $0x2600, s0;
	s14 =	sadd.s32 s6, s3;
	s21 =	ssub.s32 s7, s8  }
0xa: {  	s1 =	sadd.s32 s11, s1;
	s22 =	sadd.s32 $0x3C00, s14;
	[dreg:$0x5] =	wrdreg s14  }
0xb: {  	s6 =	simm.s32 $0x3;
	s23 =	sadd.s32 $0x7800, s14;
	[dreg:$0x6] =	wrdreg s22  }
0xc: {  	s11 =	simm.s32 $0x1BA00;
	s24 =	sadd.s32 $0xB400, s14;
	[dreg:$0x7] =	wrdreg s23  }
0xd: {  	s2 =	sshrl.u32 s2, $0x3;
	s25 =	sadd.s32 $0xF000, s14;
	[dreg:$0x8] =	wrdreg s24  }
0xe: {  	s29 =	sadd.s32 $0x12C00, s14;
	s18 =	sadd.s32 $0xB00, s1;
	[dreg:$0x9] =	wrdreg s25  }
0xf: {  	s19 =	smax.u32 s21, $0x1;
	s21 =	sadd.s32 $0xA00, s1;
	[dreg:$0xa] =	wrdreg s29  }
0x10: {  	s0 =	sadd.s32 s2, s0;
	s2 =	sor.u32 s9, s20;
	[dreg:$0x12] =	wrdreg s19  }
0x11: {  	s20 =	sshrl.u32 s18, $0x3;
	s22 =	sadd.s32 $0x900, s1;
	s1 =	sadd.s32 $0x800, s1  }
0x12: {  	s19 =	simm.s32 $0xD;
	s9 =	simm.s32 $0x2;
	s18 =	simm.s32 $0x17E00  }
0x13: {  	s2 =	smul.u32 $0x5400, s2;
	s0 =	sadd.s32 $0x29E00, s0;
	s24 =	sshrl.u32 s1, $0x3  }
0x14: {  	s1 =	simm.s32 $0x0;
	[dreg:$0x11] =	wrdreg s0;
	s0 =	sadd.s32 s20, s31  }
0x15: {  	s29 =	sadd.s32 $0x600, s2;
	[dreg:$0x13] =	wrdreg s0;
	s0 =	sshrl.u32 s21, $0x3  }
0x16: {  	s26 =	sshrl.u32 s2, $0x3;
	s0 =	sadd.s32 s0, s31;
	[dreg:$0x4] =	wrdreg s29  }
0x17: {  	s20 =	simm.s32 $0x8;
	s10 =	sadd.s32 s31, s26;
	[dreg:$0x14] =	wrdreg s0  }
0x18: {  	s17 =	sadd.s32 $0x700, s2;
	s7 =	sadd.s32 $0x20, s10;
	[dreg:$0xb] =	wrdreg s10  }
0x19: {  	s21 =	simm.s32 $0x13D80;
	s8 =	sadd.s32 $0x40, s10;
	[dreg:$0xc] =	wrdreg s7  }
0x1a: {  	s13 =	sshrl.u32 s29, $0x3;
	s12 =	sadd.s32 $0x60, s10;
	[dreg:$0xd] =	wrdreg s8  }
0x1b: {  	s15 =	sshrl.u32 s17, $0x3;
	s2 =	sadd.s32 s31, s13;
	[dreg:$0xe] =	wrdreg s12  }
0x1c: {  	s16 =	sadd.s32 s31, s15;
	s0 =	sadd.s32 s24, s31;
	[dreg:$0xf] =	wrdreg s2  }
0x1d: {  	s25 =	sadd.s32 $0x80, s10;
	s26 =	sadd.s32 $0xA0, s10;
	[dreg:$0x10] =	wrdreg s16  }
0x1e: {  	s10 =	simm.s32 $0x14200;
	s24 =	simm.s32 $0x13C00;
	[dreg:$0x16] =	wrdreg s0  }
0x1f: {  	s15 =	simm.s32 $0x13F00;
	s13 =	simm.s32 $0x7;
	[dreg:$0x17] =	wrdreg s25  }
0x20: {  	s2 =	sshrl.u32 s22, $0x3;
	[dreg:$0x18] =	wrdreg s26;
	s22 =	simm.s32 $0x13D00  }
0x21: {  	s25 =	simm.s32 $0x13E00;
	s7 =	simm.s32 $0x1;
	s8 =	simm.s32 $0x78  }
0x22: {  	s16 =	simm.s32 $0x14000;
	s26 =	simm.s32 $0xA;
	s23 =	sadd.s32 s2, s31  }
0x23: {  	v0 =	vimm.f32 $0.0e+00;
	s12 =	simm.s32 $0x9;
	[dreg:$0x15] =	wrdreg s23;
	s23 =	simm.s32 $0xB  }
.LBB2_1:
0x24: {  	[dreg:$0x19] =	wrdreg s1;
	s1 =	simm.s32 $0x0;
	s2 =	simm.s32 $0x200  }
.LBB2_2:
0x25: {  	p0 =	sne.s32 s2, $0xEE00;
	[tilespmem:s1+$0x14270] =	vst v0  }
0x26: {  	[tilespmem:s1+$0x14200] =	vst v0  }
0x27: {  	[tilespmem:s1+$0x14210] =	vst v0  }
.Ltmp0:
0x28: {  	[tilespmem:s1+$0x14220] =	vst v0;
	(pc) =	sbr.rel @p0 .LBB2_2-.Ltmp0, $4  }
0x29: {  	[tilespmem:s1+$0x14230] =	vst v0  }
0x2a: {  	[tilespmem:s1+$0x14240] =	vst v0  }
0x2b: {  	[tilespmem:s1+$0x14250] =	vst v0  }
0x2c: {  	[tilespmem:s1+$0x14260] =	vst v0;
	s1 =	sshra.s32 s2, $0x2;
	s2 =	sadd.s32 $0x200, s2  }
0x2d: {  	[tilespmem:s1+$0x14270] =	vst v0  }
0x2e: {  	[tilespmem:s1+$0x14200] =	vst v0  }
0x2f: {  	[tilespmem:s1+$0x14210] =	vst v0  }
0x30: {  	[tilespmem:s1+$0x14220] =	vst v0  }
0x31: {  	[tilespmem:s1+$0x14230] =	vst v0  }
0x32: {  	[tilespmem:s1+$0x14240] =	vst v0  }
0x33: {  	[tilespmem:s1+$0x14250] =	vst v0  }
0x34: {  	[tilespmem:s1+$0x14260] =	vst v0  }
0x35: {  	[spmem:s14] =	stream.linear.scatter [tilespmem:s10], [sflag:$0xD], $0x3C00, $0x38;
	[tilespmem:$0x1F600] =	vst v63  }
0x36: {  	_ =	swait.ge [sflag:s19], $0x3C00  }
0x37: {  	[sflag:s19] =	ssyncset.done $0x0  }
0x38: {  	s0 =	rddreg [dreg:$0x6];
	[sflag:s19] =	ssyncadd.s32 $0xFFFFC400  }
0x39: {  	[spmem:s0] =	stream.linear.scatter [tilespmem:s10], [sflag:$0xD], $0x3C00, $0x38;
	[tilespmem:$0x1F600] =	vst v63  }
0x3a: {  	_ =	swait.ge [sflag:s19], $0x3C00  }
0x3b: {  	[sflag:s19] =	ssyncset.done $0x0  }
0x3c: {  	s29 =	rddreg [dreg:$0x7];
	[sflag:s19] =	ssyncadd.s32 $0xFFFFC400  }
0x3d: {  	[spmem:s29] =	stream.linear.scatter [tilespmem:s10], [sflag:$0xD], $0x3C00, $0x38;
	[tilespmem:$0x1F600] =	vst v63  }
0x3e: {  	_ =	swait.ge [sflag:s19], $0x3C00  }
0x3f: {  	[sflag:s19] =	ssyncset.done $0x0  }
0x40: {  	s1 =	rddreg [dreg:$0x8];
	[sflag:s19] =	ssyncadd.s32 $0xFFFFC400  }
0x41: {  	[spmem:s1] =	stream.linear.scatter [tilespmem:s10], [sflag:$0xD], $0x3C00, $0x38;
	[tilespmem:$0x1F600] =	vst v63  }
0x42: {  	_ =	swait.ge [sflag:s19], $0x3C00  }
0x43: {  	[sflag:s19] =	ssyncset.done $0x0  }
0x44: {  	s2 =	rddreg [dreg:$0x9];
	[sflag:s19] =	ssyncadd.s32 $0xFFFFC400  }
0x45: {  	[spmem:s2] =	stream.linear.scatter [tilespmem:s10], [sflag:$0xD], $0x3C00, $0x38;
	[tilespmem:$0x1F600] =	vst v63  }
0x46: {  	_ =	swait.ge [sflag:s19], $0x3C00  }
0x47: {  	[sflag:s19] =	ssyncset.done $0x0  }
0x48: {  	s14 =	rddreg [dreg:$0xa];
	[sflag:s19] =	ssyncadd.s32 $0xFFFFC400  }
0x49: {  	[spmem:s14] =	stream.linear.scatter [tilespmem:s10], [sflag:$0xD], $0x1000, $0x38;
	[tilespmem:$0x1F600] =	vst v63  }
0x4a: {  	_ =	swait.ge [sflag:s19], $0x1000  }
0x4b: {  	[sflag:s19] =	ssyncset.done $0x0  }
0x4c: {  	[sflag:s19] =	ssyncadd.s32 $0xFFFFF000  }
0x4d: {  	[bflag:$0x0] =	sbarrier.arrive $0xFFFF  }
0x4e: {  	s19 =	rddreg [dreg:$0xb]  }
0x4f: {  	[tilespmem:s24], [sflag:$0x1] =	stream.linear.gather [hbm4b:s19+s4], $0x100, $0x38;
	[tilespmem:$0x1F600] =	vst v63  }
0x50: {  	s29 =	rddreg [dreg:$0xc]  }
0x51: {  	[tilespmem:s22], [sflag:$0x2] =	stream.linear.gather [hbm4b:s29+s4], $0x100, $0x38;
	[tilespmem:$0x1F600] =	vst v63  }
0x52: {  	s1 =	rddreg [dreg:$0xd]  }
0x53: {  	[tilespmem:s25], [sflag:$0x3] =	stream.linear.gather [hbm4b:s1+s4], $0x100, $0x38;
	[tilespmem:$0x1F600] =	vst v63  }
0x54: {  	_ =	swait.ge [sflag:s7], $0x100  }
0x55: {  	[sflag:s7] =	ssyncset.done $0x0  }
0x56: {  	[sflag:s7] =	ssyncadd.s32 $0xFFFFFF00  }
0x57: {  	[tilespmem:s10], [sflag:$0x7] =	stream.indirect.gather [hbm4b:s5+s8], $0x80, s24, s8, $0xb8;
	[tilespmem:$0x1F600] =	vst v63  }
0x58: {  	_ =	swait.ge [sflag:s9], $0x100  }
0x59: {  	[sflag:s9] =	ssyncset.done $0x0  }
0x5a: {  	[sflag:s9] =	ssyncadd.s32 $0xFFFFFF00  }
0x5b: {  	[tilespmem:s18], [sflag:$0x8] =	stream.indirect.gather [hbm4b:s5+s8], $0x80, s22, s8, $0xb8;
	[tilespmem:$0x1F600] =	vst v63  }
0x5c: {  	s2 =	rddreg [dreg:$0xe]  }
0x5d: {  	[tilespmem:s15], [sflag:$0x4] =	stream.linear.gather [hbm4b:s2+s4], $0x100, $0x38;
	[tilespmem:$0x1F600] =	vst v63  }
0x5e: {  	_ =	swait.ge [sflag:s13], $0x3C00  }
0x5f: {  	[sflag:s13] =	ssyncset.done $0x0  }
0x60: {  	[sflag:s13] =	ssyncadd.s32 $0xFFFFC400  }
0x61: {  	[spmem:s3] =	stream.indirect.scatter.add.f32 [tilespmem:s10], [sflag:$0xA], $0x80, s28, s8, $0xb8;
	[tilespmem:$0x1F600] =	vst v63  }
0x62: {  	_ =	swait.ge [sflag:s6], $0x100  }
0x63: {  	[sflag:s6] =	ssyncset.done $0x0  }
0x64: {  	[sflag:s6] =	ssyncadd.s32 $0xFFFFFF00  }
0x65: {  	[tilespmem:s11], [sflag:$0x9] =	stream.indirect.gather [hbm4b:s5+s8], $0x80, s25, s8, $0xb8;
	[tilespmem:$0x1F600] =	vst v63  }
0x66: {  	s6 =	rddreg [dreg:$0x17]  }
0x67: {  	[tilespmem:s16], [sflag:$0x5] =	stream.linear.gather [hbm4b:s6+s4], $0x100, $0x38;
	[tilespmem:$0x1F600] =	vst v63  }
0x68: {  	_ =	swait.ge [sflag:s20], $0x3C00  }
0x69: {  	[sflag:s20] =	ssyncset.done $0x0  }
0x6a: {  	[sflag:s20] =	ssyncadd.s32 $0xFFFFC400  }
0x6b: {  	[spmem:s3] =	stream.indirect.scatter.add.f32 [tilespmem:s18], [sflag:$0xB], $0x80, s21, s8, $0xb8;
	[tilespmem:$0x1F600] =	vst v63  }
0x6c: {  	_ =	swait.ge [sflag:s26], $0x3C00  }
0x6d: {  	[sflag:s26] =	ssyncset.done $0x0  }
0x6e: {  	s21 =	simm.s32 $0x4;
	[sflag:s26] =	ssyncadd.s32 $0xFFFFC400  }
0x6f: {  	_ =	swait.ge [sflag:s21], $0x100  }
0x70: {  	[sflag:s21] =	ssyncset.done $0x0  }
0x71: {  	[sflag:s21] =	ssyncadd.s32 $0xFFFFFF00  }
0x72: {  	[tilespmem:s10], [sflag:$0x7] =	stream.indirect.gather [hbm4b:s5+s8], $0x80, s15, s8, $0xb8;
	[tilespmem:$0x1F600] =	vst v63  }
0x73: {  	_ =	swait.ge [sflag:s12], $0x3C00  }
0x74: {  	[sflag:s12] =	ssyncset.done $0x0  }
0x75: {  	s14 =	simm.s32 $0x14100;
	s10 =	rddreg [dreg:$0x18];
	[sflag:s12] =	ssyncadd.s32 $0xFFFFC400  }
0x76: {  	[tilespmem:s14], [sflag:$0x6] =	stream.linear.gather [hbm4b:s10+s4], $0x100, $0x38;
	[tilespmem:$0x1F600] =	vst v63  }
0x77: {  	s18 =	simm.s32 $0x13E80  }
0x78: {  	[spmem:s3] =	stream.indirect.scatter.add.f32 [tilespmem:s11], [sflag:$0xC], $0x80, s18, s8, $0xb8;
	[tilespmem:$0x1F600] =	vst v63  }
0x79: {  	_ =	swait.ge [sflag:s23], $0x3C00  }
0x7a: {  	[sflag:s23] =	ssyncset.done $0x0  }
0x7b: {  	s29 =	simm.s32 $0x5;
	[sflag:s23] =	ssyncadd.s32 $0xFFFFC400  }
0x7c: {  	_ =	swait.ge [sflag:s29], $0x100  }
0x7d: {  	[sflag:s29] =	ssyncset.done $0x0  }
0x7e: {  	s18 =	simm.s32 $0x17E00;
	[sflag:s29] =	ssyncadd.s32 $0xFFFFFF00  }
0x7f: {  	[tilespmem:s18], [sflag:$0x8] =	stream.indirect.gather [hbm4b:s5+s8], $0x80, s16, s8, $0xb8;
	[tilespmem:$0x1F600] =	vst v63  }
0x80: {  	_ =	swait.ge [sflag:s13], $0x3C00  }
0x81: {  	[sflag:s13] =	ssyncset.done $0x0  }
0x82: {  	s19 =	rddreg [dreg:$0xf];
	[sflag:s13] =	ssyncadd.s32 $0xFFFFC400  }
0x83: {  	[tilespmem:s24], [sflag:$0x1] =	stream.linear.gather [hbm4b:s19+s4], $0x100, $0x38;
	[tilespmem:$0x1F600] =	vst v63  }
0x84: {  	s1 =	simm.s32 $0x13F80;
	s10 =	simm.s32 $0x14200  }
0x85: {  	[spmem:s3] =	stream.indirect.scatter.add.f32 [tilespmem:s10], [sflag:$0xA], $0x80, s1, s8, $0xb8;
	[tilespmem:$0x1F600] =	vst v63  }
0x86: {  	_ =	swait.ge [sflag:s30], $0x3C00  }
0x87: {  	[sflag:s30] =	ssyncset.done $0x0  }
0x88: {  	s1 =	simm.s32 $0x6;
	[sflag:s30] =	ssyncadd.s32 $0xFFFFC400  }
0x89: {  	_ =	swait.ge [sflag:s1], $0x100  }
0x8a: {  	[sflag:s1] =	ssyncset.done $0x0  }
0x8b: {  	s2 =	simm.s32 $0x14100;
	s11 =	simm.s32 $0x1BA00;
	[sflag:s1] =	ssyncadd.s32 $0xFFFFFF00  }
0x8c: {  	[tilespmem:s11], [sflag:$0x9] =	stream.indirect.gather [hbm4b:s5+s8], $0x80, s2, s8, $0xb8;
	[tilespmem:$0x1F600] =	vst v63  }
0x8d: {  	_ =	swait.ge [sflag:s20], $0x3C00  }
0x8e: {  	[sflag:s20] =	ssyncset.done $0x0  }
0x8f: {  	s6 =	rddreg [dreg:$0x10];
	[sflag:s20] =	ssyncadd.s32 $0xFFFFC400  }
0x90: {  	[tilespmem:s22], [sflag:$0x2] =	stream.linear.gather [hbm4b:s6+s4], $0x100, $0x38;
	[tilespmem:$0x1F600] =	vst v63  }
0x91: {  	s14 =	simm.s32 $0x14080  }
0x92: {  	[spmem:s3] =	stream.indirect.scatter.add.f32 [tilespmem:s18], [sflag:$0xB], $0x80, s14, s8, $0xb8;
	[tilespmem:$0x1F600] =	vst v63  }
0x93: {  	_ =	swait.ge [sflag:s26], $0x3C00  }
0x94: {  	[sflag:s26] =	ssyncset.done $0x0  }
0x95: {  	[sflag:s26] =	ssyncadd.s32 $0xFFFFC400  }
0x96: {  	_ =	swait.ge [sflag:s7], $0x100  }
0x97: {  	[sflag:s7] =	ssyncset.done $0x0  }
0x98: {  	[sflag:s7] =	ssyncadd.s32 $0xFFFFFF00  }
0x99: {  	[tilespmem:s10], [sflag:$0x7] =	stream.indirect.gather [hbm4b:s5+s8], $0x80, s24, s8, $0xb8;
	[tilespmem:$0x1F600] =	vst v63  }
0x9a: {  	s16 =	sor.u32 $0x1, s1;
	_ =	swait.ge [sflag:s12], $0x3C00  }
0x9b: {  	s19 =	sand.u32 $0xFF, s16;
	[sflag:s12] =	ssyncset.done $0x0  }
0x9c: {  	s14 =	smul.u32 $0xAB, s19;
	s6 =	rddreg [dreg:$0x16];
	[sflag:s12] =	ssyncadd.s32 $0xFFFFC400  }
0x9d: {  	[tilespmem:s25], [sflag:$0x3] =	stream.linear.gather [hbm4b:s6+s4], $0x100, $0x38;
	[tilespmem:$0x1F600] =	vst v63  }
0x9e: {  	s14 =	sshrl.u32 s14, $0xA;
	s7 =	simm.s32 $0x14180  }
0x9f: {  	[spmem:s3] =	stream.indirect.scatter.add.f32 [tilespmem:s11], [sflag:$0xC], $0x80, s7, s8, $0xb8;
	[tilespmem:$0x1F600] =	vst v63  }
0xa0: {  	s14 =	smul.u32 $0x6, s14;
	_ =	swait.ge [sflag:s23], $0x3C00  }
0xa1: {  	[sflag:s23] =	ssyncset.done $0x0  }
0xa2: {  	s2 =	ssub.s32 s16, s14;
	[sflag:s23] =	ssyncadd.s32 $0xFFFFC400  }
0xa3: {  	s2 =	sand.u32 $0xFF, s2;
	_ =	swait.ge [sflag:s9], $0x100  }
0xa4: {  	s2 =	sshll.u32 s2, $0x8;
	[sflag:s9] =	ssyncset.done $0x0  }
0xa5: {  	s2 =	sadd.s32 $0x13C00, s2;
	[sflag:s9] =	ssyncadd.s32 $0xFFFFFF00  }
0xa6: {  	[tilespmem:s18], [sflag:$0x8] =	stream.indirect.gather [hbm4b:s5+s8], $0x80, s2, s8, $0xb8;
	[tilespmem:$0x1F600] =	vst v63  }
0xa7: {  	_ =	swait.ge [sflag:s13], $0x3C00  }
0xa8: {  	[sflag:s13] =	ssyncset.done $0x0  }
0xa9: {  	s19 =	rddreg [dreg:$0x15];
	[sflag:s13] =	ssyncadd.s32 $0xFFFFC400  }
0xaa: {  	[tilespmem:s15], [sflag:$0x4] =	stream.linear.gather [hbm4b:s19+s4], $0x100, $0x38;
	[tilespmem:$0x1F600] =	vst v63  }
0xab: {  	_ = 	snop  }
0xac: {  	[spmem:s3] =	stream.indirect.scatter.add.f32 [tilespmem:s10], [sflag:$0xA], $0x80, s28, s8, $0xb8;
	[tilespmem:$0x1F600] =	vst v63  }
0xad: {  	_ =	swait.ge [sflag:s30], $0x3C00  }
0xae: {  	[sflag:s30] =	ssyncset.done $0x0  }
0xaf: {  	s6 =	simm.s32 $0x3;
	[sflag:s30] =	ssyncadd.s32 $0xFFFFC400  }
0xb0: {  	_ =	swait.ge [sflag:s6], $0x100  }
0xb1: {  	[sflag:s6] =	ssyncset.done $0x0  }
0xb2: {  	[sflag:s6] =	ssyncadd.s32 $0xFFFFFF00  }
0xb3: {  	[tilespmem:s11], [sflag:$0x9] =	stream.indirect.gather [hbm4b:s5+s8], $0x80, s25, s8, $0xb8;
	[tilespmem:$0x1F600] =	vst v63  }
0xb4: {  	_ =	swait.ge [sflag:s20], $0x3C00  }
0xb5: {  	[sflag:s20] =	ssyncset.done $0x0  }
0xb6: {  	s7 =	simm.s32 $0x14000;
	s16 =	rddreg [dreg:$0x14];
	[sflag:s20] =	ssyncadd.s32 $0xFFFFC400  }
0xb7: {  	[tilespmem:s7], [sflag:$0x5] =	stream.linear.gather [hbm4b:s16+s4], $0x100, $0x38;
	[tilespmem:$0x1F600] =	vst v63  }
0xb8: {  	s14 =	simm.s32 $0x13D80  }
0xb9: {  	[spmem:s3] =	stream.indirect.scatter.add.f32 [tilespmem:s18], [sflag:$0xB], $0x80, s14, s8, $0xb8;
	[tilespmem:$0x1F600] =	vst v63  }
0xba: {  	_ =	swait.ge [sflag:s26], $0x3C00  }
0xbb: {  	[sflag:s26] =	ssyncset.done $0x0  }
0xbc: {  	[sflag:s26] =	ssyncadd.s32 $0xFFFFC400  }
0xbd: {  	_ =	swait.ge [sflag:s21], $0x100  }
0xbe: {  	[sflag:s21] =	ssyncset.done $0x0  }
0xbf: {  	[sflag:s21] =	ssyncadd.s32 $0xFFFFFF00  }
0xc0: {  	[tilespmem:s10], [sflag:$0x7] =	stream.indirect.gather [hbm4b:s5+s8], $0x80, s15, s8, $0xb8;
	[tilespmem:$0x1F600] =	vst v63  }
0xc1: {  	_ =	swait.ge [sflag:s12], $0x3C00  }
0xc2: {  	[sflag:s12] =	ssyncset.done $0x0  }
0xc3: {  	s9 =	simm.s32 $0x14100;
	s14 =	rddreg [dreg:$0x13];
	[sflag:s12] =	ssyncadd.s32 $0xFFFFC400  }
0xc4: {  	[tilespmem:s9], [sflag:$0x6] =	stream.linear.gather [hbm4b:s14+s4], $0x100, $0x38;
	[tilespmem:$0x1F600] =	vst v63  }
0xc5: {  	s15 =	simm.s32 $0x13E80  }
0xc6: {  	[spmem:s3] =	stream.indirect.scatter.add.f32 [tilespmem:s11], [sflag:$0xC], $0x80, s15, s8, $0xb8;
	[tilespmem:$0x1F600] =	vst v63  }
0xc7: {  	_ =	swait.ge [sflag:s23], $0x3C00  }
0xc8: {  	[sflag:s23] =	ssyncset.done $0x0  }
0xc9: {  	[sflag:s23] =	ssyncadd.s32 $0xFFFFC400  }
0xca: {  	_ =	swait.ge [sflag:s29], $0x100  }
0xcb: {  	[sflag:s29] =	ssyncset.done $0x0  }
0xcc: {  	[sflag:s29] =	ssyncadd.s32 $0xFFFFFF00  }
0xcd: {  	[tilespmem:s18], [sflag:$0x8] =	stream.indirect.gather [hbm4b:s5+s8], $0x80, s7, s8, $0xb8;
	[tilespmem:$0x1F600] =	vst v63  }
0xce: {  	s21 =	smin.u32 s1, $0x4D;
	_ =	swait.ge [sflag:s13], $0x3C00  }
0xcf: {  	s2 =	sshll.u32 s21, $0x8;
	s25 =	rddreg [dreg:$0x4]  }
0xd0: {  	s2 =	sadd.s32 s2, s25  }
0xd1: {  	[sflag:s13] =	ssyncset.done $0x0;
	s2 =	sshrl.u32 s2, $0x3  }
0xd2: {  	[sflag:s13] =	ssyncadd.s32 $0xFFFFC400;
	s2 =	sadd.s32 s31, s2  }
0xd3: {  	[tilespmem:s24], [sflag:$0x1] =	stream.linear.gather [hbm4b:s2+s4], $0x100, $0x38;
	[tilespmem:$0x1F600] =	vst v63  }
0xd4: {  	s28 =	simm.s32 $0x13F80  }
0xd5: {  	[spmem:s3] =	stream.indirect.scatter.add.f32 [tilespmem:s10], [sflag:$0xA], $0x80, s28, s8, $0xb8;
	[tilespmem:$0x1F600] =	vst v63  }
0xd6: {  	_ =	swait.ge [sflag:s30], $0x3C00  }
0xd7: {  	s1 =	smin.u32 s1, $0x4C;
	[sflag:s30] =	ssyncset.done $0x0  }
0xd8: {  	s21 =	simm.s32 $0x6;
	s1 =	sshll.u32 s1, $0x8;
	[sflag:s30] =	ssyncadd.s32 $0xFFFFC400  }
0xd9: {  	s1 =	sadd.s32 s1, s17;
	_ =	swait.ge [sflag:s21], $0x100  }
0xda: {  	s1 =	sshrl.u32 s1, $0x3;
	[sflag:s21] =	ssyncset.done $0x0  }
0xdb: {  	s1 =	sadd.s32 s31, s1;
	s15 =	simm.s32 $0x2;
	[sflag:s21] =	ssyncadd.s32 $0xFFFFFF00  }
0xdc: {  	[tilespmem:s11], [sflag:$0x9] =	stream.indirect.gather [hbm4b:s5+s8], $0x80, s9, s8, $0xb8;
	[tilespmem:$0x1F600] =	vst v63  }
0xdd: {  	s7 =	simm.s32 $0x13E00;
	s25 =	simm.s32 $0xC;
	_ =	swait.ge [sflag:s20], $0x3C00  }
0xde: {  	s2 =	smov.u32 s19;
	[sflag:s20] =	ssyncset.done $0x0;
	s29 =	rddreg [dreg:$0x16]  }
0xdf: {  	s9 =	simm.s32 $0x1;
	[sflag:s20] =	ssyncadd.s32 $0xFFFFC400;
	s24 =	sadd.s32 $0xC0, s29  }
0xe0: {  	[tilespmem:s22], [sflag:$0x2] =	stream.linear.gather [hbm4b:s1+s4], $0x100, $0x38;
	[tilespmem:$0x1F600] =	vst v63  }
0xe1: {  	s22 =	simm.s32 $0x13C00;
	s1 =	smov.u32 s14;
	s14 =	smov.u32 s16  }
.LBB2_4:
0xe2: {  	s0 =	simm.s32 $0x14080  }
0xe3: {  	[spmem:s3] =	stream.indirect.scatter.add.f32 [tilespmem:s18], [sflag:$0xB], $0x80, s0, s8, $0xb8;
	[tilespmem:$0x1F600] =	vst v63  }
0xe4: {  	_ =	swait.ge [sflag:s26], $0x3C00  }
0xe5: {  	[sflag:s26] =	ssyncset.done $0x0  }
0xe6: {  	[sflag:s26] =	ssyncadd.s32 $0xFFFFC400  }
0xe7: {  	_ =	swait.ge [sflag:s9], $0x100  }
0xe8: {  	[sflag:s9] =	ssyncset.done $0x0  }
0xe9: {  	s16 =	smov.u32 s25;
	[sflag:s9] =	ssyncadd.s32 $0xFFFFFF00  }
0xea: {  	[tilespmem:s10], [sflag:$0x7] =	stream.indirect.gather [hbm4b:s5+s8], $0x80, s22, s8, $0xb8;
	[tilespmem:$0x1F600] =	vst v63  }
0xeb: {  	s0 =	sor.u32 $0x1, s16;
	_ =	swait.ge [sflag:s12], $0x3C00  }
0xec: {  	s28 =	smov.u32 s31;
	s31 =	sand.u32 $0xFF, s0;
	[sflag:s12] =	ssyncset.done $0x0  }
0xed: {  	s31 =	smul.u32 $0xAB, s31;
	[sflag:s12] =	ssyncadd.s32 $0xFFFFC400  }
0xee: {  	[tilespmem:s7], [sflag:$0x3] =	stream.linear.gather [hbm4b:s24+s4], $0x100, $0x38;
	[tilespmem:$0x1F600] =	vst v63  }
0xef: {  	s29 =	simm.s32 $0x14180;
	s31 =	sshrl.u32 s31, $0xA  }
0xf0: {  	[spmem:s3] =	stream.indirect.scatter.add.f32 [tilespmem:s11], [sflag:$0xC], $0x80, s29, s8, $0xb8;
	[tilespmem:$0x1F600] =	vst v63  }
0xf1: {  	s31 =	smul.u32 $0x6, s31;
	_ =	swait.ge [sflag:s23], $0x3C00  }
0xf2: {  	[sflag:s23] =	ssyncset.done $0x0  }
0xf3: {  	s19 =	smov.u32 s17;
	s17 =	ssub.s32 s0, s31;
	[sflag:s23] =	ssyncadd.s32 $0xFFFFC400  }
0xf4: {  	s17 =	sand.u32 $0xFF, s17;
	_ =	swait.ge [sflag:s15], $0x100  }
0xf5: {  	s17 =	sshll.u32 s17, $0x8;
	[sflag:s15] =	ssyncset.done $0x0  }
0xf6: {  	s17 =	sadd.s32 $0x13C00, s17;
	[sflag:s15] =	ssyncadd.s32 $0xFFFFFF00  }
0xf7: {  	[tilespmem:s18], [sflag:$0x8] =	stream.indirect.gather [hbm4b:s5+s8], $0x80, s17, s8, $0xb8;
	[tilespmem:$0x1F600] =	vst v63  }
0xf8: {  	_ =	swait.ge [sflag:s13], $0x3C00  }
0xf9: {  	[sflag:s13] =	ssyncset.done $0x0  }
0xfa: {  	s2 =	sadd.s32 $0xC0, s2;
	s17 =	simm.s32 $0x13F00;
	[sflag:s13] =	ssyncadd.s32 $0xFFFFC400  }
0xfb: {  	[tilespmem:s17], [sflag:$0x4] =	stream.linear.gather [hbm4b:s2+s4], $0x100, $0x38;
	[tilespmem:$0x1F600] =	vst v63  }
0xfc: {  	s31 =	smov.u32 s28;
	s28 =	simm.s32 $0x13C80  }
0xfd: {  	[spmem:s3] =	stream.indirect.scatter.add.f32 [tilespmem:s10], [sflag:$0xA], $0x80, s28, s8, $0xb8;
	[tilespmem:$0x1F600] =	vst v63  }
0xfe: {  	_ =	swait.ge [sflag:s30], $0x3C00  }
0xff: {  	[sflag:s30] =	ssyncset.done $0x0  }
0x100: {  	[sflag:s30] =	ssyncadd.s32 $0xFFFFC400  }
0x101: {  	_ =	swait.ge [sflag:s6], $0x100  }
0x102: {  	[sflag:s6] =	ssyncset.done $0x0  }
0x103: {  	[sflag:s6] =	ssyncadd.s32 $0xFFFFFF00  }
0x104: {  	[tilespmem:s11], [sflag:$0x9] =	stream.indirect.gather [hbm4b:s5+s8], $0x80, s7, s8, $0xb8;
	[tilespmem:$0x1F600] =	vst v63  }
0x105: {  	_ =	swait.ge [sflag:s20], $0x3C00  }
0x106: {  	[sflag:s20] =	ssyncset.done $0x0  }
0x107: {  	s14 =	sadd.s32 $0xC0, s14;
	s28 =	simm.s32 $0x14000;
	[sflag:s20] =	ssyncadd.s32 $0xFFFFC400  }
0x108: {  	[tilespmem:s28], [sflag:$0x5] =	stream.linear.gather [hbm4b:s14+s4], $0x100, $0x38;
	[tilespmem:$0x1F600] =	vst v63  }
0x109: {  	s29 =	simm.s32 $0x13D80  }
0x10a: {  	[spmem:s3] =	stream.indirect.scatter.add.f32 [tilespmem:s18], [sflag:$0xB], $0x80, s29, s8, $0xb8;
	[tilespmem:$0x1F600] =	vst v63  }
0x10b: {  	_ =	swait.ge [sflag:s26], $0x3C00  }
0x10c: {  	[sflag:s26] =	ssyncset.done $0x0  }
0x10d: {  	s29 =	simm.s32 $0x4;
	[sflag:s26] =	ssyncadd.s32 $0xFFFFC400  }
0x10e: {  	_ =	swait.ge [sflag:s29], $0x100  }
0x10f: {  	[sflag:s29] =	ssyncset.done $0x0  }
0x110: {  	[sflag:s29] =	ssyncadd.s32 $0xFFFFFF00  }
0x111: {  	[tilespmem:s10], [sflag:$0x7] =	stream.indirect.gather [hbm4b:s5+s8], $0x80, s17, s8, $0xb8;
	[tilespmem:$0x1F600] =	vst v63  }
0x112: {  	_ =	swait.ge [sflag:s12], $0x3C00  }
0x113: {  	[sflag:s12] =	ssyncset.done $0x0  }
0x114: {  	s1 =	sadd.s32 $0xC0, s1;
	s0 =	simm.s32 $0x14100;
	[sflag:s12] =	ssyncadd.s32 $0xFFFFC400  }
0x115: {  	[tilespmem:s0], [sflag:$0x6] =	stream.linear.gather [hbm4b:s1+s4], $0x100, $0x38;
	[tilespmem:$0x1F600] =	vst v63  }
0x116: {  	s29 =	simm.s32 $0x13E80  }
0x117: {  	[spmem:s3] =	stream.indirect.scatter.add.f32 [tilespmem:s11], [sflag:$0xC], $0x80, s29, s8, $0xb8;
	[tilespmem:$0x1F600] =	vst v63  }
0x118: {  	_ =	swait.ge [sflag:s23], $0x3C00  }
0x119: {  	[sflag:s23] =	ssyncset.done $0x0  }
0x11a: {  	s29 =	simm.s32 $0x5;
	[sflag:s23] =	ssyncadd.s32 $0xFFFFC400  }
0x11b: {  	_ =	swait.ge [sflag:s29], $0x100  }
0x11c: {  	[sflag:s29] =	ssyncset.done $0x0  }
0x11d: {  	[sflag:s29] =	ssyncadd.s32 $0xFFFFFF00  }
0x11e: {  	[tilespmem:s18], [sflag:$0x8] =	stream.indirect.gather [hbm4b:s5+s8], $0x80, s28, s8, $0xb8;
	[tilespmem:$0x1F600] =	vst v63  }
0x11f: {  	s17 =	smin.u32 s16, $0x4D;
	_ =	swait.ge [sflag:s13], $0x3C00  }
0x120: {  	s17 =	sshll.u32 s17, $0x8;
	s29 =	rddreg [dreg:$0x4]  }
0x121: {  	s17 =	sadd.s32 s17, s29  }
0x122: {  	[sflag:s13] =	ssyncset.done $0x0;
	s17 =	sshrl.u32 s17, $0x3  }
0x123: {  	[sflag:s13] =	ssyncadd.s32 $0xFFFFC400;
	s17 =	sadd.s32 s31, s17  }
0x124: {  	[tilespmem:s22], [sflag:$0x1] =	stream.linear.gather [hbm4b:s17+s4], $0x100, $0x38;
	[tilespmem:$0x1F600] =	vst v63  }
0x125: {  	s28 =	simm.s32 $0x13F80  }
0x126: {  	[spmem:s3] =	stream.indirect.scatter.add.f32 [tilespmem:s10], [sflag:$0xA], $0x80, s28, s8, $0xb8;
	[tilespmem:$0x1F600] =	vst v63  }
0x127: {  	_ =	swait.ge [sflag:s30], $0x3C00  }
0x128: {  	[sflag:s30] =	ssyncset.done $0x0  }
0x129: {  	[sflag:s30] =	ssyncadd.s32 $0xFFFFC400  }
0x12a: {  	_ =	swait.ge [sflag:s21], $0x100  }
0x12b: {  	[sflag:s21] =	ssyncset.done $0x0  }
0x12c: {  	p0 =	sne.s32 s25, $0x4E;
	s16 =	smin.u32 s16, $0x4C;
	[sflag:s21] =	ssyncadd.s32 $0xFFFFFF00  }
0x12d: {  	[tilespmem:s11], [sflag:$0x9] =	stream.indirect.gather [hbm4b:s5+s8], $0x80, s0, s8, $0xb8;
	[tilespmem:$0x1F600] =	vst v63  }
.Ltmp1:
0x12e: {  	s16 =	sshll.u32 s16, $0x8;
	s17 =	smov.u32 s19;
	(pc) =	sbr.rel @p0 .LBB2_4-.Ltmp1, $4  }
0x12f: {  	s25 =	sadd.s32 $0x6, s25;
	s16 =	sadd.s32 s16, s17;
	_ =	swait.ge [sflag:s20], $0x3C00  }
0x130: {  	s24 =	sadd.s32 $0xC0, s24;
	s16 =	sshrl.u32 s16, $0x3;
	[sflag:s20] =	ssyncset.done $0x0  }
0x131: {  	s29 =	simm.s32 $0x13D00;
	s16 =	sadd.s32 s31, s16;
	[sflag:s20] =	ssyncadd.s32 $0xFFFFC400  }
0x132: {  	[tilespmem:s29], [sflag:$0x2] =	stream.linear.gather [hbm4b:s16+s4], $0x100, $0x38;
	[tilespmem:$0x1F600] =	vst v63  }
0x133: {  	s0 =	simm.s32 $0x14080  }
0x134: {  	[spmem:s3] =	stream.indirect.scatter.add.f32 [tilespmem:s18], [sflag:$0xB], $0x80, s0, s8, $0xb8;
	[tilespmem:$0x1F600] =	vst v63  }
0x135: {  	_ =	swait.ge [sflag:s12], $0x3C00  }
0x136: {  	[sflag:s12] =	ssyncset.done $0x0  }
0x137: {  	s22 =	simm.s32 $0x14180;
	[sflag:s12] =	ssyncadd.s32 $0xFFFFC400  }
0x138: {  	[spmem:s3] =	stream.indirect.scatter.add.f32 [tilespmem:s11], [sflag:$0xC], $0x80, s22, s8, $0xb8;
	[tilespmem:$0x1F600] =	vst v63  }
0x139: {  	_ =	swait.ge [sflag:s26], $0x3C00  }
0x13a: {  	[sflag:s26] =	ssyncset.done $0x0  }
0x13b: {  	[sflag:s26] =	ssyncadd.s32 $0xFFFFC400  }
0x13c: {  	_ =	swait.ge [sflag:s23], $0x3C00  }
0x13d: {  	[sflag:s23] =	ssyncset.done $0x0  }
0x13e: {  	[sflag:s23] =	ssyncadd.s32 $0xFFFFC400  }
0x13f: {  	_ =	swait.ge [sflag:s30], $0x3C00  }
0x140: {  	[sflag:s30] =	ssyncset.done $0x0  }
0x141: {  	[sflag:s30] =	ssyncadd.s32 $0xFFFFC400  }
0x142: {  	_ =	swait.ge [sflag:s9], $0x100  }
0x143: {  	[sflag:s9] =	ssyncset.done $0x0  }
0x144: {  	[sflag:s9] =	ssyncadd.s32 $0xFFFFFF00  }
0x145: {  	_ =	swait.ge [sflag:s15], $0x100  }
0x146: {  	[sflag:s15] =	ssyncset.done $0x0  }
0x147: {  	[sflag:s15] =	ssyncadd.s32 $0xFFFFFF00  }
0x148: {  	s1 =	stileid.u32;
	[bflag:$0x0] =	sbarrier.arrive $0xFFFF  }
0x149: {  	s19 =	simm.s32 $0xD;
	s1 =	sshll.u32 s1, $0x6;
	s14 =	rddreg [dreg:$0x5]  }
0x14a: {  	s1 =	sor.u32 $0x1C0D, s1;
	s24 =	rddreg [dreg:$0x11];
	s2 =	sshrl.u32 s14, $0x3  }
0x14b: {  	[hbm:s24], [sflag:s1] =	dma.local [spmem:s2], $0x2780  }
0x14c: {  	_ =	swait.ge [sflag:s19], $0x2780  }
0x14d: {  	s25 =	rddreg [dreg:$0x19]  }
0x14e: {  	s29 =	rddreg [dreg:$0x12];
	s1 =	sadd.s32 $0x1, s25  }
0x14f: {  	s7 =	simm.s32 $0x1;
	p0 =	sne.s32 s1, s29  }
.Ltmp2:
0x150: {  	s28 =	simm.s32 $0x13C80;
	s6 =	simm.s32 $0x3;
	(pc) =	sbr.rel @p0 .LBB2_1-.Ltmp2, $4  }
0x151: {  	s16 =	simm.s32 $0x14000;
	s21 =	simm.s32 $0x13D80;
	s10 =	simm.s32 $0x14200  }
0x152: {  	s18 =	simm.s32 $0x17E00;
	s22 =	simm.s32 $0x13D00;
	s11 =	simm.s32 $0x1BA00  }
0x153: {  	s9 =	simm.s32 $0x2;
	s15 =	simm.s32 $0x13F00;
	[sflag:s19] =	ssyncset.done $0x0  }
0x154: {  	s24 =	simm.s32 $0x13C00;
	[sflag:s19] =	ssyncadd.s32 $0xFFFFD880;
	s25 =	simm.s32 $0x13E00  }
0x155: {  	_ =	sfence.sel $0x180000  }
0x156: {  	[bflag:$0x0] =	sbarrier.arrive $0xFFFF  }
0x157: {  	_ =	strace $0x9000004D  }
0x158: {  	s0 =	stileid.u32;
	[bflag:$0x2] =	sbarrier.arrive $0xFFFF  }
0x159: {  	p0 =	sne.s32 s0, $0x0;
	s0 =	rddreg [dreg:$0x3]  }
0x15a: {  	s0 =	sadd.s32 @!p0 $0x100000, s0  }
0x15b: {  	[sflag:s0] =	ssyncadd.tile.s32 @!p0 $0x1;
	_ =	shalt  }
.Lfunc_end2:
_tile_overlayer_lowered:
.L_overlay_start_2:
0x15c: {  	(tag) =	ssettag $0x2  }
0x15d: {  	s0 =	rddreg [dreg:$0x0];
	s2 =	stileid.u32  }
0x15e: {  	s1 =	rddreg [dreg:$0x1];
	p0 =	sne.s32 s2, $0x0  }
0x15f: {  	s3 =	rddreg [dreg:$0x2];
	[bflag:$0x3] =	sbarrier.arrive $0xFFFF;
	s2 =	simm.s32 @!p0 $0x1C0D  }
0x160: {  	[timem:s3], [sflag:s2] =	dma.local @!p0 [hbm:s0], s1  }
0x161: {  	s0 =	simm.s32 @!p0 $0xD  }
0x162: {  	_ =	swait.ge @!p0 [sflag:s0], s1  }
0x163: {  	s1 =	ssub.s32 @!p0 $0x0, s1;
	[sflag:s0] =	ssyncset.done @!p0 $0x0  }
0x164: {  	[sflag:s0] =	ssyncadd.s32 @!p0 s1  }
0x165: {  	[bflag:$0x3] =	sbarrier.arrive $0xFFFF  }
0x166: {  	_ =	shalt  }

// kernel: kernel.8.cloned.1.call-start
scs
__scs_entry_jumppad:
0x0: {  	(pc) =	sbr.rel $0x88, $3  }
0x1: {  	(tag) =	ssettag $0x0;
	lr =	simm.s32 $0x1  }
0x2: {  	[smem:$0x3F9B] =	sst lr;
	_ =	strace $0xD0000000  }
0x3: {  	_ = 	snop  }
0x4: {  	_ = 	snop  }
0x5: {  	_ = 	snop  }
0x6: {  	_ = 	snop  }
0x7: {  	_ = 	snop  }
__scs_overlays_trampoline_lowered:
0x8: {  	[smem:$0x3FAA] =	sst s0  }
0x9: {  	[smem:$0x3FAB] =	sst s1  }
0xa: {  	[smem:$0x3FAC] =	sst s2  }
0xb: {  	[smem:$0x3FAD] =	sst s3  }
0xc: {  	[smem:$0x3FAE] =	sst s4  }
0xd: {  	[smem:$0x3FAF] =	sst s5  }
0xe: {  	[smem:$0x3FB0] =	sst s6  }
0xf: {  	[smem:$0x3FB1] =	sst s7  }
0x10: {  	[smem:$0x3FB2] =	sst s8  }
0x11: {  	[smem:$0x3FB3] =	sst s9;
	s0 =	simm.s32 @!p0 $0x0  }
0x12: {  	s1 =	sld [smem:$0x3F99];
	s0 =	simm.s32 @p0 $0x1  }
0x13: {  	[smem:$0x3FB4] =	sst s0;
	s0 =	simm.s32 @!p1 $0x0  }
0x14: {  	s2 =	sld [smem:$0x3F98];
	s0 =	simm.s32 @p1 $0x1  }
0x15: {  	[smem:$0x3FB5] =	sst s0;
	s0 =	simm.s32 @!p2 $0x0  }
0x16: {  	s3 =	sld [smem:$0x3FDB];
	s0 =	simm.s32 @p2 $0x1  }
0x17: {  	s4 =	simm.s32 $0x1BF5;
	[smem:$0x3FB7] =	sst s0  }
0x18: {  	s0 =	sld [smem:$0x3F9A];
	_ =	swait.ge [sflag:s4], $0x0  }
0x19: {  	s7 =	sld [smem:$0x3F9B]  }
0x1a: {  	s8 =	sadd.s32 $0xFFFFE003, lr  }
0x1b: {  	s9 =	sadd.s32 $0xFFFFFEF7, lr;
	s5 =	simm.s32 $0xFFFFFFFF;
	p2 =	slt.u32 s8, $0xFFFFF086  }
0x1c: {  	p1 =	slt.u32 s9, $0xF7A;
	s5 =	simm.s32 @!p2 $0x0  }
0x1d: {  	s5 =	simm.s32 @p1 $0x1;
	p0 =	seq.s32 s7, s2  }
0x1e: {  	s7 =	smul.u32 @!p0 $0xF7A, s2;
	p2 =	seq.s32 @!p0 s5, $0x0  }
0x1f: {  	s9 =	smul.u32 $0xF7A, s1;
	s8 =	simm.s32 @!p0 $0x1BF5;
	p2 =	por !p2, p0  }
0x20: {  	[sflag:s8] =	ssyncset.s32 @!p0 $0xFFFFF086;
	s6 =	sadd.s32 @!p0 s3, s7;
	s7 =	simm.s32 @!p0 $0x108  }
0x21: {  	s3 =	sadd.s32 s3, s9;
	s6 =	sadd.s32 @!p0 $0x88, s6;
	s7 =	simm.s32 @p2 $0x1082  }
0x22: {  	[simem:s7], [sflag:s8] =	dma.local @!p0 [hbm:s6], $0xF7A  }
0x23: {  	s9 =	sor.u32 $0xD0000000, s2;
	s6 =	simm.s32 $0x108;
	_ =	swait.ge @!p0 [sflag:s8], $0x0  }
0x24: {  	s3 =	sadd.s32 $0x88, s3;
	s6 =	simm.s32 @!p1 $0x1082;
	[sflag:s4] =	ssyncset.s32 $0xFFFFF086  }
0x25: {  	[simem:s6], [sflag:s4] =	dma.local [hbm:s3], $0xF7A  }
0x26: {  	[smem:$0x3F9B] =	sst s1;
	(tag) =	ssettag s2;
	_ =	strace s9  }
0x27: {  	s1 =	sld [smem:$0x3FAB]  }
0x28: {  	s2 =	sld [smem:$0x3FAC]  }
0x29: {  	s4 =	sld [smem:$0x3FAE]  }
0x2a: {  	p0 =	seq.s32 s5, $0x0;
	s5 =	sld [smem:$0x3FAF]  }
0x2b: {  	s6 =	sld [smem:$0x3FB0]  }
0x2c: {  	s7 =	sld [smem:$0x3FB1]  }
0x2d: {  	s3 =	simm.s32 $0x108;
	s8 =	sld [smem:$0x3FB2]  }
0x2e: {  	s3 =	simm.s32 @!p0 $0x1082;
	s9 =	sld [smem:$0x3FB3]  }
0x2f: {  	lr =	sadd.s32 s0, s3;
	s0 =	sld [smem:$0x3FAA]  }
0x30: {  	s3 =	sld [smem:$0x3FAD]  }
0x31: {  	[smem:$0x3FB6] =	sst s10  }
0x32: {  	s10 =	sld [smem:$0x3FB4];
	_ =	sdelay $0x3  }
0x33: {  	p0 =	seq.s32 s10, $0x1;
	s10 =	sld [smem:$0x3FB6];
	_ =	sdelay $0x3  }
0x34: {  	[smem:$0x3FB6] =	sst s10  }
0x35: {  	s10 =	sld [smem:$0x3FB5];
	_ =	sdelay $0x3  }
0x36: {  	p1 =	seq.s32 s10, $0x1;
	s10 =	sld [smem:$0x3FB6];
	_ =	sdelay $0x3  }
0x37: {  	[smem:$0x3FB6] =	sst s10  }
0x38: {  	s10 =	sld [smem:$0x3FB7]  }
0x39: {  	_ = 	snop;
	(pc) =	sbr.ind lr, $3  }
0x3a: {  	_ = 	snop  }
0x3b: {  	_ = 	snop  }
0x3c: {  	p2 =	seq.s32 s10, $0x1;
	s10 =	sld [smem:$0x3FB6]  }
0x3d: {  	_ =	shalt  }
0x3e: {  	_ =	shalt  }
0x3f: {  	_ =	shalt  }
0x40: {  	_ =	shalt  }
0x41: {  	_ =	shalt  }
0x42: {  	_ =	shalt  }
0x43: {  	_ =	shalt  }
0x44: {  	_ =	shalt  }
0x45: {  	_ =	shalt  }
0x46: {  	_ =	shalt  }
0x47: {  	_ =	shalt  }
0x48: {  	_ =	shalt  }
0x49: {  	_ =	shalt  }
0x4a: {  	_ =	shalt  }
0x4b: {  	_ =	shalt  }
0x4c: {  	_ =	shalt  }
0x4d: {  	_ =	shalt  }
0x4e: {  	_ =	shalt  }
0x4f: {  	_ =	shalt  }
0x50: {  	_ =	shalt  }
0x51: {  	_ =	shalt  }
0x52: {  	_ =	shalt  }
0x53: {  	_ =	shalt  }
0x54: {  	_ =	shalt  }
0x55: {  	_ =	shalt  }
0x56: {  	_ =	shalt  }
0x57: {  	_ =	shalt  }
0x58: {  	_ =	shalt  }
0x59: {  	_ =	shalt  }
0x5a: {  	_ =	shalt  }
0x5b: {  	_ =	shalt  }
0x5c: {  	_ =	shalt  }
0x5d: {  	_ =	shalt  }
0x5e: {  	_ =	shalt  }
0x5f: {  	_ =	shalt  }
0x60: {  	_ =	shalt  }
0x61: {  	_ =	shalt  }
0x62: {  	_ =	shalt  }
0x63: {  	_ =	shalt  }
0x64: {  	_ =	shalt  }
0x65: {  	_ =	shalt  }
0x66: {  	_ =	shalt  }
0x67: {  	_ =	shalt  }
0x68: {  	_ =	shalt  }
0x69: {  	_ =	shalt  }
0x6a: {  	_ =	shalt  }
0x6b: {  	_ =	shalt  }
0x6c: {  	_ =	shalt  }
0x6d: {  	_ =	shalt  }
0x6e: {  	_ =	shalt  }
0x6f: {  	_ =	shalt  }
0x70: {  	_ =	shalt  }
0x71: {  	_ =	shalt  }
0x72: {  	_ =	shalt  }
0x73: {  	_ =	shalt  }
0x74: {  	_ =	shalt  }
0x75: {  	_ =	shalt  }
0x76: {  	_ =	shalt  }
0x77: {  	_ =	shalt  }
0x78: {  	_ =	shalt  }
0x79: {  	_ =	shalt  }
0x7a: {  	_ =	shalt  }
0x7b: {  	_ =	shalt  }
0x7c: {  	_ =	shalt  }
0x7d: {  	_ =	shalt  }
0x7e: {  	_ =	shalt  }
0x7f: {  	_ =	shalt  }
0x80: {  	_ =	shalt  }
0x81: {  	_ =	shalt  }
0x82: {  	_ =	shalt  }
0x83: {  	_ =	shalt  }
0x84: {  	_ =	shalt  }
0x85: {  	_ =	shalt  }
0x86: {  	_ =	shalt  }
0x87: {  	_ =	shalt  }
.Lfunc_end0:
.L_simem_size_0:
called_computation_lowered:
.L_overlay_start_0:
0x88: {  	s2 =	sld [smem:$0x3FD9]  }
0x89: {  	s3 =	sld [smem:$0x3FFE];
	_ =	sdelay $0x1  }
0x8a: {  	s1 =	srdreg.scid  }
0x8b: {  	s0 =	sand.u32 $0x1, s1  }
0x8c: {  	s16 =	sshll.u32 s0, $0xA;
	s2 =	sadd.s32 s3, s2  }
0x8d: {  	s2 =	sadd.s32 s2, s16  }
0x8e: {  	[smem:$0x3FC2] =	sst s2  }
0x8f: {  	_ = 	snop  }
0x90: {  	(tm) =	ssettm $0x1  }
0x91: {  	s17 =	sld [smem:$0x3FFB];
	_ =	sdelay $0x3  }
0x92: {  	_ =	strace s17  }
0x93: {  	s2 =	sld [smem:$0x3FFC];
	_ =	sdelay $0x3  }
0x94: {  	_ =	strace s2  }
0x95: {  	s2 =	sld [smem:$0x3FFD];
	_ =	sdelay $0x3  }
0x96: {  	_ =	strace s2  }
0x97: {  	_ =	strace $0x8FFFFFFF  }
0x98: {  	s18 =	sld [smem:$0x3FDB];
	_ =	sdelay $0x1  }
0x99: {  	s19 =	simm.s32 $_scs_section_size  }
0x9a: {  	s4 =	simm.s32 $_size__tile_overlayer_lowered;
	s5 =	simm.s32 $_tile_overlayer_lowered  }
0x9b: {  	s22 =	simm.s32 $0x1BFF;
	s21 =	sshll.u32 s5, $0x1;
	s2 =	sadd.s32 s19, s18  }
0x9c: {  	s6 =	simm.s32 $0x0;
	s20 =	sshll.u32 s4, $0x1;
	s4 =	sadd.s32 s21, s2  }
0x9d: {  	[timem:s6], [sflag:s22] =	dma.local [hbm:s4], s20  }
0x9e: {  	_ =	swait.ge [sflag:s22], s20  }
0x9f: {  	s3 =	ssub.s32 $0x0, s20;
	[sflag:s22] =	ssyncset.done $0x0  }
0xa0: {  	[sflag:s22] =	ssyncadd.s32 s3;
	_ =	sdelay $0x1  }
0xa1: {  	s23 =	simm.s32 $0x1B8B  }
0xa2: {  	_ =	swait.ge [sflag:s23], $0x1  }
0xa3: {  	[sflag:s23] =	ssyncset.done $0x0  }
0xa4: {  	s25 =	simm.s32 $0x1B8E;
	s24 =	sld [smem:$0x3FFE];
	[sflag:s23] =	ssyncadd.s32 $0xFFFFFFFF  }
0xa5: {  	s26 =	simm.s32 $execute0_lowered;
	[smem:$0x3FD2] =	sst s25  }
0xa6: {  	s4 =	sshll.u32 s26, $0x1;
	_ =	strace $0x80000046;
	[dreg:$0x1] =	wrdreg $0xFFFFFFFF  }
0xa7: {  	s28 =	simm.s32 $_size_execute0_lowered;
	s2 =	sadd.s32 s2, s4;
	[dreg:$0x0] =	wrdreg $0x0  }
0xa8: {  	s4 =	sshll.u32 s28, $0x1;
	[dreg:$0x2] =	wrdreg s2  }
0xa9: {  	[dreg:$0x3] =	wrdreg s4  }
0xaa: {  	[dreg:$0x4] =	wrdreg $0xC0  }
0xab: {  	_ =	task [dreg:s6], $0x5FFFF  }
0xac: {  	[dreg:$0x1] =	wrdreg $0xFFFFFFFF  }
0xad: {  	[dreg:$0x0] =	wrdreg $0x60  }
0xae: {  	[dreg:$0x2] =	wrdreg s24  }
0xaf: {  	[dreg:$0x3] =	wrdreg $0x0  }
0xb0: {  	[dreg:$0x4] =	wrdreg $0x9  }
0xb1: {  	_ =	task.clear_ibuf [dreg:s6], $0x5FFFF;
	_ =	strace $0x90000046  }
0xb2: {  	s29 =	simm.s32 $0x9;
	_ =	strace $0x80000048  }
0xb3: {  	_ =	swait.ge [sflag:s29], $0x1  }
0xb4: {  	[sflag:s29] =	ssyncadd.s32 $0xFFFFFFFF  }
0xb5: {  	_ =	strace $0x90000048  }
0xb6: {  	_ =	sfence  }
0xb7: {  	s30 =	sld [smem:$0x0];
	_ =	sdelay $0x2  }
0xb8: {  	s31 =	sshll.u32 s1, $0xD;
	s1 =	sshrl.u32 s1, $0x2  }
0xb9: {  	s3 =	sand.u32 $0x4000, s31;
	s1 =	sadd.s32 s1, s30  }
0xba: {  	s0 =	sor.u32 s3, s0;
	s1 =	sshll.u32 s1, $0x11  }
0xbb: {  	s0 =	sor.u32 s1, s0  }
0xbc: {  	s0 =	sadd.s32 $0x8F2B, s0  }
0xbd: {  	[sflag:s0] =	ssyncadd.remote.s32 $0x1  }
0xbe: {  	_ =	sfence.sel $0xFFFF  }
0xbf: {  	[dreg:$0x0] =	wrdreg $0xFFFFFFFF;
	(pc) =	sbr.abs _section_cstart, $3  }
0xc0: {  	[dreg:$0x1] =	wrdreg $0xFFFFFFFF  }
0xc1: {  	_ =	task.clear_ibuf [dreg:s6], $0x2FFFF;
	_ =	strace $0x9FFFFFFF  }
0xc2: {  	(tm) =	ssettm $0x7FFFFFFF  }
0xc3: {  	_ =	shalt  }
tec
execute0_lowered:
.L_overlay_start_1:
0x0: {  	(tag) =	ssettag $0x1  }
0x1: {  	s0 =	srdreg.scid;
	s5 =	rddreg [dreg:$0x0]  }
0x2: {  	s2 =	rddreg [dreg:$0x1];
	s3 =	simm.s32 $0x0;
	s10 =	simm.s32 $0x5  }
0x3: {  	s11 =	simm.s32 $0x1A400;
	s12 =	simm.s32 $0x78;
	s13 =	simm.s32 $0x16800  }
0x4: {  	s14 =	simm.s32 $0x13C80;
	s15 =	simm.s32 $0x13D00;
	s16 =	simm.s32 $0x13D80  }
0x5: {  	s17 =	simm.s32 $0x1;
	s18 =	simm.s32 $0x2;
	s19 =	simm.s32 $0x3  }
0x6: {  	s20 =	simm.s32 $0x4;
	s4 =	sand.u32 $0x1, s0;
	s0 =	stileid.u32  }
0x7: {  	s21 =	simm.s32 $0x0;
	[smem:$0x7FF] =	sst s3;
	s7 =	smul.u32 $0x13C000, s4  }
0x8: {  	s1 =	sshll.u32 s4, $0x4;
	s8 =	smul.u32 $0x13C00, s0;
	s29 =	ssub.s32 $0x2, s4  }
0x9: {  	s9 =	smul.u32 $0x4F000, s0;
	s1 =	sor.u32 s0, s1;
	s31 =	sshrl.u32 s29, $0x1  }
0xa: {  	s6 =	smul.u32 $0x580, s1;
	s1 =	rddreg [dreg:$0x2];
	_ =	strace $0x80000047  }
0xb: {  	s7 =	sadd.s32 s8, s7;
	s30 =	sshrl.u32 s9, $0x2;
	s8 =	ssub.s32 s29, s31  }
0xc: {  	s9 =	simm.s32 $0x13C00;
	s7 =	sshrl.u32 s7, $0x3;
	s4 =	sadd.s32 s30, s2  }
0xd: {  	s8 =	smax.u32 s8, $0x1;
	s6 =	sadd.s32 s6, s5;
	s7 =	sadd.s32 s7, s5  }
0xe: {  	v0 =	vimm.f32 $1.000000000e+00;
	v1 =	vimm.f32 $0.0e+00;
	s5 =	sadd.s32 $0x2600, s6;
	s6 =	sadd.s32 $0x13800, s4;
	s7 =	sadd.s32 $0xD600, s7  }
.LBB2_1:
0xf: {  	[tilespmem:s9], [sflag:$0x5] =	stream.linear.gather [hbm4b:s5+s3], $0x2A00, $0x38;
	[tilespmem:$0x1AC00] =	vst v63  }
0x10: {  	_ =	swait.ge [sflag:s10], $0x2A00  }
0x11: {  	[sflag:s10] =	ssyncset.done $0x0  }
0x12: {  	s22 =	simm.s32 $0x0;
	s23 =	simm.s32 $0x200;
	[sflag:s10] =	ssyncadd.s32 $0xFFFFD600  }
.LBB2_2:
0x13: {  	p0 =	sne.s32 s23, $0xEE00;
	[tilespmem:s22+$0x16870] =	vst v0  }
0x14: {  	[tilespmem:s22+$0x16800] =	vst v0  }
0x15: {  	[tilespmem:s22+$0x16810] =	vst v0  }
.Ltmp0:
0x16: {  	[tilespmem:s22+$0x16820] =	vst v0;
	(pc) =	sbr.rel @p0 .LBB2_2-.Ltmp0, $4  }
0x17: {  	[tilespmem:s22+$0x16830] =	vst v0  }
0x18: {  	[tilespmem:s22+$0x16840] =	vst v0  }
0x19: {  	[tilespmem:s22+$0x16850] =	vst v0  }
0x1a: {  	[tilespmem:s22+$0x16860] =	vst v0;
	s22 =	sshra.s32 s23, $0x2;
	s23 =	sadd.s32 $0x200, s23  }
0x1b: {  	[tilespmem:s22+$0x16870] =	vst v0  }
0x1c: {  	[tilespmem:s22+$0x16800] =	vst v0  }
0x1d: {  	[tilespmem:s22+$0x16810] =	vst v0  }
0x1e: {  	[tilespmem:s22+$0x16820] =	vst v0  }
0x1f: {  	[tilespmem:s22+$0x16830] =	vst v0  }
0x20: {  	[tilespmem:s22+$0x16840] =	vst v0  }
0x21: {  	[tilespmem:s22+$0x16850] =	vst v0  }
0x22: {  	[tilespmem:s22+$0x16860] =	vst v0;
	s22 =	simm.s32 $0x0;
	s23 =	simm.s32 $0x200  }
.LBB2_4:
0x23: {  	p0 =	sne.s32 s23, $0x1E00;
	[tilespmem:s22+$0x1A470] =	vst v1  }
0x24: {  	[tilespmem:s22+$0x1A400] =	vst v1  }
0x25: {  	[tilespmem:s22+$0x1A410] =	vst v1  }
.Ltmp1:
0x26: {  	[tilespmem:s22+$0x1A420] =	vst v1;
	(pc) =	sbr.rel @p0 .LBB2_4-.Ltmp1, $4  }
0x27: {  	[tilespmem:s22+$0x1A430] =	vst v1  }
0x28: {  	[tilespmem:s22+$0x1A440] =	vst v1  }
0x29: {  	[tilespmem:s22+$0x1A450] =	vst v1  }
0x2a: {  	[tilespmem:s22+$0x1A460] =	vst v1;
	s22 =	sshra.s32 s23, $0x2;
	s23 =	sadd.s32 $0x200, s23  }
0x2b: {  	[tilespmem:s22+$0x1A470] =	vst v1  }
0x2c: {  	[tilespmem:s22+$0x1A400] =	vst v1  }
0x2d: {  	[tilespmem:s22+$0x1A410] =	vst v1  }
0x2e: {  	[tilespmem:s22+$0x1A420] =	vst v1  }
0x2f: {  	[tilespmem:s22+$0x1A430] =	vst v1  }
0x30: {  	[tilespmem:s22+$0x1A440] =	vst v1  }
0x31: {  	[tilespmem:s22+$0x1A450] =	vst v1  }
0x32: {  	[tilespmem:s22+$0x1A460] =	vst v1;
	s31 =	sadd.s32 $0x0, s4  }
0x33: {  	[spmem:s31] =	stream.linear.scatter [tilespmem:s11], [sflag:$0x5], $0x800, $0x38;
	[tilespmem:$0x1AC00] =	vst v63  }
0x34: {  	s22 =	simm.s32 $0x2000;
	_ =	swait.ge [sflag:s10], $0x800  }
.LBB2_6:
0x35: {  	s23 =	sshra.s32 s22, $0x2;
	[sflag:s10] =	ssyncset.done $0x0;
	p0 =	sne.s32 s22, $0x4C000  }
.Ltmp2:
0x36: {  	s23 =	sadd.s32 s23, s4;
	[sflag:s10] =	ssyncadd.s32 $0xFFFFF800;
	(pc) =	sbr.rel @p0 .LBB2_6-.Ltmp2, $3  }
0x37: {  	[spmem:s23] =	stream.linear.scatter [tilespmem:s11], [sflag:$0x5], $0x800, $0x38;
	[tilespmem:$0x1AC00] =	vst v63  }
0x38: {  	s22 =	sadd.s32 $0x2000, s22;
	_ =	sdelay $0x1  }
0x39: {  	_ =	swait.ge [sflag:s10], $0x800  }
0x3a: {  	[sflag:s10] =	ssyncset.done $0x0  }
0x3b: {  	[sflag:s10] =	ssyncadd.s32 $0xFFFFF800  }
0x3c: {  	[spmem:s6] =	stream.linear.scatter [tilespmem:s11], [sflag:$0x5], $0x400, $0x38;
	[tilespmem:$0x1AC00] =	vst v63  }
0x3d: {  	_ =	swait.ge [sflag:s10], $0x400  }
0x3e: {  	[sflag:s10] =	ssyncset.done $0x0  }
0x3f: {  	[sflag:s10] =	ssyncadd.s32 $0xFFFFFC00  }
0x40: {  	[bflag:$0x0] =	sbarrier.arrive $0xFFFF  }
0x41: {  	[spmem:s2] =	stream.indirect.scatter.add.f32 [tilespmem:s13], [sflag:$0x1], $0x80, s9, s12, $0xb8;
	[tilespmem:$0x1AC00] =	vst v63  }
0x42: {  	_ = 	snop  }
0x43: {  	[spmem:s2] =	stream.indirect.scatter.add.f32 [tilespmem:s13], [sflag:$0x2], $0x80, s14, s12, $0xb8;
	[tilespmem:$0x1AC00] =	vst v63  }
0x44: {  	_ = 	snop  }
0x45: {  	[spmem:s2] =	stream.indirect.scatter.add.f32 [tilespmem:s13], [sflag:$0x3], $0x80, s15, s12, $0xb8;
	[tilespmem:$0x1AC00] =	vst v63  }
0x46: {  	_ = 	snop  }
0x47: {  	[spmem:s2] =	stream.indirect.scatter.add.f32 [tilespmem:s13], [sflag:$0x4], $0x80, s16, s12, $0xb8;
	[tilespmem:$0x1AC00] =	vst v63  }
0x48: {  	_ =	swait.ge [sflag:s17], $0x3C00  }
0x49: {  	[sflag:s17] =	ssyncset.done $0x0  }
0x4a: {  	s22 =	simm.s32 $0x13E00;
	[sflag:s17] =	ssyncadd.s32 $0xFFFFC400  }
0x4b: {  	[spmem:s2] =	stream.indirect.scatter.add.f32 [tilespmem:s13], [sflag:$0x1], $0x80, s22, s12, $0xb8;
	[tilespmem:$0x1AC00] =	vst v63  }
0x4c: {  	_ =	swait.ge [sflag:s18], $0x3C00  }
0x4d: {  	[sflag:s18] =	ssyncset.done $0x0  }
0x4e: {  	s30 =	simm.s32 $0x13E80;
	[sflag:s18] =	ssyncadd.s32 $0xFFFFC400  }
0x4f: {  	[spmem:s2] =	stream.indirect.scatter.add.f32 [tilespmem:s13], [sflag:$0x2], $0x80, s30, s12, $0xb8;
	[tilespmem:$0x1AC00] =	vst v63  }
0x50: {  	_ =	swait.ge [sflag:s19], $0x3C00  }
0x51: {  	[sflag:s19] =	ssyncset.done $0x0  }
0x52: {  	s31 =	simm.s32 $0x13F00;
	[sflag:s19] =	ssyncadd.s32 $0xFFFFC400  }
0x53: {  	[spmem:s2] =	stream.indirect.scatter.add.f32 [tilespmem:s13], [sflag:$0x3], $0x80, s31, s12, $0xb8;
	[tilespmem:$0x1AC00] =	vst v63  }
0x54: {  	_ =	swait.ge [sflag:s20], $0x3C00  }
0x55: {  	[sflag:s20] =	ssyncset.done $0x0  }
0x56: {  	s23 =	simm.s32 $0x13F80;
	s22 =	simm.s32 $0xFFFF6800;
	[sflag:s20] =	ssyncadd.s32 $0xFFFFC400  }
.LBB2_8:
0x57: {  	[spmem:s2] =	stream.indirect.scatter.add.f32 [tilespmem:s13], [sflag:$0x4], $0x80, s23, s12, $0xb8;
	[tilespmem:$0x1AC00] =	vst v63  }
0x58: {  	s23 =	smov.u32 s22  }
0x59: {  	p0 =	sne.s32 s22, $0xFFFFF800;
	s22 =	sadd.s32 $0x800, s22;
	_ =	swait.ge [sflag:s17], $0x3C00  }
0x5a: {  	s23 =	sshra.s32 s23, $0x2;
	[sflag:s17] =	ssyncset.done $0x0  }
0x5b: {  	s24 =	sadd.s32 $0x16600, s23;
	[sflag:s17] =	ssyncadd.s32 $0xFFFFC400  }
0x5c: {  	[spmem:s2] =	stream.indirect.scatter.add.f32 [tilespmem:s13], [sflag:$0x1], $0x80, s24, s12, $0xb8;
	[tilespmem:$0x1AC00] =	vst v63  }
0x5d: {  	_ =	swait.ge [sflag:s18], $0x3C00  }
0x5e: {  	[sflag:s18] =	ssyncset.done $0x0  }
0x5f: {  	s24 =	sadd.s32 $0x16680, s23;
	[sflag:s18] =	ssyncadd.s32 $0xFFFFC400  }
0x60: {  	[spmem:s2] =	stream.indirect.scatter.add.f32 [tilespmem:s13], [sflag:$0x2], $0x80, s24, s12, $0xb8;
	[tilespmem:$0x1AC00] =	vst v63  }
0x61: {  	_ =	swait.ge [sflag:s19], $0x3C00  }
0x62: {  	[sflag:s19] =	ssyncset.done $0x0  }
.Ltmp3:
0x63: {  	s24 =	sadd.s32 $0x16700, s23;
	[sflag:s19] =	ssyncadd.s32 $0xFFFFC400;
	(pc) =	sbr.rel @p0 .LBB2_8-.Ltmp3, $4  }
0x64: {  	[spmem:s2] =	stream.indirect.scatter.add.f32 [tilespmem:s13], [sflag:$0x3], $0x80, s24, s12, $0xb8;
	[tilespmem:$0x1AC00] =	vst v63  }
0x65: {  	_ =	swait.ge [sflag:s20], $0x3C00  }
0x66: {  	[sflag:s20] =	ssyncset.done $0x0  }
0x67: {  	s23 =	sadd.s32 $0x16780, s23;
	[sflag:s20] =	ssyncadd.s32 $0xFFFFC400  }
0x68: {  	[spmem:s2] =	stream.indirect.scatter.add.f32 [tilespmem:s13], [sflag:$0x4], $0x80, s23, s12, $0xb8;
	[tilespmem:$0x1AC00] =	vst v63  }
0x69: {  	_ =	swait.ge [sflag:s17], $0x3C00  }
0x6a: {  	[sflag:s17] =	ssyncset.done $0x0  }
0x6b: {  	[sflag:s17] =	ssyncadd.s32 $0xFFFFC400  }
0x6c: {  	_ =	swait.ge [sflag:s18], $0x3C00  }
0x6d: {  	[sflag:s18] =	ssyncset.done $0x0  }
0x6e: {  	[sflag:s18] =	ssyncadd.s32 $0xFFFFC400  }
0x6f: {  	_ =	swait.ge [sflag:s19], $0x3C00  }
0x70: {  	[sflag:s19] =	ssyncset.done $0x0  }
0x71: {  	[sflag:s19] =	ssyncadd.s32 $0xFFFFC400  }
0x72: {  	_ =	swait.ge [sflag:s20], $0x3C00  }
0x73: {  	s22 =	sshll.u32 s0, $0x6;
	s21 =	sadd.s32 $0x1, s21;
	[sflag:s20] =	ssyncset.done $0x0  }
0x74: {  	s31 =	sshrl.u32 s4, $0x3;
	p0 =	sne.s32 s21, s8;
	[sflag:s20] =	ssyncadd.s32 $0xFFFFC400  }
.Ltmp4:
0x75: {  	s22 =	sor.u32 $0x1C05, s22;
	[bflag:$0x0] =	sbarrier.arrive $0xFFFF;
	(pc) =	sbr.rel @p0 .LBB2_1-.Ltmp4, $4  }
0x76: {  	[hbm:s7], [sflag:s22] =	dma.local [spmem:s31], $0x2780  }
0x77: {  	_ =	swait.ge [sflag:s10], $0x2780  }
0x78: {  	[sflag:s10] =	ssyncset.done $0x0  }
0x79: {  	[sflag:s10] =	ssyncadd.s32 $0xFFFFD880  }
0x7a: {  	_ =	sfence.sel $0x180000  }
0x7b: {  	[bflag:$0x0] =	sbarrier.arrive $0xFFFF  }
0x7c: {  	p0 =	sne.s32 s0, $0x0;
	_ =	strace $0x90000047  }
0x7d: {  	s0 =	sadd.s32 @!p0 $0x100000, s1;
	[bflag:$0x2] =	sbarrier.arrive $0xFFFF  }
0x7e: {  	[sflag:s0] =	ssyncadd.tile.s32 @!p0 $0x1;
	_ =	shalt  }
.Lfunc_end2:
_tile_overlayer_lowered:
.L_overlay_start_2:
0x7f: {  	(tag) =	ssettag $0x2  }
0x80: {  	s0 =	rddreg [dreg:$0x0];
	s2 =	stileid.u32  }
0x81: {  	s1 =	rddreg [dreg:$0x1];
	p0 =	sne.s32 s2, $0x0  }
0x82: {  	s3 =	rddreg [dreg:$0x2];
	[bflag:$0x3] =	sbarrier.arrive $0xFFFF;
	s2 =	simm.s32 @!p0 $0x1C05  }
0x83: {  	[timem:s3], [sflag:s2] =	dma.local @!p0 [hbm:s0], s1  }
0x84: {  	s0 =	simm.s32 @!p0 $0x5  }
0x85: {  	_ =	swait.ge @!p0 [sflag:s0], s1  }
0x86: {  	s1 =	ssub.s32 @!p0 $0x0, s1;
	[sflag:s0] =	ssyncset.done @!p0 $0x0  }
0x87: {  	[sflag:s0] =	ssyncadd.s32 @!p0 s1  }
0x88: {  	[bflag:$0x3] =	sbarrier.arrive $0xFFFF  }
0x89: {  	_ =	shalt  }

</sc_bundles>
